<compile_context>
chip_gen: v7x
topology: tpu7x:2x2x1
jax: 0.10.2.dev20260603
libtpu: 0.0.44.dev20260713+nightly
codegen_flags: <defaults>
</compile_context>

<pallas_src>
import jax
import jax.numpy as jnp
from jax import lax
from jax.experimental import pallas as pl
from jax.experimental.pallas import tpu as pltpu
from jax.experimental.pallas import tpu_sc as plsc

B, L = 16384, 200
DAY_VOCAB, TIME_VOCAB = 7, 96
D = 64
N = B * L
NW = 32
GROUPS = B // 128
GPW = GROUPS // NW
ROWS_PER_W = N // NW
UNIT = 64
UPW = ROWS_PER_W // UNIT
UPG = 128 * L // UNIT
NBUF = 8


def _sc_body(dt_hbm, cat_hbm, out_hbm, *s):
    ibuf = s[0]
    idxf = s[1 : 1 + NBUF]
    rows = s[1 + NBUF : 1 + 2 * NBUF]
    gsem = s[1 + 2 * NBUF : 1 + 3 * NBUF]
    wsem = s[1 + 3 * NBUF : 1 + 4 * NBUF]
    cat_sp = s[1 + 4 * NBUF]
    nc = 2
    wid = lax.axis_index("s") * nc + lax.axis_index("c")
    row0_w = wid * ROWS_PER_W
    iota = lax.broadcasted_iota(jnp.int32, (16,), 0)

    @pl.when(lax.axis_index("s") == 0)
    def _():
        pltpu.sync_copy(cat_hbm, cat_sp)

    plsc.subcore_barrier()

    def load_group(nu):
        gidx = wid * GPW + nu // UPG
        pltpu.sync_copy(dt_hbm.at[:, gidx, :], ibuf)

    def compute_idxf(nu, b):
        r0 = row0_w + nu * UNIT
        for k in range((UNIT + 15) // 16):
            r = r0 + k * 16 + iota
            bat = r // L
            l = r - bat * L
            col = bat & 127
            d = plsc.load_gather(ibuf, [l, col])
            t = plsc.load_gather(ibuf, [l, col + 128])
            idxf[b][0, pl.ds(k * 16, 16)] = d * TIME_VOCAB + t

    def gcopy(b):
        return pltpu.make_async_copy(
            cat_sp.at[idxf[b].at[0, pl.ds(0, UNIT)]], rows[b], gsem[b]
        )

    def wcopy(b, u):
        return pltpu.make_async_copy(
            rows[b], out_hbm.at[pl.ds(row0_w + u * UNIT, UNIT)], wsem[b]
        )

    load_group(0)
    for j in range(NBUF):
        compute_idxf(j, j)
        gcopy(j).start()

    def step(p, carry):
        for b in range(NBUF):
            u = NBUF * p + b

            @pl.when(u < UPW)
            def _(u=u, b=b):
                gcopy(b).wait()
                wcopy(b, u).start()
            nu = u + NBUF

            @pl.when(nu < UPW)
            def _(nu=nu, b=b):
                @pl.when(nu % UPG == 0)
                def _():
                    load_group(nu)

                compute_idxf(nu, b)
                wcopy(b, nu).wait()
                gcopy(b).start()

        return carry

    lax.fori_loop(0, (UPW + NBUF - 1) // NBUF, step, None)
    for b in range(NBUF):
        wcopy(b, 0).wait()


@jax.jit
def _daytime_sc(dt3, cat):
    mesh = plsc.VectorSubcoreMesh(core_axis_name="c", subcore_axis_name="s")
    return pl.kernel(
        _sc_body,
        out_type=jax.ShapeDtypeStruct((N, 2 * D), jnp.float32),
        mesh=mesh,
        compiler_params=pltpu.CompilerParams(
            needs_layout_passes=False, use_tc_tiling_on_sc=True
        ),
        scratch_types=(
            [pltpu.VMEM((L, 256), jnp.int32)]
            + [pltpu.VMEM((1, 128), jnp.int32)] * NBUF
            + [pltpu.VMEM((UNIT, 2 * D), jnp.float32)] * NBUF
            + [pltpu.SemaphoreType.DMA] * (2 * NBUF)
            + [pltpu.VMEM_SHARED((DAY_VOCAB * TIME_VOCAB, 2 * D), jnp.float32)]
        ),
    )(dt3, cat)


def kernel(daytime, emb_day, emb_time):
    cat = jnp.concatenate(
        (
            jnp.broadcast_to(emb_day[:, None, :], (DAY_VOCAB, TIME_VOCAB, D)),
            jnp.broadcast_to(emb_time[None, :, :], (DAY_VOCAB, TIME_VOCAB, D)),
        ),
        axis=-1,
    ).reshape(DAY_VOCAB * TIME_VOCAB, 2 * D)
    dt3 = (
        daytime.reshape(B // 128, 128, L, 2)
        .transpose(2, 0, 3, 1)
        .reshape(L, B // 128, 256)
    )
    out = _daytime_sc(dt3, cat)
    return out.reshape(B, L, 2 * D)

# --- scband reference (transcript-rebuilt; emitter-appended) ---
"""Pipeline reference for scband-day-time-17944373363334 (READ-ONLY COPY).

The authoritative reference and input builder live on the scoring server;
editing this copy changes nothing except your own understanding.
"""

import jax, jax.numpy as jnp
import numpy as np

B, L = 16384, 200
DAY_VOCAB, TIME_VOCAB = 7, 96
DAY_SIZE, TIME_SIZE = 64, 64


def setup_inputs(seed: int = 0) -> dict:
    key = jax.random.key(seed)
    k1, k2, k3, k4 = jax.random.split(key, 4)
    day_idx = jax.random.randint(k1, (B, L), 0, DAY_VOCAB)
    time_idx = jax.random.randint(k2, (B, L), 0, TIME_VOCAB)
    daytime = jnp.stack([day_idx, time_idx], axis=-1)
    emb_day = jax.random.normal(k3, (DAY_VOCAB, DAY_SIZE), dtype=jnp.float32)
    emb_time = jax.random.normal(k4, (TIME_VOCAB, TIME_SIZE), dtype=jnp.float32)
    return {"daytime": daytime, "emb_day": emb_day, "emb_time": emb_time}


def reference(daytime, emb_day, emb_time):
    # dropout in eval mode is identity
    day = jnp.take(emb_day, daytime[:, :, 0], axis=0)
    time = jnp.take(emb_time, daytime[:, :, 1], axis=0)
    return jnp.concatenate((day, time), axis=2)

if __name__ == "__main__":
    import jax
    _d = setup_inputs()
    print(jax.jit(kernel)(*tuple(_d.values())))

</pallas_src>

<mosaic_0001>
#map = affine_map<(d0, d1) -> (0, 0, 0)>
#map1 = affine_map<(d0, d1) -> (0, 0)>
module attributes {stable_mosaic.version = 14 : i64} {
  func.func @_sc_body(%arg0: i32, %arg1: i32, %arg2: memref<200x128x256xi32, #tpu.memory_space<hbm>>, %arg3: memref<672x128xf32, #tpu.memory_space<hbm>>, %arg4: memref<3276800x128xf32, #tpu.memory_space<hbm>>, %arg5: memref<200x256xi32, #tpu.memory_space<vmem>>, %arg6: memref<1x128xi32, #tpu.memory_space<vmem>>, %arg7: memref<1x128xi32, #tpu.memory_space<vmem>>, %arg8: memref<1x128xi32, #tpu.memory_space<vmem>>, %arg9: memref<1x128xi32, #tpu.memory_space<vmem>>, %arg10: memref<1x128xi32, #tpu.memory_space<vmem>>, %arg11: memref<1x128xi32, #tpu.memory_space<vmem>>, %arg12: memref<1x128xi32, #tpu.memory_space<vmem>>, %arg13: memref<1x128xi32, #tpu.memory_space<vmem>>, %arg14: memref<64x128xf32, #tpu.memory_space<vmem>>, %arg15: memref<64x128xf32, #tpu.memory_space<vmem>>, %arg16: memref<64x128xf32, #tpu.memory_space<vmem>>, %arg17: memref<64x128xf32, #tpu.memory_space<vmem>>, %arg18: memref<64x128xf32, #tpu.memory_space<vmem>>, %arg19: memref<64x128xf32, #tpu.memory_space<vmem>>, %arg20: memref<64x128xf32, #tpu.memory_space<vmem>>, %arg21: memref<64x128xf32, #tpu.memory_space<vmem>>, %arg22: memref<!tpu.dma_semaphore, #tpu.memory_space<semaphore_mem>>, %arg23: memref<!tpu.dma_semaphore, #tpu.memory_space<semaphore_mem>>, %arg24: memref<!tpu.dma_semaphore, #tpu.memory_space<semaphore_mem>>, %arg25: memref<!tpu.dma_semaphore, #tpu.memory_space<semaphore_mem>>, %arg26: memref<!tpu.dma_semaphore, #tpu.memory_space<semaphore_mem>>, %arg27: memref<!tpu.dma_semaphore, #tpu.memory_space<semaphore_mem>>, %arg28: memref<!tpu.dma_semaphore, #tpu.memory_space<semaphore_mem>>, %arg29: memref<!tpu.dma_semaphore, #tpu.memory_space<semaphore_mem>>, %arg30: memref<!tpu.dma_semaphore, #tpu.memory_space<semaphore_mem>>, %arg31: memref<!tpu.dma_semaphore, #tpu.memory_space<semaphore_mem>>, %arg32: memref<!tpu.dma_semaphore, #tpu.memory_space<semaphore_mem>>, %arg33: memref<!tpu.dma_semaphore, #tpu.memory_space<semaphore_mem>>, %arg34: memref<!tpu.dma_semaphore, #tpu.memory_space<semaphore_mem>>, %arg35: memref<!tpu.dma_semaphore, #tpu.memory_space<semaphore_mem>>, %arg36: memref<!tpu.dma_semaphore, #tpu.memory_space<semaphore_mem>>, %arg37: memref<!tpu.dma_semaphore, #tpu.memory_space<semaphore_mem>>, %arg38: memref<672x128xf32, #tpu.memory_space<vmem_shared>>) attributes {dimension_semantics = [#tpu.dimension_semantics<core_parallel>, #tpu.dimension_semantics<subcore_parallel>], iteration_bounds = array<i64: 2, 16>, scalar_prefetch = 0 : i64, scratch_operands = 34 : i64, tpu.core_type = #tpu.core_type<sc_vector_subcore>, window_params = [{transform_indices = #map}, {transform_indices = #map1}, {transform_indices = #map1}]} {
    %mul3A = arith.constant 2 : i32
    %mul3A_0 = arith.muli %arg1, %mul3A : i32
    %add3A = arith.addi %mul3A_0, %arg0 : i32
    %mul3A_1 = arith.constant 102400 : i32
    %mul3A_2 = arith.muli %add3A, %mul3A_1 : i32
    %iota3A = tpu.iota {dimensions = array<i32: 0>} : vector<16xi32>
    %eq3A = arith.constant 0 : i32
    %eq3A_3 = arith.cmpi eq, %arg1, %eq3A : i32
    %convert_element_type3A = arith.extui %eq3A_3 : i1 to i32
    %cond3A = arith.constant 0 : i32
    %cond3A_4 = arith.cmpi ne, %convert_element_type3A, %cond3A : i32
    scf.if %cond3A_4 {
      "tpu.region"() ({
        %run_scoped3A = tpu.sem_alloc : memref<!tpu.dma_semaphore, #tpu.memory_space<semaphore_mem>>
        tpu.enqueue_dma source(%arg3 : memref<672x128xf32, #tpu.memory_space<hbm>>) target(%arg38 : memref<672x128xf32, #tpu.memory_space<vmem_shared>>) target_semaphore(%run_scoped3A : memref<!tpu.dma_semaphore, #tpu.memory_space<semaphore_mem>>)
        tpu.wait_dma2 semaphore(%run_scoped3A : memref<!tpu.dma_semaphore, #tpu.memory_space<semaphore_mem>>) src(%arg3 : memref<672x128xf32, #tpu.memory_space<hbm>>) dst(%arg38 : memref<672x128xf32, #tpu.memory_space<vmem_shared>>)
        tpu.yield
      }) : () -> ()
    } else {
    }
    %barrier3A = arith.constant 0 : index
    tpu.barrier barrier_id(%barrier3A)
    %mul3A_5 = arith.constant 4 : i32
    %mul3A_6 = arith.muli %add3A, %mul3A_5 : i32
    %add3A_7 = arith.constant 0 : i32
    %add3A_8 = arith.addi %mul3A_6, %add3A_7 : i32
    "tpu.region"() ({
      %run_scoped3A = tpu.sem_alloc : memref<!tpu.dma_semaphore, #tpu.memory_space<semaphore_mem>>
      %dma_start3A_1881 = arith.constant 0 : i32
      %dma_start3A_1882 = arith.constant 0 : i32
      %dma_start3A_1883 = tpu.memref_slice %arg2[%dma_start3A_1881, %add3A_8, %dma_start3A_1882] : memref<200x128x256xi32, #tpu.memory_space<hbm>> -> memref<200x1x256xi32, #tpu.memory_space<hbm>>
      %dma_start3A_1884 = tpu.memref_squeeze %dma_start3A_1883 : memref<200x1x256xi32, #tpu.memory_space<hbm>> -> memref<200x256xi32, #tpu.memory_space<hbm>>
      %dma_start3A_1885 = arith.constant 0 : i32
      %dma_start3A_1886 = arith.constant 0 : i32
      %dma_start3A_1887 = tpu.memref_slice %arg2[%dma_start3A_1885, %add3A_8, %dma_start3A_1886] : memref<200x128x256xi32, #tpu.memory_space<hbm>> -> memref<200x1x256xi32, #tpu.memory_space<hbm>>
      %dma_start3A_1888 = tpu.memref_squeeze %dma_start3A_1887 : memref<200x1x256xi32, #tpu.memory_space<hbm>> -> memref<200x256xi32, #tpu.memory_space<hbm>>
      tpu.enqueue_dma source(%dma_start3A_1888 : memref<200x256xi32, #tpu.memory_space<hbm>>) target(%arg5 : memref<200x256xi32, #tpu.memory_space<vmem>>) target_semaphore(%run_scoped3A : memref<!tpu.dma_semaphore, #tpu.memory_space<semaphore_mem>>)
      %dma_wait3A_1889 = arith.constant 0 : i32
      %dma_wait3A_1890 = arith.constant 0 : i32
      %dma_wait3A_1891 = tpu.memref_slice %arg2[%dma_wait3A_1889, %add3A_8, %dma_wait3A_1890] : memref<200x128x256xi32, #tpu.memory_space<hbm>> -> memref<200x1x256xi32, #tpu.memory_space<hbm>>
      %dma_wait3A_1892 = tpu.memref_squeeze %dma_wait3A_1891 : memref<200x1x256xi32, #tpu.memory_space<hbm>> -> memref<200x256xi32, #tpu.memory_space<hbm>>
      %dma_wait3A_1893 = arith.constant 0 : i32
      %dma_wait3A_1894 = arith.constant 0 : i32
      %dma_wait3A_1895 = tpu.memref_slice %arg2[%dma_wait3A_1893, %add3A_8, %dma_wait3A_1894] : memref<200x128x256xi32, #tpu.memory_space<hbm>> -> memref<200x1x256xi32, #tpu.memory_space<hbm>>
      %dma_wait3A_1896 = tpu.memref_squeeze %dma_wait3A_1895 : memref<200x1x256xi32, #tpu.memory_space<hbm>> -> memref<200x256xi32, #tpu.memory_space<hbm>>
      tpu.wait_dma2 semaphore(%run_scoped3A : memref<!tpu.dma_semaphore, #tpu.memory_space<semaphore_mem>>) src(%dma_wait3A_1896 : memref<200x256xi32, #tpu.memory_space<hbm>>) dst(%arg5 : memref<200x256xi32, #tpu.memory_space<vmem>>)
      tpu.yield
    }) : () -> ()
    %add3A_9 = arith.constant 0 : i32
    %add3A_10 = arith.addi %mul3A_2, %add3A_9 : i32
    %add3A_11 = arith.constant 0 : i32
    %add3A_12 = arith.addi %add3A_10, %add3A_11 : i32
    %add3A_13 = vector.broadcast %add3A_12 : i32 to vector<16xi32>
    %add3A_14 = arith.addi %add3A_13, %iota3A : vector<16xi32>
    %jit3A = arith.constant 200 : i32
    %div3A = vector.broadcast %jit3A : i32 to vector<16xi32>
    %div3A_15 = arith.divsi %add3A_14, %div3A : vector<16xi32>
    %sign3A = arith.constant 0 : i32
    %sign3A_16 = vector.broadcast %sign3A : i32 to vector<16xi32>
    %sign3A_17 = arith.cmpi sgt, %add3A_14, %sign3A_16 : vector<16xi32>
    %sign3A_18 = arith.extui %sign3A_17 : vector<16xi1> to vector<16xi32>
    %sign3A_19 = arith.constant 0 : i32
    %sign3A_20 = vector.broadcast %sign3A_19 : i32 to vector<16xi32>
    %sign3A_21 = arith.cmpi slt, %add3A_14, %sign3A_20 : vector<16xi32>
    %sign3A_22 = arith.extui %sign3A_21 : vector<16xi1> to vector<16xi32>
    %sign3A_23 = arith.subi %sign3A_18, %sign3A_22 : vector<16xi32>
    %sign3A_24 = arith.constant 0 : i32
    %sign3A_25 = arith.cmpi sgt, %jit3A, %sign3A_24 : i32
    %sign3A_26 = arith.extui %sign3A_25 : i1 to i32
    %sign3A_27 = arith.constant 0 : i32
    %sign3A_28 = arith.cmpi slt, %jit3A, %sign3A_27 : i32
    %sign3A_29 = arith.extui %sign3A_28 : i1 to i32
    %sign3A_30 = arith.subi %sign3A_26, %sign3A_29 : i32
    %ne3A = vector.broadcast %sign3A_30 : i32 to vector<16xi32>
    %ne3A_31 = arith.cmpi ne, %sign3A_23, %ne3A : vector<16xi32>
    %rem3A = vector.broadcast %jit3A : i32 to vector<16xi32>
    %rem3A_32 = arith.remsi %add3A_14, %rem3A : vector<16xi32>
    %ne3A_33 = arith.constant 0 : i32
    %ne3A_34 = vector.broadcast %ne3A_33 : i32 to vector<16xi32>
    %ne3A_35 = arith.cmpi ne, %rem3A_32, %ne3A_34 : vector<16xi32>
    %and3A = arith.andi %ne3A_31, %ne3A_35 : vector<16xi1>
    %sub3A = arith.constant 1 : i32
    %sub3A_36 = vector.broadcast %sub3A : i32 to vector<16xi32>
    %sub3A_37 = arith.subi %div3A_15, %sub3A_36 : vector<16xi32>
    %select_n3A = arith.select %and3A, %sub3A_37, %div3A_15 : vector<16xi1>, vector<16xi32>
    %mul3A_38 = arith.constant 200 : i32
    %mul3A_39 = vector.broadcast %mul3A_38 : i32 to vector<16xi32>
    %mul3A_40 = arith.muli %select_n3A, %mul3A_39 : vector<16xi32>
    %sub3A_41 = arith.subi %add3A_14, %mul3A_40 : vector<16xi32>
    %and3A_42 = arith.constant 127 : i32
    %and3A_43 = vector.broadcast %and3A_42 : i32 to vector<16xi32>
    %and3A_44 = arith.andi %select_n3A, %and3A_43 : vector<16xi32>
    %gather3A = tpu.vector_load_idx %arg5[%sub3A_41, %and3A_44] : memref<200x256xi32, #tpu.memory_space<vmem>>[vector<16xi32>, vector<16xi32>], vector<16xi32>,
    %add3A_45 = arith.constant 128 : i32
    %add3A_46 = vector.broadcast %add3A_45 : i32 to vector<16xi32>
    %add3A_47 = arith.addi %and3A_44, %add3A_46 : vector<16xi32>
    %gather3A_48 = tpu.vector_load_idx %arg5[%sub3A_41, %add3A_47] : memref<200x256xi32, #tpu.memory_space<vmem>>[vector<16xi32>, vector<16xi32>], vector<16xi32>,
    %mul3A_49 = arith.constant 96 : i32
    %mul3A_50 = vector.broadcast %mul3A_49 : i32 to vector<16xi32>
    %mul3A_51 = arith.muli %gather3A, %mul3A_50 : vector<16xi32>
    %add3A_52 = arith.addi %mul3A_51, %gather3A_48 : vector<16xi32>
    %swap3A = arith.constant 0 : i32
    %swap3A_53 = arith.index_cast %swap3A : i32 to index
    %swap3A_54 = arith.constant 0 : index
    %swap3A_55 = tpu.vector_load %arg6[%swap3A_53, %swap3A_54] {strides = array<i32>} : memref<1x128xi32, #tpu.memory_space<vmem>>, vector<16xi32>,
    tpu.vector_store %arg6[%swap3A_53, %swap3A_54], %add3A_52 {strides = array<i32>} : memref<1x128xi32, #tpu.memory_space<vmem>>, vector<16xi32>,
    %add3A_56 = arith.constant 16 : i32
    %add3A_57 = arith.addi %add3A_10, %add3A_56 : i32
    %add3A_58 = vector.broadcast %add3A_57 : i32 to vector<16xi32>
    %add3A_59 = arith.addi %add3A_58, %iota3A : vector<16xi32>
    %jit3A_60 = arith.constant 200 : i32
    %div3A_61 = vector.broadcast %jit3A_60 : i32 to vector<16xi32>
    %div3A_62 = arith.divsi %add3A_59, %div3A_61 : vector<16xi32>
    %sign3A_63 = arith.constant 0 : i32
    %sign3A_64 = vector.broadcast %sign3A_63 : i32 to vector<16xi32>
    %sign3A_65 = arith.cmpi sgt, %add3A_59, %sign3A_64 : vector<16xi32>
    %sign3A_66 = arith.extui %sign3A_65 : vector<16xi1> to vector<16xi32>
    %sign3A_67 = arith.constant 0 : i32
    %sign3A_68 = vector.broadcast %sign3A_67 : i32 to vector<16xi32>
    %sign3A_69 = arith.cmpi slt, %add3A_59, %sign3A_68 : vector<16xi32>
    %sign3A_70 = arith.extui %sign3A_69 : vector<16xi1> to vector<16xi32>
    %sign3A_71 = arith.subi %sign3A_66, %sign3A_70 : vector<16xi32>
    %sign3A_72 = arith.constant 0 : i32
    %sign3A_73 = arith.cmpi sgt, %jit3A_60, %sign3A_72 : i32
    %sign3A_74 = arith.extui %sign3A_73 : i1 to i32
    %sign3A_75 = arith.constant 0 : i32
    %sign3A_76 = arith.cmpi slt, %jit3A_60, %sign3A_75 : i32
    %sign3A_77 = arith.extui %sign3A_76 : i1 to i32
    %sign3A_78 = arith.subi %sign3A_74, %sign3A_77 : i32
    %ne3A_79 = vector.broadcast %sign3A_78 : i32 to vector<16xi32>
    %ne3A_80 = arith.cmpi ne, %sign3A_71, %ne3A_79 : vector<16xi32>
    %rem3A_81 = vector.broadcast %jit3A_60 : i32 to vector<16xi32>
    %rem3A_82 = arith.remsi %add3A_59, %rem3A_81 : vector<16xi32>
    %ne3A_83 = arith.constant 0 : i32
    %ne3A_84 = vector.broadcast %ne3A_83 : i32 to vector<16xi32>
    %ne3A_85 = arith.cmpi ne, %rem3A_82, %ne3A_84 : vector<16xi32>
    %and3A_86 = arith.andi %ne3A_80, %ne3A_85 : vector<16xi1>
    %sub3A_87 = arith.constant 1 : i32
    %sub3A_88 = vector.broadcast %sub3A_87 : i32 to vector<16xi32>
    %sub3A_89 = arith.subi %div3A_62, %sub3A_88 : vector<16xi32>
    %select_n3A_90 = arith.select %and3A_86, %sub3A_89, %div3A_62 : vector<16xi1>, vector<16xi32>
    %mul3A_91 = arith.constant 200 : i32
    %mul3A_92 = vector.broadcast %mul3A_91 : i32 to vector<16xi32>
    %mul3A_93 = arith.muli %select_n3A_90, %mul3A_92 : vector<16xi32>
    %sub3A_94 = arith.subi %add3A_59, %mul3A_93 : vector<16xi32>
    %and3A_95 = arith.constant 127 : i32
    %and3A_96 = vector.broadcast %and3A_95 : i32 to vector<16xi32>
    %and3A_97 = arith.andi %select_n3A_90, %and3A_96 : vector<16xi32>
    %gather3A_98 = tpu.vector_load_idx %arg5[%sub3A_94, %and3A_97] : memref<200x256xi32, #tpu.memory_space<vmem>>[vector<16xi32>, vector<16xi32>], vector<16xi32>,
    %add3A_99 = arith.constant 128 : i32
    %add3A_100 = vector.broadcast %add3A_99 : i32 to vector<16xi32>
    %add3A_101 = arith.addi %and3A_97, %add3A_100 : vector<16xi32>
    %gather3A_102 = tpu.vector_load_idx %arg5[%sub3A_94, %add3A_101] : memref<200x256xi32, #tpu.memory_space<vmem>>[vector<16xi32>, vector<16xi32>], vector<16xi32>,
    %mul3A_103 = arith.constant 96 : i32
    %mul3A_104 = vector.broadcast %mul3A_103 : i32 to vector<16xi32>
    %mul3A_105 = arith.muli %gather3A_98, %mul3A_104 : vector<16xi32>
    %add3A_106 = arith.addi %mul3A_105, %gather3A_102 : vector<16xi32>
    %swap3A_107 = arith.constant 0 : i32
    %swap3A_108 = arith.index_cast %swap3A_107 : i32 to index
    %swap3A_109 = arith.constant 16 : index
    %swap3A_110 = tpu.vector_load %arg6[%swap3A_108, %swap3A_109] {strides = array<i32>} : memref<1x128xi32, #tpu.memory_space<vmem>>, vector<16xi32>,
    tpu.vector_store %arg6[%swap3A_108, %swap3A_109], %add3A_106 {strides = array<i32>} : memref<1x128xi32, #tpu.memory_space<vmem>>, vector<16xi32>,
    %add3A_111 = arith.constant 32 : i32
    %add3A_112 = arith.addi %add3A_10, %add3A_111 : i32
    %add3A_113 = vector.broadcast %add3A_112 : i32 to vector<16xi32>
    %add3A_114 = arith.addi %add3A_113, %iota3A : vector<16xi32>
    %jit3A_115 = arith.constant 200 : i32
    %div3A_116 = vector.broadcast %jit3A_115 : i32 to vector<16xi32>
    %div3A_117 = arith.divsi %add3A_114, %div3A_116 : vector<16xi32>
    %sign3A_118 = arith.constant 0 : i32
    %sign3A_119 = vector.broadcast %sign3A_118 : i32 to vector<16xi32>
    %sign3A_120 = arith.cmpi sgt, %add3A_114, %sign3A_119 : vector<16xi32>
    %sign3A_121 = arith.extui %sign3A_120 : vector<16xi1> to vector<16xi32>
    %sign3A_122 = arith.constant 0 : i32
    %sign3A_123 = vector.broadcast %sign3A_122 : i32 to vector<16xi32>
    %sign3A_124 = arith.cmpi slt, %add3A_114, %sign3A_123 : vector<16xi32>
    %sign3A_125 = arith.extui %sign3A_124 : vector<16xi1> to vector<16xi32>
    %sign3A_126 = arith.subi %sign3A_121, %sign3A_125 : vector<16xi32>
    %sign3A_127 = arith.constant 0 : i32
    %sign3A_128 = arith.cmpi sgt, %jit3A_115, %sign3A_127 : i32
    %sign3A_129 = arith.extui %sign3A_128 : i1 to i32
    %sign3A_130 = arith.constant 0 : i32
    %sign3A_131 = arith.cmpi slt, %jit3A_115, %sign3A_130 : i32
    %sign3A_132 = arith.extui %sign3A_131 : i1 to i32
    %sign3A_133 = arith.subi %sign3A_129, %sign3A_132 : i32
    %ne3A_134 = vector.broadcast %sign3A_133 : i32 to vector<16xi32>
    %ne3A_135 = arith.cmpi ne, %sign3A_126, %ne3A_134 : vector<16xi32>
    %rem3A_136 = vector.broadcast %jit3A_115 : i32 to vector<16xi32>
    %rem3A_137 = arith.remsi %add3A_114, %rem3A_136 : vector<16xi32>
    %ne3A_138 = arith.constant 0 : i32
    %ne3A_139 = vector.broadcast %ne3A_138 : i32 to vector<16xi32>
    %ne3A_140 = arith.cmpi ne, %rem3A_137, %ne3A_139 : vector<16xi32>
    %and3A_141 = arith.andi %ne3A_135, %ne3A_140 : vector<16xi1>
    %sub3A_142 = arith.constant 1 : i32
    %sub3A_143 = vector.broadcast %sub3A_142 : i32 to vector<16xi32>
    %sub3A_144 = arith.subi %div3A_117, %sub3A_143 : vector<16xi32>
    %select_n3A_145 = arith.select %and3A_141, %sub3A_144, %div3A_117 : vector<16xi1>, vector<16xi32>
    %mul3A_146 = arith.constant 200 : i32
    %mul3A_147 = vector.broadcast %mul3A_146 : i32 to vector<16xi32>
    %mul3A_148 = arith.muli %select_n3A_145, %mul3A_147 : vector<16xi32>
    %sub3A_149 = arith.subi %add3A_114, %mul3A_148 : vector<16xi32>
    %and3A_150 = arith.constant 127 : i32
    %and3A_151 = vector.broadcast %and3A_150 : i32 to vector<16xi32>
    %and3A_152 = arith.andi %select_n3A_145, %and3A_151 : vector<16xi32>
    %gather3A_153 = tpu.vector_load_idx %arg5[%sub3A_149, %and3A_152] : memref<200x256xi32, #tpu.memory_space<vmem>>[vector<16xi32>, vector<16xi32>], vector<16xi32>,
    %add3A_154 = arith.constant 128 : i32
    %add3A_155 = vector.broadcast %add3A_154 : i32 to vector<16xi32>
    %add3A_156 = arith.addi %and3A_152, %add3A_155 : vector<16xi32>
    %gather3A_157 = tpu.vector_load_idx %arg5[%sub3A_149, %add3A_156] : memref<200x256xi32, #tpu.memory_space<vmem>>[vector<16xi32>, vector<16xi32>], vector<16xi32>,
    %mul3A_158 = arith.constant 96 : i32
    %mul3A_159 = vector.broadcast %mul3A_158 : i32 to vector<16xi32>
    %mul3A_160 = arith.muli %gather3A_153, %mul3A_159 : vector<16xi32>
    %add3A_161 = arith.addi %mul3A_160, %gather3A_157 : vector<16xi32>
    %swap3A_162 = arith.constant 0 : i32
    %swap3A_163 = arith.index_cast %swap3A_162 : i32 to index
    %swap3A_164 = arith.constant 32 : index
    %swap3A_165 = tpu.vector_load %arg6[%swap3A_163, %swap3A_164] {strides = array<i32>} : memref<1x128xi32, #tpu.memory_space<vmem>>, vector<16xi32>,
    tpu.vector_store %arg6[%swap3A_163, %swap3A_164], %add3A_161 {strides = array<i32>} : memref<1x128xi32, #tpu.memory_space<vmem>>, vector<16xi32>,
    %add3A_166 = arith.constant 48 : i32
    %add3A_167 = arith.addi %add3A_10, %add3A_166 : i32
    %add3A_168 = vector.broadcast %add3A_167 : i32 to vector<16xi32>
    %add3A_169 = arith.addi %add3A_168, %iota3A : vector<16xi32>
    %jit3A_170 = arith.constant 200 : i32
    %div3A_171 = vector.broadcast %jit3A_170 : i32 to vector<16xi32>
    %div3A_172 = arith.divsi %add3A_169, %div3A_171 : vector<16xi32>
    %sign3A_173 = arith.constant 0 : i32
    %sign3A_174 = vector.broadcast %sign3A_173 : i32 to vector<16xi32>
    %sign3A_175 = arith.cmpi sgt, %add3A_169, %sign3A_174 : vector<16xi32>
    %sign3A_176 = arith.extui %sign3A_175 : vector<16xi1> to vector<16xi32>
    %sign3A_177 = arith.constant 0 : i32
    %sign3A_178 = vector.broadcast %sign3A_177 : i32 to vector<16xi32>
    %sign3A_179 = arith.cmpi slt, %add3A_169, %sign3A_178 : vector<16xi32>
    %sign3A_180 = arith.extui %sign3A_179 : vector<16xi1> to vector<16xi32>
    %sign3A_181 = arith.subi %sign3A_176, %sign3A_180 : vector<16xi32>
    %sign3A_182 = arith.constant 0 : i32
    %sign3A_183 = arith.cmpi sgt, %jit3A_170, %sign3A_182 : i32
    %sign3A_184 = arith.extui %sign3A_183 : i1 to i32
    %sign3A_185 = arith.constant 0 : i32
    %sign3A_186 = arith.cmpi slt, %jit3A_170, %sign3A_185 : i32
    %sign3A_187 = arith.extui %sign3A_186 : i1 to i32
    %sign3A_188 = arith.subi %sign3A_184, %sign3A_187 : i32
    %ne3A_189 = vector.broadcast %sign3A_188 : i32 to vector<16xi32>
    %ne3A_190 = arith.cmpi ne, %sign3A_181, %ne3A_189 : vector<16xi32>
    %rem3A_191 = vector.broadcast %jit3A_170 : i32 to vector<16xi32>
    %rem3A_192 = arith.remsi %add3A_169, %rem3A_191 : vector<16xi32>
    %ne3A_193 = arith.constant 0 : i32
    %ne3A_194 = vector.broadcast %ne3A_193 : i32 to vector<16xi32>
    %ne3A_195 = arith.cmpi ne, %rem3A_192, %ne3A_194 : vector<16xi32>
    %and3A_196 = arith.andi %ne3A_190, %ne3A_195 : vector<16xi1>
    %sub3A_197 = arith.constant 1 : i32
    %sub3A_198 = vector.broadcast %sub3A_197 : i32 to vector<16xi32>
    %sub3A_199 = arith.subi %div3A_172, %sub3A_198 : vector<16xi32>
    %select_n3A_200 = arith.select %and3A_196, %sub3A_199, %div3A_172 : vector<16xi1>, vector<16xi32>
    %mul3A_201 = arith.constant 200 : i32
    %mul3A_202 = vector.broadcast %mul3A_201 : i32 to vector<16xi32>
    %mul3A_203 = arith.muli %select_n3A_200, %mul3A_202 : vector<16xi32>
    %sub3A_204 = arith.subi %add3A_169, %mul3A_203 : vector<16xi32>
    %and3A_205 = arith.constant 127 : i32
    %and3A_206 = vector.broadcast %and3A_205 : i32 to vector<16xi32>
    %and3A_207 = arith.andi %select_n3A_200, %and3A_206 : vector<16xi32>
    %gather3A_208 = tpu.vector_load_idx %arg5[%sub3A_204, %and3A_207] : memref<200x256xi32, #tpu.memory_space<vmem>>[vector<16xi32>, vector<16xi32>], vector<16xi32>,
    %add3A_209 = arith.constant 128 : i32
    %add3A_210 = vector.broadcast %add3A_209 : i32 to vector<16xi32>
    %add3A_211 = arith.addi %and3A_207, %add3A_210 : vector<16xi32>
    %gather3A_212 = tpu.vector_load_idx %arg5[%sub3A_204, %add3A_211] : memref<200x256xi32, #tpu.memory_space<vmem>>[vector<16xi32>, vector<16xi32>], vector<16xi32>,
    %mul3A_213 = arith.constant 96 : i32
    %mul3A_214 = vector.broadcast %mul3A_213 : i32 to vector<16xi32>
    %mul3A_215 = arith.muli %gather3A_208, %mul3A_214 : vector<16xi32>
    %add3A_216 = arith.addi %mul3A_215, %gather3A_212 : vector<16xi32>
    %swap3A_217 = arith.constant 0 : i32
    %swap3A_218 = arith.index_cast %swap3A_217 : i32 to index
    %swap3A_219 = arith.constant 48 : index
    %swap3A_220 = tpu.vector_load %arg6[%swap3A_218, %swap3A_219] {strides = array<i32>} : memref<1x128xi32, #tpu.memory_space<vmem>>, vector<16xi32>,
    tpu.vector_store %arg6[%swap3A_218, %swap3A_219], %add3A_216 {strides = array<i32>} : memref<1x128xi32, #tpu.memory_space<vmem>>, vector<16xi32>,
    %dma_start3A = arith.constant 0 : i32
    %dma_start3A_221 = arith.constant 0 : i32
    %dma_start3A_222 = tpu.memref_slice %arg6[%dma_start3A, %dma_start3A_221] : memref<1x128xi32, #tpu.memory_space<vmem>> -> memref<1x64xi32, #tpu.memory_space<vmem>>
    %dma_start3A_223 = tpu.memref_squeeze %dma_start3A_222 : memref<1x64xi32, #tpu.memory_space<vmem>> -> memref<64xi32, #tpu.memory_space<vmem>>
    %dma_start3A_224 = arith.constant 0 : i32
    %dma_start3A_225 = arith.constant 0 : i32
    %dma_start3A_226 = tpu.memref_slice %arg38[%dma_start3A_224, %dma_start3A_225] : memref<672x128xf32, #tpu.memory_space<vmem_shared>> -> memref<672x128xf32, #tpu.memory_space<vmem_shared>>
    tpu.enqueue_indirect_dma source(%dma_start3A_226 : memref<672x128xf32, #tpu.memory_space<vmem_shared>>) target(%arg14 : memref<64x128xf32, #tpu.memory_space<vmem>>) offsets(%dma_start3A_223 : memref<64xi32, #tpu.memory_space<vmem>>) semaphore(%arg22 : memref<!tpu.dma_semaphore, #tpu.memory_space<semaphore_mem>>)
    %add3A_227 = arith.constant 64 : i32
    %add3A_228 = arith.addi %mul3A_2, %add3A_227 : i32
    %add3A_229 = arith.constant 0 : i32
    %add3A_230 = arith.addi %add3A_228, %add3A_229 : i32
    %add3A_231 = vector.broadcast %add3A_230 : i32 to vector<16xi32>
    %add3A_232 = arith.addi %add3A_231, %iota3A : vector<16xi32>
    %jit3A_233 = arith.constant 200 : i32
    %div3A_234 = vector.broadcast %jit3A_233 : i32 to vector<16xi32>
    %div3A_235 = arith.divsi %add3A_232, %div3A_234 : vector<16xi32>
    %sign3A_236 = arith.constant 0 : i32
    %sign3A_237 = vector.broadcast %sign3A_236 : i32 to vector<16xi32>
    %sign3A_238 = arith.cmpi sgt, %add3A_232, %sign3A_237 : vector<16xi32>
    %sign3A_239 = arith.extui %sign3A_238 : vector<16xi1> to vector<16xi32>
    %sign3A_240 = arith.constant 0 : i32
    %sign3A_241 = vector.broadcast %sign3A_240 : i32 to vector<16xi32>
    %sign3A_242 = arith.cmpi slt, %add3A_232, %sign3A_241 : vector<16xi32>
    %sign3A_243 = arith.extui %sign3A_242 : vector<16xi1> to vector<16xi32>
    %sign3A_244 = arith.subi %sign3A_239, %sign3A_243 : vector<16xi32>
    %sign3A_245 = arith.constant 0 : i32
    %sign3A_246 = arith.cmpi sgt, %jit3A_233, %sign3A_245 : i32
    %sign3A_247 = arith.extui %sign3A_246 : i1 to i32
    %sign3A_248 = arith.constant 0 : i32
    %sign3A_249 = arith.cmpi slt, %jit3A_233, %sign3A_248 : i32
    %sign3A_250 = arith.extui %sign3A_249 : i1 to i32
    %sign3A_251 = arith.subi %sign3A_247, %sign3A_250 : i32
    %ne3A_252 = vector.broadcast %sign3A_251 : i32 to vector<16xi32>
    %ne3A_253 = arith.cmpi ne, %sign3A_244, %ne3A_252 : vector<16xi32>
    %rem3A_254 = vector.broadcast %jit3A_233 : i32 to vector<16xi32>
    %rem3A_255 = arith.remsi %add3A_232, %rem3A_254 : vector<16xi32>
    %ne3A_256 = arith.constant 0 : i32
    %ne3A_257 = vector.broadcast %ne3A_256 : i32 to vector<16xi32>
    %ne3A_258 = arith.cmpi ne, %rem3A_255, %ne3A_257 : vector<16xi32>
    %and3A_259 = arith.andi %ne3A_253, %ne3A_258 : vector<16xi1>
    %sub3A_260 = arith.constant 1 : i32
    %sub3A_261 = vector.broadcast %sub3A_260 : i32 to vector<16xi32>
    %sub3A_262 = arith.subi %div3A_235, %sub3A_261 : vector<16xi32>
    %select_n3A_263 = arith.select %and3A_259, %sub3A_262, %div3A_235 : vector<16xi1>, vector<16xi32>
    %mul3A_264 = arith.constant 200 : i32
    %mul3A_265 = vector.broadcast %mul3A_264 : i32 to vector<16xi32>
    %mul3A_266 = arith.muli %select_n3A_263, %mul3A_265 : vector<16xi32>
    %sub3A_267 = arith.subi %add3A_232, %mul3A_266 : vector<16xi32>
    %and3A_268 = arith.constant 127 : i32
    %and3A_269 = vector.broadcast %and3A_268 : i32 to vector<16xi32>
    %and3A_270 = arith.andi %select_n3A_263, %and3A_269 : vector<16xi32>
    %gather3A_271 = tpu.vector_load_idx %arg5[%sub3A_267, %and3A_270] : memref<200x256xi32, #tpu.memory_space<vmem>>[vector<16xi32>, vector<16xi32>], vector<16xi32>,
    %add3A_272 = arith.constant 128 : i32
    %add3A_273 = vector.broadcast %add3A_272 : i32 to vector<16xi32>
    %add3A_274 = arith.addi %and3A_270, %add3A_273 : vector<16xi32>
    %gather3A_275 = tpu.vector_load_idx %arg5[%sub3A_267, %add3A_274] : memref<200x256xi32, #tpu.memory_space<vmem>>[vector<16xi32>, vector<16xi32>], vector<16xi32>,
    %mul3A_276 = arith.constant 96 : i32
    %mul3A_277 = vector.broadcast %mul3A_276 : i32 to vector<16xi32>
    %mul3A_278 = arith.muli %gather3A_271, %mul3A_277 : vector<16xi32>
    %add3A_279 = arith.addi %mul3A_278, %gather3A_275 : vector<16xi32>
    %swap3A_280 = arith.constant 0 : i32
    %swap3A_281 = arith.index_cast %swap3A_280 : i32 to index
    %swap3A_282 = arith.constant 0 : index
    %swap3A_283 = tpu.vector_load %arg7[%swap3A_281, %swap3A_282] {strides = array<i32>} : memref<1x128xi32, #tpu.memory_space<vmem>>, vector<16xi32>,
    tpu.vector_store %arg7[%swap3A_281, %swap3A_282], %add3A_279 {strides = array<i32>} : memref<1x128xi32, #tpu.memory_space<vmem>>, vector<16xi32>,
    %add3A_284 = arith.constant 16 : i32
    %add3A_285 = arith.addi %add3A_228, %add3A_284 : i32
    %add3A_286 = vector.broadcast %add3A_285 : i32 to vector<16xi32>
    %add3A_287 = arith.addi %add3A_286, %iota3A : vector<16xi32>
    %jit3A_288 = arith.constant 200 : i32
    %div3A_289 = vector.broadcast %jit3A_288 : i32 to vector<16xi32>
    %div3A_290 = arith.divsi %add3A_287, %div3A_289 : vector<16xi32>
    %sign3A_291 = arith.constant 0 : i32
    %sign3A_292 = vector.broadcast %sign3A_291 : i32 to vector<16xi32>
    %sign3A_293 = arith.cmpi sgt, %add3A_287, %sign3A_292 : vector<16xi32>
    %sign3A_294 = arith.extui %sign3A_293 : vector<16xi1> to vector<16xi32>
    %sign3A_295 = arith.constant 0 : i32
    %sign3A_296 = vector.broadcast %sign3A_295 : i32 to vector<16xi32>
    %sign3A_297 = arith.cmpi slt, %add3A_287, %sign3A_296 : vector<16xi32>
    %sign3A_298 = arith.extui %sign3A_297 : vector<16xi1> to vector<16xi32>
    %sign3A_299 = arith.subi %sign3A_294, %sign3A_298 : vector<16xi32>
    %sign3A_300 = arith.constant 0 : i32
    %sign3A_301 = arith.cmpi sgt, %jit3A_288, %sign3A_300 : i32
    %sign3A_302 = arith.extui %sign3A_301 : i1 to i32
    %sign3A_303 = arith.constant 0 : i32
    %sign3A_304 = arith.cmpi slt, %jit3A_288, %sign3A_303 : i32
    %sign3A_305 = arith.extui %sign3A_304 : i1 to i32
    %sign3A_306 = arith.subi %sign3A_302, %sign3A_305 : i32
    %ne3A_307 = vector.broadcast %sign3A_306 : i32 to vector<16xi32>
    %ne3A_308 = arith.cmpi ne, %sign3A_299, %ne3A_307 : vector<16xi32>
    %rem3A_309 = vector.broadcast %jit3A_288 : i32 to vector<16xi32>
    %rem3A_310 = arith.remsi %add3A_287, %rem3A_309 : vector<16xi32>
    %ne3A_311 = arith.constant 0 : i32
    %ne3A_312 = vector.broadcast %ne3A_311 : i32 to vector<16xi32>
    %ne3A_313 = arith.cmpi ne, %rem3A_310, %ne3A_312 : vector<16xi32>
    %and3A_314 = arith.andi %ne3A_308, %ne3A_313 : vector<16xi1>
    %sub3A_315 = arith.constant 1 : i32
    %sub3A_316 = vector.broadcast %sub3A_315 : i32 to vector<16xi32>
    %sub3A_317 = arith.subi %div3A_290, %sub3A_316 : vector<16xi32>
    %select_n3A_318 = arith.select %and3A_314, %sub3A_317, %div3A_290 : vector<16xi1>, vector<16xi32>
    %mul3A_319 = arith.constant 200 : i32
    %mul3A_320 = vector.broadcast %mul3A_319 : i32 to vector<16xi32>
    %mul3A_321 = arith.muli %select_n3A_318, %mul3A_320 : vector<16xi32>
    %sub3A_322 = arith.subi %add3A_287, %mul3A_321 : vector<16xi32>
    %and3A_323 = arith.constant 127 : i32
    %and3A_324 = vector.broadcast %and3A_323 : i32 to vector<16xi32>
    %and3A_325 = arith.andi %select_n3A_318, %and3A_324 : vector<16xi32>
    %gather3A_326 = tpu.vector_load_idx %arg5[%sub3A_322, %and3A_325] : memref<200x256xi32, #tpu.memory_space<vmem>>[vector<16xi32>, vector<16xi32>], vector<16xi32>,
    %add3A_327 = arith.constant 128 : i32
    %add3A_328 = vector.broadcast %add3A_327 : i32 to vector<16xi32>
    %add3A_329 = arith.addi %and3A_325, %add3A_328 : vector<16xi32>
    %gather3A_330 = tpu.vector_load_idx %arg5[%sub3A_322, %add3A_329] : memref<200x256xi32, #tpu.memory_space<vmem>>[vector<16xi32>, vector<16xi32>], vector<16xi32>,
    %mul3A_331 = arith.constant 96 : i32
    %mul3A_332 = vector.broadcast %mul3A_331 : i32 to vector<16xi32>
    %mul3A_333 = arith.muli %gather3A_326, %mul3A_332 : vector<16xi32>
    %add3A_334 = arith.addi %mul3A_333, %gather3A_330 : vector<16xi32>
    %swap3A_335 = arith.constant 0 : i32
    %swap3A_336 = arith.index_cast %swap3A_335 : i32 to index
    %swap3A_337 = arith.constant 16 : index
    %swap3A_338 = tpu.vector_load %arg7[%swap3A_336, %swap3A_337] {strides = array<i32>} : memref<1x128xi32, #tpu.memory_space<vmem>>, vector<16xi32>,
    tpu.vector_store %arg7[%swap3A_336, %swap3A_337], %add3A_334 {strides = array<i32>} : memref<1x128xi32, #tpu.memory_space<vmem>>, vector<16xi32>,
    %add3A_339 = arith.constant 32 : i32
    %add3A_340 = arith.addi %add3A_228, %add3A_339 : i32
    %add3A_341 = vector.broadcast %add3A_340 : i32 to vector<16xi32>
    %add3A_342 = arith.addi %add3A_341, %iota3A : vector<16xi32>
    %jit3A_343 = arith.constant 200 : i32
    %div3A_344 = vector.broadcast %jit3A_343 : i32 to vector<16xi32>
    %div3A_345 = arith.divsi %add3A_342, %div3A_344 : vector<16xi32>
    %sign3A_346 = arith.constant 0 : i32
    %sign3A_347 = vector.broadcast %sign3A_346 : i32 to vector<16xi32>
    %sign3A_348 = arith.cmpi sgt, %add3A_342, %sign3A_347 : vector<16xi32>
    %sign3A_349 = arith.extui %sign3A_348 : vector<16xi1> to vector<16xi32>
    %sign3A_350 = arith.constant 0 : i32
    %sign3A_351 = vector.broadcast %sign3A_350 : i32 to vector<16xi32>
    %sign3A_352 = arith.cmpi slt, %add3A_342, %sign3A_351 : vector<16xi32>
    %sign3A_353 = arith.extui %sign3A_352 : vector<16xi1> to vector<16xi32>
    %sign3A_354 = arith.subi %sign3A_349, %sign3A_353 : vector<16xi32>
    %sign3A_355 = arith.constant 0 : i32
    %sign3A_356 = arith.cmpi sgt, %jit3A_343, %sign3A_355 : i32
    %sign3A_357 = arith.extui %sign3A_356 : i1 to i32
    %sign3A_358 = arith.constant 0 : i32
    %sign3A_359 = arith.cmpi slt, %jit3A_343, %sign3A_358 : i32
    %sign3A_360 = arith.extui %sign3A_359 : i1 to i32
    %sign3A_361 = arith.subi %sign3A_357, %sign3A_360 : i32
    %ne3A_362 = vector.broadcast %sign3A_361 : i32 to vector<16xi32>
    %ne3A_363 = arith.cmpi ne, %sign3A_354, %ne3A_362 : vector<16xi32>
    %rem3A_364 = vector.broadcast %jit3A_343 : i32 to vector<16xi32>
    %rem3A_365 = arith.remsi %add3A_342, %rem3A_364 : vector<16xi32>
    %ne3A_366 = arith.constant 0 : i32
    %ne3A_367 = vector.broadcast %ne3A_366 : i32 to vector<16xi32>
    %ne3A_368 = arith.cmpi ne, %rem3A_365, %ne3A_367 : vector<16xi32>
    %and3A_369 = arith.andi %ne3A_363, %ne3A_368 : vector<16xi1>
    %sub3A_370 = arith.constant 1 : i32
    %sub3A_371 = vector.broadcast %sub3A_370 : i32 to vector<16xi32>
    %sub3A_372 = arith.subi %div3A_345, %sub3A_371 : vector<16xi32>
    %select_n3A_373 = arith.select %and3A_369, %sub3A_372, %div3A_345 : vector<16xi1>, vector<16xi32>
    %mul3A_374 = arith.constant 200 : i32
    %mul3A_375 = vector.broadcast %mul3A_374 : i32 to vector<16xi32>
    %mul3A_376 = arith.muli %select_n3A_373, %mul3A_375 : vector<16xi32>
    %sub3A_377 = arith.subi %add3A_342, %mul3A_376 : vector<16xi32>
    %and3A_378 = arith.constant 127 : i32
    %and3A_379 = vector.broadcast %and3A_378 : i32 to vector<16xi32>
    %and3A_380 = arith.andi %select_n3A_373, %and3A_379 : vector<16xi32>
    %gather3A_381 = tpu.vector_load_idx %arg5[%sub3A_377, %and3A_380] : memref<200x256xi32, #tpu.memory_space<vmem>>[vector<16xi32>, vector<16xi32>], vector<16xi32>,
    %add3A_382 = arith.constant 128 : i32
    %add3A_383 = vector.broadcast %add3A_382 : i32 to vector<16xi32>
    %add3A_384 = arith.addi %and3A_380, %add3A_383 : vector<16xi32>
    %gather3A_385 = tpu.vector_load_idx %arg5[%sub3A_377, %add3A_384] : memref<200x256xi32, #tpu.memory_space<vmem>>[vector<16xi32>, vector<16xi32>], vector<16xi32>,
    %mul3A_386 = arith.constant 96 : i32
    %mul3A_387 = vector.broadcast %mul3A_386 : i32 to vector<16xi32>
    %mul3A_388 = arith.muli %gather3A_381, %mul3A_387 : vector<16xi32>
    %add3A_389 = arith.addi %mul3A_388, %gather3A_385 : vector<16xi32>
    %swap3A_390 = arith.constant 0 : i32
    %swap3A_391 = arith.index_cast %swap3A_390 : i32 to index
    %swap3A_392 = arith.constant 32 : index
    %swap3A_393 = tpu.vector_load %arg7[%swap3A_391, %swap3A_392] {strides = array<i32>} : memref<1x128xi32, #tpu.memory_space<vmem>>, vector<16xi32>,
    tpu.vector_store %arg7[%swap3A_391, %swap3A_392], %add3A_389 {strides = array<i32>} : memref<1x128xi32, #tpu.memory_space<vmem>>, vector<16xi32>,
    %add3A_394 = arith.constant 48 : i32
    %add3A_395 = arith.addi %add3A_228, %add3A_394 : i32
    %add3A_396 = vector.broadcast %add3A_395 : i32 to vector<16xi32>
    %add3A_397 = arith.addi %add3A_396, %iota3A : vector<16xi32>
    %jit3A_398 = arith.constant 200 : i32
    %div3A_399 = vector.broadcast %jit3A_398 : i32 to vector<16xi32>
    %div3A_400 = arith.divsi %add3A_397, %div3A_399 : vector<16xi32>
    %sign3A_401 = arith.constant 0 : i32
    %sign3A_402 = vector.broadcast %sign3A_401 : i32 to vector<16xi32>
    %sign3A_403 = arith.cmpi sgt, %add3A_397, %sign3A_402 : vector<16xi32>
    %sign3A_404 = arith.extui %sign3A_403 : vector<16xi1> to vector<16xi32>
    %sign3A_405 = arith.constant 0 : i32
    %sign3A_406 = vector.broadcast %sign3A_405 : i32 to vector<16xi32>
    %sign3A_407 = arith.cmpi slt, %add3A_397, %sign3A_406 : vector<16xi32>
    %sign3A_408 = arith.extui %sign3A_407 : vector<16xi1> to vector<16xi32>
    %sign3A_409 = arith.subi %sign3A_404, %sign3A_408 : vector<16xi32>
    %sign3A_410 = arith.constant 0 : i32
    %sign3A_411 = arith.cmpi sgt, %jit3A_398, %sign3A_410 : i32
    %sign3A_412 = arith.extui %sign3A_411 : i1 to i32
    %sign3A_413 = arith.constant 0 : i32
    %sign3A_414 = arith.cmpi slt, %jit3A_398, %sign3A_413 : i32
    %sign3A_415 = arith.extui %sign3A_414 : i1 to i32
    %sign3A_416 = arith.subi %sign3A_412, %sign3A_415 : i32
    %ne3A_417 = vector.broadcast %sign3A_416 : i32 to vector<16xi32>
    %ne3A_418 = arith.cmpi ne, %sign3A_409, %ne3A_417 : vector<16xi32>
    %rem3A_419 = vector.broadcast %jit3A_398 : i32 to vector<16xi32>
    %rem3A_420 = arith.remsi %add3A_397, %rem3A_419 : vector<16xi32>
    %ne3A_421 = arith.constant 0 : i32
    %ne3A_422 = vector.broadcast %ne3A_421 : i32 to vector<16xi32>
    %ne3A_423 = arith.cmpi ne, %rem3A_420, %ne3A_422 : vector<16xi32>
    %and3A_424 = arith.andi %ne3A_418, %ne3A_423 : vector<16xi1>
    %sub3A_425 = arith.constant 1 : i32
    %sub3A_426 = vector.broadcast %sub3A_425 : i32 to vector<16xi32>
    %sub3A_427 = arith.subi %div3A_400, %sub3A_426 : vector<16xi32>
    %select_n3A_428 = arith.select %and3A_424, %sub3A_427, %div3A_400 : vector<16xi1>, vector<16xi32>
    %mul3A_429 = arith.constant 200 : i32
    %mul3A_430 = vector.broadcast %mul3A_429 : i32 to vector<16xi32>
    %mul3A_431 = arith.muli %select_n3A_428, %mul3A_430 : vector<16xi32>
    %sub3A_432 = arith.subi %add3A_397, %mul3A_431 : vector<16xi32>
    %and3A_433 = arith.constant 127 : i32
    %and3A_434 = vector.broadcast %and3A_433 : i32 to vector<16xi32>
    %and3A_435 = arith.andi %select_n3A_428, %and3A_434 : vector<16xi32>
    %gather3A_436 = tpu.vector_load_idx %arg5[%sub3A_432, %and3A_435] : memref<200x256xi32, #tpu.memory_space<vmem>>[vector<16xi32>, vector<16xi32>], vector<16xi32>,
    %add3A_437 = arith.constant 128 : i32
    %add3A_438 = vector.broadcast %add3A_437 : i32 to vector<16xi32>
    %add3A_439 = arith.addi %and3A_435, %add3A_438 : vector<16xi32>
    %gather3A_440 = tpu.vector_load_idx %arg5[%sub3A_432, %add3A_439] : memref<200x256xi32, #tpu.memory_space<vmem>>[vector<16xi32>, vector<16xi32>], vector<16xi32>,
    %mul3A_441 = arith.constant 96 : i32
    %mul3A_442 = vector.broadcast %mul3A_441 : i32 to vector<16xi32>
    %mul3A_443 = arith.muli %gather3A_436, %mul3A_442 : vector<16xi32>
    %add3A_444 = arith.addi %mul3A_443, %gather3A_440 : vector<16xi32>
    %swap3A_445 = arith.constant 0 : i32
    %swap3A_446 = arith.index_cast %swap3A_445 : i32 to index
    %swap3A_447 = arith.constant 48 : index
    %swap3A_448 = tpu.vector_load %arg7[%swap3A_446, %swap3A_447] {strides = array<i32>} : memref<1x128xi32, #tpu.memory_space<vmem>>, vector<16xi32>,
    tpu.vector_store %arg7[%swap3A_446, %swap3A_447], %add3A_444 {strides = array<i32>} : memref<1x128xi32, #tpu.memory_space<vmem>>, vector<16xi32>,
    %dma_start3A_449 = arith.constant 0 : i32
    %dma_start3A_450 = arith.constant 0 : i32
    %dma_start3A_451 = tpu.memref_slice %arg7[%dma_start3A_449, %dma_start3A_450] : memref<1x128xi32, #tpu.memory_space<vmem>> -> memref<1x64xi32, #tpu.memory_space<vmem>>
    %dma_start3A_452 = tpu.memref_squeeze %dma_start3A_451 : memref<1x64xi32, #tpu.memory_space<vmem>> -> memref<64xi32, #tpu.memory_space<vmem>>
    %dma_start3A_453 = arith.constant 0 : i32
    %dma_start3A_454 = arith.constant 0 : i32
    %dma_start3A_455 = tpu.memref_slice %arg38[%dma_start3A_453, %dma_start3A_454] : memref<672x128xf32, #tpu.memory_space<vmem_shared>> -> memref<672x128xf32, #tpu.memory_space<vmem_shared>>
    tpu.enqueue_indirect_dma source(%dma_start3A_455 : memref<672x128xf32, #tpu.memory_space<vmem_shared>>) target(%arg15 : memref<64x128xf32, #tpu.memory_space<vmem>>) offsets(%dma_start3A_452 : memref<64xi32, #tpu.memory_space<vmem>>) semaphore(%arg23 : memref<!tpu.dma_semaphore, #tpu.memory_space<semaphore_mem>>)
    %add3A_456 = arith.constant 128 : i32
    %add3A_457 = arith.addi %mul3A_2, %add3A_456 : i32
    %add3A_458 = arith.constant 0 : i32
    %add3A_459 = arith.addi %add3A_457, %add3A_458 : i32
    %add3A_460 = vector.broadcast %add3A_459 : i32 to vector<16xi32>
    %add3A_461 = arith.addi %add3A_460, %iota3A : vector<16xi32>
    %jit3A_462 = arith.constant 200 : i32
    %div3A_463 = vector.broadcast %jit3A_462 : i32 to vector<16xi32>
    %div3A_464 = arith.divsi %add3A_461, %div3A_463 : vector<16xi32>
    %sign3A_465 = arith.constant 0 : i32
    %sign3A_466 = vector.broadcast %sign3A_465 : i32 to vector<16xi32>
    %sign3A_467 = arith.cmpi sgt, %add3A_461, %sign3A_466 : vector<16xi32>
    %sign3A_468 = arith.extui %sign3A_467 : vector<16xi1> to vector<16xi32>
    %sign3A_469 = arith.constant 0 : i32
    %sign3A_470 = vector.broadcast %sign3A_469 : i32 to vector<16xi32>
    %sign3A_471 = arith.cmpi slt, %add3A_461, %sign3A_470 : vector<16xi32>
    %sign3A_472 = arith.extui %sign3A_471 : vector<16xi1> to vector<16xi32>
    %sign3A_473 = arith.subi %sign3A_468, %sign3A_472 : vector<16xi32>
    %sign3A_474 = arith.constant 0 : i32
    %sign3A_475 = arith.cmpi sgt, %jit3A_462, %sign3A_474 : i32
    %sign3A_476 = arith.extui %sign3A_475 : i1 to i32
    %sign3A_477 = arith.constant 0 : i32
    %sign3A_478 = arith.cmpi slt, %jit3A_462, %sign3A_477 : i32
    %sign3A_479 = arith.extui %sign3A_478 : i1 to i32
    %sign3A_480 = arith.subi %sign3A_476, %sign3A_479 : i32
    %ne3A_481 = vector.broadcast %sign3A_480 : i32 to vector<16xi32>
    %ne3A_482 = arith.cmpi ne, %sign3A_473, %ne3A_481 : vector<16xi32>
    %rem3A_483 = vector.broadcast %jit3A_462 : i32 to vector<16xi32>
    %rem3A_484 = arith.remsi %add3A_461, %rem3A_483 : vector<16xi32>
    %ne3A_485 = arith.constant 0 : i32
    %ne3A_486 = vector.broadcast %ne3A_485 : i32 to vector<16xi32>
    %ne3A_487 = arith.cmpi ne, %rem3A_484, %ne3A_486 : vector<16xi32>
    %and3A_488 = arith.andi %ne3A_482, %ne3A_487 : vector<16xi1>
    %sub3A_489 = arith.constant 1 : i32
    %sub3A_490 = vector.broadcast %sub3A_489 : i32 to vector<16xi32>
    %sub3A_491 = arith.subi %div3A_464, %sub3A_490 : vector<16xi32>
    %select_n3A_492 = arith.select %and3A_488, %sub3A_491, %div3A_464 : vector<16xi1>, vector<16xi32>
    %mul3A_493 = arith.constant 200 : i32
    %mul3A_494 = vector.broadcast %mul3A_493 : i32 to vector<16xi32>
    %mul3A_495 = arith.muli %select_n3A_492, %mul3A_494 : vector<16xi32>
    %sub3A_496 = arith.subi %add3A_461, %mul3A_495 : vector<16xi32>
    %and3A_497 = arith.constant 127 : i32
    %and3A_498 = vector.broadcast %and3A_497 : i32 to vector<16xi32>
    %and3A_499 = arith.andi %select_n3A_492, %and3A_498 : vector<16xi32>
    %gather3A_500 = tpu.vector_load_idx %arg5[%sub3A_496, %and3A_499] : memref<200x256xi32, #tpu.memory_space<vmem>>[vector<16xi32>, vector<16xi32>], vector<16xi32>,
    %add3A_501 = arith.constant 128 : i32
    %add3A_502 = vector.broadcast %add3A_501 : i32 to vector<16xi32>
    %add3A_503 = arith.addi %and3A_499, %add3A_502 : vector<16xi32>
    %gather3A_504 = tpu.vector_load_idx %arg5[%sub3A_496, %add3A_503] : memref<200x256xi32, #tpu.memory_space<vmem>>[vector<16xi32>, vector<16xi32>], vector<16xi32>,
    %mul3A_505 = arith.constant 96 : i32
    %mul3A_506 = vector.broadcast %mul3A_505 : i32 to vector<16xi32>
    %mul3A_507 = arith.muli %gather3A_500, %mul3A_506 : vector<16xi32>
    %add3A_508 = arith.addi %mul3A_507, %gather3A_504 : vector<16xi32>
    %swap3A_509 = arith.constant 0 : i32
    %swap3A_510 = arith.index_cast %swap3A_509 : i32 to index
    %swap3A_511 = arith.constant 0 : index
    %swap3A_512 = tpu.vector_load %arg8[%swap3A_510, %swap3A_511] {strides = array<i32>} : memref<1x128xi32, #tpu.memory_space<vmem>>, vector<16xi32>,
    tpu.vector_store %arg8[%swap3A_510, %swap3A_511], %add3A_508 {strides = array<i32>} : memref<1x128xi32, #tpu.memory_space<vmem>>, vector<16xi32>,
    %add3A_513 = arith.constant 16 : i32
    %add3A_514 = arith.addi %add3A_457, %add3A_513 : i32
    %add3A_515 = vector.broadcast %add3A_514 : i32 to vector<16xi32>
    %add3A_516 = arith.addi %add3A_515, %iota3A : vector<16xi32>
    %jit3A_517 = arith.constant 200 : i32
    %div3A_518 = vector.broadcast %jit3A_517 : i32 to vector<16xi32>
    %div3A_519 = arith.divsi %add3A_516, %div3A_518 : vector<16xi32>
    %sign3A_520 = arith.constant 0 : i32
    %sign3A_521 = vector.broadcast %sign3A_520 : i32 to vector<16xi32>
    %sign3A_522 = arith.cmpi sgt, %add3A_516, %sign3A_521 : vector<16xi32>
    %sign3A_523 = arith.extui %sign3A_522 : vector<16xi1> to vector<16xi32>
    %sign3A_524 = arith.constant 0 : i32
    %sign3A_525 = vector.broadcast %sign3A_524 : i32 to vector<16xi32>
    %sign3A_526 = arith.cmpi slt, %add3A_516, %sign3A_525 : vector<16xi32>
    %sign3A_527 = arith.extui %sign3A_526 : vector<16xi1> to vector<16xi32>
    %sign3A_528 = arith.subi %sign3A_523, %sign3A_527 : vector<16xi32>
    %sign3A_529 = arith.constant 0 : i32
    %sign3A_530 = arith.cmpi sgt, %jit3A_517, %sign3A_529 : i32
    %sign3A_531 = arith.extui %sign3A_530 : i1 to i32
    %sign3A_532 = arith.constant 0 : i32
    %sign3A_533 = arith.cmpi slt, %jit3A_517, %sign3A_532 : i32
    %sign3A_534 = arith.extui %sign3A_533 : i1 to i32
    %sign3A_535 = arith.subi %sign3A_531, %sign3A_534 : i32
    %ne3A_536 = vector.broadcast %sign3A_535 : i32 to vector<16xi32>
    %ne3A_537 = arith.cmpi ne, %sign3A_528, %ne3A_536 : vector<16xi32>
    %rem3A_538 = vector.broadcast %jit3A_517 : i32 to vector<16xi32>
    %rem3A_539 = arith.remsi %add3A_516, %rem3A_538 : vector<16xi32>
    %ne3A_540 = arith.constant 0 : i32
    %ne3A_541 = vector.broadcast %ne3A_540 : i32 to vector<16xi32>
    %ne3A_542 = arith.cmpi ne, %rem3A_539, %ne3A_541 : vector<16xi32>
    %and3A_543 = arith.andi %ne3A_537, %ne3A_542 : vector<16xi1>
    %sub3A_544 = arith.constant 1 : i32
    %sub3A_545 = vector.broadcast %sub3A_544 : i32 to vector<16xi32>
    %sub3A_546 = arith.subi %div3A_519, %sub3A_545 : vector<16xi32>
    %select_n3A_547 = arith.select %and3A_543, %sub3A_546, %div3A_519 : vector<16xi1>, vector<16xi32>
    %mul3A_548 = arith.constant 200 : i32
    %mul3A_549 = vector.broadcast %mul3A_548 : i32 to vector<16xi32>
    %mul3A_550 = arith.muli %select_n3A_547, %mul3A_549 : vector<16xi32>
    %sub3A_551 = arith.subi %add3A_516, %mul3A_550 : vector<16xi32>
    %and3A_552 = arith.constant 127 : i32
    %and3A_553 = vector.broadcast %and3A_552 : i32 to vector<16xi32>
    %and3A_554 = arith.andi %select_n3A_547, %and3A_553 : vector<16xi32>
    %gather3A_555 = tpu.vector_load_idx %arg5[%sub3A_551, %and3A_554] : memref<200x256xi32, #tpu.memory_space<vmem>>[vector<16xi32>, vector<16xi32>], vector<16xi32>,
    %add3A_556 = arith.constant 128 : i32
    %add3A_557 = vector.broadcast %add3A_556 : i32 to vector<16xi32>
    %add3A_558 = arith.addi %and3A_554, %add3A_557 : vector<16xi32>
    %gather3A_559 = tpu.vector_load_idx %arg5[%sub3A_551, %add3A_558] : memref<200x256xi32, #tpu.memory_space<vmem>>[vector<16xi32>, vector<16xi32>], vector<16xi32>,
    %mul3A_560 = arith.constant 96 : i32
    %mul3A_561 = vector.broadcast %mul3A_560 : i32 to vector<16xi32>
    %mul3A_562 = arith.muli %gather3A_555, %mul3A_561 : vector<16xi32>
    %add3A_563 = arith.addi %mul3A_562, %gather3A_559 : vector<16xi32>
    %swap3A_564 = arith.constant 0 : i32
    %swap3A_565 = arith.index_cast %swap3A_564 : i32 to index
    %swap3A_566 = arith.constant 16 : index
    %swap3A_567 = tpu.vector_load %arg8[%swap3A_565, %swap3A_566] {strides = array<i32>} : memref<1x128xi32, #tpu.memory_space<vmem>>, vector<16xi32>,
    tpu.vector_store %arg8[%swap3A_565, %swap3A_566], %add3A_563 {strides = array<i32>} : memref<1x128xi32, #tpu.memory_space<vmem>>, vector<16xi32>,
    %add3A_568 = arith.constant 32 : i32
    %add3A_569 = arith.addi %add3A_457, %add3A_568 : i32
    %add3A_570 = vector.broadcast %add3A_569 : i32 to vector<16xi32>
    %add3A_571 = arith.addi %add3A_570, %iota3A : vector<16xi32>
    %jit3A_572 = arith.constant 200 : i32
    %div3A_573 = vector.broadcast %jit3A_572 : i32 to vector<16xi32>
    %div3A_574 = arith.divsi %add3A_571, %div3A_573 : vector<16xi32>
    %sign3A_575 = arith.constant 0 : i32
    %sign3A_576 = vector.broadcast %sign3A_575 : i32 to vector<16xi32>
    %sign3A_577 = arith.cmpi sgt, %add3A_571, %sign3A_576 : vector<16xi32>
    %sign3A_578 = arith.extui %sign3A_577 : vector<16xi1> to vector<16xi32>
    %sign3A_579 = arith.constant 0 : i32
    %sign3A_580 = vector.broadcast %sign3A_579 : i32 to vector<16xi32>
    %sign3A_581 = arith.cmpi slt, %add3A_571, %sign3A_580 : vector<16xi32>
    %sign3A_582 = arith.extui %sign3A_581 : vector<16xi1> to vector<16xi32>
    %sign3A_583 = arith.subi %sign3A_578, %sign3A_582 : vector<16xi32>
    %sign3A_584 = arith.constant 0 : i32
    %sign3A_585 = arith.cmpi sgt, %jit3A_572, %sign3A_584 : i32
    %sign3A_586 = arith.extui %sign3A_585 : i1 to i32
    %sign3A_587 = arith.constant 0 : i32
    %sign3A_588 = arith.cmpi slt, %jit3A_572, %sign3A_587 : i32
    %sign3A_589 = arith.extui %sign3A_588 : i1 to i32
    %sign3A_590 = arith.subi %sign3A_586, %sign3A_589 : i32
    %ne3A_591 = vector.broadcast %sign3A_590 : i32 to vector<16xi32>
    %ne3A_592 = arith.cmpi ne, %sign3A_583, %ne3A_591 : vector<16xi32>
    %rem3A_593 = vector.broadcast %jit3A_572 : i32 to vector<16xi32>
    %rem3A_594 = arith.remsi %add3A_571, %rem3A_593 : vector<16xi32>
    %ne3A_595 = arith.constant 0 : i32
    %ne3A_596 = vector.broadcast %ne3A_595 : i32 to vector<16xi32>
    %ne3A_597 = arith.cmpi ne, %rem3A_594, %ne3A_596 : vector<16xi32>
    %and3A_598 = arith.andi %ne3A_592, %ne3A_597 : vector<16xi1>
    %sub3A_599 = arith.constant 1 : i32
    %sub3A_600 = vector.broadcast %sub3A_599 : i32 to vector<16xi32>
    %sub3A_601 = arith.subi %div3A_574, %sub3A_600 : vector<16xi32>
    %select_n3A_602 = arith.select %and3A_598, %sub3A_601, %div3A_574 : vector<16xi1>, vector<16xi32>
    %mul3A_603 = arith.constant 200 : i32
    %mul3A_604 = vector.broadcast %mul3A_603 : i32 to vector<16xi32>
    %mul3A_605 = arith.muli %select_n3A_602, %mul3A_604 : vector<16xi32>
    %sub3A_606 = arith.subi %add3A_571, %mul3A_605 : vector<16xi32>
    %and3A_607 = arith.constant 127 : i32
    %and3A_608 = vector.broadcast %and3A_607 : i32 to vector<16xi32>
    %and3A_609 = arith.andi %select_n3A_602, %and3A_608 : vector<16xi32>
    %gather3A_610 = tpu.vector_load_idx %arg5[%sub3A_606, %and3A_609] : memref<200x256xi32, #tpu.memory_space<vmem>>[vector<16xi32>, vector<16xi32>], vector<16xi32>,
    %add3A_611 = arith.constant 128 : i32
    %add3A_612 = vector.broadcast %add3A_611 : i32 to vector<16xi32>
    %add3A_613 = arith.addi %and3A_609, %add3A_612 : vector<16xi32>
    %gather3A_614 = tpu.vector_load_idx %arg5[%sub3A_606, %add3A_613] : memref<200x256xi32, #tpu.memory_space<vmem>>[vector<16xi32>, vector<16xi32>], vector<16xi32>,
    %mul3A_615 = arith.constant 96 : i32
    %mul3A_616 = vector.broadcast %mul3A_615 : i32 to vector<16xi32>
    %mul3A_617 = arith.muli %gather3A_610, %mul3A_616 : vector<16xi32>
    %add3A_618 = arith.addi %mul3A_617, %gather3A_614 : vector<16xi32>
    %swap3A_619 = arith.constant 0 : i32
    %swap3A_620 = arith.index_cast %swap3A_619 : i32 to index
    %swap3A_621 = arith.constant 32 : index
    %swap3A_622 = tpu.vector_load %arg8[%swap3A_620, %swap3A_621] {strides = array<i32>} : memref<1x128xi32, #tpu.memory_space<vmem>>, vector<16xi32>,
    tpu.vector_store %arg8[%swap3A_620, %swap3A_621], %add3A_618 {strides = array<i32>} : memref<1x128xi32, #tpu.memory_space<vmem>>, vector<16xi32>,
    %add3A_623 = arith.constant 48 : i32
    %add3A_624 = arith.addi %add3A_457, %add3A_623 : i32
    %add3A_625 = vector.broadcast %add3A_624 : i32 to vector<16xi32>
    %add3A_626 = arith.addi %add3A_625, %iota3A : vector<16xi32>
    %jit3A_627 = arith.constant 200 : i32
    %div3A_628 = vector.broadcast %jit3A_627 : i32 to vector<16xi32>
    %div3A_629 = arith.divsi %add3A_626, %div3A_628 : vector<16xi32>
    %sign3A_630 = arith.constant 0 : i32
    %sign3A_631 = vector.broadcast %sign3A_630 : i32 to vector<16xi32>
    %sign3A_632 = arith.cmpi sgt, %add3A_626, %sign3A_631 : vector<16xi32>
    %sign3A_633 = arith.extui %sign3A_632 : vector<16xi1> to vector<16xi32>
    %sign3A_634 = arith.constant 0 : i32
    %sign3A_635 = vector.broadcast %sign3A_634 : i32 to vector<16xi32>
    %sign3A_636 = arith.cmpi slt, %add3A_626, %sign3A_635 : vector<16xi32>
    %sign3A_637 = arith.extui %sign3A_636 : vector<16xi1> to vector<16xi32>
    %sign3A_638 = arith.subi %sign3A_633, %sign3A_637 : vector<16xi32>
    %sign3A_639 = arith.constant 0 : i32
    %sign3A_640 = arith.cmpi sgt, %jit3A_627, %sign3A_639 : i32
    %sign3A_641 = arith.extui %sign3A_640 : i1 to i32
    %sign3A_642 = arith.constant 0 : i32
    %sign3A_643 = arith.cmpi slt, %jit3A_627, %sign3A_642 : i32
    %sign3A_644 = arith.extui %sign3A_643 : i1 to i32
    %sign3A_645 = arith.subi %sign3A_641, %sign3A_644 : i32
    %ne3A_646 = vector.broadcast %sign3A_645 : i32 to vector<16xi32>
    %ne3A_647 = arith.cmpi ne, %sign3A_638, %ne3A_646 : vector<16xi32>
    %rem3A_648 = vector.broadcast %jit3A_627 : i32 to vector<16xi32>
    %rem3A_649 = arith.remsi %add3A_626, %rem3A_648 : vector<16xi32>
    %ne3A_650 = arith.constant 0 : i32
    %ne3A_651 = vector.broadcast %ne3A_650 : i32 to vector<16xi32>
    %ne3A_652 = arith.cmpi ne, %rem3A_649, %ne3A_651 : vector<16xi32>
    %and3A_653 = arith.andi %ne3A_647, %ne3A_652 : vector<16xi1>
    %sub3A_654 = arith.constant 1 : i32
    %sub3A_655 = vector.broadcast %sub3A_654 : i32 to vector<16xi32>
    %sub3A_656 = arith.subi %div3A_629, %sub3A_655 : vector<16xi32>
    %select_n3A_657 = arith.select %and3A_653, %sub3A_656, %div3A_629 : vector<16xi1>, vector<16xi32>
    %mul3A_658 = arith.constant 200 : i32
    %mul3A_659 = vector.broadcast %mul3A_658 : i32 to vector<16xi32>
    %mul3A_660 = arith.muli %select_n3A_657, %mul3A_659 : vector<16xi32>
    %sub3A_661 = arith.subi %add3A_626, %mul3A_660 : vector<16xi32>
    %and3A_662 = arith.constant 127 : i32
    %and3A_663 = vector.broadcast %and3A_662 : i32 to vector<16xi32>
    %and3A_664 = arith.andi %select_n3A_657, %and3A_663 : vector<16xi32>
    %gather3A_665 = tpu.vector_load_idx %arg5[%sub3A_661, %and3A_664] : memref<200x256xi32, #tpu.memory_space<vmem>>[vector<16xi32>, vector<16xi32>], vector<16xi32>,
    %add3A_666 = arith.constant 128 : i32
    %add3A_667 = vector.broadcast %add3A_666 : i32 to vector<16xi32>
    %add3A_668 = arith.addi %and3A_664, %add3A_667 : vector<16xi32>
    %gather3A_669 = tpu.vector_load_idx %arg5[%sub3A_661, %add3A_668] : memref<200x256xi32, #tpu.memory_space<vmem>>[vector<16xi32>, vector<16xi32>], vector<16xi32>,
    %mul3A_670 = arith.constant 96 : i32
    %mul3A_671 = vector.broadcast %mul3A_670 : i32 to vector<16xi32>
    %mul3A_672 = arith.muli %gather3A_665, %mul3A_671 : vector<16xi32>
    %add3A_673 = arith.addi %mul3A_672, %gather3A_669 : vector<16xi32>
    %swap3A_674 = arith.constant 0 : i32
    %swap3A_675 = arith.index_cast %swap3A_674 : i32 to index
    %swap3A_676 = arith.constant 48 : index
    %swap3A_677 = tpu.vector_load %arg8[%swap3A_675, %swap3A_676] {strides = array<i32>} : memref<1x128xi32, #tpu.memory_space<vmem>>, vector<16xi32>,
    tpu.vector_store %arg8[%swap3A_675, %swap3A_676], %add3A_673 {strides = array<i32>} : memref<1x128xi32, #tpu.memory_space<vmem>>, vector<16xi32>,
    %dma_start3A_678 = arith.constant 0 : i32
    %dma_start3A_679 = arith.constant 0 : i32
    %dma_start3A_680 = tpu.memref_slice %arg8[%dma_start3A_678, %dma_start3A_679] : memref<1x128xi32, #tpu.memory_space<vmem>> -> memref<1x64xi32, #tpu.memory_space<vmem>>
    %dma_start3A_681 = tpu.memref_squeeze %dma_start3A_680 : memref<1x64xi32, #tpu.memory_space<vmem>> -> memref<64xi32, #tpu.memory_space<vmem>>
    %dma_start3A_682 = arith.constant 0 : i32
    %dma_start3A_683 = arith.constant 0 : i32
    %dma_start3A_684 = tpu.memref_slice %arg38[%dma_start3A_682, %dma_start3A_683] : memref<672x128xf32, #tpu.memory_space<vmem_shared>> -> memref<672x128xf32, #tpu.memory_space<vmem_shared>>
    tpu.enqueue_indirect_dma source(%dma_start3A_684 : memref<672x128xf32, #tpu.memory_space<vmem_shared>>) target(%arg16 : memref<64x128xf32, #tpu.memory_space<vmem>>) offsets(%dma_start3A_681 : memref<64xi32, #tpu.memory_space<vmem>>) semaphore(%arg24 : memref<!tpu.dma_semaphore, #tpu.memory_space<semaphore_mem>>)
    %add3A_685 = arith.constant 192 : i32
    %add3A_686 = arith.addi %mul3A_2, %add3A_685 : i32
    %add3A_687 = arith.constant 0 : i32
    %add3A_688 = arith.addi %add3A_686, %add3A_687 : i32
    %add3A_689 = vector.broadcast %add3A_688 : i32 to vector<16xi32>
    %add3A_690 = arith.addi %add3A_689, %iota3A : vector<16xi32>
    %jit3A_691 = arith.constant 200 : i32
    %div3A_692 = vector.broadcast %jit3A_691 : i32 to vector<16xi32>
    %div3A_693 = arith.divsi %add3A_690, %div3A_692 : vector<16xi32>
    %sign3A_694 = arith.constant 0 : i32
    %sign3A_695 = vector.broadcast %sign3A_694 : i32 to vector<16xi32>
    %sign3A_696 = arith.cmpi sgt, %add3A_690, %sign3A_695 : vector<16xi32>
    %sign3A_697 = arith.extui %sign3A_696 : vector<16xi1> to vector<16xi32>
    %sign3A_698 = arith.constant 0 : i32
    %sign3A_699 = vector.broadcast %sign3A_698 : i32 to vector<16xi32>
    %sign3A_700 = arith.cmpi slt, %add3A_690, %sign3A_699 : vector<16xi32>
    %sign3A_701 = arith.extui %sign3A_700 : vector<16xi1> to vector<16xi32>
    %sign3A_702 = arith.subi %sign3A_697, %sign3A_701 : vector<16xi32>
    %sign3A_703 = arith.constant 0 : i32
    %sign3A_704 = arith.cmpi sgt, %jit3A_691, %sign3A_703 : i32
    %sign3A_705 = arith.extui %sign3A_704 : i1 to i32
    %sign3A_706 = arith.constant 0 : i32
    %sign3A_707 = arith.cmpi slt, %jit3A_691, %sign3A_706 : i32
    %sign3A_708 = arith.extui %sign3A_707 : i1 to i32
    %sign3A_709 = arith.subi %sign3A_705, %sign3A_708 : i32
    %ne3A_710 = vector.broadcast %sign3A_709 : i32 to vector<16xi32>
    %ne3A_711 = arith.cmpi ne, %sign3A_702, %ne3A_710 : vector<16xi32>
    %rem3A_712 = vector.broadcast %jit3A_691 : i32 to vector<16xi32>
    %rem3A_713 = arith.remsi %add3A_690, %rem3A_712 : vector<16xi32>
    %ne3A_714 = arith.constant 0 : i32
    %ne3A_715 = vector.broadcast %ne3A_714 : i32 to vector<16xi32>
    %ne3A_716 = arith.cmpi ne, %rem3A_713, %ne3A_715 : vector<16xi32>
    %and3A_717 = arith.andi %ne3A_711, %ne3A_716 : vector<16xi1>
    %sub3A_718 = arith.constant 1 : i32
    %sub3A_719 = vector.broadcast %sub3A_718 : i32 to vector<16xi32>
    %sub3A_720 = arith.subi %div3A_693, %sub3A_719 : vector<16xi32>
    %select_n3A_721 = arith.select %and3A_717, %sub3A_720, %div3A_693 : vector<16xi1>, vector<16xi32>
    %mul3A_722 = arith.constant 200 : i32
    %mul3A_723 = vector.broadcast %mul3A_722 : i32 to vector<16xi32>
    %mul3A_724 = arith.muli %select_n3A_721, %mul3A_723 : vector<16xi32>
    %sub3A_725 = arith.subi %add3A_690, %mul3A_724 : vector<16xi32>
    %and3A_726 = arith.constant 127 : i32
    %and3A_727 = vector.broadcast %and3A_726 : i32 to vector<16xi32>
    %and3A_728 = arith.andi %select_n3A_721, %and3A_727 : vector<16xi32>
    %gather3A_729 = tpu.vector_load_idx %arg5[%sub3A_725, %and3A_728] : memref<200x256xi32, #tpu.memory_space<vmem>>[vector<16xi32>, vector<16xi32>], vector<16xi32>,
    %add3A_730 = arith.constant 128 : i32
    %add3A_731 = vector.broadcast %add3A_730 : i32 to vector<16xi32>
    %add3A_732 = arith.addi %and3A_728, %add3A_731 : vector<16xi32>
    %gather3A_733 = tpu.vector_load_idx %arg5[%sub3A_725, %add3A_732] : memref<200x256xi32, #tpu.memory_space<vmem>>[vector<16xi32>, vector<16xi32>], vector<16xi32>,
    %mul3A_734 = arith.constant 96 : i32
    %mul3A_735 = vector.broadcast %mul3A_734 : i32 to vector<16xi32>
    %mul3A_736 = arith.muli %gather3A_729, %mul3A_735 : vector<16xi32>
    %add3A_737 = arith.addi %mul3A_736, %gather3A_733 : vector<16xi32>
    %swap3A_738 = arith.constant 0 : i32
    %swap3A_739 = arith.index_cast %swap3A_738 : i32 to index
    %swap3A_740 = arith.constant 0 : index
    %swap3A_741 = tpu.vector_load %arg9[%swap3A_739, %swap3A_740] {strides = array<i32>} : memref<1x128xi32, #tpu.memory_space<vmem>>, vector<16xi32>,
    tpu.vector_store %arg9[%swap3A_739, %swap3A_740], %add3A_737 {strides = array<i32>} : memref<1x128xi32, #tpu.memory_space<vmem>>, vector<16xi32>,
    %add3A_742 = arith.constant 16 : i32
    %add3A_743 = arith.addi %add3A_686, %add3A_742 : i32
    %add3A_744 = vector.broadcast %add3A_743 : i32 to vector<16xi32>
    %add3A_745 = arith.addi %add3A_744, %iota3A : vector<16xi32>
    %jit3A_746 = arith.constant 200 : i32
    %div3A_747 = vector.broadcast %jit3A_746 : i32 to vector<16xi32>
    %div3A_748 = arith.divsi %add3A_745, %div3A_747 : vector<16xi32>
    %sign3A_749 = arith.constant 0 : i32
    %sign3A_750 = vector.broadcast %sign3A_749 : i32 to vector<16xi32>
    %sign3A_751 = arith.cmpi sgt, %add3A_745, %sign3A_750 : vector<16xi32>
    %sign3A_752 = arith.extui %sign3A_751 : vector<16xi1> to vector<16xi32>
    %sign3A_753 = arith.constant 0 : i32
    %sign3A_754 = vector.broadcast %sign3A_753 : i32 to vector<16xi32>
    %sign3A_755 = arith.cmpi slt, %add3A_745, %sign3A_754 : vector<16xi32>
    %sign3A_756 = arith.extui %sign3A_755 : vector<16xi1> to vector<16xi32>
    %sign3A_757 = arith.subi %sign3A_752, %sign3A_756 : vector<16xi32>
    %sign3A_758 = arith.constant 0 : i32
    %sign3A_759 = arith.cmpi sgt, %jit3A_746, %sign3A_758 : i32
    %sign3A_760 = arith.extui %sign3A_759 : i1 to i32
    %sign3A_761 = arith.constant 0 : i32
    %sign3A_762 = arith.cmpi slt, %jit3A_746, %sign3A_761 : i32
    %sign3A_763 = arith.extui %sign3A_762 : i1 to i32
    %sign3A_764 = arith.subi %sign3A_760, %sign3A_763 : i32
    %ne3A_765 = vector.broadcast %sign3A_764 : i32 to vector<16xi32>
    %ne3A_766 = arith.cmpi ne, %sign3A_757, %ne3A_765 : vector<16xi32>
    %rem3A_767 = vector.broadcast %jit3A_746 : i32 to vector<16xi32>
    %rem3A_768 = arith.remsi %add3A_745, %rem3A_767 : vector<16xi32>
    %ne3A_769 = arith.constant 0 : i32
    %ne3A_770 = vector.broadcast %ne3A_769 : i32 to vector<16xi32>
    %ne3A_771 = arith.cmpi ne, %rem3A_768, %ne3A_770 : vector<16xi32>
    %and3A_772 = arith.andi %ne3A_766, %ne3A_771 : vector<16xi1>
    %sub3A_773 = arith.constant 1 : i32
    %sub3A_774 = vector.broadcast %sub3A_773 : i32 to vector<16xi32>
    %sub3A_775 = arith.subi %div3A_748, %sub3A_774 : vector<16xi32>
    %select_n3A_776 = arith.select %and3A_772, %sub3A_775, %div3A_748 : vector<16xi1>, vector<16xi32>
    %mul3A_777 = arith.constant 200 : i32
    %mul3A_778 = vector.broadcast %mul3A_777 : i32 to vector<16xi32>
    %mul3A_779 = arith.muli %select_n3A_776, %mul3A_778 : vector<16xi32>
    %sub3A_780 = arith.subi %add3A_745, %mul3A_779 : vector<16xi32>
    %and3A_781 = arith.constant 127 : i32
    %and3A_782 = vector.broadcast %and3A_781 : i32 to vector<16xi32>
    %and3A_783 = arith.andi %select_n3A_776, %and3A_782 : vector<16xi32>
    %gather3A_784 = tpu.vector_load_idx %arg5[%sub3A_780, %and3A_783] : memref<200x256xi32, #tpu.memory_space<vmem>>[vector<16xi32>, vector<16xi32>], vector<16xi32>,
    %add3A_785 = arith.constant 128 : i32
    %add3A_786 = vector.broadcast %add3A_785 : i32 to vector<16xi32>
    %add3A_787 = arith.addi %and3A_783, %add3A_786 : vector<16xi32>
    %gather3A_788 = tpu.vector_load_idx %arg5[%sub3A_780, %add3A_787] : memref<200x256xi32, #tpu.memory_space<vmem>>[vector<16xi32>, vector<16xi32>], vector<16xi32>,
    %mul3A_789 = arith.constant 96 : i32
    %mul3A_790 = vector.broadcast %mul3A_789 : i32 to vector<16xi32>
    %mul3A_791 = arith.muli %gather3A_784, %mul3A_790 : vector<16xi32>
    %add3A_792 = arith.addi %mul3A_791, %gather3A_788 : vector<16xi32>
    %swap3A_793 = arith.constant 0 : i32
    %swap3A_794 = arith.index_cast %swap3A_793 : i32 to index
    %swap3A_795 = arith.constant 16 : index
    %swap3A_796 = tpu.vector_load %arg9[%swap3A_794, %swap3A_795] {strides = array<i32>} : memref<1x128xi32, #tpu.memory_space<vmem>>, vector<16xi32>,
    tpu.vector_store %arg9[%swap3A_794, %swap3A_795], %add3A_792 {strides = array<i32>} : memref<1x128xi32, #tpu.memory_space<vmem>>, vector<16xi32>,
    %add3A_797 = arith.constant 32 : i32
    %add3A_798 = arith.addi %add3A_686, %add3A_797 : i32
    %add3A_799 = vector.broadcast %add3A_798 : i32 to vector<16xi32>
    %add3A_800 = arith.addi %add3A_799, %iota3A : vector<16xi32>
    %jit3A_801 = arith.constant 200 : i32
    %div3A_802 = vector.broadcast %jit3A_801 : i32 to vector<16xi32>
    %div3A_803 = arith.divsi %add3A_800, %div3A_802 : vector<16xi32>
    %sign3A_804 = arith.constant 0 : i32
    %sign3A_805 = vector.broadcast %sign3A_804 : i32 to vector<16xi32>
    %sign3A_806 = arith.cmpi sgt, %add3A_800, %sign3A_805 : vector<16xi32>
    %sign3A_807 = arith.extui %sign3A_806 : vector<16xi1> to vector<16xi32>
    %sign3A_808 = arith.constant 0 : i32
    %sign3A_809 = vector.broadcast %sign3A_808 : i32 to vector<16xi32>
    %sign3A_810 = arith.cmpi slt, %add3A_800, %sign3A_809 : vector<16xi32>
    %sign3A_811 = arith.extui %sign3A_810 : vector<16xi1> to vector<16xi32>
    %sign3A_812 = arith.subi %sign3A_807, %sign3A_811 : vector<16xi32>
    %sign3A_813 = arith.constant 0 : i32
    %sign3A_814 = arith.cmpi sgt, %jit3A_801, %sign3A_813 : i32
    %sign3A_815 = arith.extui %sign3A_814 : i1 to i32
    %sign3A_816 = arith.constant 0 : i32
    %sign3A_817 = arith.cmpi slt, %jit3A_801, %sign3A_816 : i32
    %sign3A_818 = arith.extui %sign3A_817 : i1 to i32
    %sign3A_819 = arith.subi %sign3A_815, %sign3A_818 : i32
    %ne3A_820 = vector.broadcast %sign3A_819 : i32 to vector<16xi32>
    %ne3A_821 = arith.cmpi ne, %sign3A_812, %ne3A_820 : vector<16xi32>
    %rem3A_822 = vector.broadcast %jit3A_801 : i32 to vector<16xi32>
    %rem3A_823 = arith.remsi %add3A_800, %rem3A_822 : vector<16xi32>
    %ne3A_824 = arith.constant 0 : i32
    %ne3A_825 = vector.broadcast %ne3A_824 : i32 to vector<16xi32>
    %ne3A_826 = arith.cmpi ne, %rem3A_823, %ne3A_825 : vector<16xi32>
    %and3A_827 = arith.andi %ne3A_821, %ne3A_826 : vector<16xi1>
    %sub3A_828 = arith.constant 1 : i32
    %sub3A_829 = vector.broadcast %sub3A_828 : i32 to vector<16xi32>
    %sub3A_830 = arith.subi %div3A_803, %sub3A_829 : vector<16xi32>
    %select_n3A_831 = arith.select %and3A_827, %sub3A_830, %div3A_803 : vector<16xi1>, vector<16xi32>
    %mul3A_832 = arith.constant 200 : i32
    %mul3A_833 = vector.broadcast %mul3A_832 : i32 to vector<16xi32>
    %mul3A_834 = arith.muli %select_n3A_831, %mul3A_833 : vector<16xi32>
    %sub3A_835 = arith.subi %add3A_800, %mul3A_834 : vector<16xi32>
    %and3A_836 = arith.constant 127 : i32
    %and3A_837 = vector.broadcast %and3A_836 : i32 to vector<16xi32>
    %and3A_838 = arith.andi %select_n3A_831, %and3A_837 : vector<16xi32>
    %gather3A_839 = tpu.vector_load_idx %arg5[%sub3A_835, %and3A_838] : memref<200x256xi32, #tpu.memory_space<vmem>>[vector<16xi32>, vector<16xi32>], vector<16xi32>,
    %add3A_840 = arith.constant 128 : i32
    %add3A_841 = vector.broadcast %add3A_840 : i32 to vector<16xi32>
    %add3A_842 = arith.addi %and3A_838, %add3A_841 : vector<16xi32>
    %gather3A_843 = tpu.vector_load_idx %arg5[%sub3A_835, %add3A_842] : memref<200x256xi32, #tpu.memory_space<vmem>>[vector<16xi32>, vector<16xi32>], vector<16xi32>,
    %mul3A_844 = arith.constant 96 : i32
    %mul3A_845 = vector.broadcast %mul3A_844 : i32 to vector<16xi32>
    %mul3A_846 = arith.muli %gather3A_839, %mul3A_845 : vector<16xi32>
    %add3A_847 = arith.addi %mul3A_846, %gather3A_843 : vector<16xi32>
    %swap3A_848 = arith.constant 0 : i32
    %swap3A_849 = arith.index_cast %swap3A_848 : i32 to index
    %swap3A_850 = arith.constant 32 : index
    %swap3A_851 = tpu.vector_load %arg9[%swap3A_849, %swap3A_850] {strides = array<i32>} : memref<1x128xi32, #tpu.memory_space<vmem>>, vector<16xi32>,
    tpu.vector_store %arg9[%swap3A_849, %swap3A_850], %add3A_847 {strides = array<i32>} : memref<1x128xi32, #tpu.memory_space<vmem>>, vector<16xi32>,
    %add3A_852 = arith.constant 48 : i32
    %add3A_853 = arith.addi %add3A_686, %add3A_852 : i32
    %add3A_854 = vector.broadcast %add3A_853 : i32 to vector<16xi32>
    %add3A_855 = arith.addi %add3A_854, %iota3A : vector<16xi32>
    %jit3A_856 = arith.constant 200 : i32
    %div3A_857 = vector.broadcast %jit3A_856 : i32 to vector<16xi32>
    %div3A_858 = arith.divsi %add3A_855, %div3A_857 : vector<16xi32>
    %sign3A_859 = arith.constant 0 : i32
    %sign3A_860 = vector.broadcast %sign3A_859 : i32 to vector<16xi32>
    %sign3A_861 = arith.cmpi sgt, %add3A_855, %sign3A_860 : vector<16xi32>
    %sign3A_862 = arith.extui %sign3A_861 : vector<16xi1> to vector<16xi32>
    %sign3A_863 = arith.constant 0 : i32
    %sign3A_864 = vector.broadcast %sign3A_863 : i32 to vector<16xi32>
    %sign3A_865 = arith.cmpi slt, %add3A_855, %sign3A_864 : vector<16xi32>
    %sign3A_866 = arith.extui %sign3A_865 : vector<16xi1> to vector<16xi32>
    %sign3A_867 = arith.subi %sign3A_862, %sign3A_866 : vector<16xi32>
    %sign3A_868 = arith.constant 0 : i32
    %sign3A_869 = arith.cmpi sgt, %jit3A_856, %sign3A_868 : i32
    %sign3A_870 = arith.extui %sign3A_869 : i1 to i32
    %sign3A_871 = arith.constant 0 : i32
    %sign3A_872 = arith.cmpi slt, %jit3A_856, %sign3A_871 : i32
    %sign3A_873 = arith.extui %sign3A_872 : i1 to i32
    %sign3A_874 = arith.subi %sign3A_870, %sign3A_873 : i32
    %ne3A_875 = vector.broadcast %sign3A_874 : i32 to vector<16xi32>
    %ne3A_876 = arith.cmpi ne, %sign3A_867, %ne3A_875 : vector<16xi32>
    %rem3A_877 = vector.broadcast %jit3A_856 : i32 to vector<16xi32>
    %rem3A_878 = arith.remsi %add3A_855, %rem3A_877 : vector<16xi32>
    %ne3A_879 = arith.constant 0 : i32
    %ne3A_880 = vector.broadcast %ne3A_879 : i32 to vector<16xi32>
    %ne3A_881 = arith.cmpi ne, %rem3A_878, %ne3A_880 : vector<16xi32>
    %and3A_882 = arith.andi %ne3A_876, %ne3A_881 : vector<16xi1>
    %sub3A_883 = arith.constant 1 : i32
    %sub3A_884 = vector.broadcast %sub3A_883 : i32 to vector<16xi32>
    %sub3A_885 = arith.subi %div3A_858, %sub3A_884 : vector<16xi32>
    %select_n3A_886 = arith.select %and3A_882, %sub3A_885, %div3A_858 : vector<16xi1>, vector<16xi32>
    %mul3A_887 = arith.constant 200 : i32
    %mul3A_888 = vector.broadcast %mul3A_887 : i32 to vector<16xi32>
    %mul3A_889 = arith.muli %select_n3A_886, %mul3A_888 : vector<16xi32>
    %sub3A_890 = arith.subi %add3A_855, %mul3A_889 : vector<16xi32>
    %and3A_891 = arith.constant 127 : i32
    %and3A_892 = vector.broadcast %and3A_891 : i32 to vector<16xi32>
    %and3A_893 = arith.andi %select_n3A_886, %and3A_892 : vector<16xi32>
    %gather3A_894 = tpu.vector_load_idx %arg5[%sub3A_890, %and3A_893] : memref<200x256xi32, #tpu.memory_space<vmem>>[vector<16xi32>, vector<16xi32>], vector<16xi32>,
    %add3A_895 = arith.constant 128 : i32
    %add3A_896 = vector.broadcast %add3A_895 : i32 to vector<16xi32>
    %add3A_897 = arith.addi %and3A_893, %add3A_896 : vector<16xi32>
    %gather3A_898 = tpu.vector_load_idx %arg5[%sub3A_890, %add3A_897] : memref<200x256xi32, #tpu.memory_space<vmem>>[vector<16xi32>, vector<16xi32>], vector<16xi32>,
    %mul3A_899 = arith.constant 96 : i32
    %mul3A_900 = vector.broadcast %mul3A_899 : i32 to vector<16xi32>
    %mul3A_901 = arith.muli %gather3A_894, %mul3A_900 : vector<16xi32>
    %add3A_902 = arith.addi %mul3A_901, %gather3A_898 : vector<16xi32>
    %swap3A_903 = arith.constant 0 : i32
    %swap3A_904 = arith.index_cast %swap3A_903 : i32 to index
    %swap3A_905 = arith.constant 48 : index
    %swap3A_906 = tpu.vector_load %arg9[%swap3A_904, %swap3A_905] {strides = array<i32>} : memref<1x128xi32, #tpu.memory_space<vmem>>, vector<16xi32>,
    tpu.vector_store %arg9[%swap3A_904, %swap3A_905], %add3A_902 {strides = array<i32>} : memref<1x128xi32, #tpu.memory_space<vmem>>, vector<16xi32>,
    %dma_start3A_907 = arith.constant 0 : i32
    %dma_start3A_908 = arith.constant 0 : i32
    %dma_start3A_909 = tpu.memref_slice %arg9[%dma_start3A_907, %dma_start3A_908] : memref<1x128xi32, #tpu.memory_space<vmem>> -> memref<1x64xi32, #tpu.memory_space<vmem>>
    %dma_start3A_910 = tpu.memref_squeeze %dma_start3A_909 : memref<1x64xi32, #tpu.memory_space<vmem>> -> memref<64xi32, #tpu.memory_space<vmem>>
    %dma_start3A_911 = arith.constant 0 : i32
    %dma_start3A_912 = arith.constant 0 : i32
    %dma_start3A_913 = tpu.memref_slice %arg38[%dma_start3A_911, %dma_start3A_912] : memref<672x128xf32, #tpu.memory_space<vmem_shared>> -> memref<672x128xf32, #tpu.memory_space<vmem_shared>>
    tpu.enqueue_indirect_dma source(%dma_start3A_913 : memref<672x128xf32, #tpu.memory_space<vmem_shared>>) target(%arg17 : memref<64x128xf32, #tpu.memory_space<vmem>>) offsets(%dma_start3A_910 : memref<64xi32, #tpu.memory_space<vmem>>) semaphore(%arg25 : memref<!tpu.dma_semaphore, #tpu.memory_space<semaphore_mem>>)
    %add3A_914 = arith.constant 256 : i32
    %add3A_915 = arith.addi %mul3A_2, %add3A_914 : i32
    %add3A_916 = arith.constant 0 : i32
    %add3A_917 = arith.addi %add3A_915, %add3A_916 : i32
    %add3A_918 = vector.broadcast %add3A_917 : i32 to vector<16xi32>
    %add3A_919 = arith.addi %add3A_918, %iota3A : vector<16xi32>
    %jit3A_920 = arith.constant 200 : i32
    %div3A_921 = vector.broadcast %jit3A_920 : i32 to vector<16xi32>
    %div3A_922 = arith.divsi %add3A_919, %div3A_921 : vector<16xi32>
    %sign3A_923 = arith.constant 0 : i32
    %sign3A_924 = vector.broadcast %sign3A_923 : i32 to vector<16xi32>
    %sign3A_925 = arith.cmpi sgt, %add3A_919, %sign3A_924 : vector<16xi32>
    %sign3A_926 = arith.extui %sign3A_925 : vector<16xi1> to vector<16xi32>
    %sign3A_927 = arith.constant 0 : i32
    %sign3A_928 = vector.broadcast %sign3A_927 : i32 to vector<16xi32>
    %sign3A_929 = arith.cmpi slt, %add3A_919, %sign3A_928 : vector<16xi32>
    %sign3A_930 = arith.extui %sign3A_929 : vector<16xi1> to vector<16xi32>
    %sign3A_931 = arith.subi %sign3A_926, %sign3A_930 : vector<16xi32>
    %sign3A_932 = arith.constant 0 : i32
    %sign3A_933 = arith.cmpi sgt, %jit3A_920, %sign3A_932 : i32
    %sign3A_934 = arith.extui %sign3A_933 : i1 to i32
    %sign3A_935 = arith.constant 0 : i32
    %sign3A_936 = arith.cmpi slt, %jit3A_920, %sign3A_935 : i32
    %sign3A_937 = arith.extui %sign3A_936 : i1 to i32
    %sign3A_938 = arith.subi %sign3A_934, %sign3A_937 : i32
    %ne3A_939 = vector.broadcast %sign3A_938 : i32 to vector<16xi32>
    %ne3A_940 = arith.cmpi ne, %sign3A_931, %ne3A_939 : vector<16xi32>
    %rem3A_941 = vector.broadcast %jit3A_920 : i32 to vector<16xi32>
    %rem3A_942 = arith.remsi %add3A_919, %rem3A_941 : vector<16xi32>
    %ne3A_943 = arith.constant 0 : i32
    %ne3A_944 = vector.broadcast %ne3A_943 : i32 to vector<16xi32>
    %ne3A_945 = arith.cmpi ne, %rem3A_942, %ne3A_944 : vector<16xi32>
    %and3A_946 = arith.andi %ne3A_940, %ne3A_945 : vector<16xi1>
    %sub3A_947 = arith.constant 1 : i32
    %sub3A_948 = vector.broadcast %sub3A_947 : i32 to vector<16xi32>
    %sub3A_949 = arith.subi %div3A_922, %sub3A_948 : vector<16xi32>
    %select_n3A_950 = arith.select %and3A_946, %sub3A_949, %div3A_922 : vector<16xi1>, vector<16xi32>
    %mul3A_951 = arith.constant 200 : i32
    %mul3A_952 = vector.broadcast %mul3A_951 : i32 to vector<16xi32>
    %mul3A_953 = arith.muli %select_n3A_950, %mul3A_952 : vector<16xi32>
    %sub3A_954 = arith.subi %add3A_919, %mul3A_953 : vector<16xi32>
    %and3A_955 = arith.constant 127 : i32
    %and3A_956 = vector.broadcast %and3A_955 : i32 to vector<16xi32>
    %and3A_957 = arith.andi %select_n3A_950, %and3A_956 : vector<16xi32>
    %gather3A_958 = tpu.vector_load_idx %arg5[%sub3A_954, %and3A_957] : memref<200x256xi32, #tpu.memory_space<vmem>>[vector<16xi32>, vector<16xi32>], vector<16xi32>,
    %add3A_959 = arith.constant 128 : i32
    %add3A_960 = vector.broadcast %add3A_959 : i32 to vector<16xi32>
    %add3A_961 = arith.addi %and3A_957, %add3A_960 : vector<16xi32>
    %gather3A_962 = tpu.vector_load_idx %arg5[%sub3A_954, %add3A_961] : memref<200x256xi32, #tpu.memory_space<vmem>>[vector<16xi32>, vector<16xi32>], vector<16xi32>,
    %mul3A_963 = arith.constant 96 : i32
    %mul3A_964 = vector.broadcast %mul3A_963 : i32 to vector<16xi32>
    %mul3A_965 = arith.muli %gather3A_958, %mul3A_964 : vector<16xi32>
    %add3A_966 = arith.addi %mul3A_965, %gather3A_962 : vector<16xi32>
    %swap3A_967 = arith.constant 0 : i32
    %swap3A_968 = arith.index_cast %swap3A_967 : i32 to index
    %swap3A_969 = arith.constant 0 : index
    %swap3A_970 = tpu.vector_load %arg10[%swap3A_968, %swap3A_969] {strides = array<i32>} : memref<1x128xi32, #tpu.memory_space<vmem>>, vector<16xi32>,
    tpu.vector_store %arg10[%swap3A_968, %swap3A_969], %add3A_966 {strides = array<i32>} : memref<1x128xi32, #tpu.memory_space<vmem>>, vector<16xi32>,
    %add3A_971 = arith.constant 16 : i32
    %add3A_972 = arith.addi %add3A_915, %add3A_971 : i32
    %add3A_973 = vector.broadcast %add3A_972 : i32 to vector<16xi32>
    %add3A_974 = arith.addi %add3A_973, %iota3A : vector<16xi32>
    %jit3A_975 = arith.constant 200 : i32
    %div3A_976 = vector.broadcast %jit3A_975 : i32 to vector<16xi32>
    %div3A_977 = arith.divsi %add3A_974, %div3A_976 : vector<16xi32>
    %sign3A_978 = arith.constant 0 : i32
    %sign3A_979 = vector.broadcast %sign3A_978 : i32 to vector<16xi32>
    %sign3A_980 = arith.cmpi sgt, %add3A_974, %sign3A_979 : vector<16xi32>
    %sign3A_981 = arith.extui %sign3A_980 : vector<16xi1> to vector<16xi32>
    %sign3A_982 = arith.constant 0 : i32
    %sign3A_983 = vector.broadcast %sign3A_982 : i32 to vector<16xi32>
    %sign3A_984 = arith.cmpi slt, %add3A_974, %sign3A_983 : vector<16xi32>
    %sign3A_985 = arith.extui %sign3A_984 : vector<16xi1> to vector<16xi32>
    %sign3A_986 = arith.subi %sign3A_981, %sign3A_985 : vector<16xi32>
    %sign3A_987 = arith.constant 0 : i32
    %sign3A_988 = arith.cmpi sgt, %jit3A_975, %sign3A_987 : i32
    %sign3A_989 = arith.extui %sign3A_988 : i1 to i32
    %sign3A_990 = arith.constant 0 : i32
    %sign3A_991 = arith.cmpi slt, %jit3A_975, %sign3A_990 : i32
    %sign3A_992 = arith.extui %sign3A_991 : i1 to i32
    %sign3A_993 = arith.subi %sign3A_989, %sign3A_992 : i32
    %ne3A_994 = vector.broadcast %sign3A_993 : i32 to vector<16xi32>
    %ne3A_995 = arith.cmpi ne, %sign3A_986, %ne3A_994 : vector<16xi32>
    %rem3A_996 = vector.broadcast %jit3A_975 : i32 to vector<16xi32>
    %rem3A_997 = arith.remsi %add3A_974, %rem3A_996 : vector<16xi32>
    %ne3A_998 = arith.constant 0 : i32
    %ne3A_999 = vector.broadcast %ne3A_998 : i32 to vector<16xi32>
    %ne3A_1000 = arith.cmpi ne, %rem3A_997, %ne3A_999 : vector<16xi32>
    %and3A_1001 = arith.andi %ne3A_995, %ne3A_1000 : vector<16xi1>
    %sub3A_1002 = arith.constant 1 : i32
    %sub3A_1003 = vector.broadcast %sub3A_1002 : i32 to vector<16xi32>
    %sub3A_1004 = arith.subi %div3A_977, %sub3A_1003 : vector<16xi32>
    %select_n3A_1005 = arith.select %and3A_1001, %sub3A_1004, %div3A_977 : vector<16xi1>, vector<16xi32>
    %mul3A_1006 = arith.constant 200 : i32
    %mul3A_1007 = vector.broadcast %mul3A_1006 : i32 to vector<16xi32>
    %mul3A_1008 = arith.muli %select_n3A_1005, %mul3A_1007 : vector<16xi32>
    %sub3A_1009 = arith.subi %add3A_974, %mul3A_1008 : vector<16xi32>
    %and3A_1010 = arith.constant 127 : i32
    %and3A_1011 = vector.broadcast %and3A_1010 : i32 to vector<16xi32>
    %and3A_1012 = arith.andi %select_n3A_1005, %and3A_1011 : vector<16xi32>
    %gather3A_1013 = tpu.vector_load_idx %arg5[%sub3A_1009, %and3A_1012] : memref<200x256xi32, #tpu.memory_space<vmem>>[vector<16xi32>, vector<16xi32>], vector<16xi32>,
    %add3A_1014 = arith.constant 128 : i32
    %add3A_1015 = vector.broadcast %add3A_1014 : i32 to vector<16xi32>
    %add3A_1016 = arith.addi %and3A_1012, %add3A_1015 : vector<16xi32>
    %gather3A_1017 = tpu.vector_load_idx %arg5[%sub3A_1009, %add3A_1016] : memref<200x256xi32, #tpu.memory_space<vmem>>[vector<16xi32>, vector<16xi32>], vector<16xi32>,
    %mul3A_1018 = arith.constant 96 : i32
    %mul3A_1019 = vector.broadcast %mul3A_1018 : i32 to vector<16xi32>
    %mul3A_1020 = arith.muli %gather3A_1013, %mul3A_1019 : vector<16xi32>
    %add3A_1021 = arith.addi %mul3A_1020, %gather3A_1017 : vector<16xi32>
    %swap3A_1022 = arith.constant 0 : i32
    %swap3A_1023 = arith.index_cast %swap3A_1022 : i32 to index
    %swap3A_1024 = arith.constant 16 : index
    %swap3A_1025 = tpu.vector_load %arg10[%swap3A_1023, %swap3A_1024] {strides = array<i32>} : memref<1x128xi32, #tpu.memory_space<vmem>>, vector<16xi32>,
    tpu.vector_store %arg10[%swap3A_1023, %swap3A_1024], %add3A_1021 {strides = array<i32>} : memref<1x128xi32, #tpu.memory_space<vmem>>, vector<16xi32>,
    %add3A_1026 = arith.constant 32 : i32
    %add3A_1027 = arith.addi %add3A_915, %add3A_1026 : i32
    %add3A_1028 = vector.broadcast %add3A_1027 : i32 to vector<16xi32>
    %add3A_1029 = arith.addi %add3A_1028, %iota3A : vector<16xi32>
    %jit3A_1030 = arith.constant 200 : i32
    %div3A_1031 = vector.broadcast %jit3A_1030 : i32 to vector<16xi32>
    %div3A_1032 = arith.divsi %add3A_1029, %div3A_1031 : vector<16xi32>
    %sign3A_1033 = arith.constant 0 : i32
    %sign3A_1034 = vector.broadcast %sign3A_1033 : i32 to vector<16xi32>
    %sign3A_1035 = arith.cmpi sgt, %add3A_1029, %sign3A_1034 : vector<16xi32>
    %sign3A_1036 = arith.extui %sign3A_1035 : vector<16xi1> to vector<16xi32>
    %sign3A_1037 = arith.constant 0 : i32
    %sign3A_1038 = vector.broadcast %sign3A_1037 : i32 to vector<16xi32>
    %sign3A_1039 = arith.cmpi slt, %add3A_1029, %sign3A_1038 : vector<16xi32>
    %sign3A_1040 = arith.extui %sign3A_1039 : vector<16xi1> to vector<16xi32>
    %sign3A_1041 = arith.subi %sign3A_1036, %sign3A_1040 : vector<16xi32>
    %sign3A_1042 = arith.constant 0 : i32
    %sign3A_1043 = arith.cmpi sgt, %jit3A_1030, %sign3A_1042 : i32
    %sign3A_1044 = arith.extui %sign3A_1043 : i1 to i32
    %sign3A_1045 = arith.constant 0 : i32
    %sign3A_1046 = arith.cmpi slt, %jit3A_1030, %sign3A_1045 : i32
    %sign3A_1047 = arith.extui %sign3A_1046 : i1 to i32
    %sign3A_1048 = arith.subi %sign3A_1044, %sign3A_1047 : i32
    %ne3A_1049 = vector.broadcast %sign3A_1048 : i32 to vector<16xi32>
    %ne3A_1050 = arith.cmpi ne, %sign3A_1041, %ne3A_1049 : vector<16xi32>
    %rem3A_1051 = vector.broadcast %jit3A_1030 : i32 to vector<16xi32>
    %rem3A_1052 = arith.remsi %add3A_1029, %rem3A_1051 : vector<16xi32>
    %ne3A_1053 = arith.constant 0 : i32
    %ne3A_1054 = vector.broadcast %ne3A_1053 : i32 to vector<16xi32>
    %ne3A_1055 = arith.cmpi ne, %rem3A_1052, %ne3A_1054 : vector<16xi32>
    %and3A_1056 = arith.andi %ne3A_1050, %ne3A_1055 : vector<16xi1>
    %sub3A_1057 = arith.constant 1 : i32
    %sub3A_1058 = vector.broadcast %sub3A_1057 : i32 to vector<16xi32>
    %sub3A_1059 = arith.subi %div3A_1032, %sub3A_1058 : vector<16xi32>
    %select_n3A_1060 = arith.select %and3A_1056, %sub3A_1059, %div3A_1032 : vector<16xi1>, vector<16xi32>
    %mul3A_1061 = arith.constant 200 : i32
    %mul3A_1062 = vector.broadcast %mul3A_1061 : i32 to vector<16xi32>
    %mul3A_1063 = arith.muli %select_n3A_1060, %mul3A_1062 : vector<16xi32>
    %sub3A_1064 = arith.subi %add3A_1029, %mul3A_1063 : vector<16xi32>
    %and3A_1065 = arith.constant 127 : i32
    %and3A_1066 = vector.broadcast %and3A_1065 : i32 to vector<16xi32>
    %and3A_1067 = arith.andi %select_n3A_1060, %and3A_1066 : vector<16xi32>
    %gather3A_1068 = tpu.vector_load_idx %arg5[%sub3A_1064, %and3A_1067] : memref<200x256xi32, #tpu.memory_space<vmem>>[vector<16xi32>, vector<16xi32>], vector<16xi32>,
    %add3A_1069 = arith.constant 128 : i32
    %add3A_1070 = vector.broadcast %add3A_1069 : i32 to vector<16xi32>
    %add3A_1071 = arith.addi %and3A_1067, %add3A_1070 : vector<16xi32>
    %gather3A_1072 = tpu.vector_load_idx %arg5[%sub3A_1064, %add3A_1071] : memref<200x256xi32, #tpu.memory_space<vmem>>[vector<16xi32>, vector<16xi32>], vector<16xi32>,
    %mul3A_1073 = arith.constant 96 : i32
    %mul3A_1074 = vector.broadcast %mul3A_1073 : i32 to vector<16xi32>
    %mul3A_1075 = arith.muli %gather3A_1068, %mul3A_1074 : vector<16xi32>
    %add3A_1076 = arith.addi %mul3A_1075, %gather3A_1072 : vector<16xi32>
    %swap3A_1077 = arith.constant 0 : i32
    %swap3A_1078 = arith.index_cast %swap3A_1077 : i32 to index
    %swap3A_1079 = arith.constant 32 : index
    %swap3A_1080 = tpu.vector_load %arg10[%swap3A_1078, %swap3A_1079] {strides = array<i32>} : memref<1x128xi32, #tpu.memory_space<vmem>>, vector<16xi32>,
    tpu.vector_store %arg10[%swap3A_1078, %swap3A_1079], %add3A_1076 {strides = array<i32>} : memref<1x128xi32, #tpu.memory_space<vmem>>, vector<16xi32>,
    %add3A_1081 = arith.constant 48 : i32
    %add3A_1082 = arith.addi %add3A_915, %add3A_1081 : i32
    %add3A_1083 = vector.broadcast %add3A_1082 : i32 to vector<16xi32>
    %add3A_1084 = arith.addi %add3A_1083, %iota3A : vector<16xi32>
    %jit3A_1085 = arith.constant 200 : i32
    %div3A_1086 = vector.broadcast %jit3A_1085 : i32 to vector<16xi32>
    %div3A_1087 = arith.divsi %add3A_1084, %div3A_1086 : vector<16xi32>
    %sign3A_1088 = arith.constant 0 : i32
    %sign3A_1089 = vector.broadcast %sign3A_1088 : i32 to vector<16xi32>
    %sign3A_1090 = arith.cmpi sgt, %add3A_1084, %sign3A_1089 : vector<16xi32>
    %sign3A_1091 = arith.extui %sign3A_1090 : vector<16xi1> to vector<16xi32>
    %sign3A_1092 = arith.constant 0 : i32
    %sign3A_1093 = vector.broadcast %sign3A_1092 : i32 to vector<16xi32>
    %sign3A_1094 = arith.cmpi slt, %add3A_1084, %sign3A_1093 : vector<16xi32>
    %sign3A_1095 = arith.extui %sign3A_1094 : vector<16xi1> to vector<16xi32>
    %sign3A_1096 = arith.subi %sign3A_1091, %sign3A_1095 : vector<16xi32>
    %sign3A_1097 = arith.constant 0 : i32
    %sign3A_1098 = arith.cmpi sgt, %jit3A_1085, %sign3A_1097 : i32
    %sign3A_1099 = arith.extui %sign3A_1098 : i1 to i32
    %sign3A_1100 = arith.constant 0 : i32
    %sign3A_1101 = arith.cmpi slt, %jit3A_1085, %sign3A_1100 : i32
    %sign3A_1102 = arith.extui %sign3A_1101 : i1 to i32
    %sign3A_1103 = arith.subi %sign3A_1099, %sign3A_1102 : i32
    %ne3A_1104 = vector.broadcast %sign3A_1103 : i32 to vector<16xi32>
    %ne3A_1105 = arith.cmpi ne, %sign3A_1096, %ne3A_1104 : vector<16xi32>
    %rem3A_1106 = vector.broadcast %jit3A_1085 : i32 to vector<16xi32>
    %rem3A_1107 = arith.remsi %add3A_1084, %rem3A_1106 : vector<16xi32>
    %ne3A_1108 = arith.constant 0 : i32
    %ne3A_1109 = vector.broadcast %ne3A_1108 : i32 to vector<16xi32>
    %ne3A_1110 = arith.cmpi ne, %rem3A_1107, %ne3A_1109 : vector<16xi32>
    %and3A_1111 = arith.andi %ne3A_1105, %ne3A_1110 : vector<16xi1>
    %sub3A_1112 = arith.constant 1 : i32
    %sub3A_1113 = vector.broadcast %sub3A_1112 : i32 to vector<16xi32>
    %sub3A_1114 = arith.subi %div3A_1087, %sub3A_1113 : vector<16xi32>
    %select_n3A_1115 = arith.select %and3A_1111, %sub3A_1114, %div3A_1087 : vector<16xi1>, vector<16xi32>
    %mul3A_1116 = arith.constant 200 : i32
    %mul3A_1117 = vector.broadcast %mul3A_1116 : i32 to vector<16xi32>
    %mul3A_1118 = arith.muli %select_n3A_1115, %mul3A_1117 : vector<16xi32>
    %sub3A_1119 = arith.subi %add3A_1084, %mul3A_1118 : vector<16xi32>
    %and3A_1120 = arith.constant 127 : i32
    %and3A_1121 = vector.broadcast %and3A_1120 : i32 to vector<16xi32>
    %and3A_1122 = arith.andi %select_n3A_1115, %and3A_1121 : vector<16xi32>
    %gather3A_1123 = tpu.vector_load_idx %arg5[%sub3A_1119, %and3A_1122] : memref<200x256xi32, #tpu.memory_space<vmem>>[vector<16xi32>, vector<16xi32>], vector<16xi32>,
    %add3A_1124 = arith.constant 128 : i32
    %add3A_1125 = vector.broadcast %add3A_1124 : i32 to vector<16xi32>
    %add3A_1126 = arith.addi %and3A_1122, %add3A_1125 : vector<16xi32>
    %gather3A_1127 = tpu.vector_load_idx %arg5[%sub3A_1119, %add3A_1126] : memref<200x256xi32, #tpu.memory_space<vmem>>[vector<16xi32>, vector<16xi32>], vector<16xi32>,
    %mul3A_1128 = arith.constant 96 : i32
    %mul3A_1129 = vector.broadcast %mul3A_1128 : i32 to vector<16xi32>
    %mul3A_1130 = arith.muli %gather3A_1123, %mul3A_1129 : vector<16xi32>
    %add3A_1131 = arith.addi %mul3A_1130, %gather3A_1127 : vector<16xi32>
    %swap3A_1132 = arith.constant 0 : i32
    %swap3A_1133 = arith.index_cast %swap3A_1132 : i32 to index
    %swap3A_1134 = arith.constant 48 : index
    %swap3A_1135 = tpu.vector_load %arg10[%swap3A_1133, %swap3A_1134] {strides = array<i32>} : memref<1x128xi32, #tpu.memory_space<vmem>>, vector<16xi32>,
    tpu.vector_store %arg10[%swap3A_1133, %swap3A_1134], %add3A_1131 {strides = array<i32>} : memref<1x128xi32, #tpu.memory_space<vmem>>, vector<16xi32>,
    %dma_start3A_1136 = arith.constant 0 : i32
    %dma_start3A_1137 = arith.constant 0 : i32
    %dma_start3A_1138 = tpu.memref_slice %arg10[%dma_start3A_1136, %dma_start3A_1137] : memref<1x128xi32, #tpu.memory_space<vmem>> -> memref<1x64xi32, #tpu.memory_space<vmem>>
    %dma_start3A_1139 = tpu.memref_squeeze %dma_start3A_1138 : memref<1x64xi32, #tpu.memory_space<vmem>> -> memref<64xi32, #tpu.memory_space<vmem>>
    %dma_start3A_1140 = arith.constant 0 : i32
    %dma_start3A_1141 = arith.constant 0 : i32
    %dma_start3A_1142 = tpu.memref_slice %arg38[%dma_start3A_1140, %dma_start3A_1141] : memref<672x128xf32, #tpu.memory_space<vmem_shared>> -> memref<672x128xf32, #tpu.memory_space<vmem_shared>>
    tpu.enqueue_indirect_dma source(%dma_start3A_1142 : memref<672x128xf32, #tpu.memory_space<vmem_shared>>) target(%arg18 : memref<64x128xf32, #tpu.memory_space<vmem>>) offsets(%dma_start3A_1139 : memref<64xi32, #tpu.memory_space<vmem>>) semaphore(%arg26 : memref<!tpu.dma_semaphore, #tpu.memory_space<semaphore_mem>>)
    %add3A_1143 = arith.constant 320 : i32
    %add3A_1144 = arith.addi %mul3A_2, %add3A_1143 : i32
    %add3A_1145 = arith.constant 0 : i32
    %add3A_1146 = arith.addi %add3A_1144, %add3A_1145 : i32
    %add3A_1147 = vector.broadcast %add3A_1146 : i32 to vector<16xi32>
    %add3A_1148 = arith.addi %add3A_1147, %iota3A : vector<16xi32>
    %jit3A_1149 = arith.constant 200 : i32
    %div3A_1150 = vector.broadcast %jit3A_1149 : i32 to vector<16xi32>
    %div3A_1151 = arith.divsi %add3A_1148, %div3A_1150 : vector<16xi32>
    %sign3A_1152 = arith.constant 0 : i32
    %sign3A_1153 = vector.broadcast %sign3A_1152 : i32 to vector<16xi32>
    %sign3A_1154 = arith.cmpi sgt, %add3A_1148, %sign3A_1153 : vector<16xi32>
    %sign3A_1155 = arith.extui %sign3A_1154 : vector<16xi1> to vector<16xi32>
    %sign3A_1156 = arith.constant 0 : i32
    %sign3A_1157 = vector.broadcast %sign3A_1156 : i32 to vector<16xi32>
    %sign3A_1158 = arith.cmpi slt, %add3A_1148, %sign3A_1157 : vector<16xi32>
    %sign3A_1159 = arith.extui %sign3A_1158 : vector<16xi1> to vector<16xi32>
    %sign3A_1160 = arith.subi %sign3A_1155, %sign3A_1159 : vector<16xi32>
    %sign3A_1161 = arith.constant 0 : i32
    %sign3A_1162 = arith.cmpi sgt, %jit3A_1149, %sign3A_1161 : i32
    %sign3A_1163 = arith.extui %sign3A_1162 : i1 to i32
    %sign3A_1164 = arith.constant 0 : i32
    %sign3A_1165 = arith.cmpi slt, %jit3A_1149, %sign3A_1164 : i32
    %sign3A_1166 = arith.extui %sign3A_1165 : i1 to i32
    %sign3A_1167 = arith.subi %sign3A_1163, %sign3A_1166 : i32
    %ne3A_1168 = vector.broadcast %sign3A_1167 : i32 to vector<16xi32>
    %ne3A_1169 = arith.cmpi ne, %sign3A_1160, %ne3A_1168 : vector<16xi32>
    %rem3A_1170 = vector.broadcast %jit3A_1149 : i32 to vector<16xi32>
    %rem3A_1171 = arith.remsi %add3A_1148, %rem3A_1170 : vector<16xi32>
    %ne3A_1172 = arith.constant 0 : i32
    %ne3A_1173 = vector.broadcast %ne3A_1172 : i32 to vector<16xi32>
    %ne3A_1174 = arith.cmpi ne, %rem3A_1171, %ne3A_1173 : vector<16xi32>
    %and3A_1175 = arith.andi %ne3A_1169, %ne3A_1174 : vector<16xi1>
    %sub3A_1176 = arith.constant 1 : i32
    %sub3A_1177 = vector.broadcast %sub3A_1176 : i32 to vector<16xi32>
    %sub3A_1178 = arith.subi %div3A_1151, %sub3A_1177 : vector<16xi32>
    %select_n3A_1179 = arith.select %and3A_1175, %sub3A_1178, %div3A_1151 : vector<16xi1>, vector<16xi32>
    %mul3A_1180 = arith.constant 200 : i32
    %mul3A_1181 = vector.broadcast %mul3A_1180 : i32 to vector<16xi32>
    %mul3A_1182 = arith.muli %select_n3A_1179, %mul3A_1181 : vector<16xi32>
    %sub3A_1183 = arith.subi %add3A_1148, %mul3A_1182 : vector<16xi32>
    %and3A_1184 = arith.constant 127 : i32
    %and3A_1185 = vector.broadcast %and3A_1184 : i32 to vector<16xi32>
    %and3A_1186 = arith.andi %select_n3A_1179, %and3A_1185 : vector<16xi32>
    %gather3A_1187 = tpu.vector_load_idx %arg5[%sub3A_1183, %and3A_1186] : memref<200x256xi32, #tpu.memory_space<vmem>>[vector<16xi32>, vector<16xi32>], vector<16xi32>,
    %add3A_1188 = arith.constant 128 : i32
    %add3A_1189 = vector.broadcast %add3A_1188 : i32 to vector<16xi32>
    %add3A_1190 = arith.addi %and3A_1186, %add3A_1189 : vector<16xi32>
    %gather3A_1191 = tpu.vector_load_idx %arg5[%sub3A_1183, %add3A_1190] : memref<200x256xi32, #tpu.memory_space<vmem>>[vector<16xi32>, vector<16xi32>], vector<16xi32>,
    %mul3A_1192 = arith.constant 96 : i32
    %mul3A_1193 = vector.broadcast %mul3A_1192 : i32 to vector<16xi32>
    %mul3A_1194 = arith.muli %gather3A_1187, %mul3A_1193 : vector<16xi32>
    %add3A_1195 = arith.addi %mul3A_1194, %gather3A_1191 : vector<16xi32>
    %swap3A_1196 = arith.constant 0 : i32
    %swap3A_1197 = arith.index_cast %swap3A_1196 : i32 to index
    %swap3A_1198 = arith.constant 0 : index
    %swap3A_1199 = tpu.vector_load %arg11[%swap3A_1197, %swap3A_1198] {strides = array<i32>} : memref<1x128xi32, #tpu.memory_space<vmem>>, vector<16xi32>,
    tpu.vector_store %arg11[%swap3A_1197, %swap3A_1198], %add3A_1195 {strides = array<i32>} : memref<1x128xi32, #tpu.memory_space<vmem>>, vector<16xi32>,
    %add3A_1200 = arith.constant 16 : i32
    %add3A_1201 = arith.addi %add3A_1144, %add3A_1200 : i32
    %add3A_1202 = vector.broadcast %add3A_1201 : i32 to vector<16xi32>
    %add3A_1203 = arith.addi %add3A_1202, %iota3A : vector<16xi32>
    %jit3A_1204 = arith.constant 200 : i32
    %div3A_1205 = vector.broadcast %jit3A_1204 : i32 to vector<16xi32>
    %div3A_1206 = arith.divsi %add3A_1203, %div3A_1205 : vector<16xi32>
    %sign3A_1207 = arith.constant 0 : i32
    %sign3A_1208 = vector.broadcast %sign3A_1207 : i32 to vector<16xi32>
    %sign3A_1209 = arith.cmpi sgt, %add3A_1203, %sign3A_1208 : vector<16xi32>
    %sign3A_1210 = arith.extui %sign3A_1209 : vector<16xi1> to vector<16xi32>
    %sign3A_1211 = arith.constant 0 : i32
    %sign3A_1212 = vector.broadcast %sign3A_1211 : i32 to vector<16xi32>
    %sign3A_1213 = arith.cmpi slt, %add3A_1203, %sign3A_1212 : vector<16xi32>
    %sign3A_1214 = arith.extui %sign3A_1213 : vector<16xi1> to vector<16xi32>
    %sign3A_1215 = arith.subi %sign3A_1210, %sign3A_1214 : vector<16xi32>
    %sign3A_1216 = arith.constant 0 : i32
    %sign3A_1217 = arith.cmpi sgt, %jit3A_1204, %sign3A_1216 : i32
    %sign3A_1218 = arith.extui %sign3A_1217 : i1 to i32
    %sign3A_1219 = arith.constant 0 : i32
    %sign3A_1220 = arith.cmpi slt, %jit3A_1204, %sign3A_1219 : i32
    %sign3A_1221 = arith.extui %sign3A_1220 : i1 to i32
    %sign3A_1222 = arith.subi %sign3A_1218, %sign3A_1221 : i32
    %ne3A_1223 = vector.broadcast %sign3A_1222 : i32 to vector<16xi32>
    %ne3A_1224 = arith.cmpi ne, %sign3A_1215, %ne3A_1223 : vector<16xi32>
    %rem3A_1225 = vector.broadcast %jit3A_1204 : i32 to vector<16xi32>
    %rem3A_1226 = arith.remsi %add3A_1203, %rem3A_1225 : vector<16xi32>
    %ne3A_1227 = arith.constant 0 : i32
    %ne3A_1228 = vector.broadcast %ne3A_1227 : i32 to vector<16xi32>
    %ne3A_1229 = arith.cmpi ne, %rem3A_1226, %ne3A_1228 : vector<16xi32>
    %and3A_1230 = arith.andi %ne3A_1224, %ne3A_1229 : vector<16xi1>
    %sub3A_1231 = arith.constant 1 : i32
    %sub3A_1232 = vector.broadcast %sub3A_1231 : i32 to vector<16xi32>
    %sub3A_1233 = arith.subi %div3A_1206, %sub3A_1232 : vector<16xi32>
    %select_n3A_1234 = arith.select %and3A_1230, %sub3A_1233, %div3A_1206 : vector<16xi1>, vector<16xi32>
    %mul3A_1235 = arith.constant 200 : i32
    %mul3A_1236 = vector.broadcast %mul3A_1235 : i32 to vector<16xi32>
    %mul3A_1237 = arith.muli %select_n3A_1234, %mul3A_1236 : vector<16xi32>
    %sub3A_1238 = arith.subi %add3A_1203, %mul3A_1237 : vector<16xi32>
    %and3A_1239 = arith.constant 127 : i32
    %and3A_1240 = vector.broadcast %and3A_1239 : i32 to vector<16xi32>
    %and3A_1241 = arith.andi %select_n3A_1234, %and3A_1240 : vector<16xi32>
    %gather3A_1242 = tpu.vector_load_idx %arg5[%sub3A_1238, %and3A_1241] : memref<200x256xi32, #tpu.memory_space<vmem>>[vector<16xi32>, vector<16xi32>], vector<16xi32>,
    %add3A_1243 = arith.constant 128 : i32
    %add3A_1244 = vector.broadcast %add3A_1243 : i32 to vector<16xi32>
    %add3A_1245 = arith.addi %and3A_1241, %add3A_1244 : vector<16xi32>
    %gather3A_1246 = tpu.vector_load_idx %arg5[%sub3A_1238, %add3A_1245] : memref<200x256xi32, #tpu.memory_space<vmem>>[vector<16xi32>, vector<16xi32>], vector<16xi32>,
    %mul3A_1247 = arith.constant 96 : i32
    %mul3A_1248 = vector.broadcast %mul3A_1247 : i32 to vector<16xi32>
    %mul3A_1249 = arith.muli %gather3A_1242, %mul3A_1248 : vector<16xi32>
    %add3A_1250 = arith.addi %mul3A_1249, %gather3A_1246 : vector<16xi32>
    %swap3A_1251 = arith.constant 0 : i32
    %swap3A_1252 = arith.index_cast %swap3A_1251 : i32 to index
    %swap3A_1253 = arith.constant 16 : index
    %swap3A_1254 = tpu.vector_load %arg11[%swap3A_1252, %swap3A_1253] {strides = array<i32>} : memref<1x128xi32, #tpu.memory_space<vmem>>, vector<16xi32>,
    tpu.vector_store %arg11[%swap3A_1252, %swap3A_1253], %add3A_1250 {strides = array<i32>} : memref<1x128xi32, #tpu.memory_space<vmem>>, vector<16xi32>,
    %add3A_1255 = arith.constant 32 : i32
    %add3A_1256 = arith.addi %add3A_1144, %add3A_1255 : i32
    %add3A_1257 = vector.broadcast %add3A_1256 : i32 to vector<16xi32>
    %add3A_1258 = arith.addi %add3A_1257, %iota3A : vector<16xi32>
    %jit3A_1259 = arith.constant 200 : i32
    %div3A_1260 = vector.broadcast %jit3A_1259 : i32 to vector<16xi32>
    %div3A_1261 = arith.divsi %add3A_1258, %div3A_1260 : vector<16xi32>
    %sign3A_1262 = arith.constant 0 : i32
    %sign3A_1263 = vector.broadcast %sign3A_1262 : i32 to vector<16xi32>
    %sign3A_1264 = arith.cmpi sgt, %add3A_1258, %sign3A_1263 : vector<16xi32>
    %sign3A_1265 = arith.extui %sign3A_1264 : vector<16xi1> to vector<16xi32>
    %sign3A_1266 = arith.constant 0 : i32
    %sign3A_1267 = vector.broadcast %sign3A_1266 : i32 to vector<16xi32>
    %sign3A_1268 = arith.cmpi slt, %add3A_1258, %sign3A_1267 : vector<16xi32>
    %sign3A_1269 = arith.extui %sign3A_1268 : vector<16xi1> to vector<16xi32>
    %sign3A_1270 = arith.subi %sign3A_1265, %sign3A_1269 : vector<16xi32>
    %sign3A_1271 = arith.constant 0 : i32
    %sign3A_1272 = arith.cmpi sgt, %jit3A_1259, %sign3A_1271 : i32
    %sign3A_1273 = arith.extui %sign3A_1272 : i1 to i32
    %sign3A_1274 = arith.constant 0 : i32
    %sign3A_1275 = arith.cmpi slt, %jit3A_1259, %sign3A_1274 : i32
    %sign3A_1276 = arith.extui %sign3A_1275 : i1 to i32
    %sign3A_1277 = arith.subi %sign3A_1273, %sign3A_1276 : i32
    %ne3A_1278 = vector.broadcast %sign3A_1277 : i32 to vector<16xi32>
    %ne3A_1279 = arith.cmpi ne, %sign3A_1270, %ne3A_1278 : vector<16xi32>
    %rem3A_1280 = vector.broadcast %jit3A_1259 : i32 to vector<16xi32>
    %rem3A_1281 = arith.remsi %add3A_1258, %rem3A_1280 : vector<16xi32>
    %ne3A_1282 = arith.constant 0 : i32
    %ne3A_1283 = vector.broadcast %ne3A_1282 : i32 to vector<16xi32>
    %ne3A_1284 = arith.cmpi ne, %rem3A_1281, %ne3A_1283 : vector<16xi32>
    %and3A_1285 = arith.andi %ne3A_1279, %ne3A_1284 : vector<16xi1>
    %sub3A_1286 = arith.constant 1 : i32
    %sub3A_1287 = vector.broadcast %sub3A_1286 : i32 to vector<16xi32>
    %sub3A_1288 = arith.subi %div3A_1261, %sub3A_1287 : vector<16xi32>
    %select_n3A_1289 = arith.select %and3A_1285, %sub3A_1288, %div3A_1261 : vector<16xi1>, vector<16xi32>
    %mul3A_1290 = arith.constant 200 : i32
    %mul3A_1291 = vector.broadcast %mul3A_1290 : i32 to vector<16xi32>
    %mul3A_1292 = arith.muli %select_n3A_1289, %mul3A_1291 : vector<16xi32>
    %sub3A_1293 = arith.subi %add3A_1258, %mul3A_1292 : vector<16xi32>
    %and3A_1294 = arith.constant 127 : i32
    %and3A_1295 = vector.broadcast %and3A_1294 : i32 to vector<16xi32>
    %and3A_1296 = arith.andi %select_n3A_1289, %and3A_1295 : vector<16xi32>
    %gather3A_1297 = tpu.vector_load_idx %arg5[%sub3A_1293, %and3A_1296] : memref<200x256xi32, #tpu.memory_space<vmem>>[vector<16xi32>, vector<16xi32>], vector<16xi32>,
    %add3A_1298 = arith.constant 128 : i32
    %add3A_1299 = vector.broadcast %add3A_1298 : i32 to vector<16xi32>
    %add3A_1300 = arith.addi %and3A_1296, %add3A_1299 : vector<16xi32>
    %gather3A_1301 = tpu.vector_load_idx %arg5[%sub3A_1293, %add3A_1300] : memref<200x256xi32, #tpu.memory_space<vmem>>[vector<16xi32>, vector<16xi32>], vector<16xi32>,
    %mul3A_1302 = arith.constant 96 : i32
    %mul3A_1303 = vector.broadcast %mul3A_1302 : i32 to vector<16xi32>
    %mul3A_1304 = arith.muli %gather3A_1297, %mul3A_1303 : vector<16xi32>
    %add3A_1305 = arith.addi %mul3A_1304, %gather3A_1301 : vector<16xi32>
    %swap3A_1306 = arith.constant 0 : i32
    %swap3A_1307 = arith.index_cast %swap3A_1306 : i32 to index
    %swap3A_1308 = arith.constant 32 : index
    %swap3A_1309 = tpu.vector_load %arg11[%swap3A_1307, %swap3A_1308] {strides = array<i32>} : memref<1x128xi32, #tpu.memory_space<vmem>>, vector<16xi32>,
    tpu.vector_store %arg11[%swap3A_1307, %swap3A_1308], %add3A_1305 {strides = array<i32>} : memref<1x128xi32, #tpu.memory_space<vmem>>, vector<16xi32>,
    %add3A_1310 = arith.constant 48 : i32
    %add3A_1311 = arith.addi %add3A_1144, %add3A_1310 : i32
    %add3A_1312 = vector.broadcast %add3A_1311 : i32 to vector<16xi32>
    %add3A_1313 = arith.addi %add3A_1312, %iota3A : vector<16xi32>
    %jit3A_1314 = arith.constant 200 : i32
    %div3A_1315 = vector.broadcast %jit3A_1314 : i32 to vector<16xi32>
    %div3A_1316 = arith.divsi %add3A_1313, %div3A_1315 : vector<16xi32>
    %sign3A_1317 = arith.constant 0 : i32
    %sign3A_1318 = vector.broadcast %sign3A_1317 : i32 to vector<16xi32>
    %sign3A_1319 = arith.cmpi sgt, %add3A_1313, %sign3A_1318 : vector<16xi32>
    %sign3A_1320 = arith.extui %sign3A_1319 : vector<16xi1> to vector<16xi32>
    %sign3A_1321 = arith.constant 0 : i32
    %sign3A_1322 = vector.broadcast %sign3A_1321 : i32 to vector<16xi32>
    %sign3A_1323 = arith.cmpi slt, %add3A_1313, %sign3A_1322 : vector<16xi32>
    %sign3A_1324 = arith.extui %sign3A_1323 : vector<16xi1> to vector<16xi32>
    %sign3A_1325 = arith.subi %sign3A_1320, %sign3A_1324 : vector<16xi32>
    %sign3A_1326 = arith.constant 0 : i32
    %sign3A_1327 = arith.cmpi sgt, %jit3A_1314, %sign3A_1326 : i32
    %sign3A_1328 = arith.extui %sign3A_1327 : i1 to i32
    %sign3A_1329 = arith.constant 0 : i32
    %sign3A_1330 = arith.cmpi slt, %jit3A_1314, %sign3A_1329 : i32
    %sign3A_1331 = arith.extui %sign3A_1330 : i1 to i32
    %sign3A_1332 = arith.subi %sign3A_1328, %sign3A_1331 : i32
    %ne3A_1333 = vector.broadcast %sign3A_1332 : i32 to vector<16xi32>
    %ne3A_1334 = arith.cmpi ne, %sign3A_1325, %ne3A_1333 : vector<16xi32>
    %rem3A_1335 = vector.broadcast %jit3A_1314 : i32 to vector<16xi32>
    %rem3A_1336 = arith.remsi %add3A_1313, %rem3A_1335 : vector<16xi32>
    %ne3A_1337 = arith.constant 0 : i32
    %ne3A_1338 = vector.broadcast %ne3A_1337 : i32 to vector<16xi32>
    %ne3A_1339 = arith.cmpi ne, %rem3A_1336, %ne3A_1338 : vector<16xi32>
    %and3A_1340 = arith.andi %ne3A_1334, %ne3A_1339 : vector<16xi1>
    %sub3A_1341 = arith.constant 1 : i32
    %sub3A_1342 = vector.broadcast %sub3A_1341 : i32 to vector<16xi32>
    %sub3A_1343 = arith.subi %div3A_1316, %sub3A_1342 : vector<16xi32>
    %select_n3A_1344 = arith.select %and3A_1340, %sub3A_1343, %div3A_1316 : vector<16xi1>, vector<16xi32>
    %mul3A_1345 = arith.constant 200 : i32
    %mul3A_1346 = vector.broadcast %mul3A_1345 : i32 to vector<16xi32>
    %mul3A_1347 = arith.muli %select_n3A_1344, %mul3A_1346 : vector<16xi32>
    %sub3A_1348 = arith.subi %add3A_1313, %mul3A_1347 : vector<16xi32>
    %and3A_1349 = arith.constant 127 : i32
    %and3A_1350 = vector.broadcast %and3A_1349 : i32 to vector<16xi32>
    %and3A_1351 = arith.andi %select_n3A_1344, %and3A_1350 : vector<16xi32>
    %gather3A_1352 = tpu.vector_load_idx %arg5[%sub3A_1348, %and3A_1351] : memref<200x256xi32, #tpu.memory_space<vmem>>[vector<16xi32>, vector<16xi32>], vector<16xi32>,
    %add3A_1353 = arith.constant 128 : i32
    %add3A_1354 = vector.broadcast %add3A_1353 : i32 to vector<16xi32>
    %add3A_1355 = arith.addi %and3A_1351, %add3A_1354 : vector<16xi32>
    %gather3A_1356 = tpu.vector_load_idx %arg5[%sub3A_1348, %add3A_1355] : memref<200x256xi32, #tpu.memory_space<vmem>>[vector<16xi32>, vector<16xi32>], vector<16xi32>,
    %mul3A_1357 = arith.constant 96 : i32
    %mul3A_1358 = vector.broadcast %mul3A_1357 : i32 to vector<16xi32>
    %mul3A_1359 = arith.muli %gather3A_1352, %mul3A_1358 : vector<16xi32>
    %add3A_1360 = arith.addi %mul3A_1359, %gather3A_1356 : vector<16xi32>
    %swap3A_1361 = arith.constant 0 : i32
    %swap3A_1362 = arith.index_cast %swap3A_1361 : i32 to index
    %swap3A_1363 = arith.constant 48 : index
    %swap3A_1364 = tpu.vector_load %arg11[%swap3A_1362, %swap3A_1363] {strides = array<i32>} : memref<1x128xi32, #tpu.memory_space<vmem>>, vector<16xi32>,
    tpu.vector_store %arg11[%swap3A_1362, %swap3A_1363], %add3A_1360 {strides = array<i32>} : memref<1x128xi32, #tpu.memory_space<vmem>>, vector<16xi32>,
    %dma_start3A_1365 = arith.constant 0 : i32
    %dma_start3A_1366 = arith.constant 0 : i32
    %dma_start3A_1367 = tpu.memref_slice %arg11[%dma_start3A_1365, %dma_start3A_1366] : memref<1x128xi32, #tpu.memory_space<vmem>> -> memref<1x64xi32, #tpu.memory_space<vmem>>
    %dma_start3A_1368 = tpu.memref_squeeze %dma_start3A_1367 : memref<1x64xi32, #tpu.memory_space<vmem>> -> memref<64xi32, #tpu.memory_space<vmem>>
    %dma_start3A_1369 = arith.constant 0 : i32
    %dma_start3A_1370 = arith.constant 0 : i32
    %dma_start3A_1371 = tpu.memref_slice %arg38[%dma_start3A_1369, %dma_start3A_1370] : memref<672x128xf32, #tpu.memory_space<vmem_shared>> -> memref<672x128xf32, #tpu.memory_space<vmem_shared>>
    tpu.enqueue_indirect_dma source(%dma_start3A_1371 : memref<672x128xf32, #tpu.memory_space<vmem_shared>>) target(%arg19 : memref<64x128xf32, #tpu.memory_space<vmem>>) offsets(%dma_start3A_1368 : memref<64xi32, #tpu.memory_space<vmem>>) semaphore(%arg27 : memref<!tpu.dma_semaphore, #tpu.memory_space<semaphore_mem>>)
    %add3A_1372 = arith.constant 384 : i32
    %add3A_1373 = arith.addi %mul3A_2, %add3A_1372 : i32
    %add3A_1374 = arith.constant 0 : i32
    %add3A_1375 = arith.addi %add3A_1373, %add3A_1374 : i32
    %add3A_1376 = vector.broadcast %add3A_1375 : i32 to vector<16xi32>
    %add3A_1377 = arith.addi %add3A_1376, %iota3A : vector<16xi32>
    %jit3A_1378 = arith.constant 200 : i32
    %div3A_1379 = vector.broadcast %jit3A_1378 : i32 to vector<16xi32>
    %div3A_1380 = arith.divsi %add3A_1377, %div3A_1379 : vector<16xi32>
    %sign3A_1381 = arith.constant 0 : i32
    %sign3A_1382 = vector.broadcast %sign3A_1381 : i32 to vector<16xi32>
    %sign3A_1383 = arith.cmpi sgt, %add3A_1377, %sign3A_1382 : vector<16xi32>
    %sign3A_1384 = arith.extui %sign3A_1383 : vector<16xi1> to vector<16xi32>
    %sign3A_1385 = arith.constant 0 : i32
    %sign3A_1386 = vector.broadcast %sign3A_1385 : i32 to vector<16xi32>
    %sign3A_1387 = arith.cmpi slt, %add3A_1377, %sign3A_1386 : vector<16xi32>
    %sign3A_1388 = arith.extui %sign3A_1387 : vector<16xi1> to vector<16xi32>
    %sign3A_1389 = arith.subi %sign3A_1384, %sign3A_1388 : vector<16xi32>
    %sign3A_1390 = arith.constant 0 : i32
    %sign3A_1391 = arith.cmpi sgt, %jit3A_1378, %sign3A_1390 : i32
    %sign3A_1392 = arith.extui %sign3A_1391 : i1 to i32
    %sign3A_1393 = arith.constant 0 : i32
    %sign3A_1394 = arith.cmpi slt, %jit3A_1378, %sign3A_1393 : i32
    %sign3A_1395 = arith.extui %sign3A_1394 : i1 to i32
    %sign3A_1396 = arith.subi %sign3A_1392, %sign3A_1395 : i32
    %ne3A_1397 = vector.broadcast %sign3A_1396 : i32 to vector<16xi32>
    %ne3A_1398 = arith.cmpi ne, %sign3A_1389, %ne3A_1397 : vector<16xi32>
    %rem3A_1399 = vector.broadcast %jit3A_1378 : i32 to vector<16xi32>
    %rem3A_1400 = arith.remsi %add3A_1377, %rem3A_1399 : vector<16xi32>
    %ne3A_1401 = arith.constant 0 : i32
    %ne3A_1402 = vector.broadcast %ne3A_1401 : i32 to vector<16xi32>
    %ne3A_1403 = arith.cmpi ne, %rem3A_1400, %ne3A_1402 : vector<16xi32>
    %and3A_1404 = arith.andi %ne3A_1398, %ne3A_1403 : vector<16xi1>
    %sub3A_1405 = arith.constant 1 : i32
    %sub3A_1406 = vector.broadcast %sub3A_1405 : i32 to vector<16xi32>
    %sub3A_1407 = arith.subi %div3A_1380, %sub3A_1406 : vector<16xi32>
    %select_n3A_1408 = arith.select %and3A_1404, %sub3A_1407, %div3A_1380 : vector<16xi1>, vector<16xi32>
    %mul3A_1409 = arith.constant 200 : i32
    %mul3A_1410 = vector.broadcast %mul3A_1409 : i32 to vector<16xi32>
    %mul3A_1411 = arith.muli %select_n3A_1408, %mul3A_1410 : vector<16xi32>
    %sub3A_1412 = arith.subi %add3A_1377, %mul3A_1411 : vector<16xi32>
    %and3A_1413 = arith.constant 127 : i32
    %and3A_1414 = vector.broadcast %and3A_1413 : i32 to vector<16xi32>
    %and3A_1415 = arith.andi %select_n3A_1408, %and3A_1414 : vector<16xi32>
    %gather3A_1416 = tpu.vector_load_idx %arg5[%sub3A_1412, %and3A_1415] : memref<200x256xi32, #tpu.memory_space<vmem>>[vector<16xi32>, vector<16xi32>], vector<16xi32>,
    %add3A_1417 = arith.constant 128 : i32
    %add3A_1418 = vector.broadcast %add3A_1417 : i32 to vector<16xi32>
    %add3A_1419 = arith.addi %and3A_1415, %add3A_1418 : vector<16xi32>
    %gather3A_1420 = tpu.vector_load_idx %arg5[%sub3A_1412, %add3A_1419] : memref<200x256xi32, #tpu.memory_space<vmem>>[vector<16xi32>, vector<16xi32>], vector<16xi32>,
    %mul3A_1421 = arith.constant 96 : i32
    %mul3A_1422 = vector.broadcast %mul3A_1421 : i32 to vector<16xi32>
    %mul3A_1423 = arith.muli %gather3A_1416, %mul3A_1422 : vector<16xi32>
    %add3A_1424 = arith.addi %mul3A_1423, %gather3A_1420 : vector<16xi32>
    %swap3A_1425 = arith.constant 0 : i32
    %swap3A_1426 = arith.index_cast %swap3A_1425 : i32 to index
    %swap3A_1427 = arith.constant 0 : index
    %swap3A_1428 = tpu.vector_load %arg12[%swap3A_1426, %swap3A_1427] {strides = array<i32>} : memref<1x128xi32, #tpu.memory_space<vmem>>, vector<16xi32>,
    tpu.vector_store %arg12[%swap3A_1426, %swap3A_1427], %add3A_1424 {strides = array<i32>} : memref<1x128xi32, #tpu.memory_space<vmem>>, vector<16xi32>,
    %add3A_1429 = arith.constant 16 : i32
    %add3A_1430 = arith.addi %add3A_1373, %add3A_1429 : i32
    %add3A_1431 = vector.broadcast %add3A_1430 : i32 to vector<16xi32>
    %add3A_1432 = arith.addi %add3A_1431, %iota3A : vector<16xi32>
    %jit3A_1433 = arith.constant 200 : i32
    %div3A_1434 = vector.broadcast %jit3A_1433 : i32 to vector<16xi32>
    %div3A_1435 = arith.divsi %add3A_1432, %div3A_1434 : vector<16xi32>
    %sign3A_1436 = arith.constant 0 : i32
    %sign3A_1437 = vector.broadcast %sign3A_1436 : i32 to vector<16xi32>
    %sign3A_1438 = arith.cmpi sgt, %add3A_1432, %sign3A_1437 : vector<16xi32>
    %sign3A_1439 = arith.extui %sign3A_1438 : vector<16xi1> to vector<16xi32>
    %sign3A_1440 = arith.constant 0 : i32
    %sign3A_1441 = vector.broadcast %sign3A_1440 : i32 to vector<16xi32>
    %sign3A_1442 = arith.cmpi slt, %add3A_1432, %sign3A_1441 : vector<16xi32>
    %sign3A_1443 = arith.extui %sign3A_1442 : vector<16xi1> to vector<16xi32>
    %sign3A_1444 = arith.subi %sign3A_1439, %sign3A_1443 : vector<16xi32>
    %sign3A_1445 = arith.constant 0 : i32
    %sign3A_1446 = arith.cmpi sgt, %jit3A_1433, %sign3A_1445 : i32
    %sign3A_1447 = arith.extui %sign3A_1446 : i1 to i32
    %sign3A_1448 = arith.constant 0 : i32
    %sign3A_1449 = arith.cmpi slt, %jit3A_1433, %sign3A_1448 : i32
    %sign3A_1450 = arith.extui %sign3A_1449 : i1 to i32
    %sign3A_1451 = arith.subi %sign3A_1447, %sign3A_1450 : i32
    %ne3A_1452 = vector.broadcast %sign3A_1451 : i32 to vector<16xi32>
    %ne3A_1453 = arith.cmpi ne, %sign3A_1444, %ne3A_1452 : vector<16xi32>
    %rem3A_1454 = vector.broadcast %jit3A_1433 : i32 to vector<16xi32>
    %rem3A_1455 = arith.remsi %add3A_1432, %rem3A_1454 : vector<16xi32>
    %ne3A_1456 = arith.constant 0 : i32
    %ne3A_1457 = vector.broadcast %ne3A_1456 : i32 to vector<16xi32>
    %ne3A_1458 = arith.cmpi ne, %rem3A_1455, %ne3A_1457 : vector<16xi32>
    %and3A_1459 = arith.andi %ne3A_1453, %ne3A_1458 : vector<16xi1>
    %sub3A_1460 = arith.constant 1 : i32
    %sub3A_1461 = vector.broadcast %sub3A_1460 : i32 to vector<16xi32>
    %sub3A_1462 = arith.subi %div3A_1435, %sub3A_1461 : vector<16xi32>
    %select_n3A_1463 = arith.select %and3A_1459, %sub3A_1462, %div3A_1435 : vector<16xi1>, vector<16xi32>
    %mul3A_1464 = arith.constant 200 : i32
    %mul3A_1465 = vector.broadcast %mul3A_1464 : i32 to vector<16xi32>
    %mul3A_1466 = arith.muli %select_n3A_1463, %mul3A_1465 : vector<16xi32>
    %sub3A_1467 = arith.subi %add3A_1432, %mul3A_1466 : vector<16xi32>
    %and3A_1468 = arith.constant 127 : i32
    %and3A_1469 = vector.broadcast %and3A_1468 : i32 to vector<16xi32>
    %and3A_1470 = arith.andi %select_n3A_1463, %and3A_1469 : vector<16xi32>
    %gather3A_1471 = tpu.vector_load_idx %arg5[%sub3A_1467, %and3A_1470] : memref<200x256xi32, #tpu.memory_space<vmem>>[vector<16xi32>, vector<16xi32>], vector<16xi32>,
    %add3A_1472 = arith.constant 128 : i32
    %add3A_1473 = vector.broadcast %add3A_1472 : i32 to vector<16xi32>
    %add3A_1474 = arith.addi %and3A_1470, %add3A_1473 : vector<16xi32>
    %gather3A_1475 = tpu.vector_load_idx %arg5[%sub3A_1467, %add3A_1474] : memref<200x256xi32, #tpu.memory_space<vmem>>[vector<16xi32>, vector<16xi32>], vector<16xi32>,
    %mul3A_1476 = arith.constant 96 : i32
    %mul3A_1477 = vector.broadcast %mul3A_1476 : i32 to vector<16xi32>
    %mul3A_1478 = arith.muli %gather3A_1471, %mul3A_1477 : vector<16xi32>
    %add3A_1479 = arith.addi %mul3A_1478, %gather3A_1475 : vector<16xi32>
    %swap3A_1480 = arith.constant 0 : i32
    %swap3A_1481 = arith.index_cast %swap3A_1480 : i32 to index
    %swap3A_1482 = arith.constant 16 : index
    %swap3A_1483 = tpu.vector_load %arg12[%swap3A_1481, %swap3A_1482] {strides = array<i32>} : memref<1x128xi32, #tpu.memory_space<vmem>>, vector<16xi32>,
    tpu.vector_store %arg12[%swap3A_1481, %swap3A_1482], %add3A_1479 {strides = array<i32>} : memref<1x128xi32, #tpu.memory_space<vmem>>, vector<16xi32>,
    %add3A_1484 = arith.constant 32 : i32
    %add3A_1485 = arith.addi %add3A_1373, %add3A_1484 : i32
    %add3A_1486 = vector.broadcast %add3A_1485 : i32 to vector<16xi32>
    %add3A_1487 = arith.addi %add3A_1486, %iota3A : vector<16xi32>
    %jit3A_1488 = arith.constant 200 : i32
    %div3A_1489 = vector.broadcast %jit3A_1488 : i32 to vector<16xi32>
    %div3A_1490 = arith.divsi %add3A_1487, %div3A_1489 : vector<16xi32>
    %sign3A_1491 = arith.constant 0 : i32
    %sign3A_1492 = vector.broadcast %sign3A_1491 : i32 to vector<16xi32>
    %sign3A_1493 = arith.cmpi sgt, %add3A_1487, %sign3A_1492 : vector<16xi32>
    %sign3A_1494 = arith.extui %sign3A_1493 : vector<16xi1> to vector<16xi32>
    %sign3A_1495 = arith.constant 0 : i32
    %sign3A_1496 = vector.broadcast %sign3A_1495 : i32 to vector<16xi32>
    %sign3A_1497 = arith.cmpi slt, %add3A_1487, %sign3A_1496 : vector<16xi32>
    %sign3A_1498 = arith.extui %sign3A_1497 : vector<16xi1> to vector<16xi32>
    %sign3A_1499 = arith.subi %sign3A_1494, %sign3A_1498 : vector<16xi32>
    %sign3A_1500 = arith.constant 0 : i32
    %sign3A_1501 = arith.cmpi sgt, %jit3A_1488, %sign3A_1500 : i32
    %sign3A_1502 = arith.extui %sign3A_1501 : i1 to i32
    %sign3A_1503 = arith.constant 0 : i32
    %sign3A_1504 = arith.cmpi slt, %jit3A_1488, %sign3A_1503 : i32
    %sign3A_1505 = arith.extui %sign3A_1504 : i1 to i32
    %sign3A_1506 = arith.subi %sign3A_1502, %sign3A_1505 : i32
    %ne3A_1507 = vector.broadcast %sign3A_1506 : i32 to vector<16xi32>
    %ne3A_1508 = arith.cmpi ne, %sign3A_1499, %ne3A_1507 : vector<16xi32>
    %rem3A_1509 = vector.broadcast %jit3A_1488 : i32 to vector<16xi32>
    %rem3A_1510 = arith.remsi %add3A_1487, %rem3A_1509 : vector<16xi32>
    %ne3A_1511 = arith.constant 0 : i32
    %ne3A_1512 = vector.broadcast %ne3A_1511 : i32 to vector<16xi32>
    %ne3A_1513 = arith.cmpi ne, %rem3A_1510, %ne3A_1512 : vector<16xi32>
    %and3A_1514 = arith.andi %ne3A_1508, %ne3A_1513 : vector<16xi1>
    %sub3A_1515 = arith.constant 1 : i32
    %sub3A_1516 = vector.broadcast %sub3A_1515 : i32 to vector<16xi32>
    %sub3A_1517 = arith.subi %div3A_1490, %sub3A_1516 : vector<16xi32>
    %select_n3A_1518 = arith.select %and3A_1514, %sub3A_1517, %div3A_1490 : vector<16xi1>, vector<16xi32>
    %mul3A_1519 = arith.constant 200 : i32
    %mul3A_1520 = vector.broadcast %mul3A_1519 : i32 to vector<16xi32>
    %mul3A_1521 = arith.muli %select_n3A_1518, %mul3A_1520 : vector<16xi32>
    %sub3A_1522 = arith.subi %add3A_1487, %mul3A_1521 : vector<16xi32>
    %and3A_1523 = arith.constant 127 : i32
    %and3A_1524 = vector.broadcast %and3A_1523 : i32 to vector<16xi32>
    %and3A_1525 = arith.andi %select_n3A_1518, %and3A_1524 : vector<16xi32>
    %gather3A_1526 = tpu.vector_load_idx %arg5[%sub3A_1522, %and3A_1525] : memref<200x256xi32, #tpu.memory_space<vmem>>[vector<16xi32>, vector<16xi32>], vector<16xi32>,
    %add3A_1527 = arith.constant 128 : i32
    %add3A_1528 = vector.broadcast %add3A_1527 : i32 to vector<16xi32>
    %add3A_1529 = arith.addi %and3A_1525, %add3A_1528 : vector<16xi32>
    %gather3A_1530 = tpu.vector_load_idx %arg5[%sub3A_1522, %add3A_1529] : memref<200x256xi32, #tpu.memory_space<vmem>>[vector<16xi32>, vector<16xi32>], vector<16xi32>,
    %mul3A_1531 = arith.constant 96 : i32
    %mul3A_1532 = vector.broadcast %mul3A_1531 : i32 to vector<16xi32>
    %mul3A_1533 = arith.muli %gather3A_1526, %mul3A_1532 : vector<16xi32>
    %add3A_1534 = arith.addi %mul3A_1533, %gather3A_1530 : vector<16xi32>
    %swap3A_1535 = arith.constant 0 : i32
    %swap3A_1536 = arith.index_cast %swap3A_1535 : i32 to index
    %swap3A_1537 = arith.constant 32 : index
    %swap3A_1538 = tpu.vector_load %arg12[%swap3A_1536, %swap3A_1537] {strides = array<i32>} : memref<1x128xi32, #tpu.memory_space<vmem>>, vector<16xi32>,
    tpu.vector_store %arg12[%swap3A_1536, %swap3A_1537], %add3A_1534 {strides = array<i32>} : memref<1x128xi32, #tpu.memory_space<vmem>>, vector<16xi32>,
    %add3A_1539 = arith.constant 48 : i32
    %add3A_1540 = arith.addi %add3A_1373, %add3A_1539 : i32
    %add3A_1541 = vector.broadcast %add3A_1540 : i32 to vector<16xi32>
    %add3A_1542 = arith.addi %add3A_1541, %iota3A : vector<16xi32>
    %jit3A_1543 = arith.constant 200 : i32
    %div3A_1544 = vector.broadcast %jit3A_1543 : i32 to vector<16xi32>
    %div3A_1545 = arith.divsi %add3A_1542, %div3A_1544 : vector<16xi32>
    %sign3A_1546 = arith.constant 0 : i32
    %sign3A_1547 = vector.broadcast %sign3A_1546 : i32 to vector<16xi32>
    %sign3A_1548 = arith.cmpi sgt, %add3A_1542, %sign3A_1547 : vector<16xi32>
    %sign3A_1549 = arith.extui %sign3A_1548 : vector<16xi1> to vector<16xi32>
    %sign3A_1550 = arith.constant 0 : i32
    %sign3A_1551 = vector.broadcast %sign3A_1550 : i32 to vector<16xi32>
    %sign3A_1552 = arith.cmpi slt, %add3A_1542, %sign3A_1551 : vector<16xi32>
    %sign3A_1553 = arith.extui %sign3A_1552 : vector<16xi1> to vector<16xi32>
    %sign3A_1554 = arith.subi %sign3A_1549, %sign3A_1553 : vector<16xi32>
    %sign3A_1555 = arith.constant 0 : i32
    %sign3A_1556 = arith.cmpi sgt, %jit3A_1543, %sign3A_1555 : i32
    %sign3A_1557 = arith.extui %sign3A_1556 : i1 to i32
    %sign3A_1558 = arith.constant 0 : i32
    %sign3A_1559 = arith.cmpi slt, %jit3A_1543, %sign3A_1558 : i32
    %sign3A_1560 = arith.extui %sign3A_1559 : i1 to i32
    %sign3A_1561 = arith.subi %sign3A_1557, %sign3A_1560 : i32
    %ne3A_1562 = vector.broadcast %sign3A_1561 : i32 to vector<16xi32>
    %ne3A_1563 = arith.cmpi ne, %sign3A_1554, %ne3A_1562 : vector<16xi32>
    %rem3A_1564 = vector.broadcast %jit3A_1543 : i32 to vector<16xi32>
    %rem3A_1565 = arith.remsi %add3A_1542, %rem3A_1564 : vector<16xi32>
    %ne3A_1566 = arith.constant 0 : i32
    %ne3A_1567 = vector.broadcast %ne3A_1566 : i32 to vector<16xi32>
    %ne3A_1568 = arith.cmpi ne, %rem3A_1565, %ne3A_1567 : vector<16xi32>
    %and3A_1569 = arith.andi %ne3A_1563, %ne3A_1568 : vector<16xi1>
    %sub3A_1570 = arith.constant 1 : i32
    %sub3A_1571 = vector.broadcast %sub3A_1570 : i32 to vector<16xi32>
    %sub3A_1572 = arith.subi %div3A_1545, %sub3A_1571 : vector<16xi32>
    %select_n3A_1573 = arith.select %and3A_1569, %sub3A_1572, %div3A_1545 : vector<16xi1>, vector<16xi32>
    %mul3A_1574 = arith.constant 200 : i32
    %mul3A_1575 = vector.broadcast %mul3A_1574 : i32 to vector<16xi32>
    %mul3A_1576 = arith.muli %select_n3A_1573, %mul3A_1575 : vector<16xi32>
    %sub3A_1577 = arith.subi %add3A_1542, %mul3A_1576 : vector<16xi32>
    %and3A_1578 = arith.constant 127 : i32
    %and3A_1579 = vector.broadcast %and3A_1578 : i32 to vector<16xi32>
    %and3A_1580 = arith.andi %select_n3A_1573, %and3A_1579 : vector<16xi32>
    %gather3A_1581 = tpu.vector_load_idx %arg5[%sub3A_1577, %and3A_1580] : memref<200x256xi32, #tpu.memory_space<vmem>>[vector<16xi32>, vector<16xi32>], vector<16xi32>,
    %add3A_1582 = arith.constant 128 : i32
    %add3A_1583 = vector.broadcast %add3A_1582 : i32 to vector<16xi32>
    %add3A_1584 = arith.addi %and3A_1580, %add3A_1583 : vector<16xi32>
    %gather3A_1585 = tpu.vector_load_idx %arg5[%sub3A_1577, %add3A_1584] : memref<200x256xi32, #tpu.memory_space<vmem>>[vector<16xi32>, vector<16xi32>], vector<16xi32>,
    %mul3A_1586 = arith.constant 96 : i32
    %mul3A_1587 = vector.broadcast %mul3A_1586 : i32 to vector<16xi32>
    %mul3A_1588 = arith.muli %gather3A_1581, %mul3A_1587 : vector<16xi32>
    %add3A_1589 = arith.addi %mul3A_1588, %gather3A_1585 : vector<16xi32>
    %swap3A_1590 = arith.constant 0 : i32
    %swap3A_1591 = arith.index_cast %swap3A_1590 : i32 to index
    %swap3A_1592 = arith.constant 48 : index
    %swap3A_1593 = tpu.vector_load %arg12[%swap3A_1591, %swap3A_1592] {strides = array<i32>} : memref<1x128xi32, #tpu.memory_space<vmem>>, vector<16xi32>,
    tpu.vector_store %arg12[%swap3A_1591, %swap3A_1592], %add3A_1589 {strides = array<i32>} : memref<1x128xi32, #tpu.memory_space<vmem>>, vector<16xi32>,
    %dma_start3A_1594 = arith.constant 0 : i32
    %dma_start3A_1595 = arith.constant 0 : i32
    %dma_start3A_1596 = tpu.memref_slice %arg12[%dma_start3A_1594, %dma_start3A_1595] : memref<1x128xi32, #tpu.memory_space<vmem>> -> memref<1x64xi32, #tpu.memory_space<vmem>>
    %dma_start3A_1597 = tpu.memref_squeeze %dma_start3A_1596 : memref<1x64xi32, #tpu.memory_space<vmem>> -> memref<64xi32, #tpu.memory_space<vmem>>
    %dma_start3A_1598 = arith.constant 0 : i32
    %dma_start3A_1599 = arith.constant 0 : i32
    %dma_start3A_1600 = tpu.memref_slice %arg38[%dma_start3A_1598, %dma_start3A_1599] : memref<672x128xf32, #tpu.memory_space<vmem_shared>> -> memref<672x128xf32, #tpu.memory_space<vmem_shared>>
    tpu.enqueue_indirect_dma source(%dma_start3A_1600 : memref<672x128xf32, #tpu.memory_space<vmem_shared>>) target(%arg20 : memref<64x128xf32, #tpu.memory_space<vmem>>) offsets(%dma_start3A_1597 : memref<64xi32, #tpu.memory_space<vmem>>) semaphore(%arg28 : memref<!tpu.dma_semaphore, #tpu.memory_space<semaphore_mem>>)
    %add3A_1601 = arith.constant 448 : i32
    %add3A_1602 = arith.addi %mul3A_2, %add3A_1601 : i32
    %add3A_1603 = arith.constant 0 : i32
    %add3A_1604 = arith.addi %add3A_1602, %add3A_1603 : i32
    %add3A_1605 = vector.broadcast %add3A_1604 : i32 to vector<16xi32>
    %add3A_1606 = arith.addi %add3A_1605, %iota3A : vector<16xi32>
    %jit3A_1607 = arith.constant 200 : i32
    %div3A_1608 = vector.broadcast %jit3A_1607 : i32 to vector<16xi32>
    %div3A_1609 = arith.divsi %add3A_1606, %div3A_1608 : vector<16xi32>
    %sign3A_1610 = arith.constant 0 : i32
    %sign3A_1611 = vector.broadcast %sign3A_1610 : i32 to vector<16xi32>
    %sign3A_1612 = arith.cmpi sgt, %add3A_1606, %sign3A_1611 : vector<16xi32>
    %sign3A_1613 = arith.extui %sign3A_1612 : vector<16xi1> to vector<16xi32>
    %sign3A_1614 = arith.constant 0 : i32
    %sign3A_1615 = vector.broadcast %sign3A_1614 : i32 to vector<16xi32>
    %sign3A_1616 = arith.cmpi slt, %add3A_1606, %sign3A_1615 : vector<16xi32>
    %sign3A_1617 = arith.extui %sign3A_1616 : vector<16xi1> to vector<16xi32>
    %sign3A_1618 = arith.subi %sign3A_1613, %sign3A_1617 : vector<16xi32>
    %sign3A_1619 = arith.constant 0 : i32
    %sign3A_1620 = arith.cmpi sgt, %jit3A_1607, %sign3A_1619 : i32
    %sign3A_1621 = arith.extui %sign3A_1620 : i1 to i32
    %sign3A_1622 = arith.constant 0 : i32
    %sign3A_1623 = arith.cmpi slt, %jit3A_1607, %sign3A_1622 : i32
    %sign3A_1624 = arith.extui %sign3A_1623 : i1 to i32
    %sign3A_1625 = arith.subi %sign3A_1621, %sign3A_1624 : i32
    %ne3A_1626 = vector.broadcast %sign3A_1625 : i32 to vector<16xi32>
    %ne3A_1627 = arith.cmpi ne, %sign3A_1618, %ne3A_1626 : vector<16xi32>
    %rem3A_1628 = vector.broadcast %jit3A_1607 : i32 to vector<16xi32>
    %rem3A_1629 = arith.remsi %add3A_1606, %rem3A_1628 : vector<16xi32>
    %ne3A_1630 = arith.constant 0 : i32
    %ne3A_1631 = vector.broadcast %ne3A_1630 : i32 to vector<16xi32>
    %ne3A_1632 = arith.cmpi ne, %rem3A_1629, %ne3A_1631 : vector<16xi32>
    %and3A_1633 = arith.andi %ne3A_1627, %ne3A_1632 : vector<16xi1>
    %sub3A_1634 = arith.constant 1 : i32
    %sub3A_1635 = vector.broadcast %sub3A_1634 : i32 to vector<16xi32>
    %sub3A_1636 = arith.subi %div3A_1609, %sub3A_1635 : vector<16xi32>
    %select_n3A_1637 = arith.select %and3A_1633, %sub3A_1636, %div3A_1609 : vector<16xi1>, vector<16xi32>
    %mul3A_1638 = arith.constant 200 : i32
    %mul3A_1639 = vector.broadcast %mul3A_1638 : i32 to vector<16xi32>
    %mul3A_1640 = arith.muli %select_n3A_1637, %mul3A_1639 : vector<16xi32>
    %sub3A_1641 = arith.subi %add3A_1606, %mul3A_1640 : vector<16xi32>
    %and3A_1642 = arith.constant 127 : i32
    %and3A_1643 = vector.broadcast %and3A_1642 : i32 to vector<16xi32>
    %and3A_1644 = arith.andi %select_n3A_1637, %and3A_1643 : vector<16xi32>
    %gather3A_1645 = tpu.vector_load_idx %arg5[%sub3A_1641, %and3A_1644] : memref<200x256xi32, #tpu.memory_space<vmem>>[vector<16xi32>, vector<16xi32>], vector<16xi32>,
    %add3A_1646 = arith.constant 128 : i32
    %add3A_1647 = vector.broadcast %add3A_1646 : i32 to vector<16xi32>
    %add3A_1648 = arith.addi %and3A_1644, %add3A_1647 : vector<16xi32>
    %gather3A_1649 = tpu.vector_load_idx %arg5[%sub3A_1641, %add3A_1648] : memref<200x256xi32, #tpu.memory_space<vmem>>[vector<16xi32>, vector<16xi32>], vector<16xi32>,
    %mul3A_1650 = arith.constant 96 : i32
    %mul3A_1651 = vector.broadcast %mul3A_1650 : i32 to vector<16xi32>
    %mul3A_1652 = arith.muli %gather3A_1645, %mul3A_1651 : vector<16xi32>
    %add3A_1653 = arith.addi %mul3A_1652, %gather3A_1649 : vector<16xi32>
    %swap3A_1654 = arith.constant 0 : i32
    %swap3A_1655 = arith.index_cast %swap3A_1654 : i32 to index
    %swap3A_1656 = arith.constant 0 : index
    %swap3A_1657 = tpu.vector_load %arg13[%swap3A_1655, %swap3A_1656] {strides = array<i32>} : memref<1x128xi32, #tpu.memory_space<vmem>>, vector<16xi32>,
    tpu.vector_store %arg13[%swap3A_1655, %swap3A_1656], %add3A_1653 {strides = array<i32>} : memref<1x128xi32, #tpu.memory_space<vmem>>, vector<16xi32>,
    %add3A_1658 = arith.constant 16 : i32
    %add3A_1659 = arith.addi %add3A_1602, %add3A_1658 : i32
    %add3A_1660 = vector.broadcast %add3A_1659 : i32 to vector<16xi32>
    %add3A_1661 = arith.addi %add3A_1660, %iota3A : vector<16xi32>
    %jit3A_1662 = arith.constant 200 : i32
    %div3A_1663 = vector.broadcast %jit3A_1662 : i32 to vector<16xi32>
    %div3A_1664 = arith.divsi %add3A_1661, %div3A_1663 : vector<16xi32>
    %sign3A_1665 = arith.constant 0 : i32
    %sign3A_1666 = vector.broadcast %sign3A_1665 : i32 to vector<16xi32>
    %sign3A_1667 = arith.cmpi sgt, %add3A_1661, %sign3A_1666 : vector<16xi32>
    %sign3A_1668 = arith.extui %sign3A_1667 : vector<16xi1> to vector<16xi32>
    %sign3A_1669 = arith.constant 0 : i32
    %sign3A_1670 = vector.broadcast %sign3A_1669 : i32 to vector<16xi32>
    %sign3A_1671 = arith.cmpi slt, %add3A_1661, %sign3A_1670 : vector<16xi32>
    %sign3A_1672 = arith.extui %sign3A_1671 : vector<16xi1> to vector<16xi32>
    %sign3A_1673 = arith.subi %sign3A_1668, %sign3A_1672 : vector<16xi32>
    %sign3A_1674 = arith.constant 0 : i32
    %sign3A_1675 = arith.cmpi sgt, %jit3A_1662, %sign3A_1674 : i32
    %sign3A_1676 = arith.extui %sign3A_1675 : i1 to i32
    %sign3A_1677 = arith.constant 0 : i32
    %sign3A_1678 = arith.cmpi slt, %jit3A_1662, %sign3A_1677 : i32
    %sign3A_1679 = arith.extui %sign3A_1678 : i1 to i32
    %sign3A_1680 = arith.subi %sign3A_1676, %sign3A_1679 : i32
    %ne3A_1681 = vector.broadcast %sign3A_1680 : i32 to vector<16xi32>
    %ne3A_1682 = arith.cmpi ne, %sign3A_1673, %ne3A_1681 : vector<16xi32>
    %rem3A_1683 = vector.broadcast %jit3A_1662 : i32 to vector<16xi32>
    %rem3A_1684 = arith.remsi %add3A_1661, %rem3A_1683 : vector<16xi32>
    %ne3A_1685 = arith.constant 0 : i32
    %ne3A_1686 = vector.broadcast %ne3A_1685 : i32 to vector<16xi32>
    %ne3A_1687 = arith.cmpi ne, %rem3A_1684, %ne3A_1686 : vector<16xi32>
    %and3A_1688 = arith.andi %ne3A_1682, %ne3A_1687 : vector<16xi1>
    %sub3A_1689 = arith.constant 1 : i32
    %sub3A_1690 = vector.broadcast %sub3A_1689 : i32 to vector<16xi32>
    %sub3A_1691 = arith.subi %div3A_1664, %sub3A_1690 : vector<16xi32>
    %select_n3A_1692 = arith.select %and3A_1688, %sub3A_1691, %div3A_1664 : vector<16xi1>, vector<16xi32>
    %mul3A_1693 = arith.constant 200 : i32
    %mul3A_1694 = vector.broadcast %mul3A_1693 : i32 to vector<16xi32>
    %mul3A_1695 = arith.muli %select_n3A_1692, %mul3A_1694 : vector<16xi32>
    %sub3A_1696 = arith.subi %add3A_1661, %mul3A_1695 : vector<16xi32>
    %and3A_1697 = arith.constant 127 : i32
    %and3A_1698 = vector.broadcast %and3A_1697 : i32 to vector<16xi32>
    %and3A_1699 = arith.andi %select_n3A_1692, %and3A_1698 : vector<16xi32>
    %gather3A_1700 = tpu.vector_load_idx %arg5[%sub3A_1696, %and3A_1699] : memref<200x256xi32, #tpu.memory_space<vmem>>[vector<16xi32>, vector<16xi32>], vector<16xi32>,
    %add3A_1701 = arith.constant 128 : i32
    %add3A_1702 = vector.broadcast %add3A_1701 : i32 to vector<16xi32>
    %add3A_1703 = arith.addi %and3A_1699, %add3A_1702 : vector<16xi32>
    %gather3A_1704 = tpu.vector_load_idx %arg5[%sub3A_1696, %add3A_1703] : memref<200x256xi32, #tpu.memory_space<vmem>>[vector<16xi32>, vector<16xi32>], vector<16xi32>,
    %mul3A_1705 = arith.constant 96 : i32
    %mul3A_1706 = vector.broadcast %mul3A_1705 : i32 to vector<16xi32>
    %mul3A_1707 = arith.muli %gather3A_1700, %mul3A_1706 : vector<16xi32>
    %add3A_1708 = arith.addi %mul3A_1707, %gather3A_1704 : vector<16xi32>
    %swap3A_1709 = arith.constant 0 : i32
    %swap3A_1710 = arith.index_cast %swap3A_1709 : i32 to index
    %swap3A_1711 = arith.constant 16 : index
    %swap3A_1712 = tpu.vector_load %arg13[%swap3A_1710, %swap3A_1711] {strides = array<i32>} : memref<1x128xi32, #tpu.memory_space<vmem>>, vector<16xi32>,
    tpu.vector_store %arg13[%swap3A_1710, %swap3A_1711], %add3A_1708 {strides = array<i32>} : memref<1x128xi32, #tpu.memory_space<vmem>>, vector<16xi32>,
    %add3A_1713 = arith.constant 32 : i32
    %add3A_1714 = arith.addi %add3A_1602, %add3A_1713 : i32
    %add3A_1715 = vector.broadcast %add3A_1714 : i32 to vector<16xi32>
    %add3A_1716 = arith.addi %add3A_1715, %iota3A : vector<16xi32>
    %jit3A_1717 = arith.constant 200 : i32
    %div3A_1718 = vector.broadcast %jit3A_1717 : i32 to vector<16xi32>
    %div3A_1719 = arith.divsi %add3A_1716, %div3A_1718 : vector<16xi32>
    %sign3A_1720 = arith.constant 0 : i32
    %sign3A_1721 = vector.broadcast %sign3A_1720 : i32 to vector<16xi32>
    %sign3A_1722 = arith.cmpi sgt, %add3A_1716, %sign3A_1721 : vector<16xi32>
    %sign3A_1723 = arith.extui %sign3A_1722 : vector<16xi1> to vector<16xi32>
    %sign3A_1724 = arith.constant 0 : i32
    %sign3A_1725 = vector.broadcast %sign3A_1724 : i32 to vector<16xi32>
    %sign3A_1726 = arith.cmpi slt, %add3A_1716, %sign3A_1725 : vector<16xi32>
    %sign3A_1727 = arith.extui %sign3A_1726 : vector<16xi1> to vector<16xi32>
    %sign3A_1728 = arith.subi %sign3A_1723, %sign3A_1727 : vector<16xi32>
    %sign3A_1729 = arith.constant 0 : i32
    %sign3A_1730 = arith.cmpi sgt, %jit3A_1717, %sign3A_1729 : i32
    %sign3A_1731 = arith.extui %sign3A_1730 : i1 to i32
    %sign3A_1732 = arith.constant 0 : i32
    %sign3A_1733 = arith.cmpi slt, %jit3A_1717, %sign3A_1732 : i32
    %sign3A_1734 = arith.extui %sign3A_1733 : i1 to i32
    %sign3A_1735 = arith.subi %sign3A_1731, %sign3A_1734 : i32
    %ne3A_1736 = vector.broadcast %sign3A_1735 : i32 to vector<16xi32>
    %ne3A_1737 = arith.cmpi ne, %sign3A_1728, %ne3A_1736 : vector<16xi32>
    %rem3A_1738 = vector.broadcast %jit3A_1717 : i32 to vector<16xi32>
    %rem3A_1739 = arith.remsi %add3A_1716, %rem3A_1738 : vector<16xi32>
    %ne3A_1740 = arith.constant 0 : i32
    %ne3A_1741 = vector.broadcast %ne3A_1740 : i32 to vector<16xi32>
    %ne3A_1742 = arith.cmpi ne, %rem3A_1739, %ne3A_1741 : vector<16xi32>
    %and3A_1743 = arith.andi %ne3A_1737, %ne3A_1742 : vector<16xi1>
    %sub3A_1744 = arith.constant 1 : i32
    %sub3A_1745 = vector.broadcast %sub3A_1744 : i32 to vector<16xi32>
    %sub3A_1746 = arith.subi %div3A_1719, %sub3A_1745 : vector<16xi32>
    %select_n3A_1747 = arith.select %and3A_1743, %sub3A_1746, %div3A_1719 : vector<16xi1>, vector<16xi32>
    %mul3A_1748 = arith.constant 200 : i32
    %mul3A_1749 = vector.broadcast %mul3A_1748 : i32 to vector<16xi32>
    %mul3A_1750 = arith.muli %select_n3A_1747, %mul3A_1749 : vector<16xi32>
    %sub3A_1751 = arith.subi %add3A_1716, %mul3A_1750 : vector<16xi32>
    %and3A_1752 = arith.constant 127 : i32
    %and3A_1753 = vector.broadcast %and3A_1752 : i32 to vector<16xi32>
    %and3A_1754 = arith.andi %select_n3A_1747, %and3A_1753 : vector<16xi32>
    %gather3A_1755 = tpu.vector_load_idx %arg5[%sub3A_1751, %and3A_1754] : memref<200x256xi32, #tpu.memory_space<vmem>>[vector<16xi32>, vector<16xi32>], vector<16xi32>,
    %add3A_1756 = arith.constant 128 : i32
    %add3A_1757 = vector.broadcast %add3A_1756 : i32 to vector<16xi32>
    %add3A_1758 = arith.addi %and3A_1754, %add3A_1757 : vector<16xi32>
    %gather3A_1759 = tpu.vector_load_idx %arg5[%sub3A_1751, %add3A_1758] : memref<200x256xi32, #tpu.memory_space<vmem>>[vector<16xi32>, vector<16xi32>], vector<16xi32>,
    %mul3A_1760 = arith.constant 96 : i32
    %mul3A_1761 = vector.broadcast %mul3A_1760 : i32 to vector<16xi32>
    %mul3A_1762 = arith.muli %gather3A_1755, %mul3A_1761 : vector<16xi32>
    %add3A_1763 = arith.addi %mul3A_1762, %gather3A_1759 : vector<16xi32>
    %swap3A_1764 = arith.constant 0 : i32
    %swap3A_1765 = arith.index_cast %swap3A_1764 : i32 to index
    %swap3A_1766 = arith.constant 32 : index
    %swap3A_1767 = tpu.vector_load %arg13[%swap3A_1765, %swap3A_1766] {strides = array<i32>} : memref<1x128xi32, #tpu.memory_space<vmem>>, vector<16xi32>,
    tpu.vector_store %arg13[%swap3A_1765, %swap3A_1766], %add3A_1763 {strides = array<i32>} : memref<1x128xi32, #tpu.memory_space<vmem>>, vector<16xi32>,
    %add3A_1768 = arith.constant 48 : i32
    %add3A_1769 = arith.addi %add3A_1602, %add3A_1768 : i32
    %add3A_1770 = vector.broadcast %add3A_1769 : i32 to vector<16xi32>
    %add3A_1771 = arith.addi %add3A_1770, %iota3A : vector<16xi32>
    %jit3A_1772 = arith.constant 200 : i32
    %div3A_1773 = vector.broadcast %jit3A_1772 : i32 to vector<16xi32>
    %div3A_1774 = arith.divsi %add3A_1771, %div3A_1773 : vector<16xi32>
    %sign3A_1775 = arith.constant 0 : i32
    %sign3A_1776 = vector.broadcast %sign3A_1775 : i32 to vector<16xi32>
    %sign3A_1777 = arith.cmpi sgt, %add3A_1771, %sign3A_1776 : vector<16xi32>
    %sign3A_1778 = arith.extui %sign3A_1777 : vector<16xi1> to vector<16xi32>
    %sign3A_1779 = arith.constant 0 : i32
    %sign3A_1780 = vector.broadcast %sign3A_1779 : i32 to vector<16xi32>
    %sign3A_1781 = arith.cmpi slt, %add3A_1771, %sign3A_1780 : vector<16xi32>
    %sign3A_1782 = arith.extui %sign3A_1781 : vector<16xi1> to vector<16xi32>
    %sign3A_1783 = arith.subi %sign3A_1778, %sign3A_1782 : vector<16xi32>
    %sign3A_1784 = arith.constant 0 : i32
    %sign3A_1785 = arith.cmpi sgt, %jit3A_1772, %sign3A_1784 : i32
    %sign3A_1786 = arith.extui %sign3A_1785 : i1 to i32
    %sign3A_1787 = arith.constant 0 : i32
    %sign3A_1788 = arith.cmpi slt, %jit3A_1772, %sign3A_1787 : i32
    %sign3A_1789 = arith.extui %sign3A_1788 : i1 to i32
    %sign3A_1790 = arith.subi %sign3A_1786, %sign3A_1789 : i32
    %ne3A_1791 = vector.broadcast %sign3A_1790 : i32 to vector<16xi32>
    %ne3A_1792 = arith.cmpi ne, %sign3A_1783, %ne3A_1791 : vector<16xi32>
    %rem3A_1793 = vector.broadcast %jit3A_1772 : i32 to vector<16xi32>
    %rem3A_1794 = arith.remsi %add3A_1771, %rem3A_1793 : vector<16xi32>
    %ne3A_1795 = arith.constant 0 : i32
    %ne3A_1796 = vector.broadcast %ne3A_1795 : i32 to vector<16xi32>
    %ne3A_1797 = arith.cmpi ne, %rem3A_1794, %ne3A_1796 : vector<16xi32>
    %and3A_1798 = arith.andi %ne3A_1792, %ne3A_1797 : vector<16xi1>
    %sub3A_1799 = arith.constant 1 : i32
    %sub3A_1800 = vector.broadcast %sub3A_1799 : i32 to vector<16xi32>
    %sub3A_1801 = arith.subi %div3A_1774, %sub3A_1800 : vector<16xi32>
    %select_n3A_1802 = arith.select %and3A_1798, %sub3A_1801, %div3A_1774 : vector<16xi1>, vector<16xi32>
    %mul3A_1803 = arith.constant 200 : i32
    %mul3A_1804 = vector.broadcast %mul3A_1803 : i32 to vector<16xi32>
    %mul3A_1805 = arith.muli %select_n3A_1802, %mul3A_1804 : vector<16xi32>
    %sub3A_1806 = arith.subi %add3A_1771, %mul3A_1805 : vector<16xi32>
    %and3A_1807 = arith.constant 127 : i32
    %and3A_1808 = vector.broadcast %and3A_1807 : i32 to vector<16xi32>
    %and3A_1809 = arith.andi %select_n3A_1802, %and3A_1808 : vector<16xi32>
    %gather3A_1810 = tpu.vector_load_idx %arg5[%sub3A_1806, %and3A_1809] : memref<200x256xi32, #tpu.memory_space<vmem>>[vector<16xi32>, vector<16xi32>], vector<16xi32>,
    %add3A_1811 = arith.constant 128 : i32
    %add3A_1812 = vector.broadcast %add3A_1811 : i32 to vector<16xi32>
    %add3A_1813 = arith.addi %and3A_1809, %add3A_1812 : vector<16xi32>
    %gather3A_1814 = tpu.vector_load_idx %arg5[%sub3A_1806, %add3A_1813] : memref<200x256xi32, #tpu.memory_space<vmem>>[vector<16xi32>, vector<16xi32>], vector<16xi32>,
    %mul3A_1815 = arith.constant 96 : i32
    %mul3A_1816 = vector.broadcast %mul3A_1815 : i32 to vector<16xi32>
    %mul3A_1817 = arith.muli %gather3A_1810, %mul3A_1816 : vector<16xi32>
    %add3A_1818 = arith.addi %mul3A_1817, %gather3A_1814 : vector<16xi32>
    %swap3A_1819 = arith.constant 0 : i32
    %swap3A_1820 = arith.index_cast %swap3A_1819 : i32 to index
    %swap3A_1821 = arith.constant 48 : index
    %swap3A_1822 = tpu.vector_load %arg13[%swap3A_1820, %swap3A_1821] {strides = array<i32>} : memref<1x128xi32, #tpu.memory_space<vmem>>, vector<16xi32>,
    tpu.vector_store %arg13[%swap3A_1820, %swap3A_1821], %add3A_1818 {strides = array<i32>} : memref<1x128xi32, #tpu.memory_space<vmem>>, vector<16xi32>,
    %dma_start3A_1823 = arith.constant 0 : i32
    %dma_start3A_1824 = arith.constant 0 : i32
    %dma_start3A_1825 = tpu.memref_slice %arg13[%dma_start3A_1823, %dma_start3A_1824] : memref<1x128xi32, #tpu.memory_space<vmem>> -> memref<1x64xi32, #tpu.memory_space<vmem>>
    %dma_start3A_1826 = tpu.memref_squeeze %dma_start3A_1825 : memref<1x64xi32, #tpu.memory_space<vmem>> -> memref<64xi32, #tpu.memory_space<vmem>>
    %dma_start3A_1827 = arith.constant 0 : i32
    %dma_start3A_1828 = arith.constant 0 : i32
    %dma_start3A_1829 = tpu.memref_slice %arg38[%dma_start3A_1827, %dma_start3A_1828] : memref<672x128xf32, #tpu.memory_space<vmem_shared>> -> memref<672x128xf32, #tpu.memory_space<vmem_shared>>
    tpu.enqueue_indirect_dma source(%dma_start3A_1829 : memref<672x128xf32, #tpu.memory_space<vmem_shared>>) target(%arg21 : memref<64x128xf32, #tpu.memory_space<vmem>>) offsets(%dma_start3A_1826 : memref<64xi32, #tpu.memory_space<vmem>>) semaphore(%arg29 : memref<!tpu.dma_semaphore, #tpu.memory_space<semaphore_mem>>)
    %scan3A = arith.constant 0 : i32
    %scan3A_1830 = arith.constant 200 : i32
    %scan3A_1831 = arith.addi %scan3A, %scan3A_1830 : i32
    %scan3A_1832 = arith.constant 1 : i32
    scf.for %scan3A_1881 = %scan3A to %scan3A_1831 step %scan3A_1832  : i32 {
      %mul3A_1882 = arith.constant 8 : i32
      %mul3A_1883 = arith.muli %mul3A_1882, %scan3A_1881 : i32
      %add3A_1884 = arith.constant 0 : i32
      %add3A_1885 = arith.addi %mul3A_1883, %add3A_1884 : i32
      %lt3A = arith.constant 1600 : i32
      %lt3A_1886 = arith.cmpi slt, %add3A_1885, %lt3A : i32
      %convert_element_type3A_1887 = arith.extui %lt3A_1886 : i1 to i32
      %cond3A_1888 = arith.constant 0 : i32
      %cond3A_1889 = arith.cmpi ne, %convert_element_type3A_1887, %cond3A_1888 : i32
      scf.if %cond3A_1889 {
        %dma_wait3A_2009 = arith.constant 0 : i32
        %dma_wait3A_2010 = arith.constant 0 : i32
        %dma_wait3A_2011 = tpu.memref_slice %arg6[%dma_wait3A_2009, %dma_wait3A_2010] : memref<1x128xi32, #tpu.memory_space<vmem>> -> memref<1x64xi32, #tpu.memory_space<vmem>>
        %dma_wait3A_2012 = tpu.memref_squeeze %dma_wait3A_2011 : memref<1x64xi32, #tpu.memory_space<vmem>> -> memref<64xi32, #tpu.memory_space<vmem>>
        %dma_wait3A_2013 = arith.constant 0 : i32
        %dma_wait3A_2014 = arith.constant 0 : i32
        %dma_wait3A_2015 = tpu.memref_slice %arg38[%dma_wait3A_2013, %dma_wait3A_2014] : memref<672x128xf32, #tpu.memory_space<vmem_shared>> -> memref<672x128xf32, #tpu.memory_space<vmem_shared>>
        tpu.wait_indirect_dma semaphore(%arg22 : memref<!tpu.dma_semaphore, #tpu.memory_space<semaphore_mem>>) src(%dma_wait3A_2015 : memref<672x128xf32, #tpu.memory_space<vmem_shared>>) dst(%arg14 : memref<64x128xf32, #tpu.memory_space<vmem>>)
        %mul3A_2016 = arith.constant 64 : i32
        %mul3A_2017 = arith.muli %add3A_1885, %mul3A_2016 : i32
        %add3A_2018 = arith.addi %mul3A_2, %mul3A_2017 : i32
        %dma_start3A_2019 = arith.constant 0 : i32
        %dma_start3A_2020 = tpu.memref_slice %arg4[%add3A_2018, %dma_start3A_2019] : memref<3276800x128xf32, #tpu.memory_space<hbm>> -> memref<64x128xf32, #tpu.memory_space<hbm>>
        %dma_start3A_2021 = arith.constant 0 : i32
        %dma_start3A_2022 = tpu.memref_slice %arg4[%add3A_2018, %dma_start3A_2021] : memref<3276800x128xf32, #tpu.memory_space<hbm>> -> memref<64x128xf32, #tpu.memory_space<hbm>>
        tpu.enqueue_dma source(%arg14 : memref<64x128xf32, #tpu.memory_space<vmem>>) target(%dma_start3A_2022 : memref<64x128xf32, #tpu.memory_space<hbm>>) target_semaphore(%arg30 : memref<!tpu.dma_semaphore, #tpu.memory_space<semaphore_mem>>)
      } else {
      }
      %add3A_1890 = arith.constant 8 : i32
      %add3A_1891 = arith.addi %add3A_1885, %add3A_1890 : i32
      %lt3A_1892 = arith.constant 1600 : i32
      %lt3A_1893 = arith.cmpi slt, %add3A_1891, %lt3A_1892 : i32
      %convert_element_type3A_1894 = arith.extui %lt3A_1893 : i1 to i32
      %cond3A_1895 = arith.constant 0 : i32
      %cond3A_1896 = arith.cmpi ne, %convert_element_type3A_1894, %cond3A_1895 : i32
      scf.if %cond3A_1896 {
        %jit3A_2009 = arith.constant 400 : i32
        %eq3A_2010 = arith.constant 0 : i32
        %eq3A_2011 = arith.cmpi eq, %jit3A_2009, %eq3A_2010 : i32
        %jit3A_2012 = arith.constant 1 : i32
        %select_n3A_2013 = arith.select %eq3A_2011, %jit3A_2012, %jit3A_2009 : i32
        %rem3A_2014 = arith.remsi %add3A_1891, %select_n3A_2013 : i32
        %ne3A_2015 = arith.constant 0 : i32
        %ne3A_2016 = arith.cmpi ne, %rem3A_2014, %ne3A_2015 : i32
        %lt3A_2017 = arith.constant 0 : i32
        %lt3A_2018 = arith.cmpi slt, %rem3A_2014, %lt3A_2017 : i32
        %lt3A_2019 = arith.constant 0 : i32
        %lt3A_2020 = arith.cmpi slt, %select_n3A_2013, %lt3A_2019 : i32
        %ne3A_2021 = arith.xori %lt3A_2018, %lt3A_2020 : i1
        %and3A_2022 = arith.andi %ne3A_2021, %ne3A_2016 : i1
        %add3A_2023 = arith.addi %rem3A_2014, %select_n3A_2013 : i32
        %select_n3A_2024 = arith.select %and3A_2022, %add3A_2023, %rem3A_2014 : i32
        %eq3A_2025 = arith.constant 0 : i32
        %eq3A_2026 = arith.cmpi eq, %select_n3A_2024, %eq3A_2025 : i32
        %convert_element_type3A_2027 = arith.extui %eq3A_2026 : i1 to i32
        %cond3A_2028 = arith.constant 0 : i32
        %cond3A_2029 = arith.cmpi ne, %convert_element_type3A_2027, %cond3A_2028 : i32
        scf.if %cond3A_2029 {
          %mul3A_2267 = arith.constant 4 : i32
          %mul3A_2268 = arith.muli %add3A, %mul3A_2267 : i32
          %jit3A_2269 = arith.constant 400 : i32
          %div3A_2270 = arith.divsi %add3A_1891, %jit3A_2269 : i32
          %sign3A_2271 = arith.constant 0 : i32
          %sign3A_2272 = arith.cmpi sgt, %add3A_1891, %sign3A_2271 : i32
          %sign3A_2273 = arith.extui %sign3A_2272 : i1 to i32
          %sign3A_2274 = arith.constant 0 : i32
          %sign3A_2275 = arith.cmpi slt, %add3A_1891, %sign3A_2274 : i32
          %sign3A_2276 = arith.extui %sign3A_2275 : i1 to i32
          %sign3A_2277 = arith.subi %sign3A_2273, %sign3A_2276 : i32
          %sign3A_2278 = arith.constant 0 : i32
          %sign3A_2279 = arith.cmpi sgt, %jit3A_2269, %sign3A_2278 : i32
          %sign3A_2280 = arith.extui %sign3A_2279 : i1 to i32
          %sign3A_2281 = arith.constant 0 : i32
          %sign3A_2282 = arith.cmpi slt, %jit3A_2269, %sign3A_2281 : i32
          %sign3A_2283 = arith.extui %sign3A_2282 : i1 to i32
          %sign3A_2284 = arith.subi %sign3A_2280, %sign3A_2283 : i32
          %ne3A_2285 = arith.cmpi ne, %sign3A_2277, %sign3A_2284 : i32
          %rem3A_2286 = arith.remsi %add3A_1891, %jit3A_2269 : i32
          %ne3A_2287 = arith.constant 0 : i32
          %ne3A_2288 = arith.cmpi ne, %rem3A_2286, %ne3A_2287 : i32
          %and3A_2289 = arith.andi %ne3A_2285, %ne3A_2288 : i1
          %sub3A_2290 = arith.constant 1 : i32
          %sub3A_2291 = arith.subi %div3A_2270, %sub3A_2290 : i32
          %select_n3A_2292 = arith.select %and3A_2289, %sub3A_2291, %div3A_2270 : i32
          %add3A_2293 = arith.addi %mul3A_2268, %select_n3A_2292 : i32
          "tpu.region"() ({
            %run_scoped3A = tpu.sem_alloc : memref<!tpu.dma_semaphore, #tpu.memory_space<semaphore_mem>>
            %dma_start3A_2294 = arith.constant 0 : i32
            %dma_start3A_2295 = arith.constant 0 : i32
            %dma_start3A_2296 = tpu.memref_slice %arg2[%dma_start3A_2294, %add3A_2293, %dma_start3A_2295] : memref<200x128x256xi32, #tpu.memory_space<hbm>> -> memref<200x1x256xi32, #tpu.memory_space<hbm>>
            %dma_start3A_2297 = tpu.memref_squeeze %dma_start3A_2296 : memref<200x1x256xi32, #tpu.memory_space<hbm>> -> memref<200x256xi32, #tpu.memory_space<hbm>>
            %dma_start3A_2298 = arith.constant 0 : i32
            %dma_start3A_2299 = arith.constant 0 : i32
            %dma_start3A_2300 = tpu.memref_slice %arg2[%dma_start3A_2298, %add3A_2293, %dma_start3A_2299] : memref<200x128x256xi32, #tpu.memory_space<hbm>> -> memref<200x1x256xi32, #tpu.memory_space<hbm>>
            %dma_start3A_2301 = tpu.memref_squeeze %dma_start3A_2300 : memref<200x1x256xi32, #tpu.memory_space<hbm>> -> memref<200x256xi32, #tpu.memory_space<hbm>>
            tpu.enqueue_dma source(%dma_start3A_2301 : memref<200x256xi32, #tpu.memory_space<hbm>>) target(%arg5 : memref<200x256xi32, #tpu.memory_space<vmem>>) target_semaphore(%run_scoped3A : memref<!tpu.dma_semaphore, #tpu.memory_space<semaphore_mem>>)
            %dma_wait3A_2302 = arith.constant 0 : i32
            %dma_wait3A_2303 = arith.constant 0 : i32
            %dma_wait3A_2304 = tpu.memref_slice %arg2[%dma_wait3A_2302, %add3A_2293, %dma_wait3A_2303] : memref<200x128x256xi32, #tpu.memory_space<hbm>> -> memref<200x1x256xi32, #tpu.memory_space<hbm>>
            %dma_wait3A_2305 = tpu.memref_squeeze %dma_wait3A_2304 : memref<200x1x256xi32, #tpu.memory_space<hbm>> -> memref<200x256xi32, #tpu.memory_space<hbm>>
            %dma_wait3A_2306 = arith.constant 0 : i32
            %dma_wait3A_2307 = arith.constant 0 : i32
            %dma_wait3A_2308 = tpu.memref_slice %arg2[%dma_wait3A_2306, %add3A_2293, %dma_wait3A_2307] : memref<200x128x256xi32, #tpu.memory_space<hbm>> -> memref<200x1x256xi32, #tpu.memory_space<hbm>>
            %dma_wait3A_2309 = tpu.memref_squeeze %dma_wait3A_2308 : memref<200x1x256xi32, #tpu.memory_space<hbm>> -> memref<200x256xi32, #tpu.memory_space<hbm>>
            tpu.wait_dma2 semaphore(%run_scoped3A : memref<!tpu.dma_semaphore, #tpu.memory_space<semaphore_mem>>) src(%dma_wait3A_2309 : memref<200x256xi32, #tpu.memory_space<hbm>>) dst(%arg5 : memref<200x256xi32, #tpu.memory_space<vmem>>)
            tpu.yield
          }) : () -> ()
        } else {
        }
        %mul3A_2030 = arith.constant 64 : i32
        %mul3A_2031 = arith.muli %add3A_1891, %mul3A_2030 : i32
        %add3A_2032 = arith.addi %mul3A_2, %mul3A_2031 : i32
        %add3A_2033 = arith.constant 0 : i32
        %add3A_2034 = arith.addi %add3A_2032, %add3A_2033 : i32
        %add3A_2035 = vector.broadcast %add3A_2034 : i32 to vector<16xi32>
        %add3A_2036 = arith.addi %add3A_2035, %iota3A : vector<16xi32>
        %jit3A_2037 = arith.constant 200 : i32
        %div3A_2038 = vector.broadcast %jit3A_2037 : i32 to vector<16xi32>
        %div3A_2039 = arith.divsi %add3A_2036, %div3A_2038 : vector<16xi32>
        %sign3A_2040 = arith.constant 0 : i32
        %sign3A_2041 = vector.broadcast %sign3A_2040 : i32 to vector<16xi32>
        %sign3A_2042 = arith.cmpi sgt, %add3A_2036, %sign3A_2041 : vector<16xi32>
        %sign3A_2043 = arith.extui %sign3A_2042 : vector<16xi1> to vector<16xi32>
        %sign3A_2044 = arith.constant 0 : i32
        %sign3A_2045 = vector.broadcast %sign3A_2044 : i32 to vector<16xi32>
        %sign3A_2046 = arith.cmpi slt, %add3A_2036, %sign3A_2045 : vector<16xi32>
        %sign3A_2047 = arith.extui %sign3A_2046 : vector<16xi1> to vector<16xi32>
        %sign3A_2048 = arith.subi %sign3A_2043, %sign3A_2047 : vector<16xi32>
        %sign3A_2049 = arith.constant 0 : i32
        %sign3A_2050 = arith.cmpi sgt, %jit3A_2037, %sign3A_2049 : i32
        %sign3A_2051 = arith.extui %sign3A_2050 : i1 to i32
        %sign3A_2052 = arith.constant 0 : i32
        %sign3A_2053 = arith.cmpi slt, %jit3A_2037, %sign3A_2052 : i32
        %sign3A_2054 = arith.extui %sign3A_2053 : i1 to i32
        %sign3A_2055 = arith.subi %sign3A_2051, %sign3A_2054 : i32
        %ne3A_2056 = vector.broadcast %sign3A_2055 : i32 to vector<16xi32>
        %ne3A_2057 = arith.cmpi ne, %sign3A_2048, %ne3A_2056 : vector<16xi32>
        %rem3A_2058 = vector.broadcast %jit3A_2037 : i32 to vector<16xi32>
        %rem3A_2059 = arith.remsi %add3A_2036, %rem3A_2058 : vector<16xi32>
        %ne3A_2060 = arith.constant 0 : i32
        %ne3A_2061 = vector.broadcast %ne3A_2060 : i32 to vector<16xi32>
        %ne3A_2062 = arith.cmpi ne, %rem3A_2059, %ne3A_2061 : vector<16xi32>
        %and3A_2063 = arith.andi %ne3A_2057, %ne3A_2062 : vector<16xi1>
        %sub3A_2064 = arith.constant 1 : i32
        %sub3A_2065 = vector.broadcast %sub3A_2064 : i32 to vector<16xi32>
        %sub3A_2066 = arith.subi %div3A_2039, %sub3A_2065 : vector<16xi32>
        %select_n3A_2067 = arith.select %and3A_2063, %sub3A_2066, %div3A_2039 : vector<16xi1>, vector<16xi32>
        %mul3A_2068 = arith.constant 200 : i32
        %mul3A_2069 = vector.broadcast %mul3A_2068 : i32 to vector<16xi32>
        %mul3A_2070 = arith.muli %select_n3A_2067, %mul3A_2069 : vector<16xi32>
        %sub3A_2071 = arith.subi %add3A_2036, %mul3A_2070 : vector<16xi32>
        %and3A_2072 = arith.constant 127 : i32
        %and3A_2073 = vector.broadcast %and3A_2072 : i32 to vector<16xi32>
        %and3A_2074 = arith.andi %select_n3A_2067, %and3A_2073 : vector<16xi32>
        %gather3A_2075 = tpu.vector_load_idx %arg5[%sub3A_2071, %and3A_2074] : memref<200x256xi32, #tpu.memory_space<vmem>>[vector<16xi32>, vector<16xi32>], vector<16xi32>,
        %add3A_2076 = arith.constant 128 : i32
        %add3A_2077 = vector.broadcast %add3A_2076 : i32 to vector<16xi32>
        %add3A_2078 = arith.addi %and3A_2074, %add3A_2077 : vector<16xi32>
        %gather3A_2079 = tpu.vector_load_idx %arg5[%sub3A_2071, %add3A_2078] : memref<200x256xi32, #tpu.memory_space<vmem>>[vector<16xi32>, vector<16xi32>], vector<16xi32>,
        %mul3A_2080 = arith.constant 96 : i32
        %mul3A_2081 = vector.broadcast %mul3A_2080 : i32 to vector<16xi32>
        %mul3A_2082 = arith.muli %gather3A_2075, %mul3A_2081 : vector<16xi32>
        %add3A_2083 = arith.addi %mul3A_2082, %gather3A_2079 : vector<16xi32>
        %swap3A_2084 = arith.constant 0 : i32
        %swap3A_2085 = arith.index_cast %swap3A_2084 : i32 to index
        %swap3A_2086 = arith.constant 0 : index
        %swap3A_2087 = tpu.vector_load %arg6[%swap3A_2085, %swap3A_2086] {strides = array<i32>} : memref<1x128xi32, #tpu.memory_space<vmem>>, vector<16xi32>,
        tpu.vector_store %arg6[%swap3A_2085, %swap3A_2086], %add3A_2083 {strides = array<i32>} : memref<1x128xi32, #tpu.memory_space<vmem>>, vector<16xi32>,
        %add3A_2088 = arith.constant 16 : i32
        %add3A_2089 = arith.addi %add3A_2032, %add3A_2088 : i32
        %add3A_2090 = vector.broadcast %add3A_2089 : i32 to vector<16xi32>
        %add3A_2091 = arith.addi %add3A_2090, %iota3A : vector<16xi32>
        %jit3A_2092 = arith.constant 200 : i32
        %div3A_2093 = vector.broadcast %jit3A_2092 : i32 to vector<16xi32>
        %div3A_2094 = arith.divsi %add3A_2091, %div3A_2093 : vector<16xi32>
        %sign3A_2095 = arith.constant 0 : i32
        %sign3A_2096 = vector.broadcast %sign3A_2095 : i32 to vector<16xi32>
        %sign3A_2097 = arith.cmpi sgt, %add3A_2091, %sign3A_2096 : vector<16xi32>
        %sign3A_2098 = arith.extui %sign3A_2097 : vector<16xi1> to vector<16xi32>
        %sign3A_2099 = arith.constant 0 : i32
        %sign3A_2100 = vector.broadcast %sign3A_2099 : i32 to vector<16xi32>
        %sign3A_2101 = arith.cmpi slt, %add3A_2091, %sign3A_2100 : vector<16xi32>
        %sign3A_2102 = arith.extui %sign3A_2101 : vector<16xi1> to vector<16xi32>
        %sign3A_2103 = arith.subi %sign3A_2098, %sign3A_2102 : vector<16xi32>
        %sign3A_2104 = arith.constant 0 : i32
        %sign3A_2105 = arith.cmpi sgt, %jit3A_2092, %sign3A_2104 : i32
        %sign3A_2106 = arith.extui %sign3A_2105 : i1 to i32
        %sign3A_2107 = arith.constant 0 : i32
        %sign3A_2108 = arith.cmpi slt, %jit3A_2092, %sign3A_2107 : i32
        %sign3A_2109 = arith.extui %sign3A_2108 : i1 to i32
        %sign3A_2110 = arith.subi %sign3A_2106, %sign3A_2109 : i32
        %ne3A_2111 = vector.broadcast %sign3A_2110 : i32 to vector<16xi32>
        %ne3A_2112 = arith.cmpi ne, %sign3A_2103, %ne3A_2111 : vector<16xi32>
        %rem3A_2113 = vector.broadcast %jit3A_2092 : i32 to vector<16xi32>
        %rem3A_2114 = arith.remsi %add3A_2091, %rem3A_2113 : vector<16xi32>
        %ne3A_2115 = arith.constant 0 : i32
        %ne3A_2116 = vector.broadcast %ne3A_2115 : i32 to vector<16xi32>
        %ne3A_2117 = arith.cmpi ne, %rem3A_2114, %ne3A_2116 : vector<16xi32>
        %and3A_2118 = arith.andi %ne3A_2112, %ne3A_2117 : vector<16xi1>
        %sub3A_2119 = arith.constant 1 : i32
        %sub3A_2120 = vector.broadcast %sub3A_2119 : i32 to vector<16xi32>
        %sub3A_2121 = arith.subi %div3A_2094, %sub3A_2120 : vector<16xi32>
        %select_n3A_2122 = arith.select %and3A_2118, %sub3A_2121, %div3A_2094 : vector<16xi1>, vector<16xi32>
        %mul3A_2123 = arith.constant 200 : i32
        %mul3A_2124 = vector.broadcast %mul3A_2123 : i32 to vector<16xi32>
        %mul3A_2125 = arith.muli %select_n3A_2122, %mul3A_2124 : vector<16xi32>
        %sub3A_2126 = arith.subi %add3A_2091, %mul3A_2125 : vector<16xi32>
        %and3A_2127 = arith.constant 127 : i32
        %and3A_2128 = vector.broadcast %and3A_2127 : i32 to vector<16xi32>
        %and3A_2129 = arith.andi %select_n3A_2122, %and3A_2128 : vector<16xi32>
        %gather3A_2130 = tpu.vector_load_idx %arg5[%sub3A_2126, %and3A_2129] : memref<200x256xi32, #tpu.memory_space<vmem>>[vector<16xi32>, vector<16xi32>], vector<16xi32>,
        %add3A_2131 = arith.constant 128 : i32
        %add3A_2132 = vector.broadcast %add3A_2131 : i32 to vector<16xi32>
        %add3A_2133 = arith.addi %and3A_2129, %add3A_2132 : vector<16xi32>
        %gather3A_2134 = tpu.vector_load_idx %arg5[%sub3A_2126, %add3A_2133] : memref<200x256xi32, #tpu.memory_space<vmem>>[vector<16xi32>, vector<16xi32>], vector<16xi32>,
        %mul3A_2135 = arith.constant 96 : i32
        %mul3A_2136 = vector.broadcast %mul3A_2135 : i32 to vector<16xi32>
        %mul3A_2137 = arith.muli %gather3A_2130, %mul3A_2136 : vector<16xi32>
        %add3A_2138 = arith.addi %mul3A_2137, %gather3A_2134 : vector<16xi32>
        %swap3A_2139 = arith.constant 0 : i32
        %swap3A_2140 = arith.index_cast %swap3A_2139 : i32 to index
        %swap3A_2141 = arith.constant 16 : index
        %swap3A_2142 = tpu.vector_load %arg6[%swap3A_2140, %swap3A_2141] {strides = array<i32>} : memref<1x128xi32, #tpu.memory_space<vmem>>, vector<16xi32>,
        tpu.vector_store %arg6[%swap3A_2140, %swap3A_2141], %add3A_2138 {strides = array<i32>} : memref<1x128xi32, #tpu.memory_space<vmem>>, vector<16xi32>,
        %add3A_2143 = arith.constant 32 : i32
        %add3A_2144 = arith.addi %add3A_2032, %add3A_2143 : i32
        %add3A_2145 = vector.broadcast %add3A_2144 : i32 to vector<16xi32>
        %add3A_2146 = arith.addi %add3A_2145, %iota3A : vector<16xi32>
        %jit3A_2147 = arith.constant 200 : i32
        %div3A_2148 = vector.broadcast %jit3A_2147 : i32 to vector<16xi32>
        %div3A_2149 = arith.divsi %add3A_2146, %div3A_2148 : vector<16xi32>
        %sign3A_2150 = arith.constant 0 : i32
        %sign3A_2151 = vector.broadcast %sign3A_2150 : i32 to vector<16xi32>
        %sign3A_2152 = arith.cmpi sgt, %add3A_2146, %sign3A_2151 : vector<16xi32>
        %sign3A_2153 = arith.extui %sign3A_2152 : vector<16xi1> to vector<16xi32>
        %sign3A_2154 = arith.constant 0 : i32
        %sign3A_2155 = vector.broadcast %sign3A_2154 : i32 to vector<16xi32>
        %sign3A_2156 = arith.cmpi slt, %add3A_2146, %sign3A_2155 : vector<16xi32>
        %sign3A_2157 = arith.extui %sign3A_2156 : vector<16xi1> to vector<16xi32>
        %sign3A_2158 = arith.subi %sign3A_2153, %sign3A_2157 : vector<16xi32>
        %sign3A_2159 = arith.constant 0 : i32
        %sign3A_2160 = arith.cmpi sgt, %jit3A_2147, %sign3A_2159 : i32
        %sign3A_2161 = arith.extui %sign3A_2160 : i1 to i32
        %sign3A_2162 = arith.constant 0 : i32
        %sign3A_2163 = arith.cmpi slt, %jit3A_2147, %sign3A_2162 : i32
        %sign3A_2164 = arith.extui %sign3A_2163 : i1 to i32
        %sign3A_2165 = arith.subi %sign3A_2161, %sign3A_2164 : i32
        %ne3A_2166 = vector.broadcast %sign3A_2165 : i32 to vector<16xi32>
        %ne3A_2167 = arith.cmpi ne, %sign3A_2158, %ne3A_2166 : vector<16xi32>
        %rem3A_2168 = vector.broadcast %jit3A_2147 : i32 to vector<16xi32>
        %rem3A_2169 = arith.remsi %add3A_2146, %rem3A_2168 : vector<16xi32>
        %ne3A_2170 = arith.constant 0 : i32
        %ne3A_2171 = vector.broadcast %ne3A_2170 : i32 to vector<16xi32>
        %ne3A_2172 = arith.cmpi ne, %rem3A_2169, %ne3A_2171 : vector<16xi32>
        %and3A_2173 = arith.andi %ne3A_2167, %ne3A_2172 : vector<16xi1>
        %sub3A_2174 = arith.constant 1 : i32
        %sub3A_2175 = vector.broadcast %sub3A_2174 : i32 to vector<16xi32>
        %sub3A_2176 = arith.subi %div3A_2149, %sub3A_2175 : vector<16xi32>
        %select_n3A_2177 = arith.select %and3A_2173, %sub3A_2176, %div3A_2149 : vector<16xi1>, vector<16xi32>
        %mul3A_2178 = arith.constant 200 : i32
        %mul3A_2179 = vector.broadcast %mul3A_2178 : i32 to vector<16xi32>
        %mul3A_2180 = arith.muli %select_n3A_2177, %mul3A_2179 : vector<16xi32>
        %sub3A_2181 = arith.subi %add3A_2146, %mul3A_2180 : vector<16xi32>
        %and3A_2182 = arith.constant 127 : i32
        %and3A_2183 = vector.broadcast %and3A_2182 : i32 to vector<16xi32>
        %and3A_2184 = arith.andi %select_n3A_2177, %and3A_2183 : vector<16xi32>
        %gather3A_2185 = tpu.vector_load_idx %arg5[%sub3A_2181, %and3A_2184] : memref<200x256xi32, #tpu.memory_space<vmem>>[vector<16xi32>, vector<16xi32>], vector<16xi32>,
        %add3A_2186 = arith.constant 128 : i32
        %add3A_2187 = vector.broadcast %add3A_2186 : i32 to vector<16xi32>
        %add3A_2188 = arith.addi %and3A_2184, %add3A_2187 : vector<16xi32>
        %gather3A_2189 = tpu.vector_load_idx %arg5[%sub3A_2181, %add3A_2188] : memref<200x256xi32, #tpu.memory_space<vmem>>[vector<16xi32>, vector<16xi32>], vector<16xi32>,
        %mul3A_2190 = arith.constant 96 : i32
        %mul3A_2191 = vector.broadcast %mul3A_2190 : i32 to vector<16xi32>
        %mul3A_2192 = arith.muli %gather3A_2185, %mul3A_2191 : vector<16xi32>
        %add3A_2193 = arith.addi %mul3A_2192, %gather3A_2189 : vector<16xi32>
        %swap3A_2194 = arith.constant 0 : i32
        %swap3A_2195 = arith.index_cast %swap3A_2194 : i32 to index
        %swap3A_2196 = arith.constant 32 : index
        %swap3A_2197 = tpu.vector_load %arg6[%swap3A_2195, %swap3A_2196] {strides = array<i32>} : memref<1x128xi32, #tpu.memory_space<vmem>>, vector<16xi32>,
        tpu.vector_store %arg6[%swap3A_2195, %swap3A_2196], %add3A_2193 {strides = array<i32>} : memref<1x128xi32, #tpu.memory_space<vmem>>, vector<16xi32>,
        %add3A_2198 = arith.constant 48 : i32
        %add3A_2199 = arith.addi %add3A_2032, %add3A_2198 : i32
        %add3A_2200 = vector.broadcast %add3A_2199 : i32 to vector<16xi32>
        %add3A_2201 = arith.addi %add3A_2200, %iota3A : vector<16xi32>
        %jit3A_2202 = arith.constant 200 : i32
        %div3A_2203 = vector.broadcast %jit3A_2202 : i32 to vector<16xi32>
        %div3A_2204 = arith.divsi %add3A_2201, %div3A_2203 : vector<16xi32>
        %sign3A_2205 = arith.constant 0 : i32
        %sign3A_2206 = vector.broadcast %sign3A_2205 : i32 to vector<16xi32>
        %sign3A_2207 = arith.cmpi sgt, %add3A_2201, %sign3A_2206 : vector<16xi32>
        %sign3A_2208 = arith.extui %sign3A_2207 : vector<16xi1> to vector<16xi32>
        %sign3A_2209 = arith.constant 0 : i32
        %sign3A_2210 = vector.broadcast %sign3A_2209 : i32 to vector<16xi32>
        %sign3A_2211 = arith.cmpi slt, %add3A_2201, %sign3A_2210 : vector<16xi32>
        %sign3A_2212 = arith.extui %sign3A_2211 : vector<16xi1> to vector<16xi32>
        %sign3A_2213 = arith.subi %sign3A_2208, %sign3A_2212 : vector<16xi32>
        %sign3A_2214 = arith.constant 0 : i32
        %sign3A_2215 = arith.cmpi sgt, %jit3A_2202, %sign3A_2214 : i32
        %sign3A_2216 = arith.extui %sign3A_2215 : i1 to i32
        %sign3A_2217 = arith.constant 0 : i32
        %sign3A_2218 = arith.cmpi slt, %jit3A_2202, %sign3A_2217 : i32
        %sign3A_2219 = arith.extui %sign3A_2218 : i1 to i32
        %sign3A_2220 = arith.subi %sign3A_2216, %sign3A_2219 : i32
        %ne3A_2221 = vector.broadcast %sign3A_2220 : i32 to vector<16xi32>
        %ne3A_2222 = arith.cmpi ne, %sign3A_2213, %ne3A_2221 : vector<16xi32>
        %rem3A_2223 = vector.broadcast %jit3A_2202 : i32 to vector<16xi32>
        %rem3A_2224 = arith.remsi %add3A_2201, %rem3A_2223 : vector<16xi32>
        %ne3A_2225 = arith.constant 0 : i32
        %ne3A_2226 = vector.broadcast %ne3A_2225 : i32 to vector<16xi32>
        %ne3A_2227 = arith.cmpi ne, %rem3A_2224, %ne3A_2226 : vector<16xi32>
        %and3A_2228 = arith.andi %ne3A_2222, %ne3A_2227 : vector<16xi1>
        %sub3A_2229 = arith.constant 1 : i32
        %sub3A_2230 = vector.broadcast %sub3A_2229 : i32 to vector<16xi32>
        %sub3A_2231 = arith.subi %div3A_2204, %sub3A_2230 : vector<16xi32>
        %select_n3A_2232 = arith.select %and3A_2228, %sub3A_2231, %div3A_2204 : vector<16xi1>, vector<16xi32>
        %mul3A_2233 = arith.constant 200 : i32
        %mul3A_2234 = vector.broadcast %mul3A_2233 : i32 to vector<16xi32>
        %mul3A_2235 = arith.muli %select_n3A_2232, %mul3A_2234 : vector<16xi32>
        %sub3A_2236 = arith.subi %add3A_2201, %mul3A_2235 : vector<16xi32>
        %and3A_2237 = arith.constant 127 : i32
        %and3A_2238 = vector.broadcast %and3A_2237 : i32 to vector<16xi32>
        %and3A_2239 = arith.andi %select_n3A_2232, %and3A_2238 : vector<16xi32>
        %gather3A_2240 = tpu.vector_load_idx %arg5[%sub3A_2236, %and3A_2239] : memref<200x256xi32, #tpu.memory_space<vmem>>[vector<16xi32>, vector<16xi32>], vector<16xi32>,
        %add3A_2241 = arith.constant 128 : i32
        %add3A_2242 = vector.broadcast %add3A_2241 : i32 to vector<16xi32>
        %add3A_2243 = arith.addi %and3A_2239, %add3A_2242 : vector<16xi32>
        %gather3A_2244 = tpu.vector_load_idx %arg5[%sub3A_2236, %add3A_2243] : memref<200x256xi32, #tpu.memory_space<vmem>>[vector<16xi32>, vector<16xi32>], vector<16xi32>,
        %mul3A_2245 = arith.constant 96 : i32
        %mul3A_2246 = vector.broadcast %mul3A_2245 : i32 to vector<16xi32>
        %mul3A_2247 = arith.muli %gather3A_2240, %mul3A_2246 : vector<16xi32>
        %add3A_2248 = arith.addi %mul3A_2247, %gather3A_2244 : vector<16xi32>
        %swap3A_2249 = arith.constant 0 : i32
        %swap3A_2250 = arith.index_cast %swap3A_2249 : i32 to index
        %swap3A_2251 = arith.constant 48 : index
        %swap3A_2252 = tpu.vector_load %arg6[%swap3A_2250, %swap3A_2251] {strides = array<i32>} : memref<1x128xi32, #tpu.memory_space<vmem>>, vector<16xi32>,
        tpu.vector_store %arg6[%swap3A_2250, %swap3A_2251], %add3A_2248 {strides = array<i32>} : memref<1x128xi32, #tpu.memory_space<vmem>>, vector<16xi32>,
        %mul3A_2253 = arith.constant 64 : i32
        %mul3A_2254 = arith.muli %add3A_1891, %mul3A_2253 : i32
        %add3A_2255 = arith.addi %mul3A_2, %mul3A_2254 : i32
        %dma_wait3A_2256 = arith.constant 0 : i32
        %dma_wait3A_2257 = tpu.memref_slice %arg4[%add3A_2255, %dma_wait3A_2256] : memref<3276800x128xf32, #tpu.memory_space<hbm>> -> memref<64x128xf32, #tpu.memory_space<hbm>>
        %dma_wait3A_2258 = arith.constant 0 : i32
        %dma_wait3A_2259 = tpu.memref_slice %arg4[%add3A_2255, %dma_wait3A_2258] : memref<3276800x128xf32, #tpu.memory_space<hbm>> -> memref<64x128xf32, #tpu.memory_space<hbm>>
        tpu.wait_dma2 semaphore(%arg30 : memref<!tpu.dma_semaphore, #tpu.memory_space<semaphore_mem>>) src(%arg14 : memref<64x128xf32, #tpu.memory_space<vmem>>) dst(%dma_wait3A_2259 : memref<64x128xf32, #tpu.memory_space<hbm>>)
        %dma_start3A_2260 = arith.constant 0 : i32
        %dma_start3A_2261 = arith.constant 0 : i32
        %dma_start3A_2262 = tpu.memref_slice %arg6[%dma_start3A_2260, %dma_start3A_2261] : memref<1x128xi32, #tpu.memory_space<vmem>> -> memref<1x64xi32, #tpu.memory_space<vmem>>
        %dma_start3A_2263 = tpu.memref_squeeze %dma_start3A_2262 : memref<1x64xi32, #tpu.memory_space<vmem>> -> memref<64xi32, #tpu.memory_space<vmem>>
        %dma_start3A_2264 = arith.constant 0 : i32
        %dma_start3A_2265 = arith.constant 0 : i32
        %dma_start3A_2266 = tpu.memref_slice %arg38[%dma_start3A_2264, %dma_start3A_2265] : memref<672x128xf32, #tpu.memory_space<vmem_shared>> -> memref<672x128xf32, #tpu.memory_space<vmem_shared>>
        tpu.enqueue_indirect_dma source(%dma_start3A_2266 : memref<672x128xf32, #tpu.memory_space<vmem_shared>>) target(%arg14 : memref<64x128xf32, #tpu.memory_space<vmem>>) offsets(%dma_start3A_2263 : memref<64xi32, #tpu.memory_space<vmem>>) semaphore(%arg22 : memref<!tpu.dma_semaphore, #tpu.memory_space<semaphore_mem>>)
      } else {
      }
      %mul3A_1897 = arith.constant 8 : i32
      %mul3A_1898 = arith.muli %mul3A_1897, %scan3A_1881 : i32
      %add3A_1899 = arith.constant 1 : i32
      %add3A_1900 = arith.addi %mul3A_1898, %add3A_1899 : i32
      %lt3A_1901 = arith.constant 1600 : i32
      %lt3A_1902 = arith.cmpi slt, %add3A_1900, %lt3A_1901 : i32
      %convert_element_type3A_1903 = arith.extui %lt3A_1902 : i1 to i32
      %cond3A_1904 = arith.constant 0 : i32
      %cond3A_1905 = arith.cmpi ne, %convert_element_type3A_1903, %cond3A_1904 : i32
      scf.if %cond3A_1905 {
        %dma_wait3A_2009 = arith.constant 0 : i32
        %dma_wait3A_2010 = arith.constant 0 : i32
        %dma_wait3A_2011 = tpu.memref_slice %arg7[%dma_wait3A_2009, %dma_wait3A_2010] : memref<1x128xi32, #tpu.memory_space<vmem>> -> memref<1x64xi32, #tpu.memory_space<vmem>>
        %dma_wait3A_2012 = tpu.memref_squeeze %dma_wait3A_2011 : memref<1x64xi32, #tpu.memory_space<vmem>> -> memref<64xi32, #tpu.memory_space<vmem>>
        %dma_wait3A_2013 = arith.constant 0 : i32
        %dma_wait3A_2014 = arith.constant 0 : i32
        %dma_wait3A_2015 = tpu.memref_slice %arg38[%dma_wait3A_2013, %dma_wait3A_2014] : memref<672x128xf32, #tpu.memory_space<vmem_shared>> -> memref<672x128xf32, #tpu.memory_space<vmem_shared>>
        tpu.wait_indirect_dma semaphore(%arg23 : memref<!tpu.dma_semaphore, #tpu.memory_space<semaphore_mem>>) src(%dma_wait3A_2015 : memref<672x128xf32, #tpu.memory_space<vmem_shared>>) dst(%arg15 : memref<64x128xf32, #tpu.memory_space<vmem>>)
        %mul3A_2016 = arith.constant 64 : i32
        %mul3A_2017 = arith.muli %add3A_1900, %mul3A_2016 : i32
        %add3A_2018 = arith.addi %mul3A_2, %mul3A_2017 : i32
        %dma_start3A_2019 = arith.constant 0 : i32
        %dma_start3A_2020 = tpu.memref_slice %arg4[%add3A_2018, %dma_start3A_2019] : memref<3276800x128xf32, #tpu.memory_space<hbm>> -> memref<64x128xf32, #tpu.memory_space<hbm>>
        %dma_start3A_2021 = arith.constant 0 : i32
        %dma_start3A_2022 = tpu.memref_slice %arg4[%add3A_2018, %dma_start3A_2021] : memref<3276800x128xf32, #tpu.memory_space<hbm>> -> memref<64x128xf32, #tpu.memory_space<hbm>>
        tpu.enqueue_dma source(%arg15 : memref<64x128xf32, #tpu.memory_space<vmem>>) target(%dma_start3A_2022 : memref<64x128xf32, #tpu.memory_space<hbm>>) target_semaphore(%arg31 : memref<!tpu.dma_semaphore, #tpu.memory_space<semaphore_mem>>)
      } else {
      }
      %add3A_1906 = arith.constant 8 : i32
      %add3A_1907 = arith.addi %add3A_1900, %add3A_1906 : i32
      %lt3A_1908 = arith.constant 1600 : i32
      %lt3A_1909 = arith.cmpi slt, %add3A_1907, %lt3A_1908 : i32
      %convert_element_type3A_1910 = arith.extui %lt3A_1909 : i1 to i32
      %cond3A_1911 = arith.constant 0 : i32
      %cond3A_1912 = arith.cmpi ne, %convert_element_type3A_1910, %cond3A_1911 : i32
      scf.if %cond3A_1912 {
        %jit3A_2009 = arith.constant 400 : i32
        %eq3A_2010 = arith.constant 0 : i32
        %eq3A_2011 = arith.cmpi eq, %jit3A_2009, %eq3A_2010 : i32
        %jit3A_2012 = arith.constant 1 : i32
        %select_n3A_2013 = arith.select %eq3A_2011, %jit3A_2012, %jit3A_2009 : i32
        %rem3A_2014 = arith.remsi %add3A_1907, %select_n3A_2013 : i32
        %ne3A_2015 = arith.constant 0 : i32
        %ne3A_2016 = arith.cmpi ne, %rem3A_2014, %ne3A_2015 : i32
        %lt3A_2017 = arith.constant 0 : i32
        %lt3A_2018 = arith.cmpi slt, %rem3A_2014, %lt3A_2017 : i32
        %lt3A_2019 = arith.constant 0 : i32
        %lt3A_2020 = arith.cmpi slt, %select_n3A_2013, %lt3A_2019 : i32
        %ne3A_2021 = arith.xori %lt3A_2018, %lt3A_2020 : i1
        %and3A_2022 = arith.andi %ne3A_2021, %ne3A_2016 : i1
        %add3A_2023 = arith.addi %rem3A_2014, %select_n3A_2013 : i32
        %select_n3A_2024 = arith.select %and3A_2022, %add3A_2023, %rem3A_2014 : i32
        %eq3A_2025 = arith.constant 0 : i32
        %eq3A_2026 = arith.cmpi eq, %select_n3A_2024, %eq3A_2025 : i32
        %convert_element_type3A_2027 = arith.extui %eq3A_2026 : i1 to i32
        %cond3A_2028 = arith.constant 0 : i32
        %cond3A_2029 = arith.cmpi ne, %convert_element_type3A_2027, %cond3A_2028 : i32
        scf.if %cond3A_2029 {
          %mul3A_2267 = arith.constant 4 : i32
          %mul3A_2268 = arith.muli %add3A, %mul3A_2267 : i32
          %jit3A_2269 = arith.constant 400 : i32
          %div3A_2270 = arith.divsi %add3A_1907, %jit3A_2269 : i32
          %sign3A_2271 = arith.constant 0 : i32
          %sign3A_2272 = arith.cmpi sgt, %add3A_1907, %sign3A_2271 : i32
          %sign3A_2273 = arith.extui %sign3A_2272 : i1 to i32
          %sign3A_2274 = arith.constant 0 : i32
          %sign3A_2275 = arith.cmpi slt, %add3A_1907, %sign3A_2274 : i32
          %sign3A_2276 = arith.extui %sign3A_2275 : i1 to i32
          %sign3A_2277 = arith.subi %sign3A_2273, %sign3A_2276 : i32
          %sign3A_2278 = arith.constant 0 : i32
          %sign3A_2279 = arith.cmpi sgt, %jit3A_2269, %sign3A_2278 : i32
          %sign3A_2280 = arith.extui %sign3A_2279 : i1 to i32
          %sign3A_2281 = arith.constant 0 : i32
          %sign3A_2282 = arith.cmpi slt, %jit3A_2269, %sign3A_2281 : i32
          %sign3A_2283 = arith.extui %sign3A_2282 : i1 to i32
          %sign3A_2284 = arith.subi %sign3A_2280, %sign3A_2283 : i32
          %ne3A_2285 = arith.cmpi ne, %sign3A_2277, %sign3A_2284 : i32
          %rem3A_2286 = arith.remsi %add3A_1907, %jit3A_2269 : i32
          %ne3A_2287 = arith.constant 0 : i32
          %ne3A_2288 = arith.cmpi ne, %rem3A_2286, %ne3A_2287 : i32
          %and3A_2289 = arith.andi %ne3A_2285, %ne3A_2288 : i1
          %sub3A_2290 = arith.constant 1 : i32
          %sub3A_2291 = arith.subi %div3A_2270, %sub3A_2290 : i32
          %select_n3A_2292 = arith.select %and3A_2289, %sub3A_2291, %div3A_2270 : i32
          %add3A_2293 = arith.addi %mul3A_2268, %select_n3A_2292 : i32
          "tpu.region"() ({
            %run_scoped3A = tpu.sem_alloc : memref<!tpu.dma_semaphore, #tpu.memory_space<semaphore_mem>>
            %dma_start3A_2294 = arith.constant 0 : i32
            %dma_start3A_2295 = arith.constant 0 : i32
            %dma_start3A_2296 = tpu.memref_slice %arg2[%dma_start3A_2294, %add3A_2293, %dma_start3A_2295] : memref<200x128x256xi32, #tpu.memory_space<hbm>> -> memref<200x1x256xi32, #tpu.memory_space<hbm>>
            %dma_start3A_2297 = tpu.memref_squeeze %dma_start3A_2296 : memref<200x1x256xi32, #tpu.memory_space<hbm>> -> memref<200x256xi32, #tpu.memory_space<hbm>>
            %dma_start3A_2298 = arith.constant 0 : i32
            %dma_start3A_2299 = arith.constant 0 : i32
            %dma_start3A_2300 = tpu.memref_slice %arg2[%dma_start3A_2298, %add3A_2293, %dma_start3A_2299] : memref<200x128x256xi32, #tpu.memory_space<hbm>> -> memref<200x1x256xi32, #tpu.memory_space<hbm>>
            %dma_start3A_2301 = tpu.memref_squeeze %dma_start3A_2300 : memref<200x1x256xi32, #tpu.memory_space<hbm>> -> memref<200x256xi32, #tpu.memory_space<hbm>>
            tpu.enqueue_dma source(%dma_start3A_2301 : memref<200x256xi32, #tpu.memory_space<hbm>>) target(%arg5 : memref<200x256xi32, #tpu.memory_space<vmem>>) target_semaphore(%run_scoped3A : memref<!tpu.dma_semaphore, #tpu.memory_space<semaphore_mem>>)
            %dma_wait3A_2302 = arith.constant 0 : i32
            %dma_wait3A_2303 = arith.constant 0 : i32
            %dma_wait3A_2304 = tpu.memref_slice %arg2[%dma_wait3A_2302, %add3A_2293, %dma_wait3A_2303] : memref<200x128x256xi32, #tpu.memory_space<hbm>> -> memref<200x1x256xi32, #tpu.memory_space<hbm>>
            %dma_wait3A_2305 = tpu.memref_squeeze %dma_wait3A_2304 : memref<200x1x256xi32, #tpu.memory_space<hbm>> -> memref<200x256xi32, #tpu.memory_space<hbm>>
            %dma_wait3A_2306 = arith.constant 0 : i32
            %dma_wait3A_2307 = arith.constant 0 : i32
            %dma_wait3A_2308 = tpu.memref_slice %arg2[%dma_wait3A_2306, %add3A_2293, %dma_wait3A_2307] : memref<200x128x256xi32, #tpu.memory_space<hbm>> -> memref<200x1x256xi32, #tpu.memory_space<hbm>>
            %dma_wait3A_2309 = tpu.memref_squeeze %dma_wait3A_2308 : memref<200x1x256xi32, #tpu.memory_space<hbm>> -> memref<200x256xi32, #tpu.memory_space<hbm>>
            tpu.wait_dma2 semaphore(%run_scoped3A : memref<!tpu.dma_semaphore, #tpu.memory_space<semaphore_mem>>) src(%dma_wait3A_2309 : memref<200x256xi32, #tpu.memory_space<hbm>>) dst(%arg5 : memref<200x256xi32, #tpu.memory_space<vmem>>)
            tpu.yield
          }) : () -> ()
        } else {
        }
        %mul3A_2030 = arith.constant 64 : i32
        %mul3A_2031 = arith.muli %add3A_1907, %mul3A_2030 : i32
        %add3A_2032 = arith.addi %mul3A_2, %mul3A_2031 : i32
        %add3A_2033 = arith.constant 0 : i32
        %add3A_2034 = arith.addi %add3A_2032, %add3A_2033 : i32
        %add3A_2035 = vector.broadcast %add3A_2034 : i32 to vector<16xi32>
        %add3A_2036 = arith.addi %add3A_2035, %iota3A : vector<16xi32>
        %jit3A_2037 = arith.constant 200 : i32
        %div3A_2038 = vector.broadcast %jit3A_2037 : i32 to vector<16xi32>
        %div3A_2039 = arith.divsi %add3A_2036, %div3A_2038 : vector<16xi32>
        %sign3A_2040 = arith.constant 0 : i32
        %sign3A_2041 = vector.broadcast %sign3A_2040 : i32 to vector<16xi32>
        %sign3A_2042 = arith.cmpi sgt, %add3A_2036, %sign3A_2041 : vector<16xi32>
        %sign3A_2043 = arith.extui %sign3A_2042 : vector<16xi1> to vector<16xi32>
        %sign3A_2044 = arith.constant 0 : i32
        %sign3A_2045 = vector.broadcast %sign3A_2044 : i32 to vector<16xi32>
        %sign3A_2046 = arith.cmpi slt, %add3A_2036, %sign3A_2045 : vector<16xi32>
        %sign3A_2047 = arith.extui %sign3A_2046 : vector<16xi1> to vector<16xi32>
        %sign3A_2048 = arith.subi %sign3A_2043, %sign3A_2047 : vector<16xi32>
        %sign3A_2049 = arith.constant 0 : i32
        %sign3A_2050 = arith.cmpi sgt, %jit3A_2037, %sign3A_2049 : i32
        %sign3A_2051 = arith.extui %sign3A_2050 : i1 to i32
        %sign3A_2052 = arith.constant 0 : i32
        %sign3A_2053 = arith.cmpi slt, %jit3A_2037, %sign3A_2052 : i32
        %sign3A_2054 = arith.extui %sign3A_2053 : i1 to i32
        %sign3A_2055 = arith.subi %sign3A_2051, %sign3A_2054 : i32
        %ne3A_2056 = vector.broadcast %sign3A_2055 : i32 to vector<16xi32>
        %ne3A_2057 = arith.cmpi ne, %sign3A_2048, %ne3A_2056 : vector<16xi32>
        %rem3A_2058 = vector.broadcast %jit3A_2037 : i32 to vector<16xi32>
        %rem3A_2059 = arith.remsi %add3A_2036, %rem3A_2058 : vector<16xi32>
        %ne3A_2060 = arith.constant 0 : i32
        %ne3A_2061 = vector.broadcast %ne3A_2060 : i32 to vector<16xi32>
        %ne3A_2062 = arith.cmpi ne, %rem3A_2059, %ne3A_2061 : vector<16xi32>
        %and3A_2063 = arith.andi %ne3A_2057, %ne3A_2062 : vector<16xi1>
        %sub3A_2064 = arith.constant 1 : i32
        %sub3A_2065 = vector.broadcast %sub3A_2064 : i32 to vector<16xi32>
        %sub3A_2066 = arith.subi %div3A_2039, %sub3A_2065 : vector<16xi32>
        %select_n3A_2067 = arith.select %and3A_2063, %sub3A_2066, %div3A_2039 : vector<16xi1>, vector<16xi32>
        %mul3A_2068 = arith.constant 200 : i32
        %mul3A_2069 = vector.broadcast %mul3A_2068 : i32 to vector<16xi32>
        %mul3A_2070 = arith.muli %select_n3A_2067, %mul3A_2069 : vector<16xi32>
        %sub3A_2071 = arith.subi %add3A_2036, %mul3A_2070 : vector<16xi32>
        %and3A_2072 = arith.constant 127 : i32
        %and3A_2073 = vector.broadcast %and3A_2072 : i32 to vector<16xi32>
        %and3A_2074 = arith.andi %select_n3A_2067, %and3A_2073 : vector<16xi32>
        %gather3A_2075 = tpu.vector_load_idx %arg5[%sub3A_2071, %and3A_2074] : memref<200x256xi32, #tpu.memory_space<vmem>>[vector<16xi32>, vector<16xi32>], vector<16xi32>,
        %add3A_2076 = arith.constant 128 : i32
        %add3A_2077 = vector.broadcast %add3A_2076 : i32 to vector<16xi32>
        %add3A_2078 = arith.addi %and3A_2074, %add3A_2077 : vector<16xi32>
        %gather3A_2079 = tpu.vector_load_idx %arg5[%sub3A_2071, %add3A_2078] : memref<200x256xi32, #tpu.memory_space<vmem>>[vector<16xi32>, vector<16xi32>], vector<16xi32>,
        %mul3A_2080 = arith.constant 96 : i32
        %mul3A_2081 = vector.broadcast %mul3A_2080 : i32 to vector<16xi32>
        %mul3A_2082 = arith.muli %gather3A_2075, %mul3A_2081 : vector<16xi32>
        %add3A_2083 = arith.addi %mul3A_2082, %gather3A_2079 : vector<16xi32>
        %swap3A_2084 = arith.constant 0 : i32
        %swap3A_2085 = arith.index_cast %swap3A_2084 : i32 to index
        %swap3A_2086 = arith.constant 0 : index
        %swap3A_2087 = tpu.vector_load %arg7[%swap3A_2085, %swap3A_2086] {strides = array<i32>} : memref<1x128xi32, #tpu.memory_space<vmem>>, vector<16xi32>,
        tpu.vector_store %arg7[%swap3A_2085, %swap3A_2086], %add3A_2083 {strides = array<i32>} : memref<1x128xi32, #tpu.memory_space<vmem>>, vector<16xi32>,
        %add3A_2088 = arith.constant 16 : i32
        %add3A_2089 = arith.addi %add3A_2032, %add3A_2088 : i32
        %add3A_2090 = vector.broadcast %add3A_2089 : i32 to vector<16xi32>
        %add3A_2091 = arith.addi %add3A_2090, %iota3A : vector<16xi32>
        %jit3A_2092 = arith.constant 200 : i32
        %div3A_2093 = vector.broadcast %jit3A_2092 : i32 to vector<16xi32>
        %div3A_2094 = arith.divsi %add3A_2091, %div3A_2093 : vector<16xi32>
        %sign3A_2095 = arith.constant 0 : i32
        %sign3A_2096 = vector.broadcast %sign3A_2095 : i32 to vector<16xi32>
        %sign3A_2097 = arith.cmpi sgt, %add3A_2091, %sign3A_2096 : vector<16xi32>
        %sign3A_2098 = arith.extui %sign3A_2097 : vector<16xi1> to vector<16xi32>
        %sign3A_2099 = arith.constant 0 : i32
        %sign3A_2100 = vector.broadcast %sign3A_2099 : i32 to vector<16xi32>
        %sign3A_2101 = arith.cmpi slt, %add3A_2091, %sign3A_2100 : vector<16xi32>
        %sign3A_2102 = arith.extui %sign3A_2101 : vector<16xi1> to vector<16xi32>
        %sign3A_2103 = arith.subi %sign3A_2098, %sign3A_2102 : vector<16xi32>
        %sign3A_2104 = arith.constant 0 : i32
        %sign3A_2105 = arith.cmpi sgt, %jit3A_2092, %sign3A_2104 : i32
        %sign3A_2106 = arith.extui %sign3A_2105 : i1 to i32
        %sign3A_2107 = arith.constant 0 : i32
        %sign3A_2108 = arith.cmpi slt, %jit3A_2092, %sign3A_2107 : i32
        %sign3A_2109 = arith.extui %sign3A_2108 : i1 to i32
        %sign3A_2110 = arith.subi %sign3A_2106, %sign3A_2109 : i32
        %ne3A_2111 = vector.broadcast %sign3A_2110 : i32 to vector<16xi32>
        %ne3A_2112 = arith.cmpi ne, %sign3A_2103, %ne3A_2111 : vector<16xi32>
        %rem3A_2113 = vector.broadcast %jit3A_2092 : i32 to vector<16xi32>
        %rem3A_2114 = arith.remsi %add3A_2091, %rem3A_2113 : vector<16xi32>
        %ne3A_2115 = arith.constant 0 : i32
        %ne3A_2116 = vector.broadcast %ne3A_2115 : i32 to vector<16xi32>
        %ne3A_2117 = arith.cmpi ne, %rem3A_2114, %ne3A_2116 : vector<16xi32>
        %and3A_2118 = arith.andi %ne3A_2112, %ne3A_2117 : vector<16xi1>
        %sub3A_2119 = arith.constant 1 : i32
        %sub3A_2120 = vector.broadcast %sub3A_2119 : i32 to vector<16xi32>
        %sub3A_2121 = arith.subi %div3A_2094, %sub3A_2120 : vector<16xi32>
        %select_n3A_2122 = arith.select %and3A_2118, %sub3A_2121, %div3A_2094 : vector<16xi1>, vector<16xi32>
        %mul3A_2123 = arith.constant 200 : i32
        %mul3A_2124 = vector.broadcast %mul3A_2123 : i32 to vector<16xi32>
        %mul3A_2125 = arith.muli %select_n3A_2122, %mul3A_2124 : vector<16xi32>
        %sub3A_2126 = arith.subi %add3A_2091, %mul3A_2125 : vector<16xi32>
        %and3A_2127 = arith.constant 127 : i32
        %and3A_2128 = vector.broadcast %and3A_2127 : i32 to vector<16xi32>
        %and3A_2129 = arith.andi %select_n3A_2122, %and3A_2128 : vector<16xi32>
        %gather3A_2130 = tpu.vector_load_idx %arg5[%sub3A_2126, %and3A_2129] : memref<200x256xi32, #tpu.memory_space<vmem>>[vector<16xi32>, vector<16xi32>], vector<16xi32>,
        %add3A_2131 = arith.constant 128 : i32
        %add3A_2132 = vector.broadcast %add3A_2131 : i32 to vector<16xi32>
        %add3A_2133 = arith.addi %and3A_2129, %add3A_2132 : vector<16xi32>
        %gather3A_2134 = tpu.vector_load_idx %arg5[%sub3A_2126, %add3A_2133] : memref<200x256xi32, #tpu.memory_space<vmem>>[vector<16xi32>, vector<16xi32>], vector<16xi32>,
        %mul3A_2135 = arith.constant 96 : i32
        %mul3A_2136 = vector.broadcast %mul3A_2135 : i32 to vector<16xi32>
        %mul3A_2137 = arith.muli %gather3A_2130, %mul3A_2136 : vector<16xi32>
        %add3A_2138 = arith.addi %mul3A_2137, %gather3A_2134 : vector<16xi32>
        %swap3A_2139 = arith.constant 0 : i32
        %swap3A_2140 = arith.index_cast %swap3A_2139 : i32 to index
        %swap3A_2141 = arith.constant 16 : index
        %swap3A_2142 = tpu.vector_load %arg7[%swap3A_2140, %swap3A_2141] {strides = array<i32>} : memref<1x128xi32, #tpu.memory_space<vmem>>, vector<16xi32>,
        tpu.vector_store %arg7[%swap3A_2140, %swap3A_2141], %add3A_2138 {strides = array<i32>} : memref<1x128xi32, #tpu.memory_space<vmem>>, vector<16xi32>,
        %add3A_2143 = arith.constant 32 : i32
        %add3A_2144 = arith.addi %add3A_2032, %add3A_2143 : i32
        %add3A_2145 = vector.broadcast %add3A_2144 : i32 to vector<16xi32>
        %add3A_2146 = arith.addi %add3A_2145, %iota3A : vector<16xi32>
        %jit3A_2147 = arith.constant 200 : i32
        %div3A_2148 = vector.broadcast %jit3A_2147 : i32 to vector<16xi32>
        %div3A_2149 = arith.divsi %add3A_2146, %div3A_2148 : vector<16xi32>
        %sign3A_2150 = arith.constant 0 : i32
        %sign3A_2151 = vector.broadcast %sign3A_2150 : i32 to vector<16xi32>
        %sign3A_2152 = arith.cmpi sgt, %add3A_2146, %sign3A_2151 : vector<16xi32>
        %sign3A_2153 = arith.extui %sign3A_2152 : vector<16xi1> to vector<16xi32>
        %sign3A_2154 = arith.constant 0 : i32
        %sign3A_2155 = vector.broadcast %sign3A_2154 : i32 to vector<16xi32>
        %sign3A_2156 = arith.cmpi slt, %add3A_2146, %sign3A_2155 : vector<16xi32>
        %sign3A_2157 = arith.extui %sign3A_2156 : vector<16xi1> to vector<16xi32>
        %sign3A_2158 = arith.subi %sign3A_2153, %sign3A_2157 : vector<16xi32>
        %sign3A_2159 = arith.constant 0 : i32
        %sign3A_2160 = arith.cmpi sgt, %jit3A_2147, %sign3A_2159 : i32
        %sign3A_2161 = arith.extui %sign3A_2160 : i1 to i32
        %sign3A_2162 = arith.constant 0 : i32
        %sign3A_2163 = arith.cmpi slt, %jit3A_2147, %sign3A_2162 : i32
        %sign3A_2164 = arith.extui %sign3A_2163 : i1 to i32
        %sign3A_2165 = arith.subi %sign3A_2161, %sign3A_2164 : i32
        %ne3A_2166 = vector.broadcast %sign3A_2165 : i32 to vector<16xi32>
        %ne3A_2167 = arith.cmpi ne, %sign3A_2158, %ne3A_2166 : vector<16xi32>
        %rem3A_2168 = vector.broadcast %jit3A_2147 : i32 to vector<16xi32>
        %rem3A_2169 = arith.remsi %add3A_2146, %rem3A_2168 : vector<16xi32>
        %ne3A_2170 = arith.constant 0 : i32
        %ne3A_2171 = vector.broadcast %ne3A_2170 : i32 to vector<16xi32>
        %ne3A_2172 = arith.cmpi ne, %rem3A_2169, %ne3A_2171 : vector<16xi32>
        %and3A_2173 = arith.andi %ne3A_2167, %ne3A_2172 : vector<16xi1>
        %sub3A_2174 = arith.constant 1 : i32
        %sub3A_2175 = vector.broadcast %sub3A_2174 : i32 to vector<16xi32>
        %sub3A_2176 = arith.subi %div3A_2149, %sub3A_2175 : vector<16xi32>
        %select_n3A_2177 = arith.select %and3A_2173, %sub3A_2176, %div3A_2149 : vector<16xi1>, vector<16xi32>
        %mul3A_2178 = arith.constant 200 : i32
        %mul3A_2179 = vector.broadcast %mul3A_2178 : i32 to vector<16xi32>
        %mul3A_2180 = arith.muli %select_n3A_2177, %mul3A_2179 : vector<16xi32>
        %sub3A_2181 = arith.subi %add3A_2146, %mul3A_2180 : vector<16xi32>
        %and3A_2182 = arith.constant 127 : i32
        %and3A_2183 = vector.broadcast %and3A_2182 : i32 to vector<16xi32>
        %and3A_2184 = arith.andi %select_n3A_2177, %and3A_2183 : vector<16xi32>
        %gather3A_2185 = tpu.vector_load_idx %arg5[%sub3A_2181, %and3A_2184] : memref<200x256xi32, #tpu.memory_space<vmem>>[vector<16xi32>, vector<16xi32>], vector<16xi32>,
        %add3A_2186 = arith.constant 128 : i32
        %add3A_2187 = vector.broadcast %add3A_2186 : i32 to vector<16xi32>
        %add3A_2188 = arith.addi %and3A_2184, %add3A_2187 : vector<16xi32>
        %gather3A_2189 = tpu.vector_load_idx %arg5[%sub3A_2181, %add3A_2188] : memref<200x256xi32, #tpu.memory_space<vmem>>[vector<16xi32>, vector<16xi32>], vector<16xi32>,
        %mul3A_2190 = arith.constant 96 : i32
        %mul3A_2191 = vector.broadcast %mul3A_2190 : i32 to vector<16xi32>
        %mul3A_2192 = arith.muli %gather3A_2185, %mul3A_2191 : vector<16xi32>
        %add3A_2193 = arith.addi %mul3A_2192, %gather3A_2189 : vector<16xi32>
        %swap3A_2194 = arith.constant 0 : i32
        %swap3A_2195 = arith.index_cast %swap3A_2194 : i32 to index
        %swap3A_2196 = arith.constant 32 : index
        %swap3A_2197 = tpu.vector_load %arg7[%swap3A_2195, %swap3A_2196] {strides = array<i32>} : memref<1x128xi32, #tpu.memory_space<vmem>>, vector<16xi32>,
        tpu.vector_store %arg7[%swap3A_2195, %swap3A_2196], %add3A_2193 {strides = array<i32>} : memref<1x128xi32, #tpu.memory_space<vmem>>, vector<16xi32>,
        %add3A_2198 = arith.constant 48 : i32
        %add3A_2199 = arith.addi %add3A_2032, %add3A_2198 : i32
        %add3A_2200 = vector.broadcast %add3A_2199 : i32 to vector<16xi32>
        %add3A_2201 = arith.addi %add3A_2200, %iota3A : vector<16xi32>
        %jit3A_2202 = arith.constant 200 : i32
        %div3A_2203 = vector.broadcast %jit3A_2202 : i32 to vector<16xi32>
        %div3A_2204 = arith.divsi %add3A_2201, %div3A_2203 : vector<16xi32>
        %sign3A_2205 = arith.constant 0 : i32
        %sign3A_2206 = vector.broadcast %sign3A_2205 : i32 to vector<16xi32>
        %sign3A_2207 = arith.cmpi sgt, %add3A_2201, %sign3A_2206 : vector<16xi32>
        %sign3A_2208 = arith.extui %sign3A_2207 : vector<16xi1> to vector<16xi32>
        %sign3A_2209 = arith.constant 0 : i32
        %sign3A_2210 = vector.broadcast %sign3A_2209 : i32 to vector<16xi32>
        %sign3A_2211 = arith.cmpi slt, %add3A_2201, %sign3A_2210 : vector<16xi32>
        %sign3A_2212 = arith.extui %sign3A_2211 : vector<16xi1> to vector<16xi32>
        %sign3A_2213 = arith.subi %sign3A_2208, %sign3A_2212 : vector<16xi32>
        %sign3A_2214 = arith.constant 0 : i32
        %sign3A_2215 = arith.cmpi sgt, %jit3A_2202, %sign3A_2214 : i32
        %sign3A_2216 = arith.extui %sign3A_2215 : i1 to i32
        %sign3A_2217 = arith.constant 0 : i32
        %sign3A_2218 = arith.cmpi slt, %jit3A_2202, %sign3A_2217 : i32
        %sign3A_2219 = arith.extui %sign3A_2218 : i1 to i32
        %sign3A_2220 = arith.subi %sign3A_2216, %sign3A_2219 : i32
        %ne3A_2221 = vector.broadcast %sign3A_2220 : i32 to vector<16xi32>
        %ne3A_2222 = arith.cmpi ne, %sign3A_2213, %ne3A_2221 : vector<16xi32>
        %rem3A_2223 = vector.broadcast %jit3A_2202 : i32 to vector<16xi32>
        %rem3A_2224 = arith.remsi %add3A_2201, %rem3A_2223 : vector<16xi32>
        %ne3A_2225 = arith.constant 0 : i32
        %ne3A_2226 = vector.broadcast %ne3A_2225 : i32 to vector<16xi32>
        %ne3A_2227 = arith.cmpi ne, %rem3A_2224, %ne3A_2226 : vector<16xi32>
        %and3A_2228 = arith.andi %ne3A_2222, %ne3A_2227 : vector<16xi1>
        %sub3A_2229 = arith.constant 1 : i32
        %sub3A_2230 = vector.broadcast %sub3A_2229 : i32 to vector<16xi32>
        %sub3A_2231 = arith.subi %div3A_2204, %sub3A_2230 : vector<16xi32>
        %select_n3A_2232 = arith.select %and3A_2228, %sub3A_2231, %div3A_2204 : vector<16xi1>, vector<16xi32>
        %mul3A_2233 = arith.constant 200 : i32
        %mul3A_2234 = vector.broadcast %mul3A_2233 : i32 to vector<16xi32>
        %mul3A_2235 = arith.muli %select_n3A_2232, %mul3A_2234 : vector<16xi32>
        %sub3A_2236 = arith.subi %add3A_2201, %mul3A_2235 : vector<16xi32>
        %and3A_2237 = arith.constant 127 : i32
        %and3A_2238 = vector.broadcast %and3A_2237 : i32 to vector<16xi32>
        %and3A_2239 = arith.andi %select_n3A_2232, %and3A_2238 : vector<16xi32>
        %gather3A_2240 = tpu.vector_load_idx %arg5[%sub3A_2236, %and3A_2239] : memref<200x256xi32, #tpu.memory_space<vmem>>[vector<16xi32>, vector<16xi32>], vector<16xi32>,
        %add3A_2241 = arith.constant 128 : i32
        %add3A_2242 = vector.broadcast %add3A_2241 : i32 to vector<16xi32>
        %add3A_2243 = arith.addi %and3A_2239, %add3A_2242 : vector<16xi32>
        %gather3A_2244 = tpu.vector_load_idx %arg5[%sub3A_2236, %add3A_2243] : memref<200x256xi32, #tpu.memory_space<vmem>>[vector<16xi32>, vector<16xi32>], vector<16xi32>,
        %mul3A_2245 = arith.constant 96 : i32
        %mul3A_2246 = vector.broadcast %mul3A_2245 : i32 to vector<16xi32>
        %mul3A_2247 = arith.muli %gather3A_2240, %mul3A_2246 : vector<16xi32>
        %add3A_2248 = arith.addi %mul3A_2247, %gather3A_2244 : vector<16xi32>
        %swap3A_2249 = arith.constant 0 : i32
        %swap3A_2250 = arith.index_cast %swap3A_2249 : i32 to index
        %swap3A_2251 = arith.constant 48 : index
        %swap3A_2252 = tpu.vector_load %arg7[%swap3A_2250, %swap3A_2251] {strides = array<i32>} : memref<1x128xi32, #tpu.memory_space<vmem>>, vector<16xi32>,
        tpu.vector_store %arg7[%swap3A_2250, %swap3A_2251], %add3A_2248 {strides = array<i32>} : memref<1x128xi32, #tpu.memory_space<vmem>>, vector<16xi32>,
        %mul3A_2253 = arith.constant 64 : i32
        %mul3A_2254 = arith.muli %add3A_1907, %mul3A_2253 : i32
        %add3A_2255 = arith.addi %mul3A_2, %mul3A_2254 : i32
        %dma_wait3A_2256 = arith.constant 0 : i32
        %dma_wait3A_2257 = tpu.memref_slice %arg4[%add3A_2255, %dma_wait3A_2256] : memref<3276800x128xf32, #tpu.memory_space<hbm>> -> memref<64x128xf32, #tpu.memory_space<hbm>>
        %dma_wait3A_2258 = arith.constant 0 : i32
        %dma_wait3A_2259 = tpu.memref_slice %arg4[%add3A_2255, %dma_wait3A_2258] : memref<3276800x128xf32, #tpu.memory_space<hbm>> -> memref<64x128xf32, #tpu.memory_space<hbm>>
        tpu.wait_dma2 semaphore(%arg31 : memref<!tpu.dma_semaphore, #tpu.memory_space<semaphore_mem>>) src(%arg15 : memref<64x128xf32, #tpu.memory_space<vmem>>) dst(%dma_wait3A_2259 : memref<64x128xf32, #tpu.memory_space<hbm>>)
        %dma_start3A_2260 = arith.constant 0 : i32
        %dma_start3A_2261 = arith.constant 0 : i32
        %dma_start3A_2262 = tpu.memref_slice %arg7[%dma_start3A_2260, %dma_start3A_2261] : memref<1x128xi32, #tpu.memory_space<vmem>> -> memref<1x64xi32, #tpu.memory_space<vmem>>
        %dma_start3A_2263 = tpu.memref_squeeze %dma_start3A_2262 : memref<1x64xi32, #tpu.memory_space<vmem>> -> memref<64xi32, #tpu.memory_space<vmem>>
        %dma_start3A_2264 = arith.constant 0 : i32
        %dma_start3A_2265 = arith.constant 0 : i32
        %dma_start3A_2266 = tpu.memref_slice %arg38[%dma_start3A_2264, %dma_start3A_2265] : memref<672x128xf32, #tpu.memory_space<vmem_shared>> -> memref<672x128xf32, #tpu.memory_space<vmem_shared>>
        tpu.enqueue_indirect_dma source(%dma_start3A_2266 : memref<672x128xf32, #tpu.memory_space<vmem_shared>>) target(%arg15 : memref<64x128xf32, #tpu.memory_space<vmem>>) offsets(%dma_start3A_2263 : memref<64xi32, #tpu.memory_space<vmem>>) semaphore(%arg23 : memref<!tpu.dma_semaphore, #tpu.memory_space<semaphore_mem>>)
      } else {
      }
      %mul3A_1913 = arith.constant 8 : i32
      %mul3A_1914 = arith.muli %mul3A_1913, %scan3A_1881 : i32
      %add3A_1915 = arith.constant 2 : i32
      %add3A_1916 = arith.addi %mul3A_1914, %add3A_1915 : i32
      %lt3A_1917 = arith.constant 1600 : i32
      %lt3A_1918 = arith.cmpi slt, %add3A_1916, %lt3A_1917 : i32
      %convert_element_type3A_1919 = arith.extui %lt3A_1918 : i1 to i32
      %cond3A_1920 = arith.constant 0 : i32
      %cond3A_1921 = arith.cmpi ne, %convert_element_type3A_1919, %cond3A_1920 : i32
      scf.if %cond3A_1921 {
        %dma_wait3A_2009 = arith.constant 0 : i32
        %dma_wait3A_2010 = arith.constant 0 : i32
        %dma_wait3A_2011 = tpu.memref_slice %arg8[%dma_wait3A_2009, %dma_wait3A_2010] : memref<1x128xi32, #tpu.memory_space<vmem>> -> memref<1x64xi32, #tpu.memory_space<vmem>>
        %dma_wait3A_2012 = tpu.memref_squeeze %dma_wait3A_2011 : memref<1x64xi32, #tpu.memory_space<vmem>> -> memref<64xi32, #tpu.memory_space<vmem>>
        %dma_wait3A_2013 = arith.constant 0 : i32
        %dma_wait3A_2014 = arith.constant 0 : i32
        %dma_wait3A_2015 = tpu.memref_slice %arg38[%dma_wait3A_2013, %dma_wait3A_2014] : memref<672x128xf32, #tpu.memory_space<vmem_shared>> -> memref<672x128xf32, #tpu.memory_space<vmem_shared>>
        tpu.wait_indirect_dma semaphore(%arg24 : memref<!tpu.dma_semaphore, #tpu.memory_space<semaphore_mem>>) src(%dma_wait3A_2015 : memref<672x128xf32, #tpu.memory_space<vmem_shared>>) dst(%arg16 : memref<64x128xf32, #tpu.memory_space<vmem>>)
        %mul3A_2016 = arith.constant 64 : i32
        %mul3A_2017 = arith.muli %add3A_1916, %mul3A_2016 : i32
        %add3A_2018 = arith.addi %mul3A_2, %mul3A_2017 : i32
        %dma_start3A_2019 = arith.constant 0 : i32
        %dma_start3A_2020 = tpu.memref_slice %arg4[%add3A_2018, %dma_start3A_2019] : memref<3276800x128xf32, #tpu.memory_space<hbm>> -> memref<64x128xf32, #tpu.memory_space<hbm>>
        %dma_start3A_2021 = arith.constant 0 : i32
        %dma_start3A_2022 = tpu.memref_slice %arg4[%add3A_2018, %dma_start3A_2021] : memref<3276800x128xf32, #tpu.memory_space<hbm>> -> memref<64x128xf32, #tpu.memory_space<hbm>>
        tpu.enqueue_dma source(%arg16 : memref<64x128xf32, #tpu.memory_space<vmem>>) target(%dma_start3A_2022 : memref<64x128xf32, #tpu.memory_space<hbm>>) target_semaphore(%arg32 : memref<!tpu.dma_semaphore, #tpu.memory_space<semaphore_mem>>)
      } else {
      }
      %add3A_1922 = arith.constant 8 : i32
      %add3A_1923 = arith.addi %add3A_1916, %add3A_1922 : i32
      %lt3A_1924 = arith.constant 1600 : i32
      %lt3A_1925 = arith.cmpi slt, %add3A_1923, %lt3A_1924 : i32
      %convert_element_type3A_1926 = arith.extui %lt3A_1925 : i1 to i32
      %cond3A_1927 = arith.constant 0 : i32
      %cond3A_1928 = arith.cmpi ne, %convert_element_type3A_1926, %cond3A_1927 : i32
      scf.if %cond3A_1928 {
        %jit3A_2009 = arith.constant 400 : i32
        %eq3A_2010 = arith.constant 0 : i32
        %eq3A_2011 = arith.cmpi eq, %jit3A_2009, %eq3A_2010 : i32
        %jit3A_2012 = arith.constant 1 : i32
        %select_n3A_2013 = arith.select %eq3A_2011, %jit3A_2012, %jit3A_2009 : i32
        %rem3A_2014 = arith.remsi %add3A_1923, %select_n3A_2013 : i32
        %ne3A_2015 = arith.constant 0 : i32
        %ne3A_2016 = arith.cmpi ne, %rem3A_2014, %ne3A_2015 : i32
        %lt3A_2017 = arith.constant 0 : i32
        %lt3A_2018 = arith.cmpi slt, %rem3A_2014, %lt3A_2017 : i32
        %lt3A_2019 = arith.constant 0 : i32
        %lt3A_2020 = arith.cmpi slt, %select_n3A_2013, %lt3A_2019 : i32
        %ne3A_2021 = arith.xori %lt3A_2018, %lt3A_2020 : i1
        %and3A_2022 = arith.andi %ne3A_2021, %ne3A_2016 : i1
        %add3A_2023 = arith.addi %rem3A_2014, %select_n3A_2013 : i32
        %select_n3A_2024 = arith.select %and3A_2022, %add3A_2023, %rem3A_2014 : i32
        %eq3A_2025 = arith.constant 0 : i32
        %eq3A_2026 = arith.cmpi eq, %select_n3A_2024, %eq3A_2025 : i32
        %convert_element_type3A_2027 = arith.extui %eq3A_2026 : i1 to i32
        %cond3A_2028 = arith.constant 0 : i32
        %cond3A_2029 = arith.cmpi ne, %convert_element_type3A_2027, %cond3A_2028 : i32
        scf.if %cond3A_2029 {
          %mul3A_2267 = arith.constant 4 : i32
          %mul3A_2268 = arith.muli %add3A, %mul3A_2267 : i32
          %jit3A_2269 = arith.constant 400 : i32
          %div3A_2270 = arith.divsi %add3A_1923, %jit3A_2269 : i32
          %sign3A_2271 = arith.constant 0 : i32
          %sign3A_2272 = arith.cmpi sgt, %add3A_1923, %sign3A_2271 : i32
          %sign3A_2273 = arith.extui %sign3A_2272 : i1 to i32
          %sign3A_2274 = arith.constant 0 : i32
          %sign3A_2275 = arith.cmpi slt, %add3A_1923, %sign3A_2274 : i32
          %sign3A_2276 = arith.extui %sign3A_2275 : i1 to i32
          %sign3A_2277 = arith.subi %sign3A_2273, %sign3A_2276 : i32
          %sign3A_2278 = arith.constant 0 : i32
          %sign3A_2279 = arith.cmpi sgt, %jit3A_2269, %sign3A_2278 : i32
          %sign3A_2280 = arith.extui %sign3A_2279 : i1 to i32
          %sign3A_2281 = arith.constant 0 : i32
          %sign3A_2282 = arith.cmpi slt, %jit3A_2269, %sign3A_2281 : i32
          %sign3A_2283 = arith.extui %sign3A_2282 : i1 to i32
          %sign3A_2284 = arith.subi %sign3A_2280, %sign3A_2283 : i32
          %ne3A_2285 = arith.cmpi ne, %sign3A_2277, %sign3A_2284 : i32
          %rem3A_2286 = arith.remsi %add3A_1923, %jit3A_2269 : i32
          %ne3A_2287 = arith.constant 0 : i32
          %ne3A_2288 = arith.cmpi ne, %rem3A_2286, %ne3A_2287 : i32
          %and3A_2289 = arith.andi %ne3A_2285, %ne3A_2288 : i1
          %sub3A_2290 = arith.constant 1 : i32
          %sub3A_2291 = arith.subi %div3A_2270, %sub3A_2290 : i32
          %select_n3A_2292 = arith.select %and3A_2289, %sub3A_2291, %div3A_2270 : i32
          %add3A_2293 = arith.addi %mul3A_2268, %select_n3A_2292 : i32
          "tpu.region"() ({
            %run_scoped3A = tpu.sem_alloc : memref<!tpu.dma_semaphore, #tpu.memory_space<semaphore_mem>>
            %dma_start3A_2294 = arith.constant 0 : i32
            %dma_start3A_2295 = arith.constant 0 : i32
            %dma_start3A_2296 = tpu.memref_slice %arg2[%dma_start3A_2294, %add3A_2293, %dma_start3A_2295] : memref<200x128x256xi32, #tpu.memory_space<hbm>> -> memref<200x1x256xi32, #tpu.memory_space<hbm>>
            %dma_start3A_2297 = tpu.memref_squeeze %dma_start3A_2296 : memref<200x1x256xi32, #tpu.memory_space<hbm>> -> memref<200x256xi32, #tpu.memory_space<hbm>>
            %dma_start3A_2298 = arith.constant 0 : i32
            %dma_start3A_2299 = arith.constant 0 : i32
            %dma_start3A_2300 = tpu.memref_slice %arg2[%dma_start3A_2298, %add3A_2293, %dma_start3A_2299] : memref<200x128x256xi32, #tpu.memory_space<hbm>> -> memref<200x1x256xi32, #tpu.memory_space<hbm>>
            %dma_start3A_2301 = tpu.memref_squeeze %dma_start3A_2300 : memref<200x1x256xi32, #tpu.memory_space<hbm>> -> memref<200x256xi32, #tpu.memory_space<hbm>>
            tpu.enqueue_dma source(%dma_start3A_2301 : memref<200x256xi32, #tpu.memory_space<hbm>>) target(%arg5 : memref<200x256xi32, #tpu.memory_space<vmem>>) target_semaphore(%run_scoped3A : memref<!tpu.dma_semaphore, #tpu.memory_space<semaphore_mem>>)
            %dma_wait3A_2302 = arith.constant 0 : i32
            %dma_wait3A_2303 = arith.constant 0 : i32
            %dma_wait3A_2304 = tpu.memref_slice %arg2[%dma_wait3A_2302, %add3A_2293, %dma_wait3A_2303] : memref<200x128x256xi32, #tpu.memory_space<hbm>> -> memref<200x1x256xi32, #tpu.memory_space<hbm>>
            %dma_wait3A_2305 = tpu.memref_squeeze %dma_wait3A_2304 : memref<200x1x256xi32, #tpu.memory_space<hbm>> -> memref<200x256xi32, #tpu.memory_space<hbm>>
            %dma_wait3A_2306 = arith.constant 0 : i32
            %dma_wait3A_2307 = arith.constant 0 : i32
            %dma_wait3A_2308 = tpu.memref_slice %arg2[%dma_wait3A_2306, %add3A_2293, %dma_wait3A_2307] : memref<200x128x256xi32, #tpu.memory_space<hbm>> -> memref<200x1x256xi32, #tpu.memory_space<hbm>>
            %dma_wait3A_2309 = tpu.memref_squeeze %dma_wait3A_2308 : memref<200x1x256xi32, #tpu.memory_space<hbm>> -> memref<200x256xi32, #tpu.memory_space<hbm>>
            tpu.wait_dma2 semaphore(%run_scoped3A : memref<!tpu.dma_semaphore, #tpu.memory_space<semaphore_mem>>) src(%dma_wait3A_2309 : memref<200x256xi32, #tpu.memory_space<hbm>>) dst(%arg5 : memref<200x256xi32, #tpu.memory_space<vmem>>)
            tpu.yield
          }) : () -> ()
        } else {
        }
        %mul3A_2030 = arith.constant 64 : i32
        %mul3A_2031 = arith.muli %add3A_1923, %mul3A_2030 : i32
        %add3A_2032 = arith.addi %mul3A_2, %mul3A_2031 : i32
        %add3A_2033 = arith.constant 0 : i32
        %add3A_2034 = arith.addi %add3A_2032, %add3A_2033 : i32
        %add3A_2035 = vector.broadcast %add3A_2034 : i32 to vector<16xi32>
        %add3A_2036 = arith.addi %add3A_2035, %iota3A : vector<16xi32>
        %jit3A_2037 = arith.constant 200 : i32
        %div3A_2038 = vector.broadcast %jit3A_2037 : i32 to vector<16xi32>
        %div3A_2039 = arith.divsi %add3A_2036, %div3A_2038 : vector<16xi32>
        %sign3A_2040 = arith.constant 0 : i32
        %sign3A_2041 = vector.broadcast %sign3A_2040 : i32 to vector<16xi32>
        %sign3A_2042 = arith.cmpi sgt, %add3A_2036, %sign3A_2041 : vector<16xi32>
        %sign3A_2043 = arith.extui %sign3A_2042 : vector<16xi1> to vector<16xi32>
        %sign3A_2044 = arith.constant 0 : i32
        %sign3A_2045 = vector.broadcast %sign3A_2044 : i32 to vector<16xi32>
        %sign3A_2046 = arith.cmpi slt, %add3A_2036, %sign3A_2045 : vector<16xi32>
        %sign3A_2047 = arith.extui %sign3A_2046 : vector<16xi1> to vector<16xi32>
        %sign3A_2048 = arith.subi %sign3A_2043, %sign3A_2047 : vector<16xi32>
        %sign3A_2049 = arith.constant 0 : i32
        %sign3A_2050 = arith.cmpi sgt, %jit3A_2037, %sign3A_2049 : i32
        %sign3A_2051 = arith.extui %sign3A_2050 : i1 to i32
        %sign3A_2052 = arith.constant 0 : i32
        %sign3A_2053 = arith.cmpi slt, %jit3A_2037, %sign3A_2052 : i32
        %sign3A_2054 = arith.extui %sign3A_2053 : i1 to i32
        %sign3A_2055 = arith.subi %sign3A_2051, %sign3A_2054 : i32
        %ne3A_2056 = vector.broadcast %sign3A_2055 : i32 to vector<16xi32>
        %ne3A_2057 = arith.cmpi ne, %sign3A_2048, %ne3A_2056 : vector<16xi32>
        %rem3A_2058 = vector.broadcast %jit3A_2037 : i32 to vector<16xi32>
        %rem3A_2059 = arith.remsi %add3A_2036, %rem3A_2058 : vector<16xi32>
        %ne3A_2060 = arith.constant 0 : i32
        %ne3A_2061 = vector.broadcast %ne3A_2060 : i32 to vector<16xi32>
        %ne3A_2062 = arith.cmpi ne, %rem3A_2059, %ne3A_2061 : vector<16xi32>
        %and3A_2063 = arith.andi %ne3A_2057, %ne3A_2062 : vector<16xi1>
        %sub3A_2064 = arith.constant 1 : i32
        %sub3A_2065 = vector.broadcast %sub3A_2064 : i32 to vector<16xi32>
        %sub3A_2066 = arith.subi %div3A_2039, %sub3A_2065 : vector<16xi32>
        %select_n3A_2067 = arith.select %and3A_2063, %sub3A_2066, %div3A_2039 : vector<16xi1>, vector<16xi32>
        %mul3A_2068 = arith.constant 200 : i32
        %mul3A_2069 = vector.broadcast %mul3A_2068 : i32 to vector<16xi32>
        %mul3A_2070 = arith.muli %select_n3A_2067, %mul3A_2069 : vector<16xi32>
        %sub3A_2071 = arith.subi %add3A_2036, %mul3A_2070 : vector<16xi32>
        %and3A_2072 = arith.constant 127 : i32
        %and3A_2073 = vector.broadcast %and3A_2072 : i32 to vector<16xi32>
        %and3A_2074 = arith.andi %select_n3A_2067, %and3A_2073 : vector<16xi32>
        %gather3A_2075 = tpu.vector_load_idx %arg5[%sub3A_2071, %and3A_2074] : memref<200x256xi32, #tpu.memory_space<vmem>>[vector<16xi32>, vector<16xi32>], vector<16xi32>,
        %add3A_2076 = arith.constant 128 : i32
        %add3A_2077 = vector.broadcast %add3A_2076 : i32 to vector<16xi32>
        %add3A_2078 = arith.addi %and3A_2074, %add3A_2077 : vector<16xi32>
        %gather3A_2079 = tpu.vector_load_idx %arg5[%sub3A_2071, %add3A_2078] : memref<200x256xi32, #tpu.memory_space<vmem>>[vector<16xi32>, vector<16xi32>], vector<16xi32>,
        %mul3A_2080 = arith.constant 96 : i32
        %mul3A_2081 = vector.broadcast %mul3A_2080 : i32 to vector<16xi32>
        %mul3A_2082 = arith.muli %gather3A_2075, %mul3A_2081 : vector<16xi32>
        %add3A_2083 = arith.addi %mul3A_2082, %gather3A_2079 : vector<16xi32>
        %swap3A_2084 = arith.constant 0 : i32
        %swap3A_2085 = arith.index_cast %swap3A_2084 : i32 to index
        %swap3A_2086 = arith.constant 0 : index
        %swap3A_2087 = tpu.vector_load %arg8[%swap3A_2085, %swap3A_2086] {strides = array<i32>} : memref<1x128xi32, #tpu.memory_space<vmem>>, vector<16xi32>,
        tpu.vector_store %arg8[%swap3A_2085, %swap3A_2086], %add3A_2083 {strides = array<i32>} : memref<1x128xi32, #tpu.memory_space<vmem>>, vector<16xi32>,
        %add3A_2088 = arith.constant 16 : i32
        %add3A_2089 = arith.addi %add3A_2032, %add3A_2088 : i32
        %add3A_2090 = vector.broadcast %add3A_2089 : i32 to vector<16xi32>
        %add3A_2091 = arith.addi %add3A_2090, %iota3A : vector<16xi32>
        %jit3A_2092 = arith.constant 200 : i32
        %div3A_2093 = vector.broadcast %jit3A_2092 : i32 to vector<16xi32>
        %div3A_2094 = arith.divsi %add3A_2091, %div3A_2093 : vector<16xi32>
        %sign3A_2095 = arith.constant 0 : i32
        %sign3A_2096 = vector.broadcast %sign3A_2095 : i32 to vector<16xi32>
        %sign3A_2097 = arith.cmpi sgt, %add3A_2091, %sign3A_2096 : vector<16xi32>
        %sign3A_2098 = arith.extui %sign3A_2097 : vector<16xi1> to vector<16xi32>
        %sign3A_2099 = arith.constant 0 : i32
        %sign3A_2100 = vector.broadcast %sign3A_2099 : i32 to vector<16xi32>
        %sign3A_2101 = arith.cmpi slt, %add3A_2091, %sign3A_2100 : vector<16xi32>
        %sign3A_2102 = arith.extui %sign3A_2101 : vector<16xi1> to vector<16xi32>
        %sign3A_2103 = arith.subi %sign3A_2098, %sign3A_2102 : vector<16xi32>
        %sign3A_2104 = arith.constant 0 : i32
        %sign3A_2105 = arith.cmpi sgt, %jit3A_2092, %sign3A_2104 : i32
        %sign3A_2106 = arith.extui %sign3A_2105 : i1 to i32
        %sign3A_2107 = arith.constant 0 : i32
        %sign3A_2108 = arith.cmpi slt, %jit3A_2092, %sign3A_2107 : i32
        %sign3A_2109 = arith.extui %sign3A_2108 : i1 to i32
        %sign3A_2110 = arith.subi %sign3A_2106, %sign3A_2109 : i32
        %ne3A_2111 = vector.broadcast %sign3A_2110 : i32 to vector<16xi32>
        %ne3A_2112 = arith.cmpi ne, %sign3A_2103, %ne3A_2111 : vector<16xi32>
        %rem3A_2113 = vector.broadcast %jit3A_2092 : i32 to vector<16xi32>
        %rem3A_2114 = arith.remsi %add3A_2091, %rem3A_2113 : vector<16xi32>
        %ne3A_2115 = arith.constant 0 : i32
        %ne3A_2116 = vector.broadcast %ne3A_2115 : i32 to vector<16xi32>
        %ne3A_2117 = arith.cmpi ne, %rem3A_2114, %ne3A_2116 : vector<16xi32>
        %and3A_2118 = arith.andi %ne3A_2112, %ne3A_2117 : vector<16xi1>
        %sub3A_2119 = arith.constant 1 : i32
        %sub3A_2120 = vector.broadcast %sub3A_2119 : i32 to vector<16xi32>
        %sub3A_2121 = arith.subi %div3A_2094, %sub3A_2120 : vector<16xi32>
        %select_n3A_2122 = arith.select %and3A_2118, %sub3A_2121, %div3A_2094 : vector<16xi1>, vector<16xi32>
        %mul3A_2123 = arith.constant 200 : i32
        %mul3A_2124 = vector.broadcast %mul3A_2123 : i32 to vector<16xi32>
        %mul3A_2125 = arith.muli %select_n3A_2122, %mul3A_2124 : vector<16xi32>
        %sub3A_2126 = arith.subi %add3A_2091, %mul3A_2125 : vector<16xi32>
        %and3A_2127 = arith.constant 127 : i32
        %and3A_2128 = vector.broadcast %and3A_2127 : i32 to vector<16xi32>
        %and3A_2129 = arith.andi %select_n3A_2122, %and3A_2128 : vector<16xi32>
        %gather3A_2130 = tpu.vector_load_idx %arg5[%sub3A_2126, %and3A_2129] : memref<200x256xi32, #tpu.memory_space<vmem>>[vector<16xi32>, vector<16xi32>], vector<16xi32>,
        %add3A_2131 = arith.constant 128 : i32
        %add3A_2132 = vector.broadcast %add3A_2131 : i32 to vector<16xi32>
        %add3A_2133 = arith.addi %and3A_2129, %add3A_2132 : vector<16xi32>
        %gather3A_2134 = tpu.vector_load_idx %arg5[%sub3A_2126, %add3A_2133] : memref<200x256xi32, #tpu.memory_space<vmem>>[vector<16xi32>, vector<16xi32>], vector<16xi32>,
        %mul3A_2135 = arith.constant 96 : i32
        %mul3A_2136 = vector.broadcast %mul3A_2135 : i32 to vector<16xi32>
        %mul3A_2137 = arith.muli %gather3A_2130, %mul3A_2136 : vector<16xi32>
        %add3A_2138 = arith.addi %mul3A_2137, %gather3A_2134 : vector<16xi32>
        %swap3A_2139 = arith.constant 0 : i32
        %swap3A_2140 = arith.index_cast %swap3A_2139 : i32 to index
        %swap3A_2141 = arith.constant 16 : index
        %swap3A_2142 = tpu.vector_load %arg8[%swap3A_2140, %swap3A_2141] {strides = array<i32>} : memref<1x128xi32, #tpu.memory_space<vmem>>, vector<16xi32>,
        tpu.vector_store %arg8[%swap3A_2140, %swap3A_2141], %add3A_2138 {strides = array<i32>} : memref<1x128xi32, #tpu.memory_space<vmem>>, vector<16xi32>,
        %add3A_2143 = arith.constant 32 : i32
        %add3A_2144 = arith.addi %add3A_2032, %add3A_2143 : i32
        %add3A_2145 = vector.broadcast %add3A_2144 : i32 to vector<16xi32>
        %add3A_2146 = arith.addi %add3A_2145, %iota3A : vector<16xi32>
        %jit3A_2147 = arith.constant 200 : i32
        %div3A_2148 = vector.broadcast %jit3A_2147 : i32 to vector<16xi32>
        %div3A_2149 = arith.divsi %add3A_2146, %div3A_2148 : vector<16xi32>
        %sign3A_2150 = arith.constant 0 : i32
        %sign3A_2151 = vector.broadcast %sign3A_2150 : i32 to vector<16xi32>
        %sign3A_2152 = arith.cmpi sgt, %add3A_2146, %sign3A_2151 : vector<16xi32>
        %sign3A_2153 = arith.extui %sign3A_2152 : vector<16xi1> to vector<16xi32>
        %sign3A_2154 = arith.constant 0 : i32
        %sign3A_2155 = vector.broadcast %sign3A_2154 : i32 to vector<16xi32>
        %sign3A_2156 = arith.cmpi slt, %add3A_2146, %sign3A_2155 : vector<16xi32>
        %sign3A_2157 = arith.extui %sign3A_2156 : vector<16xi1> to vector<16xi32>
        %sign3A_2158 = arith.subi %sign3A_2153, %sign3A_2157 : vector<16xi32>
        %sign3A_2159 = arith.constant 0 : i32
        %sign3A_2160 = arith.cmpi sgt, %jit3A_2147, %sign3A_2159 : i32
        %sign3A_2161 = arith.extui %sign3A_2160 : i1 to i32
        %sign3A_2162 = arith.constant 0 : i32
        %sign3A_2163 = arith.cmpi slt, %jit3A_2147, %sign3A_2162 : i32
        %sign3A_2164 = arith.extui %sign3A_2163 : i1 to i32
        %sign3A_2165 = arith.subi %sign3A_2161, %sign3A_2164 : i32
        %ne3A_2166 = vector.broadcast %sign3A_2165 : i32 to vector<16xi32>
        %ne3A_2167 = arith.cmpi ne, %sign3A_2158, %ne3A_2166 : vector<16xi32>
        %rem3A_2168 = vector.broadcast %jit3A_2147 : i32 to vector<16xi32>
        %rem3A_2169 = arith.remsi %add3A_2146, %rem3A_2168 : vector<16xi32>
        %ne3A_2170 = arith.constant 0 : i32
        %ne3A_2171 = vector.broadcast %ne3A_2170 : i32 to vector<16xi32>
        %ne3A_2172 = arith.cmpi ne, %rem3A_2169, %ne3A_2171 : vector<16xi32>
        %and3A_2173 = arith.andi %ne3A_2167, %ne3A_2172 : vector<16xi1>
        %sub3A_2174 = arith.constant 1 : i32
        %sub3A_2175 = vector.broadcast %sub3A_2174 : i32 to vector<16xi32>
        %sub3A_2176 = arith.subi %div3A_2149, %sub3A_2175 : vector<16xi32>
        %select_n3A_2177 = arith.select %and3A_2173, %sub3A_2176, %div3A_2149 : vector<16xi1>, vector<16xi32>
        %mul3A_2178 = arith.constant 200 : i32
        %mul3A_2179 = vector.broadcast %mul3A_2178 : i32 to vector<16xi32>
        %mul3A_2180 = arith.muli %select_n3A_2177, %mul3A_2179 : vector<16xi32>
        %sub3A_2181 = arith.subi %add3A_2146, %mul3A_2180 : vector<16xi32>
        %and3A_2182 = arith.constant 127 : i32
        %and3A_2183 = vector.broadcast %and3A_2182 : i32 to vector<16xi32>
        %and3A_2184 = arith.andi %select_n3A_2177, %and3A_2183 : vector<16xi32>
        %gather3A_2185 = tpu.vector_load_idx %arg5[%sub3A_2181, %and3A_2184] : memref<200x256xi32, #tpu.memory_space<vmem>>[vector<16xi32>, vector<16xi32>], vector<16xi32>,
        %add3A_2186 = arith.constant 128 : i32
        %add3A_2187 = vector.broadcast %add3A_2186 : i32 to vector<16xi32>
        %add3A_2188 = arith.addi %and3A_2184, %add3A_2187 : vector<16xi32>
        %gather3A_2189 = tpu.vector_load_idx %arg5[%sub3A_2181, %add3A_2188] : memref<200x256xi32, #tpu.memory_space<vmem>>[vector<16xi32>, vector<16xi32>], vector<16xi32>,
        %mul3A_2190 = arith.constant 96 : i32
        %mul3A_2191 = vector.broadcast %mul3A_2190 : i32 to vector<16xi32>
        %mul3A_2192 = arith.muli %gather3A_2185, %mul3A_2191 : vector<16xi32>
        %add3A_2193 = arith.addi %mul3A_2192, %gather3A_2189 : vector<16xi32>
        %swap3A_2194 = arith.constant 0 : i32
        %swap3A_2195 = arith.index_cast %swap3A_2194 : i32 to index
        %swap3A_2196 = arith.constant 32 : index
        %swap3A_2197 = tpu.vector_load %arg8[%swap3A_2195, %swap3A_2196] {strides = array<i32>} : memref<1x128xi32, #tpu.memory_space<vmem>>, vector<16xi32>,
        tpu.vector_store %arg8[%swap3A_2195, %swap3A_2196], %add3A_2193 {strides = array<i32>} : memref<1x128xi32, #tpu.memory_space<vmem>>, vector<16xi32>,
        %add3A_2198 = arith.constant 48 : i32
        %add3A_2199 = arith.addi %add3A_2032, %add3A_2198 : i32
        %add3A_2200 = vector.broadcast %add3A_2199 : i32 to vector<16xi32>
        %add3A_2201 = arith.addi %add3A_2200, %iota3A : vector<16xi32>
        %jit3A_2202 = arith.constant 200 : i32
        %div3A_2203 = vector.broadcast %jit3A_2202 : i32 to vector<16xi32>
        %div3A_2204 = arith.divsi %add3A_2201, %div3A_2203 : vector<16xi32>
        %sign3A_2205 = arith.constant 0 : i32
        %sign3A_2206 = vector.broadcast %sign3A_2205 : i32 to vector<16xi32>
        %sign3A_2207 = arith.cmpi sgt, %add3A_2201, %sign3A_2206 : vector<16xi32>
        %sign3A_2208 = arith.extui %sign3A_2207 : vector<16xi1> to vector<16xi32>
        %sign3A_2209 = arith.constant 0 : i32
        %sign3A_2210 = vector.broadcast %sign3A_2209 : i32 to vector<16xi32>
        %sign3A_2211 = arith.cmpi slt, %add3A_2201, %sign3A_2210 : vector<16xi32>
        %sign3A_2212 = arith.extui %sign3A_2211 : vector<16xi1> to vector<16xi32>
        %sign3A_2213 = arith.subi %sign3A_2208, %sign3A_2212 : vector<16xi32>
        %sign3A_2214 = arith.constant 0 : i32
        %sign3A_2215 = arith.cmpi sgt, %jit3A_2202, %sign3A_2214 : i32
        %sign3A_2216 = arith.extui %sign3A_2215 : i1 to i32
        %sign3A_2217 = arith.constant 0 : i32
        %sign3A_2218 = arith.cmpi slt, %jit3A_2202, %sign3A_2217 : i32
        %sign3A_2219 = arith.extui %sign3A_2218 : i1 to i32
        %sign3A_2220 = arith.subi %sign3A_2216, %sign3A_2219 : i32
        %ne3A_2221 = vector.broadcast %sign3A_2220 : i32 to vector<16xi32>
        %ne3A_2222 = arith.cmpi ne, %sign3A_2213, %ne3A_2221 : vector<16xi32>
        %rem3A_2223 = vector.broadcast %jit3A_2202 : i32 to vector<16xi32>
        %rem3A_2224 = arith.remsi %add3A_2201, %rem3A_2223 : vector<16xi32>
        %ne3A_2225 = arith.constant 0 : i32
        %ne3A_2226 = vector.broadcast %ne3A_2225 : i32 to vector<16xi32>
        %ne3A_2227 = arith.cmpi ne, %rem3A_2224, %ne3A_2226 : vector<16xi32>
        %and3A_2228 = arith.andi %ne3A_2222, %ne3A_2227 : vector<16xi1>
        %sub3A_2229 = arith.constant 1 : i32
        %sub3A_2230 = vector.broadcast %sub3A_2229 : i32 to vector<16xi32>
        %sub3A_2231 = arith.subi %div3A_2204, %sub3A_2230 : vector<16xi32>
        %select_n3A_2232 = arith.select %and3A_2228, %sub3A_2231, %div3A_2204 : vector<16xi1>, vector<16xi32>
        %mul3A_2233 = arith.constant 200 : i32
        %mul3A_2234 = vector.broadcast %mul3A_2233 : i32 to vector<16xi32>
        %mul3A_2235 = arith.muli %select_n3A_2232, %mul3A_2234 : vector<16xi32>
        %sub3A_2236 = arith.subi %add3A_2201, %mul3A_2235 : vector<16xi32>
        %and3A_2237 = arith.constant 127 : i32
        %and3A_2238 = vector.broadcast %and3A_2237 : i32 to vector<16xi32>
        %and3A_2239 = arith.andi %select_n3A_2232, %and3A_2238 : vector<16xi32>
        %gather3A_2240 = tpu.vector_load_idx %arg5[%sub3A_2236, %and3A_2239] : memref<200x256xi32, #tpu.memory_space<vmem>>[vector<16xi32>, vector<16xi32>], vector<16xi32>,
        %add3A_2241 = arith.constant 128 : i32
        %add3A_2242 = vector.broadcast %add3A_2241 : i32 to vector<16xi32>
        %add3A_2243 = arith.addi %and3A_2239, %add3A_2242 : vector<16xi32>
        %gather3A_2244 = tpu.vector_load_idx %arg5[%sub3A_2236, %add3A_2243] : memref<200x256xi32, #tpu.memory_space<vmem>>[vector<16xi32>, vector<16xi32>], vector<16xi32>,
        %mul3A_2245 = arith.constant 96 : i32
        %mul3A_2246 = vector.broadcast %mul3A_2245 : i32 to vector<16xi32>
        %mul3A_2247 = arith.muli %gather3A_2240, %mul3A_2246 : vector<16xi32>
        %add3A_2248 = arith.addi %mul3A_2247, %gather3A_2244 : vector<16xi32>
        %swap3A_2249 = arith.constant 0 : i32
        %swap3A_2250 = arith.index_cast %swap3A_2249 : i32 to index
        %swap3A_2251 = arith.constant 48 : index
        %swap3A_2252 = tpu.vector_load %arg8[%swap3A_2250, %swap3A_2251] {strides = array<i32>} : memref<1x128xi32, #tpu.memory_space<vmem>>, vector<16xi32>,
        tpu.vector_store %arg8[%swap3A_2250, %swap3A_2251], %add3A_2248 {strides = array<i32>} : memref<1x128xi32, #tpu.memory_space<vmem>>, vector<16xi32>,
        %mul3A_2253 = arith.constant 64 : i32
        %mul3A_2254 = arith.muli %add3A_1923, %mul3A_2253 : i32
        %add3A_2255 = arith.addi %mul3A_2, %mul3A_2254 : i32
        %dma_wait3A_2256 = arith.constant 0 : i32
        %dma_wait3A_2257 = tpu.memref_slice %arg4[%add3A_2255, %dma_wait3A_2256] : memref<3276800x128xf32, #tpu.memory_space<hbm>> -> memref<64x128xf32, #tpu.memory_space<hbm>>
        %dma_wait3A_2258 = arith.constant 0 : i32
        %dma_wait3A_2259 = tpu.memref_slice %arg4[%add3A_2255, %dma_wait3A_2258] : memref<3276800x128xf32, #tpu.memory_space<hbm>> -> memref<64x128xf32, #tpu.memory_space<hbm>>
        tpu.wait_dma2 semaphore(%arg32 : memref<!tpu.dma_semaphore, #tpu.memory_space<semaphore_mem>>) src(%arg16 : memref<64x128xf32, #tpu.memory_space<vmem>>) dst(%dma_wait3A_2259 : memref<64x128xf32, #tpu.memory_space<hbm>>)
        %dma_start3A_2260 = arith.constant 0 : i32
        %dma_start3A_2261 = arith.constant 0 : i32
        %dma_start3A_2262 = tpu.memref_slice %arg8[%dma_start3A_2260, %dma_start3A_2261] : memref<1x128xi32, #tpu.memory_space<vmem>> -> memref<1x64xi32, #tpu.memory_space<vmem>>
        %dma_start3A_2263 = tpu.memref_squeeze %dma_start3A_2262 : memref<1x64xi32, #tpu.memory_space<vmem>> -> memref<64xi32, #tpu.memory_space<vmem>>
        %dma_start3A_2264 = arith.constant 0 : i32
        %dma_start3A_2265 = arith.constant 0 : i32
        %dma_start3A_2266 = tpu.memref_slice %arg38[%dma_start3A_2264, %dma_start3A_2265] : memref<672x128xf32, #tpu.memory_space<vmem_shared>> -> memref<672x128xf32, #tpu.memory_space<vmem_shared>>
        tpu.enqueue_indirect_dma source(%dma_start3A_2266 : memref<672x128xf32, #tpu.memory_space<vmem_shared>>) target(%arg16 : memref<64x128xf32, #tpu.memory_space<vmem>>) offsets(%dma_start3A_2263 : memref<64xi32, #tpu.memory_space<vmem>>) semaphore(%arg24 : memref<!tpu.dma_semaphore, #tpu.memory_space<semaphore_mem>>)
      } else {
      }
      %mul3A_1929 = arith.constant 8 : i32
      %mul3A_1930 = arith.muli %mul3A_1929, %scan3A_1881 : i32
      %add3A_1931 = arith.constant 3 : i32
      %add3A_1932 = arith.addi %mul3A_1930, %add3A_1931 : i32
      %lt3A_1933 = arith.constant 1600 : i32
      %lt3A_1934 = arith.cmpi slt, %add3A_1932, %lt3A_1933 : i32
      %convert_element_type3A_1935 = arith.extui %lt3A_1934 : i1 to i32
      %cond3A_1936 = arith.constant 0 : i32
      %cond3A_1937 = arith.cmpi ne, %convert_element_type3A_1935, %cond3A_1936 : i32
      scf.if %cond3A_1937 {
        %dma_wait3A_2009 = arith.constant 0 : i32
        %dma_wait3A_2010 = arith.constant 0 : i32
        %dma_wait3A_2011 = tpu.memref_slice %arg9[%dma_wait3A_2009, %dma_wait3A_2010] : memref<1x128xi32, #tpu.memory_space<vmem>> -> memref<1x64xi32, #tpu.memory_space<vmem>>
        %dma_wait3A_2012 = tpu.memref_squeeze %dma_wait3A_2011 : memref<1x64xi32, #tpu.memory_space<vmem>> -> memref<64xi32, #tpu.memory_space<vmem>>
        %dma_wait3A_2013 = arith.constant 0 : i32
        %dma_wait3A_2014 = arith.constant 0 : i32
        %dma_wait3A_2015 = tpu.memref_slice %arg38[%dma_wait3A_2013, %dma_wait3A_2014] : memref<672x128xf32, #tpu.memory_space<vmem_shared>> -> memref<672x128xf32, #tpu.memory_space<vmem_shared>>
        tpu.wait_indirect_dma semaphore(%arg25 : memref<!tpu.dma_semaphore, #tpu.memory_space<semaphore_mem>>) src(%dma_wait3A_2015 : memref<672x128xf32, #tpu.memory_space<vmem_shared>>) dst(%arg17 : memref<64x128xf32, #tpu.memory_space<vmem>>)
        %mul3A_2016 = arith.constant 64 : i32
        %mul3A_2017 = arith.muli %add3A_1932, %mul3A_2016 : i32
        %add3A_2018 = arith.addi %mul3A_2, %mul3A_2017 : i32
        %dma_start3A_2019 = arith.constant 0 : i32
        %dma_start3A_2020 = tpu.memref_slice %arg4[%add3A_2018, %dma_start3A_2019] : memref<3276800x128xf32, #tpu.memory_space<hbm>> -> memref<64x128xf32, #tpu.memory_space<hbm>>
        %dma_start3A_2021 = arith.constant 0 : i32
        %dma_start3A_2022 = tpu.memref_slice %arg4[%add3A_2018, %dma_start3A_2021] : memref<3276800x128xf32, #tpu.memory_space<hbm>> -> memref<64x128xf32, #tpu.memory_space<hbm>>
        tpu.enqueue_dma source(%arg17 : memref<64x128xf32, #tpu.memory_space<vmem>>) target(%dma_start3A_2022 : memref<64x128xf32, #tpu.memory_space<hbm>>) target_semaphore(%arg33 : memref<!tpu.dma_semaphore, #tpu.memory_space<semaphore_mem>>)
      } else {
      }
      %add3A_1938 = arith.constant 8 : i32
      %add3A_1939 = arith.addi %add3A_1932, %add3A_1938 : i32
      %lt3A_1940 = arith.constant 1600 : i32
      %lt3A_1941 = arith.cmpi slt, %add3A_1939, %lt3A_1940 : i32
      %convert_element_type3A_1942 = arith.extui %lt3A_1941 : i1 to i32
      %cond3A_1943 = arith.constant 0 : i32
      %cond3A_1944 = arith.cmpi ne, %convert_element_type3A_1942, %cond3A_1943 : i32
      scf.if %cond3A_1944 {
        %jit3A_2009 = arith.constant 400 : i32
        %eq3A_2010 = arith.constant 0 : i32
        %eq3A_2011 = arith.cmpi eq, %jit3A_2009, %eq3A_2010 : i32
        %jit3A_2012 = arith.constant 1 : i32
        %select_n3A_2013 = arith.select %eq3A_2011, %jit3A_2012, %jit3A_2009 : i32
        %rem3A_2014 = arith.remsi %add3A_1939, %select_n3A_2013 : i32
        %ne3A_2015 = arith.constant 0 : i32
        %ne3A_2016 = arith.cmpi ne, %rem3A_2014, %ne3A_2015 : i32
        %lt3A_2017 = arith.constant 0 : i32
        %lt3A_2018 = arith.cmpi slt, %rem3A_2014, %lt3A_2017 : i32
        %lt3A_2019 = arith.constant 0 : i32
        %lt3A_2020 = arith.cmpi slt, %select_n3A_2013, %lt3A_2019 : i32
        %ne3A_2021 = arith.xori %lt3A_2018, %lt3A_2020 : i1
        %and3A_2022 = arith.andi %ne3A_2021, %ne3A_2016 : i1
        %add3A_2023 = arith.addi %rem3A_2014, %select_n3A_2013 : i32
        %select_n3A_2024 = arith.select %and3A_2022, %add3A_2023, %rem3A_2014 : i32
        %eq3A_2025 = arith.constant 0 : i32
        %eq3A_2026 = arith.cmpi eq, %select_n3A_2024, %eq3A_2025 : i32
        %convert_element_type3A_2027 = arith.extui %eq3A_2026 : i1 to i32
        %cond3A_2028 = arith.constant 0 : i32
        %cond3A_2029 = arith.cmpi ne, %convert_element_type3A_2027, %cond3A_2028 : i32
        scf.if %cond3A_2029 {
          %mul3A_2267 = arith.constant 4 : i32
          %mul3A_2268 = arith.muli %add3A, %mul3A_2267 : i32
          %jit3A_2269 = arith.constant 400 : i32
          %div3A_2270 = arith.divsi %add3A_1939, %jit3A_2269 : i32
          %sign3A_2271 = arith.constant 0 : i32
          %sign3A_2272 = arith.cmpi sgt, %add3A_1939, %sign3A_2271 : i32
          %sign3A_2273 = arith.extui %sign3A_2272 : i1 to i32
          %sign3A_2274 = arith.constant 0 : i32
          %sign3A_2275 = arith.cmpi slt, %add3A_1939, %sign3A_2274 : i32
          %sign3A_2276 = arith.extui %sign3A_2275 : i1 to i32
          %sign3A_2277 = arith.subi %sign3A_2273, %sign3A_2276 : i32
          %sign3A_2278 = arith.constant 0 : i32
          %sign3A_2279 = arith.cmpi sgt, %jit3A_2269, %sign3A_2278 : i32
          %sign3A_2280 = arith.extui %sign3A_2279 : i1 to i32
          %sign3A_2281 = arith.constant 0 : i32
          %sign3A_2282 = arith.cmpi slt, %jit3A_2269, %sign3A_2281 : i32
          %sign3A_2283 = arith.extui %sign3A_2282 : i1 to i32
          %sign3A_2284 = arith.subi %sign3A_2280, %sign3A_2283 : i32
          %ne3A_2285 = arith.cmpi ne, %sign3A_2277, %sign3A_2284 : i32
          %rem3A_2286 = arith.remsi %add3A_1939, %jit3A_2269 : i32
          %ne3A_2287 = arith.constant 0 : i32
          %ne3A_2288 = arith.cmpi ne, %rem3A_2286, %ne3A_2287 : i32
          %and3A_2289 = arith.andi %ne3A_2285, %ne3A_2288 : i1
          %sub3A_2290 = arith.constant 1 : i32
          %sub3A_2291 = arith.subi %div3A_2270, %sub3A_2290 : i32
          %select_n3A_2292 = arith.select %and3A_2289, %sub3A_2291, %div3A_2270 : i32
          %add3A_2293 = arith.addi %mul3A_2268, %select_n3A_2292 : i32
          "tpu.region"() ({
            %run_scoped3A = tpu.sem_alloc : memref<!tpu.dma_semaphore, #tpu.memory_space<semaphore_mem>>
            %dma_start3A_2294 = arith.constant 0 : i32
            %dma_start3A_2295 = arith.constant 0 : i32
            %dma_start3A_2296 = tpu.memref_slice %arg2[%dma_start3A_2294, %add3A_2293, %dma_start3A_2295] : memref<200x128x256xi32, #tpu.memory_space<hbm>> -> memref<200x1x256xi32, #tpu.memory_space<hbm>>
            %dma_start3A_2297 = tpu.memref_squeeze %dma_start3A_2296 : memref<200x1x256xi32, #tpu.memory_space<hbm>> -> memref<200x256xi32, #tpu.memory_space<hbm>>
            %dma_start3A_2298 = arith.constant 0 : i32
            %dma_start3A_2299 = arith.constant 0 : i32
            %dma_start3A_2300 = tpu.memref_slice %arg2[%dma_start3A_2298, %add3A_2293, %dma_start3A_2299] : memref<200x128x256xi32, #tpu.memory_space<hbm>> -> memref<200x1x256xi32, #tpu.memory_space<hbm>>
            %dma_start3A_2301 = tpu.memref_squeeze %dma_start3A_2300 : memref<200x1x256xi32, #tpu.memory_space<hbm>> -> memref<200x256xi32, #tpu.memory_space<hbm>>
            tpu.enqueue_dma source(%dma_start3A_2301 : memref<200x256xi32, #tpu.memory_space<hbm>>) target(%arg5 : memref<200x256xi32, #tpu.memory_space<vmem>>) target_semaphore(%run_scoped3A : memref<!tpu.dma_semaphore, #tpu.memory_space<semaphore_mem>>)
            %dma_wait3A_2302 = arith.constant 0 : i32
            %dma_wait3A_2303 = arith.constant 0 : i32
            %dma_wait3A_2304 = tpu.memref_slice %arg2[%dma_wait3A_2302, %add3A_2293, %dma_wait3A_2303] : memref<200x128x256xi32, #tpu.memory_space<hbm>> -> memref<200x1x256xi32, #tpu.memory_space<hbm>>
            %dma_wait3A_2305 = tpu.memref_squeeze %dma_wait3A_2304 : memref<200x1x256xi32, #tpu.memory_space<hbm>> -> memref<200x256xi32, #tpu.memory_space<hbm>>
            %dma_wait3A_2306 = arith.constant 0 : i32
            %dma_wait3A_2307 = arith.constant 0 : i32
            %dma_wait3A_2308 = tpu.memref_slice %arg2[%dma_wait3A_2306, %add3A_2293, %dma_wait3A_2307] : memref<200x128x256xi32, #tpu.memory_space<hbm>> -> memref<200x1x256xi32, #tpu.memory_space<hbm>>
            %dma_wait3A_2309 = tpu.memref_squeeze %dma_wait3A_2308 : memref<200x1x256xi32, #tpu.memory_space<hbm>> -> memref<200x256xi32, #tpu.memory_space<hbm>>
            tpu.wait_dma2 semaphore(%run_scoped3A : memref<!tpu.dma_semaphore, #tpu.memory_space<semaphore_mem>>) src(%dma_wait3A_2309 : memref<200x256xi32, #tpu.memory_space<hbm>>) dst(%arg5 : memref<200x256xi32, #tpu.memory_space<vmem>>)
            tpu.yield
          }) : () -> ()
        } else {
        }
        %mul3A_2030 = arith.constant 64 : i32
        %mul3A_2031 = arith.muli %add3A_1939, %mul3A_2030 : i32
        %add3A_2032 = arith.addi %mul3A_2, %mul3A_2031 : i32
        %add3A_2033 = arith.constant 0 : i32
        %add3A_2034 = arith.addi %add3A_2032, %add3A_2033 : i32
        %add3A_2035 = vector.broadcast %add3A_2034 : i32 to vector<16xi32>
        %add3A_2036 = arith.addi %add3A_2035, %iota3A : vector<16xi32>
        %jit3A_2037 = arith.constant 200 : i32
        %div3A_2038 = vector.broadcast %jit3A_2037 : i32 to vector<16xi32>
        %div3A_2039 = arith.divsi %add3A_2036, %div3A_2038 : vector<16xi32>
        %sign3A_2040 = arith.constant 0 : i32
        %sign3A_2041 = vector.broadcast %sign3A_2040 : i32 to vector<16xi32>
        %sign3A_2042 = arith.cmpi sgt, %add3A_2036, %sign3A_2041 : vector<16xi32>
        %sign3A_2043 = arith.extui %sign3A_2042 : vector<16xi1> to vector<16xi32>
        %sign3A_2044 = arith.constant 0 : i32
        %sign3A_2045 = vector.broadcast %sign3A_2044 : i32 to vector<16xi32>
        %sign3A_2046 = arith.cmpi slt, %add3A_2036, %sign3A_2045 : vector<16xi32>
        %sign3A_2047 = arith.extui %sign3A_2046 : vector<16xi1> to vector<16xi32>
        %sign3A_2048 = arith.subi %sign3A_2043, %sign3A_2047 : vector<16xi32>
        %sign3A_2049 = arith.constant 0 : i32
        %sign3A_2050 = arith.cmpi sgt, %jit3A_2037, %sign3A_2049 : i32
        %sign3A_2051 = arith.extui %sign3A_2050 : i1 to i32
        %sign3A_2052 = arith.constant 0 : i32
        %sign3A_2053 = arith.cmpi slt, %jit3A_2037, %sign3A_2052 : i32
        %sign3A_2054 = arith.extui %sign3A_2053 : i1 to i32
        %sign3A_2055 = arith.subi %sign3A_2051, %sign3A_2054 : i32
        %ne3A_2056 = vector.broadcast %sign3A_2055 : i32 to vector<16xi32>
        %ne3A_2057 = arith.cmpi ne, %sign3A_2048, %ne3A_2056 : vector<16xi32>
        %rem3A_2058 = vector.broadcast %jit3A_2037 : i32 to vector<16xi32>
        %rem3A_2059 = arith.remsi %add3A_2036, %rem3A_2058 : vector<16xi32>
        %ne3A_2060 = arith.constant 0 : i32
        %ne3A_2061 = vector.broadcast %ne3A_2060 : i32 to vector<16xi32>
        %ne3A_2062 = arith.cmpi ne, %rem3A_2059, %ne3A_2061 : vector<16xi32>
        %and3A_2063 = arith.andi %ne3A_2057, %ne3A_2062 : vector<16xi1>
        %sub3A_2064 = arith.constant 1 : i32
        %sub3A_2065 = vector.broadcast %sub3A_2064 : i32 to vector<16xi32>
        %sub3A_2066 = arith.subi %div3A_2039, %sub3A_2065 : vector<16xi32>
        %select_n3A_2067 = arith.select %and3A_2063, %sub3A_2066, %div3A_2039 : vector<16xi1>, vector<16xi32>
        %mul3A_2068 = arith.constant 200 : i32
        %mul3A_2069 = vector.broadcast %mul3A_2068 : i32 to vector<16xi32>
        %mul3A_2070 = arith.muli %select_n3A_2067, %mul3A_2069 : vector<16xi32>
        %sub3A_2071 = arith.subi %add3A_2036, %mul3A_2070 : vector<16xi32>
        %and3A_2072 = arith.constant 127 : i32
        %and3A_2073 = vector.broadcast %and3A_2072 : i32 to vector<16xi32>
        %and3A_2074 = arith.andi %select_n3A_2067, %and3A_2073 : vector<16xi32>
        %gather3A_2075 = tpu.vector_load_idx %arg5[%sub3A_2071, %and3A_2074] : memref<200x256xi32, #tpu.memory_space<vmem>>[vector<16xi32>, vector<16xi32>], vector<16xi32>,
        %add3A_2076 = arith.constant 128 : i32
        %add3A_2077 = vector.broadcast %add3A_2076 : i32 to vector<16xi32>
        %add3A_2078 = arith.addi %and3A_2074, %add3A_2077 : vector<16xi32>
        %gather3A_2079 = tpu.vector_load_idx %arg5[%sub3A_2071, %add3A_2078] : memref<200x256xi32, #tpu.memory_space<vmem>>[vector<16xi32>, vector<16xi32>], vector<16xi32>,
        %mul3A_2080 = arith.constant 96 : i32
        %mul3A_2081 = vector.broadcast %mul3A_2080 : i32 to vector<16xi32>
        %mul3A_2082 = arith.muli %gather3A_2075, %mul3A_2081 : vector<16xi32>
        %add3A_2083 = arith.addi %mul3A_2082, %gather3A_2079 : vector<16xi32>
        %swap3A_2084 = arith.constant 0 : i32
        %swap3A_2085 = arith.index_cast %swap3A_2084 : i32 to index
        %swap3A_2086 = arith.constant 0 : index
        %swap3A_2087 = tpu.vector_load %arg9[%swap3A_2085, %swap3A_2086] {strides = array<i32>} : memref<1x128xi32, #tpu.memory_space<vmem>>, vector<16xi32>,
        tpu.vector_store %arg9[%swap3A_2085, %swap3A_2086], %add3A_2083 {strides = array<i32>} : memref<1x128xi32, #tpu.memory_space<vmem>>, vector<16xi32>,
        %add3A_2088 = arith.constant 16 : i32
        %add3A_2089 = arith.addi %add3A_2032, %add3A_2088 : i32
        %add3A_2090 = vector.broadcast %add3A_2089 : i32 to vector<16xi32>
        %add3A_2091 = arith.addi %add3A_2090, %iota3A : vector<16xi32>
        %jit3A_2092 = arith.constant 200 : i32
        %div3A_2093 = vector.broadcast %jit3A_2092 : i32 to vector<16xi32>
        %div3A_2094 = arith.divsi %add3A_2091, %div3A_2093 : vector<16xi32>
        %sign3A_2095 = arith.constant 0 : i32
        %sign3A_2096 = vector.broadcast %sign3A_2095 : i32 to vector<16xi32>
        %sign3A_2097 = arith.cmpi sgt, %add3A_2091, %sign3A_2096 : vector<16xi32>
        %sign3A_2098 = arith.extui %sign3A_2097 : vector<16xi1> to vector<16xi32>
        %sign3A_2099 = arith.constant 0 : i32
        %sign3A_2100 = vector.broadcast %sign3A_2099 : i32 to vector<16xi32>
        %sign3A_2101 = arith.cmpi slt, %add3A_2091, %sign3A_2100 : vector<16xi32>
        %sign3A_2102 = arith.extui %sign3A_2101 : vector<16xi1> to vector<16xi32>
        %sign3A_2103 = arith.subi %sign3A_2098, %sign3A_2102 : vector<16xi32>
        %sign3A_2104 = arith.constant 0 : i32
        %sign3A_2105 = arith.cmpi sgt, %jit3A_2092, %sign3A_2104 : i32
        %sign3A_2106 = arith.extui %sign3A_2105 : i1 to i32
        %sign3A_2107 = arith.constant 0 : i32
        %sign3A_2108 = arith.cmpi slt, %jit3A_2092, %sign3A_2107 : i32
        %sign3A_2109 = arith.extui %sign3A_2108 : i1 to i32
        %sign3A_2110 = arith.subi %sign3A_2106, %sign3A_2109 : i32
        %ne3A_2111 = vector.broadcast %sign3A_2110 : i32 to vector<16xi32>
        %ne3A_2112 = arith.cmpi ne, %sign3A_2103, %ne3A_2111 : vector<16xi32>
        %rem3A_2113 = vector.broadcast %jit3A_2092 : i32 to vector<16xi32>
        %rem3A_2114 = arith.remsi %add3A_2091, %rem3A_2113 : vector<16xi32>
        %ne3A_2115 = arith.constant 0 : i32
        %ne3A_2116 = vector.broadcast %ne3A_2115 : i32 to vector<16xi32>
        %ne3A_2117 = arith.cmpi ne, %rem3A_2114, %ne3A_2116 : vector<16xi32>
        %and3A_2118 = arith.andi %ne3A_2112, %ne3A_2117 : vector<16xi1>
        %sub3A_2119 = arith.constant 1 : i32
        %sub3A_2120 = vector.broadcast %sub3A_2119 : i32 to vector<16xi32>
        %sub3A_2121 = arith.subi %div3A_2094, %sub3A_2120 : vector<16xi32>
        %select_n3A_2122 = arith.select %and3A_2118, %sub3A_2121, %div3A_2094 : vector<16xi1>, vector<16xi32>
        %mul3A_2123 = arith.constant 200 : i32
        %mul3A_2124 = vector.broadcast %mul3A_2123 : i32 to vector<16xi32>
        %mul3A_2125 = arith.muli %select_n3A_2122, %mul3A_2124 : vector<16xi32>
        %sub3A_2126 = arith.subi %add3A_2091, %mul3A_2125 : vector<16xi32>
        %and3A_2127 = arith.constant 127 : i32
        %and3A_2128 = vector.broadcast %and3A_2127 : i32 to vector<16xi32>
        %and3A_2129 = arith.andi %select_n3A_2122, %and3A_2128 : vector<16xi32>
        %gather3A_2130 = tpu.vector_load_idx %arg5[%sub3A_2126, %and3A_2129] : memref<200x256xi32, #tpu.memory_space<vmem>>[vector<16xi32>, vector<16xi32>], vector<16xi32>,
        %add3A_2131 = arith.constant 128 : i32
        %add3A_2132 = vector.broadcast %add3A_2131 : i32 to vector<16xi32>
        %add3A_2133 = arith.addi %and3A_2129, %add3A_2132 : vector<16xi32>
        %gather3A_2134 = tpu.vector_load_idx %arg5[%sub3A_2126, %add3A_2133] : memref<200x256xi32, #tpu.memory_space<vmem>>[vector<16xi32>, vector<16xi32>], vector<16xi32>,
        %mul3A_2135 = arith.constant 96 : i32
        %mul3A_2136 = vector.broadcast %mul3A_2135 : i32 to vector<16xi32>
        %mul3A_2137 = arith.muli %gather3A_2130, %mul3A_2136 : vector<16xi32>
        %add3A_2138 = arith.addi %mul3A_2137, %gather3A_2134 : vector<16xi32>
        %swap3A_2139 = arith.constant 0 : i32
        %swap3A_2140 = arith.index_cast %swap3A_2139 : i32 to index
        %swap3A_2141 = arith.constant 16 : index
        %swap3A_2142 = tpu.vector_load %arg9[%swap3A_2140, %swap3A_2141] {strides = array<i32>} : memref<1x128xi32, #tpu.memory_space<vmem>>, vector<16xi32>,
        tpu.vector_store %arg9[%swap3A_2140, %swap3A_2141], %add3A_2138 {strides = array<i32>} : memref<1x128xi32, #tpu.memory_space<vmem>>, vector<16xi32>,
        %add3A_2143 = arith.constant 32 : i32
        %add3A_2144 = arith.addi %add3A_2032, %add3A_2143 : i32
        %add3A_2145 = vector.broadcast %add3A_2144 : i32 to vector<16xi32>
        %add3A_2146 = arith.addi %add3A_2145, %iota3A : vector<16xi32>
        %jit3A_2147 = arith.constant 200 : i32
        %div3A_2148 = vector.broadcast %jit3A_2147 : i32 to vector<16xi32>
        %div3A_2149 = arith.divsi %add3A_2146, %div3A_2148 : vector<16xi32>
        %sign3A_2150 = arith.constant 0 : i32
        %sign3A_2151 = vector.broadcast %sign3A_2150 : i32 to vector<16xi32>
        %sign3A_2152 = arith.cmpi sgt, %add3A_2146, %sign3A_2151 : vector<16xi32>
        %sign3A_2153 = arith.extui %sign3A_2152 : vector<16xi1> to vector<16xi32>
        %sign3A_2154 = arith.constant 0 : i32
        %sign3A_2155 = vector.broadcast %sign3A_2154 : i32 to vector<16xi32>
        %sign3A_2156 = arith.cmpi slt, %add3A_2146, %sign3A_2155 : vector<16xi32>
        %sign3A_2157 = arith.extui %sign3A_2156 : vector<16xi1> to vector<16xi32>
        %sign3A_2158 = arith.subi %sign3A_2153, %sign3A_2157 : vector<16xi32>
        %sign3A_2159 = arith.constant 0 : i32
        %sign3A_2160 = arith.cmpi sgt, %jit3A_2147, %sign3A_2159 : i32
        %sign3A_2161 = arith.extui %sign3A_2160 : i1 to i32
        %sign3A_2162 = arith.constant 0 : i32
        %sign3A_2163 = arith.cmpi slt, %jit3A_2147, %sign3A_2162 : i32
        %sign3A_2164 = arith.extui %sign3A_2163 : i1 to i32
        %sign3A_2165 = arith.subi %sign3A_2161, %sign3A_2164 : i32
        %ne3A_2166 = vector.broadcast %sign3A_2165 : i32 to vector<16xi32>
        %ne3A_2167 = arith.cmpi ne, %sign3A_2158, %ne3A_2166 : vector<16xi32>
        %rem3A_2168 = vector.broadcast %jit3A_2147 : i32 to vector<16xi32>
        %rem3A_2169 = arith.remsi %add3A_2146, %rem3A_2168 : vector<16xi32>
        %ne3A_2170 = arith.constant 0 : i32
        %ne3A_2171 = vector.broadcast %ne3A_2170 : i32 to vector<16xi32>
        %ne3A_2172 = arith.cmpi ne, %rem3A_2169, %ne3A_2171 : vector<16xi32>
        %and3A_2173 = arith.andi %ne3A_2167, %ne3A_2172 : vector<16xi1>
        %sub3A_2174 = arith.constant 1 : i32
        %sub3A_2175 = vector.broadcast %sub3A_2174 : i32 to vector<16xi32>
        %sub3A_2176 = arith.subi %div3A_2149, %sub3A_2175 : vector<16xi32>
        %select_n3A_2177 = arith.select %and3A_2173, %sub3A_2176, %div3A_2149 : vector<16xi1>, vector<16xi32>
        %mul3A_2178 = arith.constant 200 : i32
        %mul3A_2179 = vector.broadcast %mul3A_2178 : i32 to vector<16xi32>
        %mul3A_2180 = arith.muli %select_n3A_2177, %mul3A_2179 : vector<16xi32>
        %sub3A_2181 = arith.subi %add3A_2146, %mul3A_2180 : vector<16xi32>
        %and3A_2182 = arith.constant 127 : i32
        %and3A_2183 = vector.broadcast %and3A_2182 : i32 to vector<16xi32>
        %and3A_2184 = arith.andi %select_n3A_2177, %and3A_2183 : vector<16xi32>
        %gather3A_2185 = tpu.vector_load_idx %arg5[%sub3A_2181, %and3A_2184] : memref<200x256xi32, #tpu.memory_space<vmem>>[vector<16xi32>, vector<16xi32>], vector<16xi32>,
        %add3A_2186 = arith.constant 128 : i32
        %add3A_2187 = vector.broadcast %add3A_2186 : i32 to vector<16xi32>
        %add3A_2188 = arith.addi %and3A_2184, %add3A_2187 : vector<16xi32>
        %gather3A_2189 = tpu.vector_load_idx %arg5[%sub3A_2181, %add3A_2188] : memref<200x256xi32, #tpu.memory_space<vmem>>[vector<16xi32>, vector<16xi32>], vector<16xi32>,
        %mul3A_2190 = arith.constant 96 : i32
        %mul3A_2191 = vector.broadcast %mul3A_2190 : i32 to vector<16xi32>
        %mul3A_2192 = arith.muli %gather3A_2185, %mul3A_2191 : vector<16xi32>
        %add3A_2193 = arith.addi %mul3A_2192, %gather3A_2189 : vector<16xi32>
        %swap3A_2194 = arith.constant 0 : i32
        %swap3A_2195 = arith.index_cast %swap3A_2194 : i32 to index
        %swap3A_2196 = arith.constant 32 : index
        %swap3A_2197 = tpu.vector_load %arg9[%swap3A_2195, %swap3A_2196] {strides = array<i32>} : memref<1x128xi32, #tpu.memory_space<vmem>>, vector<16xi32>,
        tpu.vector_store %arg9[%swap3A_2195, %swap3A_2196], %add3A_2193 {strides = array<i32>} : memref<1x128xi32, #tpu.memory_space<vmem>>, vector<16xi32>,
        %add3A_2198 = arith.constant 48 : i32
        %add3A_2199 = arith.addi %add3A_2032, %add3A_2198 : i32
        %add3A_2200 = vector.broadcast %add3A_2199 : i32 to vector<16xi32>
        %add3A_2201 = arith.addi %add3A_2200, %iota3A : vector<16xi32>
        %jit3A_2202 = arith.constant 200 : i32
        %div3A_2203 = vector.broadcast %jit3A_2202 : i32 to vector<16xi32>
        %div3A_2204 = arith.divsi %add3A_2201, %div3A_2203 : vector<16xi32>
        %sign3A_2205 = arith.constant 0 : i32
        %sign3A_2206 = vector.broadcast %sign3A_2205 : i32 to vector<16xi32>
        %sign3A_2207 = arith.cmpi sgt, %add3A_2201, %sign3A_2206 : vector<16xi32>
        %sign3A_2208 = arith.extui %sign3A_2207 : vector<16xi1> to vector<16xi32>
        %sign3A_2209 = arith.constant 0 : i32
        %sign3A_2210 = vector.broadcast %sign3A_2209 : i32 to vector<16xi32>
        %sign3A_2211 = arith.cmpi slt, %add3A_2201, %sign3A_2210 : vector<16xi32>
        %sign3A_2212 = arith.extui %sign3A_2211 : vector<16xi1> to vector<16xi32>
        %sign3A_2213 = arith.subi %sign3A_2208, %sign3A_2212 : vector<16xi32>
        %sign3A_2214 = arith.constant 0 : i32
        %sign3A_2215 = arith.cmpi sgt, %jit3A_2202, %sign3A_2214 : i32
        %sign3A_2216 = arith.extui %sign3A_2215 : i1 to i32
        %sign3A_2217 = arith.constant 0 : i32
        %sign3A_2218 = arith.cmpi slt, %jit3A_2202, %sign3A_2217 : i32
        %sign3A_2219 = arith.extui %sign3A_2218 : i1 to i32
        %sign3A_2220 = arith.subi %sign3A_2216, %sign3A_2219 : i32
        %ne3A_2221 = vector.broadcast %sign3A_2220 : i32 to vector<16xi32>
        %ne3A_2222 = arith.cmpi ne, %sign3A_2213, %ne3A_2221 : vector<16xi32>
        %rem3A_2223 = vector.broadcast %jit3A_2202 : i32 to vector<16xi32>
        %rem3A_2224 = arith.remsi %add3A_2201, %rem3A_2223 : vector<16xi32>
        %ne3A_2225 = arith.constant 0 : i32
        %ne3A_2226 = vector.broadcast %ne3A_2225 : i32 to vector<16xi32>
        %ne3A_2227 = arith.cmpi ne, %rem3A_2224, %ne3A_2226 : vector<16xi32>
        %and3A_2228 = arith.andi %ne3A_2222, %ne3A_2227 : vector<16xi1>
        %sub3A_2229 = arith.constant 1 : i32
        %sub3A_2230 = vector.broadcast %sub3A_2229 : i32 to vector<16xi32>
        %sub3A_2231 = arith.subi %div3A_2204, %sub3A_2230 : vector<16xi32>
        %select_n3A_2232 = arith.select %and3A_2228, %sub3A_2231, %div3A_2204 : vector<16xi1>, vector<16xi32>
        %mul3A_2233 = arith.constant 200 : i32
        %mul3A_2234 = vector.broadcast %mul3A_2233 : i32 to vector<16xi32>
        %mul3A_2235 = arith.muli %select_n3A_2232, %mul3A_2234 : vector<16xi32>
        %sub3A_2236 = arith.subi %add3A_2201, %mul3A_2235 : vector<16xi32>
        %and3A_2237 = arith.constant 127 : i32
        %and3A_2238 = vector.broadcast %and3A_2237 : i32 to vector<16xi32>
        %and3A_2239 = arith.andi %select_n3A_2232, %and3A_2238 : vector<16xi32>
        %gather3A_2240 = tpu.vector_load_idx %arg5[%sub3A_2236, %and3A_2239] : memref<200x256xi32, #tpu.memory_space<vmem>>[vector<16xi32>, vector<16xi32>], vector<16xi32>,
        %add3A_2241 = arith.constant 128 : i32
        %add3A_2242 = vector.broadcast %add3A_2241 : i32 to vector<16xi32>
        %add3A_2243 = arith.addi %and3A_2239, %add3A_2242 : vector<16xi32>
        %gather3A_2244 = tpu.vector_load_idx %arg5[%sub3A_2236, %add3A_2243] : memref<200x256xi32, #tpu.memory_space<vmem>>[vector<16xi32>, vector<16xi32>], vector<16xi32>,
        %mul3A_2245 = arith.constant 96 : i32
        %mul3A_2246 = vector.broadcast %mul3A_2245 : i32 to vector<16xi32>
        %mul3A_2247 = arith.muli %gather3A_2240, %mul3A_2246 : vector<16xi32>
        %add3A_2248 = arith.addi %mul3A_2247, %gather3A_2244 : vector<16xi32>
        %swap3A_2249 = arith.constant 0 : i32
        %swap3A_2250 = arith.index_cast %swap3A_2249 : i32 to index
        %swap3A_2251 = arith.constant 48 : index
        %swap3A_2252 = tpu.vector_load %arg9[%swap3A_2250, %swap3A_2251] {strides = array<i32>} : memref<1x128xi32, #tpu.memory_space<vmem>>, vector<16xi32>,
        tpu.vector_store %arg9[%swap3A_2250, %swap3A_2251], %add3A_2248 {strides = array<i32>} : memref<1x128xi32, #tpu.memory_space<vmem>>, vector<16xi32>,
        %mul3A_2253 = arith.constant 64 : i32
        %mul3A_2254 = arith.muli %add3A_1939, %mul3A_2253 : i32
        %add3A_2255 = arith.addi %mul3A_2, %mul3A_2254 : i32
        %dma_wait3A_2256 = arith.constant 0 : i32
        %dma_wait3A_2257 = tpu.memref_slice %arg4[%add3A_2255, %dma_wait3A_2256] : memref<3276800x128xf32, #tpu.memory_space<hbm>> -> memref<64x128xf32, #tpu.memory_space<hbm>>
        %dma_wait3A_2258 = arith.constant 0 : i32
        %dma_wait3A_2259 = tpu.memref_slice %arg4[%add3A_2255, %dma_wait3A_2258] : memref<3276800x128xf32, #tpu.memory_space<hbm>> -> memref<64x128xf32, #tpu.memory_space<hbm>>
        tpu.wait_dma2 semaphore(%arg33 : memref<!tpu.dma_semaphore, #tpu.memory_space<semaphore_mem>>) src(%arg17 : memref<64x128xf32, #tpu.memory_space<vmem>>) dst(%dma_wait3A_2259 : memref<64x128xf32, #tpu.memory_space<hbm>>)
        %dma_start3A_2260 = arith.constant 0 : i32
        %dma_start3A_2261 = arith.constant 0 : i32
        %dma_start3A_2262 = tpu.memref_slice %arg9[%dma_start3A_2260, %dma_start3A_2261] : memref<1x128xi32, #tpu.memory_space<vmem>> -> memref<1x64xi32, #tpu.memory_space<vmem>>
        %dma_start3A_2263 = tpu.memref_squeeze %dma_start3A_2262 : memref<1x64xi32, #tpu.memory_space<vmem>> -> memref<64xi32, #tpu.memory_space<vmem>>
        %dma_start3A_2264 = arith.constant 0 : i32
        %dma_start3A_2265 = arith.constant 0 : i32
        %dma_start3A_2266 = tpu.memref_slice %arg38[%dma_start3A_2264, %dma_start3A_2265] : memref<672x128xf32, #tpu.memory_space<vmem_shared>> -> memref<672x128xf32, #tpu.memory_space<vmem_shared>>
        tpu.enqueue_indirect_dma source(%dma_start3A_2266 : memref<672x128xf32, #tpu.memory_space<vmem_shared>>) target(%arg17 : memref<64x128xf32, #tpu.memory_space<vmem>>) offsets(%dma_start3A_2263 : memref<64xi32, #tpu.memory_space<vmem>>) semaphore(%arg25 : memref<!tpu.dma_semaphore, #tpu.memory_space<semaphore_mem>>)
      } else {
      }
      %mul3A_1945 = arith.constant 8 : i32
      %mul3A_1946 = arith.muli %mul3A_1945, %scan3A_1881 : i32
      %add3A_1947 = arith.constant 4 : i32
      %add3A_1948 = arith.addi %mul3A_1946, %add3A_1947 : i32
      %lt3A_1949 = arith.constant 1600 : i32
      %lt3A_1950 = arith.cmpi slt, %add3A_1948, %lt3A_1949 : i32
      %convert_element_type3A_1951 = arith.extui %lt3A_1950 : i1 to i32
      %cond3A_1952 = arith.constant 0 : i32
      %cond3A_1953 = arith.cmpi ne, %convert_element_type3A_1951, %cond3A_1952 : i32
      scf.if %cond3A_1953 {
        %dma_wait3A_2009 = arith.constant 0 : i32
        %dma_wait3A_2010 = arith.constant 0 : i32
        %dma_wait3A_2011 = tpu.memref_slice %arg10[%dma_wait3A_2009, %dma_wait3A_2010] : memref<1x128xi32, #tpu.memory_space<vmem>> -> memref<1x64xi32, #tpu.memory_space<vmem>>
        %dma_wait3A_2012 = tpu.memref_squeeze %dma_wait3A_2011 : memref<1x64xi32, #tpu.memory_space<vmem>> -> memref<64xi32, #tpu.memory_space<vmem>>
        %dma_wait3A_2013 = arith.constant 0 : i32
        %dma_wait3A_2014 = arith.constant 0 : i32
        %dma_wait3A_2015 = tpu.memref_slice %arg38[%dma_wait3A_2013, %dma_wait3A_2014] : memref<672x128xf32, #tpu.memory_space<vmem_shared>> -> memref<672x128xf32, #tpu.memory_space<vmem_shared>>
        tpu.wait_indirect_dma semaphore(%arg26 : memref<!tpu.dma_semaphore, #tpu.memory_space<semaphore_mem>>) src(%dma_wait3A_2015 : memref<672x128xf32, #tpu.memory_space<vmem_shared>>) dst(%arg18 : memref<64x128xf32, #tpu.memory_space<vmem>>)
        %mul3A_2016 = arith.constant 64 : i32
        %mul3A_2017 = arith.muli %add3A_1948, %mul3A_2016 : i32
        %add3A_2018 = arith.addi %mul3A_2, %mul3A_2017 : i32
        %dma_start3A_2019 = arith.constant 0 : i32
        %dma_start3A_2020 = tpu.memref_slice %arg4[%add3A_2018, %dma_start3A_2019] : memref<3276800x128xf32, #tpu.memory_space<hbm>> -> memref<64x128xf32, #tpu.memory_space<hbm>>
        %dma_start3A_2021 = arith.constant 0 : i32
        %dma_start3A_2022 = tpu.memref_slice %arg4[%add3A_2018, %dma_start3A_2021] : memref<3276800x128xf32, #tpu.memory_space<hbm>> -> memref<64x128xf32, #tpu.memory_space<hbm>>
        tpu.enqueue_dma source(%arg18 : memref<64x128xf32, #tpu.memory_space<vmem>>) target(%dma_start3A_2022 : memref<64x128xf32, #tpu.memory_space<hbm>>) target_semaphore(%arg34 : memref<!tpu.dma_semaphore, #tpu.memory_space<semaphore_mem>>)
      } else {
      }
      %add3A_1954 = arith.constant 8 : i32
      %add3A_1955 = arith.addi %add3A_1948, %add3A_1954 : i32
      %lt3A_1956 = arith.constant 1600 : i32
      %lt3A_1957 = arith.cmpi slt, %add3A_1955, %lt3A_1956 : i32
      %convert_element_type3A_1958 = arith.extui %lt3A_1957 : i1 to i32
      %cond3A_1959 = arith.constant 0 : i32
      %cond3A_1960 = arith.cmpi ne, %convert_element_type3A_1958, %cond3A_1959 : i32
      scf.if %cond3A_1960 {
        %jit3A_2009 = arith.constant 400 : i32
        %eq3A_2010 = arith.constant 0 : i32
        %eq3A_2011 = arith.cmpi eq, %jit3A_2009, %eq3A_2010 : i32
        %jit3A_2012 = arith.constant 1 : i32
        %select_n3A_2013 = arith.select %eq3A_2011, %jit3A_2012, %jit3A_2009 : i32
        %rem3A_2014 = arith.remsi %add3A_1955, %select_n3A_2013 : i32
        %ne3A_2015 = arith.constant 0 : i32
        %ne3A_2016 = arith.cmpi ne, %rem3A_2014, %ne3A_2015 : i32
        %lt3A_2017 = arith.constant 0 : i32
        %lt3A_2018 = arith.cmpi slt, %rem3A_2014, %lt3A_2017 : i32
        %lt3A_2019 = arith.constant 0 : i32
        %lt3A_2020 = arith.cmpi slt, %select_n3A_2013, %lt3A_2019 : i32
        %ne3A_2021 = arith.xori %lt3A_2018, %lt3A_2020 : i1
        %and3A_2022 = arith.andi %ne3A_2021, %ne3A_2016 : i1
        %add3A_2023 = arith.addi %rem3A_2014, %select_n3A_2013 : i32
        %select_n3A_2024 = arith.select %and3A_2022, %add3A_2023, %rem3A_2014 : i32
        %eq3A_2025 = arith.constant 0 : i32
        %eq3A_2026 = arith.cmpi eq, %select_n3A_2024, %eq3A_2025 : i32
        %convert_element_type3A_2027 = arith.extui %eq3A_2026 : i1 to i32
        %cond3A_2028 = arith.constant 0 : i32
        %cond3A_2029 = arith.cmpi ne, %convert_element_type3A_2027, %cond3A_2028 : i32
        scf.if %cond3A_2029 {
          %mul3A_2267 = arith.constant 4 : i32
          %mul3A_2268 = arith.muli %add3A, %mul3A_2267 : i32
          %jit3A_2269 = arith.constant 400 : i32
          %div3A_2270 = arith.divsi %add3A_1955, %jit3A_2269 : i32
          %sign3A_2271 = arith.constant 0 : i32
          %sign3A_2272 = arith.cmpi sgt, %add3A_1955, %sign3A_2271 : i32
          %sign3A_2273 = arith.extui %sign3A_2272 : i1 to i32
          %sign3A_2274 = arith.constant 0 : i32
          %sign3A_2275 = arith.cmpi slt, %add3A_1955, %sign3A_2274 : i32
          %sign3A_2276 = arith.extui %sign3A_2275 : i1 to i32
          %sign3A_2277 = arith.subi %sign3A_2273, %sign3A_2276 : i32
          %sign3A_2278 = arith.constant 0 : i32
          %sign3A_2279 = arith.cmpi sgt, %jit3A_2269, %sign3A_2278 : i32
          %sign3A_2280 = arith.extui %sign3A_2279 : i1 to i32
          %sign3A_2281 = arith.constant 0 : i32
          %sign3A_2282 = arith.cmpi slt, %jit3A_2269, %sign3A_2281 : i32
          %sign3A_2283 = arith.extui %sign3A_2282 : i1 to i32
          %sign3A_2284 = arith.subi %sign3A_2280, %sign3A_2283 : i32
          %ne3A_2285 = arith.cmpi ne, %sign3A_2277, %sign3A_2284 : i32
          %rem3A_2286 = arith.remsi %add3A_1955, %jit3A_2269 : i32
          %ne3A_2287 = arith.constant 0 : i32
          %ne3A_2288 = arith.cmpi ne, %rem3A_2286, %ne3A_2287 : i32
          %and3A_2289 = arith.andi %ne3A_2285, %ne3A_2288 : i1
          %sub3A_2290 = arith.constant 1 : i32
          %sub3A_2291 = arith.subi %div3A_2270, %sub3A_2290 : i32
          %select_n3A_2292 = arith.select %and3A_2289, %sub3A_2291, %div3A_2270 : i32
          %add3A_2293 = arith.addi %mul3A_2268, %select_n3A_2292 : i32
          "tpu.region"() ({
            %run_scoped3A = tpu.sem_alloc : memref<!tpu.dma_semaphore, #tpu.memory_space<semaphore_mem>>
            %dma_start3A_2294 = arith.constant 0 : i32
            %dma_start3A_2295 = arith.constant 0 : i32
            %dma_start3A_2296 = tpu.memref_slice %arg2[%dma_start3A_2294, %add3A_2293, %dma_start3A_2295] : memref<200x128x256xi32, #tpu.memory_space<hbm>> -> memref<200x1x256xi32, #tpu.memory_space<hbm>>
            %dma_start3A_2297 = tpu.memref_squeeze %dma_start3A_2296 : memref<200x1x256xi32, #tpu.memory_space<hbm>> -> memref<200x256xi32, #tpu.memory_space<hbm>>
            %dma_start3A_2298 = arith.constant 0 : i32
            %dma_start3A_2299 = arith.constant 0 : i32
            %dma_start3A_2300 = tpu.memref_slice %arg2[%dma_start3A_2298, %add3A_2293, %dma_start3A_2299] : memref<200x128x256xi32, #tpu.memory_space<hbm>> -> memref<200x1x256xi32, #tpu.memory_space<hbm>>
            %dma_start3A_2301 = tpu.memref_squeeze %dma_start3A_2300 : memref<200x1x256xi32, #tpu.memory_space<hbm>> -> memref<200x256xi32, #tpu.memory_space<hbm>>
            tpu.enqueue_dma source(%dma_start3A_2301 : memref<200x256xi32, #tpu.memory_space<hbm>>) target(%arg5 : memref<200x256xi32, #tpu.memory_space<vmem>>) target_semaphore(%run_scoped3A : memref<!tpu.dma_semaphore, #tpu.memory_space<semaphore_mem>>)
            %dma_wait3A_2302 = arith.constant 0 : i32
            %dma_wait3A_2303 = arith.constant 0 : i32
            %dma_wait3A_2304 = tpu.memref_slice %arg2[%dma_wait3A_2302, %add3A_2293, %dma_wait3A_2303] : memref<200x128x256xi32, #tpu.memory_space<hbm>> -> memref<200x1x256xi32, #tpu.memory_space<hbm>>
            %dma_wait3A_2305 = tpu.memref_squeeze %dma_wait3A_2304 : memref<200x1x256xi32, #tpu.memory_space<hbm>> -> memref<200x256xi32, #tpu.memory_space<hbm>>
            %dma_wait3A_2306 = arith.constant 0 : i32
            %dma_wait3A_2307 = arith.constant 0 : i32
            %dma_wait3A_2308 = tpu.memref_slice %arg2[%dma_wait3A_2306, %add3A_2293, %dma_wait3A_2307] : memref<200x128x256xi32, #tpu.memory_space<hbm>> -> memref<200x1x256xi32, #tpu.memory_space<hbm>>
            %dma_wait3A_2309 = tpu.memref_squeeze %dma_wait3A_2308 : memref<200x1x256xi32, #tpu.memory_space<hbm>> -> memref<200x256xi32, #tpu.memory_space<hbm>>
            tpu.wait_dma2 semaphore(%run_scoped3A : memref<!tpu.dma_semaphore, #tpu.memory_space<semaphore_mem>>) src(%dma_wait3A_2309 : memref<200x256xi32, #tpu.memory_space<hbm>>) dst(%arg5 : memref<200x256xi32, #tpu.memory_space<vmem>>)
            tpu.yield
          }) : () -> ()
        } else {
        }
        %mul3A_2030 = arith.constant 64 : i32
        %mul3A_2031 = arith.muli %add3A_1955, %mul3A_2030 : i32
        %add3A_2032 = arith.addi %mul3A_2, %mul3A_2031 : i32
        %add3A_2033 = arith.constant 0 : i32
        %add3A_2034 = arith.addi %add3A_2032, %add3A_2033 : i32
        %add3A_2035 = vector.broadcast %add3A_2034 : i32 to vector<16xi32>
        %add3A_2036 = arith.addi %add3A_2035, %iota3A : vector<16xi32>
        %jit3A_2037 = arith.constant 200 : i32
        %div3A_2038 = vector.broadcast %jit3A_2037 : i32 to vector<16xi32>
        %div3A_2039 = arith.divsi %add3A_2036, %div3A_2038 : vector<16xi32>
        %sign3A_2040 = arith.constant 0 : i32
        %sign3A_2041 = vector.broadcast %sign3A_2040 : i32 to vector<16xi32>
        %sign3A_2042 = arith.cmpi sgt, %add3A_2036, %sign3A_2041 : vector<16xi32>
        %sign3A_2043 = arith.extui %sign3A_2042 : vector<16xi1> to vector<16xi32>
        %sign3A_2044 = arith.constant 0 : i32
        %sign3A_2045 = vector.broadcast %sign3A_2044 : i32 to vector<16xi32>
        %sign3A_2046 = arith.cmpi slt, %add3A_2036, %sign3A_2045 : vector<16xi32>
        %sign3A_2047 = arith.extui %sign3A_2046 : vector<16xi1> to vector<16xi32>
        %sign3A_2048 = arith.subi %sign3A_2043, %sign3A_2047 : vector<16xi32>
        %sign3A_2049 = arith.constant 0 : i32
        %sign3A_2050 = arith.cmpi sgt, %jit3A_2037, %sign3A_2049 : i32
        %sign3A_2051 = arith.extui %sign3A_2050 : i1 to i32
        %sign3A_2052 = arith.constant 0 : i32
        %sign3A_2053 = arith.cmpi slt, %jit3A_2037, %sign3A_2052 : i32
        %sign3A_2054 = arith.extui %sign3A_2053 : i1 to i32
        %sign3A_2055 = arith.subi %sign3A_2051, %sign3A_2054 : i32
        %ne3A_2056 = vector.broadcast %sign3A_2055 : i32 to vector<16xi32>
        %ne3A_2057 = arith.cmpi ne, %sign3A_2048, %ne3A_2056 : vector<16xi32>
        %rem3A_2058 = vector.broadcast %jit3A_2037 : i32 to vector<16xi32>
        %rem3A_2059 = arith.remsi %add3A_2036, %rem3A_2058 : vector<16xi32>
        %ne3A_2060 = arith.constant 0 : i32
        %ne3A_2061 = vector.broadcast %ne3A_2060 : i32 to vector<16xi32>
        %ne3A_2062 = arith.cmpi ne, %rem3A_2059, %ne3A_2061 : vector<16xi32>
        %and3A_2063 = arith.andi %ne3A_2057, %ne3A_2062 : vector<16xi1>
        %sub3A_2064 = arith.constant 1 : i32
        %sub3A_2065 = vector.broadcast %sub3A_2064 : i32 to vector<16xi32>
        %sub3A_2066 = arith.subi %div3A_2039, %sub3A_2065 : vector<16xi32>
        %select_n3A_2067 = arith.select %and3A_2063, %sub3A_2066, %div3A_2039 : vector<16xi1>, vector<16xi32>
        %mul3A_2068 = arith.constant 200 : i32
        %mul3A_2069 = vector.broadcast %mul3A_2068 : i32 to vector<16xi32>
        %mul3A_2070 = arith.muli %select_n3A_2067, %mul3A_2069 : vector<16xi32>
        %sub3A_2071 = arith.subi %add3A_2036, %mul3A_2070 : vector<16xi32>
        %and3A_2072 = arith.constant 127 : i32
        %and3A_2073 = vector.broadcast %and3A_2072 : i32 to vector<16xi32>
        %and3A_2074 = arith.andi %select_n3A_2067, %and3A_2073 : vector<16xi32>
        %gather3A_2075 = tpu.vector_load_idx %arg5[%sub3A_2071, %and3A_2074] : memref<200x256xi32, #tpu.memory_space<vmem>>[vector<16xi32>, vector<16xi32>], vector<16xi32>,
        %add3A_2076 = arith.constant 128 : i32
        %add3A_2077 = vector.broadcast %add3A_2076 : i32 to vector<16xi32>
        %add3A_2078 = arith.addi %and3A_2074, %add3A_2077 : vector<16xi32>
        %gather3A_2079 = tpu.vector_load_idx %arg5[%sub3A_2071, %add3A_2078] : memref<200x256xi32, #tpu.memory_space<vmem>>[vector<16xi32>, vector<16xi32>], vector<16xi32>,
        %mul3A_2080 = arith.constant 96 : i32
        %mul3A_2081 = vector.broadcast %mul3A_2080 : i32 to vector<16xi32>
        %mul3A_2082 = arith.muli %gather3A_2075, %mul3A_2081 : vector<16xi32>
        %add3A_2083 = arith.addi %mul3A_2082, %gather3A_2079 : vector<16xi32>
        %swap3A_2084 = arith.constant 0 : i32
        %swap3A_2085 = arith.index_cast %swap3A_2084 : i32 to index
        %swap3A_2086 = arith.constant 0 : index
        %swap3A_2087 = tpu.vector_load %arg10[%swap3A_2085, %swap3A_2086] {strides = array<i32>} : memref<1x128xi32, #tpu.memory_space<vmem>>, vector<16xi32>,
        tpu.vector_store %arg10[%swap3A_2085, %swap3A_2086], %add3A_2083 {strides = array<i32>} : memref<1x128xi32, #tpu.memory_space<vmem>>, vector<16xi32>,
        %add3A_2088 = arith.constant 16 : i32
        %add3A_2089 = arith.addi %add3A_2032, %add3A_2088 : i32
        %add3A_2090 = vector.broadcast %add3A_2089 : i32 to vector<16xi32>
        %add3A_2091 = arith.addi %add3A_2090, %iota3A : vector<16xi32>
        %jit3A_2092 = arith.constant 200 : i32
        %div3A_2093 = vector.broadcast %jit3A_2092 : i32 to vector<16xi32>
        %div3A_2094 = arith.divsi %add3A_2091, %div3A_2093 : vector<16xi32>
        %sign3A_2095 = arith.constant 0 : i32
        %sign3A_2096 = vector.broadcast %sign3A_2095 : i32 to vector<16xi32>
        %sign3A_2097 = arith.cmpi sgt, %add3A_2091, %sign3A_2096 : vector<16xi32>
        %sign3A_2098 = arith.extui %sign3A_2097 : vector<16xi1> to vector<16xi32>
        %sign3A_2099 = arith.constant 0 : i32
        %sign3A_2100 = vector.broadcast %sign3A_2099 : i32 to vector<16xi32>
        %sign3A_2101 = arith.cmpi slt, %add3A_2091, %sign3A_2100 : vector<16xi32>
        %sign3A_2102 = arith.extui %sign3A_2101 : vector<16xi1> to vector<16xi32>
        %sign3A_2103 = arith.subi %sign3A_2098, %sign3A_2102 : vector<16xi32>
        %sign3A_2104 = arith.constant 0 : i32
        %sign3A_2105 = arith.cmpi sgt, %jit3A_2092, %sign3A_2104 : i32
        %sign3A_2106 = arith.extui %sign3A_2105 : i1 to i32
        %sign3A_2107 = arith.constant 0 : i32
        %sign3A_2108 = arith.cmpi slt, %jit3A_2092, %sign3A_2107 : i32
        %sign3A_2109 = arith.extui %sign3A_2108 : i1 to i32
        %sign3A_2110 = arith.subi %sign3A_2106, %sign3A_2109 : i32
        %ne3A_2111 = vector.broadcast %sign3A_2110 : i32 to vector<16xi32>
        %ne3A_2112 = arith.cmpi ne, %sign3A_2103, %ne3A_2111 : vector<16xi32>
        %rem3A_2113 = vector.broadcast %jit3A_2092 : i32 to vector<16xi32>
        %rem3A_2114 = arith.remsi %add3A_2091, %rem3A_2113 : vector<16xi32>
        %ne3A_2115 = arith.constant 0 : i32
        %ne3A_2116 = vector.broadcast %ne3A_2115 : i32 to vector<16xi32>
        %ne3A_2117 = arith.cmpi ne, %rem3A_2114, %ne3A_2116 : vector<16xi32>
        %and3A_2118 = arith.andi %ne3A_2112, %ne3A_2117 : vector<16xi1>
        %sub3A_2119 = arith.constant 1 : i32
        %sub3A_2120 = vector.broadcast %sub3A_2119 : i32 to vector<16xi32>
        %sub3A_2121 = arith.subi %div3A_2094, %sub3A_2120 : vector<16xi32>
        %select_n3A_2122 = arith.select %and3A_2118, %sub3A_2121, %div3A_2094 : vector<16xi1>, vector<16xi32>
        %mul3A_2123 = arith.constant 200 : i32
        %mul3A_2124 = vector.broadcast %mul3A_2123 : i32 to vector<16xi32>
        %mul3A_2125 = arith.muli %select_n3A_2122, %mul3A_2124 : vector<16xi32>
        %sub3A_2126 = arith.subi %add3A_2091, %mul3A_2125 : vector<16xi32>
        %and3A_2127 = arith.constant 127 : i32
        %and3A_2128 = vector.broadcast %and3A_2127 : i32 to vector<16xi32>
        %and3A_2129 = arith.andi %select_n3A_2122, %and3A_2128 : vector<16xi32>
        %gather3A_2130 = tpu.vector_load_idx %arg5[%sub3A_2126, %and3A_2129] : memref<200x256xi32, #tpu.memory_space<vmem>>[vector<16xi32>, vector<16xi32>], vector<16xi32>,
        %add3A_2131 = arith.constant 128 : i32
        %add3A_2132 = vector.broadcast %add3A_2131 : i32 to vector<16xi32>
        %add3A_2133 = arith.addi %and3A_2129, %add3A_2132 : vector<16xi32>
        %gather3A_2134 = tpu.vector_load_idx %arg5[%sub3A_2126, %add3A_2133] : memref<200x256xi32, #tpu.memory_space<vmem>>[vector<16xi32>, vector<16xi32>], vector<16xi32>,
        %mul3A_2135 = arith.constant 96 : i32
        %mul3A_2136 = vector.broadcast %mul3A_2135 : i32 to vector<16xi32>
        %mul3A_2137 = arith.muli %gather3A_2130, %mul3A_2136 : vector<16xi32>
        %add3A_2138 = arith.addi %mul3A_2137, %gather3A_2134 : vector<16xi32>
        %swap3A_2139 = arith.constant 0 : i32
        %swap3A_2140 = arith.index_cast %swap3A_2139 : i32 to index
        %swap3A_2141 = arith.constant 16 : index
        %swap3A_2142 = tpu.vector_load %arg10[%swap3A_2140, %swap3A_2141] {strides = array<i32>} : memref<1x128xi32, #tpu.memory_space<vmem>>, vector<16xi32>,
        tpu.vector_store %arg10[%swap3A_2140, %swap3A_2141], %add3A_2138 {strides = array<i32>} : memref<1x128xi32, #tpu.memory_space<vmem>>, vector<16xi32>,
        %add3A_2143 = arith.constant 32 : i32
        %add3A_2144 = arith.addi %add3A_2032, %add3A_2143 : i32
        %add3A_2145 = vector.broadcast %add3A_2144 : i32 to vector<16xi32>
        %add3A_2146 = arith.addi %add3A_2145, %iota3A : vector<16xi32>
        %jit3A_2147 = arith.constant 200 : i32
        %div3A_2148 = vector.broadcast %jit3A_2147 : i32 to vector<16xi32>
        %div3A_2149 = arith.divsi %add3A_2146, %div3A_2148 : vector<16xi32>
        %sign3A_2150 = arith.constant 0 : i32
        %sign3A_2151 = vector.broadcast %sign3A_2150 : i32 to vector<16xi32>
        %sign3A_2152 = arith.cmpi sgt, %add3A_2146, %sign3A_2151 : vector<16xi32>
        %sign3A_2153 = arith.extui %sign3A_2152 : vector<16xi1> to vector<16xi32>
        %sign3A_2154 = arith.constant 0 : i32
        %sign3A_2155 = vector.broadcast %sign3A_2154 : i32 to vector<16xi32>
        %sign3A_2156 = arith.cmpi slt, %add3A_2146, %sign3A_2155 : vector<16xi32>
        %sign3A_2157 = arith.extui %sign3A_2156 : vector<16xi1> to vector<16xi32>
        %sign3A_2158 = arith.subi %sign3A_2153, %sign3A_2157 : vector<16xi32>
        %sign3A_2159 = arith.constant 0 : i32
        %sign3A_2160 = arith.cmpi sgt, %jit3A_2147, %sign3A_2159 : i32
        %sign3A_2161 = arith.extui %sign3A_2160 : i1 to i32
        %sign3A_2162 = arith.constant 0 : i32
        %sign3A_2163 = arith.cmpi slt, %jit3A_2147, %sign3A_2162 : i32
        %sign3A_2164 = arith.extui %sign3A_2163 : i1 to i32
        %sign3A_2165 = arith.subi %sign3A_2161, %sign3A_2164 : i32
        %ne3A_2166 = vector.broadcast %sign3A_2165 : i32 to vector<16xi32>
        %ne3A_2167 = arith.cmpi ne, %sign3A_2158, %ne3A_2166 : vector<16xi32>
        %rem3A_2168 = vector.broadcast %jit3A_2147 : i32 to vector<16xi32>
        %rem3A_2169 = arith.remsi %add3A_2146, %rem3A_2168 : vector<16xi32>
        %ne3A_2170 = arith.constant 0 : i32
        %ne3A_2171 = vector.broadcast %ne3A_2170 : i32 to vector<16xi32>
        %ne3A_2172 = arith.cmpi ne, %rem3A_2169, %ne3A_2171 : vector<16xi32>
        %and3A_2173 = arith.andi %ne3A_2167, %ne3A_2172 : vector<16xi1>
        %sub3A_2174 = arith.constant 1 : i32
        %sub3A_2175 = vector.broadcast %sub3A_2174 : i32 to vector<16xi32>
        %sub3A_2176 = arith.subi %div3A_2149, %sub3A_2175 : vector<16xi32>
        %select_n3A_2177 = arith.select %and3A_2173, %sub3A_2176, %div3A_2149 : vector<16xi1>, vector<16xi32>
        %mul3A_2178 = arith.constant 200 : i32
        %mul3A_2179 = vector.broadcast %mul3A_2178 : i32 to vector<16xi32>
        %mul3A_2180 = arith.muli %select_n3A_2177, %mul3A_2179 : vector<16xi32>
        %sub3A_2181 = arith.subi %add3A_2146, %mul3A_2180 : vector<16xi32>
        %and3A_2182 = arith.constant 127 : i32
        %and3A_2183 = vector.broadcast %and3A_2182 : i32 to vector<16xi32>
        %and3A_2184 = arith.andi %select_n3A_2177, %and3A_2183 : vector<16xi32>
        %gather3A_2185 = tpu.vector_load_idx %arg5[%sub3A_2181, %and3A_2184] : memref<200x256xi32, #tpu.memory_space<vmem>>[vector<16xi32>, vector<16xi32>], vector<16xi32>,
        %add3A_2186 = arith.constant 128 : i32
        %add3A_2187 = vector.broadcast %add3A_2186 : i32 to vector<16xi32>
        %add3A_2188 = arith.addi %and3A_2184, %add3A_2187 : vector<16xi32>
        %gather3A_2189 = tpu.vector_load_idx %arg5[%sub3A_2181, %add3A_2188] : memref<200x256xi32, #tpu.memory_space<vmem>>[vector<16xi32>, vector<16xi32>], vector<16xi32>,
        %mul3A_2190 = arith.constant 96 : i32
        %mul3A_2191 = vector.broadcast %mul3A_2190 : i32 to vector<16xi32>
        %mul3A_2192 = arith.muli %gather3A_2185, %mul3A_2191 : vector<16xi32>
        %add3A_2193 = arith.addi %mul3A_2192, %gather3A_2189 : vector<16xi32>
        %swap3A_2194 = arith.constant 0 : i32
        %swap3A_2195 = arith.index_cast %swap3A_2194 : i32 to index
        %swap3A_2196 = arith.constant 32 : index
        %swap3A_2197 = tpu.vector_load %arg10[%swap3A_2195, %swap3A_2196] {strides = array<i32>} : memref<1x128xi32, #tpu.memory_space<vmem>>, vector<16xi32>,
        tpu.vector_store %arg10[%swap3A_2195, %swap3A_2196], %add3A_2193 {strides = array<i32>} : memref<1x128xi32, #tpu.memory_space<vmem>>, vector<16xi32>,
        %add3A_2198 = arith.constant 48 : i32
        %add3A_2199 = arith.addi %add3A_2032, %add3A_2198 : i32
        %add3A_2200 = vector.broadcast %add3A_2199 : i32 to vector<16xi32>
        %add3A_2201 = arith.addi %add3A_2200, %iota3A : vector<16xi32>
        %jit3A_2202 = arith.constant 200 : i32
        %div3A_2203 = vector.broadcast %jit3A_2202 : i32 to vector<16xi32>
        %div3A_2204 = arith.divsi %add3A_2201, %div3A_2203 : vector<16xi32>
        %sign3A_2205 = arith.constant 0 : i32
        %sign3A_2206 = vector.broadcast %sign3A_2205 : i32 to vector<16xi32>
        %sign3A_2207 = arith.cmpi sgt, %add3A_2201, %sign3A_2206 : vector<16xi32>
        %sign3A_2208 = arith.extui %sign3A_2207 : vector<16xi1> to vector<16xi32>
        %sign3A_2209 = arith.constant 0 : i32
        %sign3A_2210 = vector.broadcast %sign3A_2209 : i32 to vector<16xi32>
        %sign3A_2211 = arith.cmpi slt, %add3A_2201, %sign3A_2210 : vector<16xi32>
        %sign3A_2212 = arith.extui %sign3A_2211 : vector<16xi1> to vector<16xi32>
        %sign3A_2213 = arith.subi %sign3A_2208, %sign3A_2212 : vector<16xi32>
        %sign3A_2214 = arith.constant 0 : i32
        %sign3A_2215 = arith.cmpi sgt, %jit3A_2202, %sign3A_2214 : i32
        %sign3A_2216 = arith.extui %sign3A_2215 : i1 to i32
        %sign3A_2217 = arith.constant 0 : i32
        %sign3A_2218 = arith.cmpi slt, %jit3A_2202, %sign3A_2217 : i32
        %sign3A_2219 = arith.extui %sign3A_2218 : i1 to i32
        %sign3A_2220 = arith.subi %sign3A_2216, %sign3A_2219 : i32
        %ne3A_2221 = vector.broadcast %sign3A_2220 : i32 to vector<16xi32>
        %ne3A_2222 = arith.cmpi ne, %sign3A_2213, %ne3A_2221 : vector<16xi32>
        %rem3A_2223 = vector.broadcast %jit3A_2202 : i32 to vector<16xi32>
        %rem3A_2224 = arith.remsi %add3A_2201, %rem3A_2223 : vector<16xi32>
        %ne3A_2225 = arith.constant 0 : i32
        %ne3A_2226 = vector.broadcast %ne3A_2225 : i32 to vector<16xi32>
        %ne3A_2227 = arith.cmpi ne, %rem3A_2224, %ne3A_2226 : vector<16xi32>
        %and3A_2228 = arith.andi %ne3A_2222, %ne3A_2227 : vector<16xi1>
        %sub3A_2229 = arith.constant 1 : i32
        %sub3A_2230 = vector.broadcast %sub3A_2229 : i32 to vector<16xi32>
        %sub3A_2231 = arith.subi %div3A_2204, %sub3A_2230 : vector<16xi32>
        %select_n3A_2232 = arith.select %and3A_2228, %sub3A_2231, %div3A_2204 : vector<16xi1>, vector<16xi32>
        %mul3A_2233 = arith.constant 200 : i32
        %mul3A_2234 = vector.broadcast %mul3A_2233 : i32 to vector<16xi32>
        %mul3A_2235 = arith.muli %select_n3A_2232, %mul3A_2234 : vector<16xi32>
        %sub3A_2236 = arith.subi %add3A_2201, %mul3A_2235 : vector<16xi32>
        %and3A_2237 = arith.constant 127 : i32
        %and3A_2238 = vector.broadcast %and3A_2237 : i32 to vector<16xi32>
        %and3A_2239 = arith.andi %select_n3A_2232, %and3A_2238 : vector<16xi32>
        %gather3A_2240 = tpu.vector_load_idx %arg5[%sub3A_2236, %and3A_2239] : memref<200x256xi32, #tpu.memory_space<vmem>>[vector<16xi32>, vector<16xi32>], vector<16xi32>,
        %add3A_2241 = arith.constant 128 : i32
        %add3A_2242 = vector.broadcast %add3A_2241 : i32 to vector<16xi32>
        %add3A_2243 = arith.addi %and3A_2239, %add3A_2242 : vector<16xi32>
        %gather3A_2244 = tpu.vector_load_idx %arg5[%sub3A_2236, %add3A_2243] : memref<200x256xi32, #tpu.memory_space<vmem>>[vector<16xi32>, vector<16xi32>], vector<16xi32>,
        %mul3A_2245 = arith.constant 96 : i32
        %mul3A_2246 = vector.broadcast %mul3A_2245 : i32 to vector<16xi32>
        %mul3A_2247 = arith.muli %gather3A_2240, %mul3A_2246 : vector<16xi32>
        %add3A_2248 = arith.addi %mul3A_2247, %gather3A_2244 : vector<16xi32>
        %swap3A_2249 = arith.constant 0 : i32
        %swap3A_2250 = arith.index_cast %swap3A_2249 : i32 to index
        %swap3A_2251 = arith.constant 48 : index
        %swap3A_2252 = tpu.vector_load %arg10[%swap3A_2250, %swap3A_2251] {strides = array<i32>} : memref<1x128xi32, #tpu.memory_space<vmem>>, vector<16xi32>,
        tpu.vector_store %arg10[%swap3A_2250, %swap3A_2251], %add3A_2248 {strides = array<i32>} : memref<1x128xi32, #tpu.memory_space<vmem>>, vector<16xi32>,
        %mul3A_2253 = arith.constant 64 : i32
        %mul3A_2254 = arith.muli %add3A_1955, %mul3A_2253 : i32
        %add3A_2255 = arith.addi %mul3A_2, %mul3A_2254 : i32
        %dma_wait3A_2256 = arith.constant 0 : i32
        %dma_wait3A_2257 = tpu.memref_slice %arg4[%add3A_2255, %dma_wait3A_2256] : memref<3276800x128xf32, #tpu.memory_space<hbm>> -> memref<64x128xf32, #tpu.memory_space<hbm>>
        %dma_wait3A_2258 = arith.constant 0 : i32
        %dma_wait3A_2259 = tpu.memref_slice %arg4[%add3A_2255, %dma_wait3A_2258] : memref<3276800x128xf32, #tpu.memory_space<hbm>> -> memref<64x128xf32, #tpu.memory_space<hbm>>
        tpu.wait_dma2 semaphore(%arg34 : memref<!tpu.dma_semaphore, #tpu.memory_space<semaphore_mem>>) src(%arg18 : memref<64x128xf32, #tpu.memory_space<vmem>>) dst(%dma_wait3A_2259 : memref<64x128xf32, #tpu.memory_space<hbm>>)
        %dma_start3A_2260 = arith.constant 0 : i32
        %dma_start3A_2261 = arith.constant 0 : i32
        %dma_start3A_2262 = tpu.memref_slice %arg10[%dma_start3A_2260, %dma_start3A_2261] : memref<1x128xi32, #tpu.memory_space<vmem>> -> memref<1x64xi32, #tpu.memory_space<vmem>>
        %dma_start3A_2263 = tpu.memref_squeeze %dma_start3A_2262 : memref<1x64xi32, #tpu.memory_space<vmem>> -> memref<64xi32, #tpu.memory_space<vmem>>
        %dma_start3A_2264 = arith.constant 0 : i32
        %dma_start3A_2265 = arith.constant 0 : i32
        %dma_start3A_2266 = tpu.memref_slice %arg38[%dma_start3A_2264, %dma_start3A_2265] : memref<672x128xf32, #tpu.memory_space<vmem_shared>> -> memref<672x128xf32, #tpu.memory_space<vmem_shared>>
        tpu.enqueue_indirect_dma source(%dma_start3A_2266 : memref<672x128xf32, #tpu.memory_space<vmem_shared>>) target(%arg18 : memref<64x128xf32, #tpu.memory_space<vmem>>) offsets(%dma_start3A_2263 : memref<64xi32, #tpu.memory_space<vmem>>) semaphore(%arg26 : memref<!tpu.dma_semaphore, #tpu.memory_space<semaphore_mem>>)
      } else {
      }
      %mul3A_1961 = arith.constant 8 : i32
      %mul3A_1962 = arith.muli %mul3A_1961, %scan3A_1881 : i32
      %add3A_1963 = arith.constant 5 : i32
      %add3A_1964 = arith.addi %mul3A_1962, %add3A_1963 : i32
      %lt3A_1965 = arith.constant 1600 : i32
      %lt3A_1966 = arith.cmpi slt, %add3A_1964, %lt3A_1965 : i32
      %convert_element_type3A_1967 = arith.extui %lt3A_1966 : i1 to i32
      %cond3A_1968 = arith.constant 0 : i32
      %cond3A_1969 = arith.cmpi ne, %convert_element_type3A_1967, %cond3A_1968 : i32
      scf.if %cond3A_1969 {
        %dma_wait3A_2009 = arith.constant 0 : i32
        %dma_wait3A_2010 = arith.constant 0 : i32
        %dma_wait3A_2011 = tpu.memref_slice %arg11[%dma_wait3A_2009, %dma_wait3A_2010] : memref<1x128xi32, #tpu.memory_space<vmem>> -> memref<1x64xi32, #tpu.memory_space<vmem>>
        %dma_wait3A_2012 = tpu.memref_squeeze %dma_wait3A_2011 : memref<1x64xi32, #tpu.memory_space<vmem>> -> memref<64xi32, #tpu.memory_space<vmem>>
        %dma_wait3A_2013 = arith.constant 0 : i32
        %dma_wait3A_2014 = arith.constant 0 : i32
        %dma_wait3A_2015 = tpu.memref_slice %arg38[%dma_wait3A_2013, %dma_wait3A_2014] : memref<672x128xf32, #tpu.memory_space<vmem_shared>> -> memref<672x128xf32, #tpu.memory_space<vmem_shared>>
        tpu.wait_indirect_dma semaphore(%arg27 : memref<!tpu.dma_semaphore, #tpu.memory_space<semaphore_mem>>) src(%dma_wait3A_2015 : memref<672x128xf32, #tpu.memory_space<vmem_shared>>) dst(%arg19 : memref<64x128xf32, #tpu.memory_space<vmem>>)
        %mul3A_2016 = arith.constant 64 : i32
        %mul3A_2017 = arith.muli %add3A_1964, %mul3A_2016 : i32
        %add3A_2018 = arith.addi %mul3A_2, %mul3A_2017 : i32
        %dma_start3A_2019 = arith.constant 0 : i32
        %dma_start3A_2020 = tpu.memref_slice %arg4[%add3A_2018, %dma_start3A_2019] : memref<3276800x128xf32, #tpu.memory_space<hbm>> -> memref<64x128xf32, #tpu.memory_space<hbm>>
        %dma_start3A_2021 = arith.constant 0 : i32
        %dma_start3A_2022 = tpu.memref_slice %arg4[%add3A_2018, %dma_start3A_2021] : memref<3276800x128xf32, #tpu.memory_space<hbm>> -> memref<64x128xf32, #tpu.memory_space<hbm>>
        tpu.enqueue_dma source(%arg19 : memref<64x128xf32, #tpu.memory_space<vmem>>) target(%dma_start3A_2022 : memref<64x128xf32, #tpu.memory_space<hbm>>) target_semaphore(%arg35 : memref<!tpu.dma_semaphore, #tpu.memory_space<semaphore_mem>>)
      } else {
      }
      %add3A_1970 = arith.constant 8 : i32
      %add3A_1971 = arith.addi %add3A_1964, %add3A_1970 : i32
      %lt3A_1972 = arith.constant 1600 : i32
      %lt3A_1973 = arith.cmpi slt, %add3A_1971, %lt3A_1972 : i32
      %convert_element_type3A_1974 = arith.extui %lt3A_1973 : i1 to i32
      %cond3A_1975 = arith.constant 0 : i32
      %cond3A_1976 = arith.cmpi ne, %convert_element_type3A_1974, %cond3A_1975 : i32
      scf.if %cond3A_1976 {
        %jit3A_2009 = arith.constant 400 : i32
        %eq3A_2010 = arith.constant 0 : i32
        %eq3A_2011 = arith.cmpi eq, %jit3A_2009, %eq3A_2010 : i32
        %jit3A_2012 = arith.constant 1 : i32
        %select_n3A_2013 = arith.select %eq3A_2011, %jit3A_2012, %jit3A_2009 : i32
        %rem3A_2014 = arith.remsi %add3A_1971, %select_n3A_2013 : i32
        %ne3A_2015 = arith.constant 0 : i32
        %ne3A_2016 = arith.cmpi ne, %rem3A_2014, %ne3A_2015 : i32
        %lt3A_2017 = arith.constant 0 : i32
        %lt3A_2018 = arith.cmpi slt, %rem3A_2014, %lt3A_2017 : i32
        %lt3A_2019 = arith.constant 0 : i32
        %lt3A_2020 = arith.cmpi slt, %select_n3A_2013, %lt3A_2019 : i32
        %ne3A_2021 = arith.xori %lt3A_2018, %lt3A_2020 : i1
        %and3A_2022 = arith.andi %ne3A_2021, %ne3A_2016 : i1
        %add3A_2023 = arith.addi %rem3A_2014, %select_n3A_2013 : i32
        %select_n3A_2024 = arith.select %and3A_2022, %add3A_2023, %rem3A_2014 : i32
        %eq3A_2025 = arith.constant 0 : i32
        %eq3A_2026 = arith.cmpi eq, %select_n3A_2024, %eq3A_2025 : i32
        %convert_element_type3A_2027 = arith.extui %eq3A_2026 : i1 to i32
        %cond3A_2028 = arith.constant 0 : i32
        %cond3A_2029 = arith.cmpi ne, %convert_element_type3A_2027, %cond3A_2028 : i32
        scf.if %cond3A_2029 {
          %mul3A_2267 = arith.constant 4 : i32
          %mul3A_2268 = arith.muli %add3A, %mul3A_2267 : i32
          %jit3A_2269 = arith.constant 400 : i32
          %div3A_2270 = arith.divsi %add3A_1971, %jit3A_2269 : i32
          %sign3A_2271 = arith.constant 0 : i32
          %sign3A_2272 = arith.cmpi sgt, %add3A_1971, %sign3A_2271 : i32
          %sign3A_2273 = arith.extui %sign3A_2272 : i1 to i32
          %sign3A_2274 = arith.constant 0 : i32
          %sign3A_2275 = arith.cmpi slt, %add3A_1971, %sign3A_2274 : i32
          %sign3A_2276 = arith.extui %sign3A_2275 : i1 to i32
          %sign3A_2277 = arith.subi %sign3A_2273, %sign3A_2276 : i32
          %sign3A_2278 = arith.constant 0 : i32
          %sign3A_2279 = arith.cmpi sgt, %jit3A_2269, %sign3A_2278 : i32
          %sign3A_2280 = arith.extui %sign3A_2279 : i1 to i32
          %sign3A_2281 = arith.constant 0 : i32
          %sign3A_2282 = arith.cmpi slt, %jit3A_2269, %sign3A_2281 : i32
          %sign3A_2283 = arith.extui %sign3A_2282 : i1 to i32
          %sign3A_2284 = arith.subi %sign3A_2280, %sign3A_2283 : i32
          %ne3A_2285 = arith.cmpi ne, %sign3A_2277, %sign3A_2284 : i32
          %rem3A_2286 = arith.remsi %add3A_1971, %jit3A_2269 : i32
          %ne3A_2287 = arith.constant 0 : i32
          %ne3A_2288 = arith.cmpi ne, %rem3A_2286, %ne3A_2287 : i32
          %and3A_2289 = arith.andi %ne3A_2285, %ne3A_2288 : i1
          %sub3A_2290 = arith.constant 1 : i32
          %sub3A_2291 = arith.subi %div3A_2270, %sub3A_2290 : i32
          %select_n3A_2292 = arith.select %and3A_2289, %sub3A_2291, %div3A_2270 : i32
          %add3A_2293 = arith.addi %mul3A_2268, %select_n3A_2292 : i32
          "tpu.region"() ({
            %run_scoped3A = tpu.sem_alloc : memref<!tpu.dma_semaphore, #tpu.memory_space<semaphore_mem>>
            %dma_start3A_2294 = arith.constant 0 : i32
            %dma_start3A_2295 = arith.constant 0 : i32
            %dma_start3A_2296 = tpu.memref_slice %arg2[%dma_start3A_2294, %add3A_2293, %dma_start3A_2295] : memref<200x128x256xi32, #tpu.memory_space<hbm>> -> memref<200x1x256xi32, #tpu.memory_space<hbm>>
            %dma_start3A_2297 = tpu.memref_squeeze %dma_start3A_2296 : memref<200x1x256xi32, #tpu.memory_space<hbm>> -> memref<200x256xi32, #tpu.memory_space<hbm>>
            %dma_start3A_2298 = arith.constant 0 : i32
            %dma_start3A_2299 = arith.constant 0 : i32
            %dma_start3A_2300 = tpu.memref_slice %arg2[%dma_start3A_2298, %add3A_2293, %dma_start3A_2299] : memref<200x128x256xi32, #tpu.memory_space<hbm>> -> memref<200x1x256xi32, #tpu.memory_space<hbm>>
            %dma_start3A_2301 = tpu.memref_squeeze %dma_start3A_2300 : memref<200x1x256xi32, #tpu.memory_space<hbm>> -> memref<200x256xi32, #tpu.memory_space<hbm>>
            tpu.enqueue_dma source(%dma_start3A_2301 : memref<200x256xi32, #tpu.memory_space<hbm>>) target(%arg5 : memref<200x256xi32, #tpu.memory_space<vmem>>) target_semaphore(%run_scoped3A : memref<!tpu.dma_semaphore, #tpu.memory_space<semaphore_mem>>)
            %dma_wait3A_2302 = arith.constant 0 : i32
            %dma_wait3A_2303 = arith.constant 0 : i32
            %dma_wait3A_2304 = tpu.memref_slice %arg2[%dma_wait3A_2302, %add3A_2293, %dma_wait3A_2303] : memref<200x128x256xi32, #tpu.memory_space<hbm>> -> memref<200x1x256xi32, #tpu.memory_space<hbm>>
            %dma_wait3A_2305 = tpu.memref_squeeze %dma_wait3A_2304 : memref<200x1x256xi32, #tpu.memory_space<hbm>> -> memref<200x256xi32, #tpu.memory_space<hbm>>
            %dma_wait3A_2306 = arith.constant 0 : i32
            %dma_wait3A_2307 = arith.constant 0 : i32
            %dma_wait3A_2308 = tpu.memref_slice %arg2[%dma_wait3A_2306, %add3A_2293, %dma_wait3A_2307] : memref<200x128x256xi32, #tpu.memory_space<hbm>> -> memref<200x1x256xi32, #tpu.memory_space<hbm>>
            %dma_wait3A_2309 = tpu.memref_squeeze %dma_wait3A_2308 : memref<200x1x256xi32, #tpu.memory_space<hbm>> -> memref<200x256xi32, #tpu.memory_space<hbm>>
            tpu.wait_dma2 semaphore(%run_scoped3A : memref<!tpu.dma_semaphore, #tpu.memory_space<semaphore_mem>>) src(%dma_wait3A_2309 : memref<200x256xi32, #tpu.memory_space<hbm>>) dst(%arg5 : memref<200x256xi32, #tpu.memory_space<vmem>>)
            tpu.yield
          }) : () -> ()
        } else {
        }
        %mul3A_2030 = arith.constant 64 : i32
        %mul3A_2031 = arith.muli %add3A_1971, %mul3A_2030 : i32
        %add3A_2032 = arith.addi %mul3A_2, %mul3A_2031 : i32
        %add3A_2033 = arith.constant 0 : i32
        %add3A_2034 = arith.addi %add3A_2032, %add3A_2033 : i32
        %add3A_2035 = vector.broadcast %add3A_2034 : i32 to vector<16xi32>
        %add3A_2036 = arith.addi %add3A_2035, %iota3A : vector<16xi32>
        %jit3A_2037 = arith.constant 200 : i32
        %div3A_2038 = vector.broadcast %jit3A_2037 : i32 to vector<16xi32>
        %div3A_2039 = arith.divsi %add3A_2036, %div3A_2038 : vector<16xi32>
        %sign3A_2040 = arith.constant 0 : i32
        %sign3A_2041 = vector.broadcast %sign3A_2040 : i32 to vector<16xi32>
        %sign3A_2042 = arith.cmpi sgt, %add3A_2036, %sign3A_2041 : vector<16xi32>
        %sign3A_2043 = arith.extui %sign3A_2042 : vector<16xi1> to vector<16xi32>
        %sign3A_2044 = arith.constant 0 : i32
        %sign3A_2045 = vector.broadcast %sign3A_2044 : i32 to vector<16xi32>
        %sign3A_2046 = arith.cmpi slt, %add3A_2036, %sign3A_2045 : vector<16xi32>
        %sign3A_2047 = arith.extui %sign3A_2046 : vector<16xi1> to vector<16xi32>
        %sign3A_2048 = arith.subi %sign3A_2043, %sign3A_2047 : vector<16xi32>
        %sign3A_2049 = arith.constant 0 : i32
        %sign3A_2050 = arith.cmpi sgt, %jit3A_2037, %sign3A_2049 : i32
        %sign3A_2051 = arith.extui %sign3A_2050 : i1 to i32
        %sign3A_2052 = arith.constant 0 : i32
        %sign3A_2053 = arith.cmpi slt, %jit3A_2037, %sign3A_2052 : i32
        %sign3A_2054 = arith.extui %sign3A_2053 : i1 to i32
        %sign3A_2055 = arith.subi %sign3A_2051, %sign3A_2054 : i32
        %ne3A_2056 = vector.broadcast %sign3A_2055 : i32 to vector<16xi32>
        %ne3A_2057 = arith.cmpi ne, %sign3A_2048, %ne3A_2056 : vector<16xi32>
        %rem3A_2058 = vector.broadcast %jit3A_2037 : i32 to vector<16xi32>
        %rem3A_2059 = arith.remsi %add3A_2036, %rem3A_2058 : vector<16xi32>
        %ne3A_2060 = arith.constant 0 : i32
        %ne3A_2061 = vector.broadcast %ne3A_2060 : i32 to vector<16xi32>
        %ne3A_2062 = arith.cmpi ne, %rem3A_2059, %ne3A_2061 : vector<16xi32>
        %and3A_2063 = arith.andi %ne3A_2057, %ne3A_2062 : vector<16xi1>
        %sub3A_2064 = arith.constant 1 : i32
        %sub3A_2065 = vector.broadcast %sub3A_2064 : i32 to vector<16xi32>
        %sub3A_2066 = arith.subi %div3A_2039, %sub3A_2065 : vector<16xi32>
        %select_n3A_2067 = arith.select %and3A_2063, %sub3A_2066, %div3A_2039 : vector<16xi1>, vector<16xi32>
        %mul3A_2068 = arith.constant 200 : i32
        %mul3A_2069 = vector.broadcast %mul3A_2068 : i32 to vector<16xi32>
        %mul3A_2070 = arith.muli %select_n3A_2067, %mul3A_2069 : vector<16xi32>
        %sub3A_2071 = arith.subi %add3A_2036, %mul3A_2070 : vector<16xi32>
        %and3A_2072 = arith.constant 127 : i32
        %and3A_2073 = vector.broadcast %and3A_2072 : i32 to vector<16xi32>
        %and3A_2074 = arith.andi %select_n3A_2067, %and3A_2073 : vector<16xi32>
        %gather3A_2075 = tpu.vector_load_idx %arg5[%sub3A_2071, %and3A_2074] : memref<200x256xi32, #tpu.memory_space<vmem>>[vector<16xi32>, vector<16xi32>], vector<16xi32>,
        %add3A_2076 = arith.constant 128 : i32
        %add3A_2077 = vector.broadcast %add3A_2076 : i32 to vector<16xi32>
        %add3A_2078 = arith.addi %and3A_2074, %add3A_2077 : vector<16xi32>
        %gather3A_2079 = tpu.vector_load_idx %arg5[%sub3A_2071, %add3A_2078] : memref<200x256xi32, #tpu.memory_space<vmem>>[vector<16xi32>, vector<16xi32>], vector<16xi32>,
        %mul3A_2080 = arith.constant 96 : i32
        %mul3A_2081 = vector.broadcast %mul3A_2080 : i32 to vector<16xi32>
        %mul3A_2082 = arith.muli %gather3A_2075, %mul3A_2081 : vector<16xi32>
        %add3A_2083 = arith.addi %mul3A_2082, %gather3A_2079 : vector<16xi32>
        %swap3A_2084 = arith.constant 0 : i32
        %swap3A_2085 = arith.index_cast %swap3A_2084 : i32 to index
        %swap3A_2086 = arith.constant 0 : index
        %swap3A_2087 = tpu.vector_load %arg11[%swap3A_2085, %swap3A_2086] {strides = array<i32>} : memref<1x128xi32, #tpu.memory_space<vmem>>, vector<16xi32>,
        tpu.vector_store %arg11[%swap3A_2085, %swap3A_2086], %add3A_2083 {strides = array<i32>} : memref<1x128xi32, #tpu.memory_space<vmem>>, vector<16xi32>,
        %add3A_2088 = arith.constant 16 : i32
        %add3A_2089 = arith.addi %add3A_2032, %add3A_2088 : i32
        %add3A_2090 = vector.broadcast %add3A_2089 : i32 to vector<16xi32>
        %add3A_2091 = arith.addi %add3A_2090, %iota3A : vector<16xi32>
        %jit3A_2092 = arith.constant 200 : i32
        %div3A_2093 = vector.broadcast %jit3A_2092 : i32 to vector<16xi32>
        %div3A_2094 = arith.divsi %add3A_2091, %div3A_2093 : vector<16xi32>
        %sign3A_2095 = arith.constant 0 : i32
        %sign3A_2096 = vector.broadcast %sign3A_2095 : i32 to vector<16xi32>
        %sign3A_2097 = arith.cmpi sgt, %add3A_2091, %sign3A_2096 : vector<16xi32>
        %sign3A_2098 = arith.extui %sign3A_2097 : vector<16xi1> to vector<16xi32>
        %sign3A_2099 = arith.constant 0 : i32
        %sign3A_2100 = vector.broadcast %sign3A_2099 : i32 to vector<16xi32>
        %sign3A_2101 = arith.cmpi slt, %add3A_2091, %sign3A_2100 : vector<16xi32>
        %sign3A_2102 = arith.extui %sign3A_2101 : vector<16xi1> to vector<16xi32>
        %sign3A_2103 = arith.subi %sign3A_2098, %sign3A_2102 : vector<16xi32>
        %sign3A_2104 = arith.constant 0 : i32
        %sign3A_2105 = arith.cmpi sgt, %jit3A_2092, %sign3A_2104 : i32
        %sign3A_2106 = arith.extui %sign3A_2105 : i1 to i32
        %sign3A_2107 = arith.constant 0 : i32
        %sign3A_2108 = arith.cmpi slt, %jit3A_2092, %sign3A_2107 : i32
        %sign3A_2109 = arith.extui %sign3A_2108 : i1 to i32
        %sign3A_2110 = arith.subi %sign3A_2106, %sign3A_2109 : i32
        %ne3A_2111 = vector.broadcast %sign3A_2110 : i32 to vector<16xi32>
        %ne3A_2112 = arith.cmpi ne, %sign3A_2103, %ne3A_2111 : vector<16xi32>
        %rem3A_2113 = vector.broadcast %jit3A_2092 : i32 to vector<16xi32>
        %rem3A_2114 = arith.remsi %add3A_2091, %rem3A_2113 : vector<16xi32>
        %ne3A_2115 = arith.constant 0 : i32
        %ne3A_2116 = vector.broadcast %ne3A_2115 : i32 to vector<16xi32>
        %ne3A_2117 = arith.cmpi ne, %rem3A_2114, %ne3A_2116 : vector<16xi32>
        %and3A_2118 = arith.andi %ne3A_2112, %ne3A_2117 : vector<16xi1>
        %sub3A_2119 = arith.constant 1 : i32
        %sub3A_2120 = vector.broadcast %sub3A_2119 : i32 to vector<16xi32>
        %sub3A_2121 = arith.subi %div3A_2094, %sub3A_2120 : vector<16xi32>
        %select_n3A_2122 = arith.select %and3A_2118, %sub3A_2121, %div3A_2094 : vector<16xi1>, vector<16xi32>
        %mul3A_2123 = arith.constant 200 : i32
        %mul3A_2124 = vector.broadcast %mul3A_2123 : i32 to vector<16xi32>
        %mul3A_2125 = arith.muli %select_n3A_2122, %mul3A_2124 : vector<16xi32>
        %sub3A_2126 = arith.subi %add3A_2091, %mul3A_2125 : vector<16xi32>
        %and3A_2127 = arith.constant 127 : i32
        %and3A_2128 = vector.broadcast %and3A_2127 : i32 to vector<16xi32>
        %and3A_2129 = arith.andi %select_n3A_2122, %and3A_2128 : vector<16xi32>
        %gather3A_2130 = tpu.vector_load_idx %arg5[%sub3A_2126, %and3A_2129] : memref<200x256xi32, #tpu.memory_space<vmem>>[vector<16xi32>, vector<16xi32>], vector<16xi32>,
        %add3A_2131 = arith.constant 128 : i32
        %add3A_2132 = vector.broadcast %add3A_2131 : i32 to vector<16xi32>
        %add3A_2133 = arith.addi %and3A_2129, %add3A_2132 : vector<16xi32>
        %gather3A_2134 = tpu.vector_load_idx %arg5[%sub3A_2126, %add3A_2133] : memref<200x256xi32, #tpu.memory_space<vmem>>[vector<16xi32>, vector<16xi32>], vector<16xi32>,
        %mul3A_2135 = arith.constant 96 : i32
        %mul3A_2136 = vector.broadcast %mul3A_2135 : i32 to vector<16xi32>
        %mul3A_2137 = arith.muli %gather3A_2130, %mul3A_2136 : vector<16xi32>
        %add3A_2138 = arith.addi %mul3A_2137, %gather3A_2134 : vector<16xi32>
        %swap3A_2139 = arith.constant 0 : i32
        %swap3A_2140 = arith.index_cast %swap3A_2139 : i32 to index
        %swap3A_2141 = arith.constant 16 : index
        %swap3A_2142 = tpu.vector_load %arg11[%swap3A_2140, %swap3A_2141] {strides = array<i32>} : memref<1x128xi32, #tpu.memory_space<vmem>>, vector<16xi32>,
        tpu.vector_store %arg11[%swap3A_2140, %swap3A_2141], %add3A_2138 {strides = array<i32>} : memref<1x128xi32, #tpu.memory_space<vmem>>, vector<16xi32>,
        %add3A_2143 = arith.constant 32 : i32
        %add3A_2144 = arith.addi %add3A_2032, %add3A_2143 : i32
        %add3A_2145 = vector.broadcast %add3A_2144 : i32 to vector<16xi32>
        %add3A_2146 = arith.addi %add3A_2145, %iota3A : vector<16xi32>
        %jit3A_2147 = arith.constant 200 : i32
        %div3A_2148 = vector.broadcast %jit3A_2147 : i32 to vector<16xi32>
        %div3A_2149 = arith.divsi %add3A_2146, %div3A_2148 : vector<16xi32>
        %sign3A_2150 = arith.constant 0 : i32
        %sign3A_2151 = vector.broadcast %sign3A_2150 : i32 to vector<16xi32>
        %sign3A_2152 = arith.cmpi sgt, %add3A_2146, %sign3A_2151 : vector<16xi32>
        %sign3A_2153 = arith.extui %sign3A_2152 : vector<16xi1> to vector<16xi32>
        %sign3A_2154 = arith.constant 0 : i32
        %sign3A_2155 = vector.broadcast %sign3A_2154 : i32 to vector<16xi32>
        %sign3A_2156 = arith.cmpi slt, %add3A_2146, %sign3A_2155 : vector<16xi32>
        %sign3A_2157 = arith.extui %sign3A_2156 : vector<16xi1> to vector<16xi32>
        %sign3A_2158 = arith.subi %sign3A_2153, %sign3A_2157 : vector<16xi32>
        %sign3A_2159 = arith.constant 0 : i32
        %sign3A_2160 = arith.cmpi sgt, %jit3A_2147, %sign3A_2159 : i32
        %sign3A_2161 = arith.extui %sign3A_2160 : i1 to i32
        %sign3A_2162 = arith.constant 0 : i32
        %sign3A_2163 = arith.cmpi slt, %jit3A_2147, %sign3A_2162 : i32
        %sign3A_2164 = arith.extui %sign3A_2163 : i1 to i32
        %sign3A_2165 = arith.subi %sign3A_2161, %sign3A_2164 : i32
        %ne3A_2166 = vector.broadcast %sign3A_2165 : i32 to vector<16xi32>
        %ne3A_2167 = arith.cmpi ne, %sign3A_2158, %ne3A_2166 : vector<16xi32>
        %rem3A_2168 = vector.broadcast %jit3A_2147 : i32 to vector<16xi32>
        %rem3A_2169 = arith.remsi %add3A_2146, %rem3A_2168 : vector<16xi32>
        %ne3A_2170 = arith.constant 0 : i32
        %ne3A_2171 = vector.broadcast %ne3A_2170 : i32 to vector<16xi32>
        %ne3A_2172 = arith.cmpi ne, %rem3A_2169, %ne3A_2171 : vector<16xi32>
        %and3A_2173 = arith.andi %ne3A_2167, %ne3A_2172 : vector<16xi1>
        %sub3A_2174 = arith.constant 1 : i32
        %sub3A_2175 = vector.broadcast %sub3A_2174 : i32 to vector<16xi32>
        %sub3A_2176 = arith.subi %div3A_2149, %sub3A_2175 : vector<16xi32>
        %select_n3A_2177 = arith.select %and3A_2173, %sub3A_2176, %div3A_2149 : vector<16xi1>, vector<16xi32>
        %mul3A_2178 = arith.constant 200 : i32
        %mul3A_2179 = vector.broadcast %mul3A_2178 : i32 to vector<16xi32>
        %mul3A_2180 = arith.muli %select_n3A_2177, %mul3A_2179 : vector<16xi32>
        %sub3A_2181 = arith.subi %add3A_2146, %mul3A_2180 : vector<16xi32>
        %and3A_2182 = arith.constant 127 : i32
        %and3A_2183 = vector.broadcast %and3A_2182 : i32 to vector<16xi32>
        %and3A_2184 = arith.andi %select_n3A_2177, %and3A_2183 : vector<16xi32>
        %gather3A_2185 = tpu.vector_load_idx %arg5[%sub3A_2181, %and3A_2184] : memref<200x256xi32, #tpu.memory_space<vmem>>[vector<16xi32>, vector<16xi32>], vector<16xi32>,
        %add3A_2186 = arith.constant 128 : i32
        %add3A_2187 = vector.broadcast %add3A_2186 : i32 to vector<16xi32>
        %add3A_2188 = arith.addi %and3A_2184, %add3A_2187 : vector<16xi32>
        %gather3A_2189 = tpu.vector_load_idx %arg5[%sub3A_2181, %add3A_2188] : memref<200x256xi32, #tpu.memory_space<vmem>>[vector<16xi32>, vector<16xi32>], vector<16xi32>,
        %mul3A_2190 = arith.constant 96 : i32
        %mul3A_2191 = vector.broadcast %mul3A_2190 : i32 to vector<16xi32>
        %mul3A_2192 = arith.muli %gather3A_2185, %mul3A_2191 : vector<16xi32>
        %add3A_2193 = arith.addi %mul3A_2192, %gather3A_2189 : vector<16xi32>
        %swap3A_2194 = arith.constant 0 : i32
        %swap3A_2195 = arith.index_cast %swap3A_2194 : i32 to index
        %swap3A_2196 = arith.constant 32 : index
        %swap3A_2197 = tpu.vector_load %arg11[%swap3A_2195, %swap3A_2196] {strides = array<i32>} : memref<1x128xi32, #tpu.memory_space<vmem>>, vector<16xi32>,
        tpu.vector_store %arg11[%swap3A_2195, %swap3A_2196], %add3A_2193 {strides = array<i32>} : memref<1x128xi32, #tpu.memory_space<vmem>>, vector<16xi32>,
        %add3A_2198 = arith.constant 48 : i32
        %add3A_2199 = arith.addi %add3A_2032, %add3A_2198 : i32
        %add3A_2200 = vector.broadcast %add3A_2199 : i32 to vector<16xi32>
        %add3A_2201 = arith.addi %add3A_2200, %iota3A : vector<16xi32>
        %jit3A_2202 = arith.constant 200 : i32
        %div3A_2203 = vector.broadcast %jit3A_2202 : i32 to vector<16xi32>
        %div3A_2204 = arith.divsi %add3A_2201, %div3A_2203 : vector<16xi32>
        %sign3A_2205 = arith.constant 0 : i32
        %sign3A_2206 = vector.broadcast %sign3A_2205 : i32 to vector<16xi32>
        %sign3A_2207 = arith.cmpi sgt, %add3A_2201, %sign3A_2206 : vector<16xi32>
        %sign3A_2208 = arith.extui %sign3A_2207 : vector<16xi1> to vector<16xi32>
        %sign3A_2209 = arith.constant 0 : i32
        %sign3A_2210 = vector.broadcast %sign3A_2209 : i32 to vector<16xi32>
        %sign3A_2211 = arith.cmpi slt, %add3A_2201, %sign3A_2210 : vector<16xi32>
        %sign3A_2212 = arith.extui %sign3A_2211 : vector<16xi1> to vector<16xi32>
        %sign3A_2213 = arith.subi %sign3A_2208, %sign3A_2212 : vector<16xi32>
        %sign3A_2214 = arith.constant 0 : i32
        %sign3A_2215 = arith.cmpi sgt, %jit3A_2202, %sign3A_2214 : i32
        %sign3A_2216 = arith.extui %sign3A_2215 : i1 to i32
        %sign3A_2217 = arith.constant 0 : i32
        %sign3A_2218 = arith.cmpi slt, %jit3A_2202, %sign3A_2217 : i32
        %sign3A_2219 = arith.extui %sign3A_2218 : i1 to i32
        %sign3A_2220 = arith.subi %sign3A_2216, %sign3A_2219 : i32
        %ne3A_2221 = vector.broadcast %sign3A_2220 : i32 to vector<16xi32>
        %ne3A_2222 = arith.cmpi ne, %sign3A_2213, %ne3A_2221 : vector<16xi32>
        %rem3A_2223 = vector.broadcast %jit3A_2202 : i32 to vector<16xi32>
        %rem3A_2224 = arith.remsi %add3A_2201, %rem3A_2223 : vector<16xi32>
        %ne3A_2225 = arith.constant 0 : i32
        %ne3A_2226 = vector.broadcast %ne3A_2225 : i32 to vector<16xi32>
        %ne3A_2227 = arith.cmpi ne, %rem3A_2224, %ne3A_2226 : vector<16xi32>
        %and3A_2228 = arith.andi %ne3A_2222, %ne3A_2227 : vector<16xi1>
        %sub3A_2229 = arith.constant 1 : i32
        %sub3A_2230 = vector.broadcast %sub3A_2229 : i32 to vector<16xi32>
        %sub3A_2231 = arith.subi %div3A_2204, %sub3A_2230 : vector<16xi32>
        %select_n3A_2232 = arith.select %and3A_2228, %sub3A_2231, %div3A_2204 : vector<16xi1>, vector<16xi32>
        %mul3A_2233 = arith.constant 200 : i32
        %mul3A_2234 = vector.broadcast %mul3A_2233 : i32 to vector<16xi32>
        %mul3A_2235 = arith.muli %select_n3A_2232, %mul3A_2234 : vector<16xi32>
        %sub3A_2236 = arith.subi %add3A_2201, %mul3A_2235 : vector<16xi32>
        %and3A_2237 = arith.constant 127 : i32
        %and3A_2238 = vector.broadcast %and3A_2237 : i32 to vector<16xi32>
        %and3A_2239 = arith.andi %select_n3A_2232, %and3A_2238 : vector<16xi32>
        %gather3A_2240 = tpu.vector_load_idx %arg5[%sub3A_2236, %and3A_2239] : memref<200x256xi32, #tpu.memory_space<vmem>>[vector<16xi32>, vector<16xi32>], vector<16xi32>,
        %add3A_2241 = arith.constant 128 : i32
        %add3A_2242 = vector.broadcast %add3A_2241 : i32 to vector<16xi32>
        %add3A_2243 = arith.addi %and3A_2239, %add3A_2242 : vector<16xi32>
        %gather3A_2244 = tpu.vector_load_idx %arg5[%sub3A_2236, %add3A_2243] : memref<200x256xi32, #tpu.memory_space<vmem>>[vector<16xi32>, vector<16xi32>], vector<16xi32>,
        %mul3A_2245 = arith.constant 96 : i32
        %mul3A_2246 = vector.broadcast %mul3A_2245 : i32 to vector<16xi32>
        %mul3A_2247 = arith.muli %gather3A_2240, %mul3A_2246 : vector<16xi32>
        %add3A_2248 = arith.addi %mul3A_2247, %gather3A_2244 : vector<16xi32>
        %swap3A_2249 = arith.constant 0 : i32
        %swap3A_2250 = arith.index_cast %swap3A_2249 : i32 to index
        %swap3A_2251 = arith.constant 48 : index
        %swap3A_2252 = tpu.vector_load %arg11[%swap3A_2250, %swap3A_2251] {strides = array<i32>} : memref<1x128xi32, #tpu.memory_space<vmem>>, vector<16xi32>,
        tpu.vector_store %arg11[%swap3A_2250, %swap3A_2251], %add3A_2248 {strides = array<i32>} : memref<1x128xi32, #tpu.memory_space<vmem>>, vector<16xi32>,
        %mul3A_2253 = arith.constant 64 : i32
        %mul3A_2254 = arith.muli %add3A_1971, %mul3A_2253 : i32
        %add3A_2255 = arith.addi %mul3A_2, %mul3A_2254 : i32
        %dma_wait3A_2256 = arith.constant 0 : i32
        %dma_wait3A_2257 = tpu.memref_slice %arg4[%add3A_2255, %dma_wait3A_2256] : memref<3276800x128xf32, #tpu.memory_space<hbm>> -> memref<64x128xf32, #tpu.memory_space<hbm>>
        %dma_wait3A_2258 = arith.constant 0 : i32
        %dma_wait3A_2259 = tpu.memref_slice %arg4[%add3A_2255, %dma_wait3A_2258] : memref<3276800x128xf32, #tpu.memory_space<hbm>> -> memref<64x128xf32, #tpu.memory_space<hbm>>
        tpu.wait_dma2 semaphore(%arg35 : memref<!tpu.dma_semaphore, #tpu.memory_space<semaphore_mem>>) src(%arg19 : memref<64x128xf32, #tpu.memory_space<vmem>>) dst(%dma_wait3A_2259 : memref<64x128xf32, #tpu.memory_space<hbm>>)
        %dma_start3A_2260 = arith.constant 0 : i32
        %dma_start3A_2261 = arith.constant 0 : i32
        %dma_start3A_2262 = tpu.memref_slice %arg11[%dma_start3A_2260, %dma_start3A_2261] : memref<1x128xi32, #tpu.memory_space<vmem>> -> memref<1x64xi32, #tpu.memory_space<vmem>>
        %dma_start3A_2263 = tpu.memref_squeeze %dma_start3A_2262 : memref<1x64xi32, #tpu.memory_space<vmem>> -> memref<64xi32, #tpu.memory_space<vmem>>
        %dma_start3A_2264 = arith.constant 0 : i32
        %dma_start3A_2265 = arith.constant 0 : i32
        %dma_start3A_2266 = tpu.memref_slice %arg38[%dma_start3A_2264, %dma_start3A_2265] : memref<672x128xf32, #tpu.memory_space<vmem_shared>> -> memref<672x128xf32, #tpu.memory_space<vmem_shared>>
        tpu.enqueue_indirect_dma source(%dma_start3A_2266 : memref<672x128xf32, #tpu.memory_space<vmem_shared>>) target(%arg19 : memref<64x128xf32, #tpu.memory_space<vmem>>) offsets(%dma_start3A_2263 : memref<64xi32, #tpu.memory_space<vmem>>) semaphore(%arg27 : memref<!tpu.dma_semaphore, #tpu.memory_space<semaphore_mem>>)
      } else {
      }
      %mul3A_1977 = arith.constant 8 : i32
      %mul3A_1978 = arith.muli %mul3A_1977, %scan3A_1881 : i32
      %add3A_1979 = arith.constant 6 : i32
      %add3A_1980 = arith.addi %mul3A_1978, %add3A_1979 : i32
      %lt3A_1981 = arith.constant 1600 : i32
      %lt3A_1982 = arith.cmpi slt, %add3A_1980, %lt3A_1981 : i32
      %convert_element_type3A_1983 = arith.extui %lt3A_1982 : i1 to i32
      %cond3A_1984 = arith.constant 0 : i32
      %cond3A_1985 = arith.cmpi ne, %convert_element_type3A_1983, %cond3A_1984 : i32
      scf.if %cond3A_1985 {
        %dma_wait3A_2009 = arith.constant 0 : i32
        %dma_wait3A_2010 = arith.constant 0 : i32
        %dma_wait3A_2011 = tpu.memref_slice %arg12[%dma_wait3A_2009, %dma_wait3A_2010] : memref<1x128xi32, #tpu.memory_space<vmem>> -> memref<1x64xi32, #tpu.memory_space<vmem>>
        %dma_wait3A_2012 = tpu.memref_squeeze %dma_wait3A_2011 : memref<1x64xi32, #tpu.memory_space<vmem>> -> memref<64xi32, #tpu.memory_space<vmem>>
        %dma_wait3A_2013 = arith.constant 0 : i32
        %dma_wait3A_2014 = arith.constant 0 : i32
        %dma_wait3A_2015 = tpu.memref_slice %arg38[%dma_wait3A_2013, %dma_wait3A_2014] : memref<672x128xf32, #tpu.memory_space<vmem_shared>> -> memref<672x128xf32, #tpu.memory_space<vmem_shared>>
        tpu.wait_indirect_dma semaphore(%arg28 : memref<!tpu.dma_semaphore, #tpu.memory_space<semaphore_mem>>) src(%dma_wait3A_2015 : memref<672x128xf32, #tpu.memory_space<vmem_shared>>) dst(%arg20 : memref<64x128xf32, #tpu.memory_space<vmem>>)
        %mul3A_2016 = arith.constant 64 : i32
        %mul3A_2017 = arith.muli %add3A_1980, %mul3A_2016 : i32
        %add3A_2018 = arith.addi %mul3A_2, %mul3A_2017 : i32
        %dma_start3A_2019 = arith.constant 0 : i32
        %dma_start3A_2020 = tpu.memref_slice %arg4[%add3A_2018, %dma_start3A_2019] : memref<3276800x128xf32, #tpu.memory_space<hbm>> -> memref<64x128xf32, #tpu.memory_space<hbm>>
        %dma_start3A_2021 = arith.constant 0 : i32
        %dma_start3A_2022 = tpu.memref_slice %arg4[%add3A_2018, %dma_start3A_2021] : memref<3276800x128xf32, #tpu.memory_space<hbm>> -> memref<64x128xf32, #tpu.memory_space<hbm>>
        tpu.enqueue_dma source(%arg20 : memref<64x128xf32, #tpu.memory_space<vmem>>) target(%dma_start3A_2022 : memref<64x128xf32, #tpu.memory_space<hbm>>) target_semaphore(%arg36 : memref<!tpu.dma_semaphore, #tpu.memory_space<semaphore_mem>>)
      } else {
      }
      %add3A_1986 = arith.constant 8 : i32
      %add3A_1987 = arith.addi %add3A_1980, %add3A_1986 : i32
      %lt3A_1988 = arith.constant 1600 : i32
      %lt3A_1989 = arith.cmpi slt, %add3A_1987, %lt3A_1988 : i32
      %convert_element_type3A_1990 = arith.extui %lt3A_1989 : i1 to i32
      %cond3A_1991 = arith.constant 0 : i32
      %cond3A_1992 = arith.cmpi ne, %convert_element_type3A_1990, %cond3A_1991 : i32
      scf.if %cond3A_1992 {
        %jit3A_2009 = arith.constant 400 : i32
        %eq3A_2010 = arith.constant 0 : i32
        %eq3A_2011 = arith.cmpi eq, %jit3A_2009, %eq3A_2010 : i32
        %jit3A_2012 = arith.constant 1 : i32
        %select_n3A_2013 = arith.select %eq3A_2011, %jit3A_2012, %jit3A_2009 : i32
        %rem3A_2014 = arith.remsi %add3A_1987, %select_n3A_2013 : i32
        %ne3A_2015 = arith.constant 0 : i32
        %ne3A_2016 = arith.cmpi ne, %rem3A_2014, %ne3A_2015 : i32
        %lt3A_2017 = arith.constant 0 : i32
        %lt3A_2018 = arith.cmpi slt, %rem3A_2014, %lt3A_2017 : i32
        %lt3A_2019 = arith.constant 0 : i32
        %lt3A_2020 = arith.cmpi slt, %select_n3A_2013, %lt3A_2019 : i32
        %ne3A_2021 = arith.xori %lt3A_2018, %lt3A_2020 : i1
        %and3A_2022 = arith.andi %ne3A_2021, %ne3A_2016 : i1
        %add3A_2023 = arith.addi %rem3A_2014, %select_n3A_2013 : i32
        %select_n3A_2024 = arith.select %and3A_2022, %add3A_2023, %rem3A_2014 : i32
        %eq3A_2025 = arith.constant 0 : i32
        %eq3A_2026 = arith.cmpi eq, %select_n3A_2024, %eq3A_2025 : i32
        %convert_element_type3A_2027 = arith.extui %eq3A_2026 : i1 to i32
        %cond3A_2028 = arith.constant 0 : i32
        %cond3A_2029 = arith.cmpi ne, %convert_element_type3A_2027, %cond3A_2028 : i32
        scf.if %cond3A_2029 {
          %mul3A_2267 = arith.constant 4 : i32
          %mul3A_2268 = arith.muli %add3A, %mul3A_2267 : i32
          %jit3A_2269 = arith.constant 400 : i32
          %div3A_2270 = arith.divsi %add3A_1987, %jit3A_2269 : i32
          %sign3A_2271 = arith.constant 0 : i32
          %sign3A_2272 = arith.cmpi sgt, %add3A_1987, %sign3A_2271 : i32
          %sign3A_2273 = arith.extui %sign3A_2272 : i1 to i32
          %sign3A_2274 = arith.constant 0 : i32
          %sign3A_2275 = arith.cmpi slt, %add3A_1987, %sign3A_2274 : i32
          %sign3A_2276 = arith.extui %sign3A_2275 : i1 to i32
          %sign3A_2277 = arith.subi %sign3A_2273, %sign3A_2276 : i32
          %sign3A_2278 = arith.constant 0 : i32
          %sign3A_2279 = arith.cmpi sgt, %jit3A_2269, %sign3A_2278 : i32
          %sign3A_2280 = arith.extui %sign3A_2279 : i1 to i32
          %sign3A_2281 = arith.constant 0 : i32
          %sign3A_2282 = arith.cmpi slt, %jit3A_2269, %sign3A_2281 : i32
          %sign3A_2283 = arith.extui %sign3A_2282 : i1 to i32
          %sign3A_2284 = arith.subi %sign3A_2280, %sign3A_2283 : i32
          %ne3A_2285 = arith.cmpi ne, %sign3A_2277, %sign3A_2284 : i32
          %rem3A_2286 = arith.remsi %add3A_1987, %jit3A_2269 : i32
          %ne3A_2287 = arith.constant 0 : i32
          %ne3A_2288 = arith.cmpi ne, %rem3A_2286, %ne3A_2287 : i32
          %and3A_2289 = arith.andi %ne3A_2285, %ne3A_2288 : i1
          %sub3A_2290 = arith.constant 1 : i32
          %sub3A_2291 = arith.subi %div3A_2270, %sub3A_2290 : i32
          %select_n3A_2292 = arith.select %and3A_2289, %sub3A_2291, %div3A_2270 : i32
          %add3A_2293 = arith.addi %mul3A_2268, %select_n3A_2292 : i32
          "tpu.region"() ({
            %run_scoped3A = tpu.sem_alloc : memref<!tpu.dma_semaphore, #tpu.memory_space<semaphore_mem>>
            %dma_start3A_2294 = arith.constant 0 : i32
            %dma_start3A_2295 = arith.constant 0 : i32
            %dma_start3A_2296 = tpu.memref_slice %arg2[%dma_start3A_2294, %add3A_2293, %dma_start3A_2295] : memref<200x128x256xi32, #tpu.memory_space<hbm>> -> memref<200x1x256xi32, #tpu.memory_space<hbm>>
            %dma_start3A_2297 = tpu.memref_squeeze %dma_start3A_2296 : memref<200x1x256xi32, #tpu.memory_space<hbm>> -> memref<200x256xi32, #tpu.memory_space<hbm>>
            %dma_start3A_2298 = arith.constant 0 : i32
            %dma_start3A_2299 = arith.constant 0 : i32
            %dma_start3A_2300 = tpu.memref_slice %arg2[%dma_start3A_2298, %add3A_2293, %dma_start3A_2299] : memref<200x128x256xi32, #tpu.memory_space<hbm>> -> memref<200x1x256xi32, #tpu.memory_space<hbm>>
            %dma_start3A_2301 = tpu.memref_squeeze %dma_start3A_2300 : memref<200x1x256xi32, #tpu.memory_space<hbm>> -> memref<200x256xi32, #tpu.memory_space<hbm>>
            tpu.enqueue_dma source(%dma_start3A_2301 : memref<200x256xi32, #tpu.memory_space<hbm>>) target(%arg5 : memref<200x256xi32, #tpu.memory_space<vmem>>) target_semaphore(%run_scoped3A : memref<!tpu.dma_semaphore, #tpu.memory_space<semaphore_mem>>)
            %dma_wait3A_2302 = arith.constant 0 : i32
            %dma_wait3A_2303 = arith.constant 0 : i32
            %dma_wait3A_2304 = tpu.memref_slice %arg2[%dma_wait3A_2302, %add3A_2293, %dma_wait3A_2303] : memref<200x128x256xi32, #tpu.memory_space<hbm>> -> memref<200x1x256xi32, #tpu.memory_space<hbm>>
            %dma_wait3A_2305 = tpu.memref_squeeze %dma_wait3A_2304 : memref<200x1x256xi32, #tpu.memory_space<hbm>> -> memref<200x256xi32, #tpu.memory_space<hbm>>
            %dma_wait3A_2306 = arith.constant 0 : i32
            %dma_wait3A_2307 = arith.constant 0 : i32
            %dma_wait3A_2308 = tpu.memref_slice %arg2[%dma_wait3A_2306, %add3A_2293, %dma_wait3A_2307] : memref<200x128x256xi32, #tpu.memory_space<hbm>> -> memref<200x1x256xi32, #tpu.memory_space<hbm>>
            %dma_wait3A_2309 = tpu.memref_squeeze %dma_wait3A_2308 : memref<200x1x256xi32, #tpu.memory_space<hbm>> -> memref<200x256xi32, #tpu.memory_space<hbm>>
            tpu.wait_dma2 semaphore(%run_scoped3A : memref<!tpu.dma_semaphore, #tpu.memory_space<semaphore_mem>>) src(%dma_wait3A_2309 : memref<200x256xi32, #tpu.memory_space<hbm>>) dst(%arg5 : memref<200x256xi32, #tpu.memory_space<vmem>>)
            tpu.yield
          }) : () -> ()
        } else {
        }
        %mul3A_2030 = arith.constant 64 : i32
        %mul3A_2031 = arith.muli %add3A_1987, %mul3A_2030 : i32
        %add3A_2032 = arith.addi %mul3A_2, %mul3A_2031 : i32
        %add3A_2033 = arith.constant 0 : i32
        %add3A_2034 = arith.addi %add3A_2032, %add3A_2033 : i32
        %add3A_2035 = vector.broadcast %add3A_2034 : i32 to vector<16xi32>
        %add3A_2036 = arith.addi %add3A_2035, %iota3A : vector<16xi32>
        %jit3A_2037 = arith.constant 200 : i32
        %div3A_2038 = vector.broadcast %jit3A_2037 : i32 to vector<16xi32>
        %div3A_2039 = arith.divsi %add3A_2036, %div3A_2038 : vector<16xi32>
        %sign3A_2040 = arith.constant 0 : i32
        %sign3A_2041 = vector.broadcast %sign3A_2040 : i32 to vector<16xi32>
        %sign3A_2042 = arith.cmpi sgt, %add3A_2036, %sign3A_2041 : vector<16xi32>
        %sign3A_2043 = arith.extui %sign3A_2042 : vector<16xi1> to vector<16xi32>
        %sign3A_2044 = arith.constant 0 : i32
        %sign3A_2045 = vector.broadcast %sign3A_2044 : i32 to vector<16xi32>
        %sign3A_2046 = arith.cmpi slt, %add3A_2036, %sign3A_2045 : vector<16xi32>
        %sign3A_2047 = arith.extui %sign3A_2046 : vector<16xi1> to vector<16xi32>
        %sign3A_2048 = arith.subi %sign3A_2043, %sign3A_2047 : vector<16xi32>
        %sign3A_2049 = arith.constant 0 : i32
        %sign3A_2050 = arith.cmpi sgt, %jit3A_2037, %sign3A_2049 : i32
        %sign3A_2051 = arith.extui %sign3A_2050 : i1 to i32
        %sign3A_2052 = arith.constant 0 : i32
        %sign3A_2053 = arith.cmpi slt, %jit3A_2037, %sign3A_2052 : i32
        %sign3A_2054 = arith.extui %sign3A_2053 : i1 to i32
        %sign3A_2055 = arith.subi %sign3A_2051, %sign3A_2054 : i32
        %ne3A_2056 = vector.broadcast %sign3A_2055 : i32 to vector<16xi32>
        %ne3A_2057 = arith.cmpi ne, %sign3A_2048, %ne3A_2056 : vector<16xi32>
        %rem3A_2058 = vector.broadcast %jit3A_2037 : i32 to vector<16xi32>
        %rem3A_2059 = arith.remsi %add3A_2036, %rem3A_2058 : vector<16xi32>
        %ne3A_2060 = arith.constant 0 : i32
        %ne3A_2061 = vector.broadcast %ne3A_2060 : i32 to vector<16xi32>
        %ne3A_2062 = arith.cmpi ne, %rem3A_2059, %ne3A_2061 : vector<16xi32>
        %and3A_2063 = arith.andi %ne3A_2057, %ne3A_2062 : vector<16xi1>
        %sub3A_2064 = arith.constant 1 : i32
        %sub3A_2065 = vector.broadcast %sub3A_2064 : i32 to vector<16xi32>
        %sub3A_2066 = arith.subi %div3A_2039, %sub3A_2065 : vector<16xi32>
        %select_n3A_2067 = arith.select %and3A_2063, %sub3A_2066, %div3A_2039 : vector<16xi1>, vector<16xi32>
        %mul3A_2068 = arith.constant 200 : i32
        %mul3A_2069 = vector.broadcast %mul3A_2068 : i32 to vector<16xi32>
        %mul3A_2070 = arith.muli %select_n3A_2067, %mul3A_2069 : vector<16xi32>
        %sub3A_2071 = arith.subi %add3A_2036, %mul3A_2070 : vector<16xi32>
        %and3A_2072 = arith.constant 127 : i32
        %and3A_2073 = vector.broadcast %and3A_2072 : i32 to vector<16xi32>
        %and3A_2074 = arith.andi %select_n3A_2067, %and3A_2073 : vector<16xi32>
        %gather3A_2075 = tpu.vector_load_idx %arg5[%sub3A_2071, %and3A_2074] : memref<200x256xi32, #tpu.memory_space<vmem>>[vector<16xi32>, vector<16xi32>], vector<16xi32>,
        %add3A_2076 = arith.constant 128 : i32
        %add3A_2077 = vector.broadcast %add3A_2076 : i32 to vector<16xi32>
        %add3A_2078 = arith.addi %and3A_2074, %add3A_2077 : vector<16xi32>
        %gather3A_2079 = tpu.vector_load_idx %arg5[%sub3A_2071, %add3A_2078] : memref<200x256xi32, #tpu.memory_space<vmem>>[vector<16xi32>, vector<16xi32>], vector<16xi32>,
        %mul3A_2080 = arith.constant 96 : i32
        %mul3A_2081 = vector.broadcast %mul3A_2080 : i32 to vector<16xi32>
        %mul3A_2082 = arith.muli %gather3A_2075, %mul3A_2081 : vector<16xi32>
        %add3A_2083 = arith.addi %mul3A_2082, %gather3A_2079 : vector<16xi32>
        %swap3A_2084 = arith.constant 0 : i32
        %swap3A_2085 = arith.index_cast %swap3A_2084 : i32 to index
        %swap3A_2086 = arith.constant 0 : index
        %swap3A_2087 = tpu.vector_load %arg12[%swap3A_2085, %swap3A_2086] {strides = array<i32>} : memref<1x128xi32, #tpu.memory_space<vmem>>, vector<16xi32>,
        tpu.vector_store %arg12[%swap3A_2085, %swap3A_2086], %add3A_2083 {strides = array<i32>} : memref<1x128xi32, #tpu.memory_space<vmem>>, vector<16xi32>,
        %add3A_2088 = arith.constant 16 : i32
        %add3A_2089 = arith.addi %add3A_2032, %add3A_2088 : i32
        %add3A_2090 = vector.broadcast %add3A_2089 : i32 to vector<16xi32>
        %add3A_2091 = arith.addi %add3A_2090, %iota3A : vector<16xi32>
        %jit3A_2092 = arith.constant 200 : i32
        %div3A_2093 = vector.broadcast %jit3A_2092 : i32 to vector<16xi32>
        %div3A_2094 = arith.divsi %add3A_2091, %div3A_2093 : vector<16xi32>
        %sign3A_2095 = arith.constant 0 : i32
        %sign3A_2096 = vector.broadcast %sign3A_2095 : i32 to vector<16xi32>
        %sign3A_2097 = arith.cmpi sgt, %add3A_2091, %sign3A_2096 : vector<16xi32>
        %sign3A_2098 = arith.extui %sign3A_2097 : vector<16xi1> to vector<16xi32>
        %sign3A_2099 = arith.constant 0 : i32
        %sign3A_2100 = vector.broadcast %sign3A_2099 : i32 to vector<16xi32>
        %sign3A_2101 = arith.cmpi slt, %add3A_2091, %sign3A_2100 : vector<16xi32>
        %sign3A_2102 = arith.extui %sign3A_2101 : vector<16xi1> to vector<16xi32>
        %sign3A_2103 = arith.subi %sign3A_2098, %sign3A_2102 : vector<16xi32>
        %sign3A_2104 = arith.constant 0 : i32
        %sign3A_2105 = arith.cmpi sgt, %jit3A_2092, %sign3A_2104 : i32
        %sign3A_2106 = arith.extui %sign3A_2105 : i1 to i32
        %sign3A_2107 = arith.constant 0 : i32
        %sign3A_2108 = arith.cmpi slt, %jit3A_2092, %sign3A_2107 : i32
        %sign3A_2109 = arith.extui %sign3A_2108 : i1 to i32
        %sign3A_2110 = arith.subi %sign3A_2106, %sign3A_2109 : i32
        %ne3A_2111 = vector.broadcast %sign3A_2110 : i32 to vector<16xi32>
        %ne3A_2112 = arith.cmpi ne, %sign3A_2103, %ne3A_2111 : vector<16xi32>
        %rem3A_2113 = vector.broadcast %jit3A_2092 : i32 to vector<16xi32>
        %rem3A_2114 = arith.remsi %add3A_2091, %rem3A_2113 : vector<16xi32>
        %ne3A_2115 = arith.constant 0 : i32
        %ne3A_2116 = vector.broadcast %ne3A_2115 : i32 to vector<16xi32>
        %ne3A_2117 = arith.cmpi ne, %rem3A_2114, %ne3A_2116 : vector<16xi32>
        %and3A_2118 = arith.andi %ne3A_2112, %ne3A_2117 : vector<16xi1>
        %sub3A_2119 = arith.constant 1 : i32
        %sub3A_2120 = vector.broadcast %sub3A_2119 : i32 to vector<16xi32>
        %sub3A_2121 = arith.subi %div3A_2094, %sub3A_2120 : vector<16xi32>
        %select_n3A_2122 = arith.select %and3A_2118, %sub3A_2121, %div3A_2094 : vector<16xi1>, vector<16xi32>
        %mul3A_2123 = arith.constant 200 : i32
        %mul3A_2124 = vector.broadcast %mul3A_2123 : i32 to vector<16xi32>
        %mul3A_2125 = arith.muli %select_n3A_2122, %mul3A_2124 : vector<16xi32>
        %sub3A_2126 = arith.subi %add3A_2091, %mul3A_2125 : vector<16xi32>
        %and3A_2127 = arith.constant 127 : i32
        %and3A_2128 = vector.broadcast %and3A_2127 : i32 to vector<16xi32>
        %and3A_2129 = arith.andi %select_n3A_2122, %and3A_2128 : vector<16xi32>
        %gather3A_2130 = tpu.vector_load_idx %arg5[%sub3A_2126, %and3A_2129] : memref<200x256xi32, #tpu.memory_space<vmem>>[vector<16xi32>, vector<16xi32>], vector<16xi32>,
        %add3A_2131 = arith.constant 128 : i32
        %add3A_2132 = vector.broadcast %add3A_2131 : i32 to vector<16xi32>
        %add3A_2133 = arith.addi %and3A_2129, %add3A_2132 : vector<16xi32>
        %gather3A_2134 = tpu.vector_load_idx %arg5[%sub3A_2126, %add3A_2133] : memref<200x256xi32, #tpu.memory_space<vmem>>[vector<16xi32>, vector<16xi32>], vector<16xi32>,
        %mul3A_2135 = arith.constant 96 : i32
        %mul3A_2136 = vector.broadcast %mul3A_2135 : i32 to vector<16xi32>
        %mul3A_2137 = arith.muli %gather3A_2130, %mul3A_2136 : vector<16xi32>
        %add3A_2138 = arith.addi %mul3A_2137, %gather3A_2134 : vector<16xi32>
        %swap3A_2139 = arith.constant 0 : i32
        %swap3A_2140 = arith.index_cast %swap3A_2139 : i32 to index
        %swap3A_2141 = arith.constant 16 : index
        %swap3A_2142 = tpu.vector_load %arg12[%swap3A_2140, %swap3A_2141] {strides = array<i32>} : memref<1x128xi32, #tpu.memory_space<vmem>>, vector<16xi32>,
        tpu.vector_store %arg12[%swap3A_2140, %swap3A_2141], %add3A_2138 {strides = array<i32>} : memref<1x128xi32, #tpu.memory_space<vmem>>, vector<16xi32>,
        %add3A_2143 = arith.constant 32 : i32
        %add3A_2144 = arith.addi %add3A_2032, %add3A_2143 : i32
        %add3A_2145 = vector.broadcast %add3A_2144 : i32 to vector<16xi32>
        %add3A_2146 = arith.addi %add3A_2145, %iota3A : vector<16xi32>
        %jit3A_2147 = arith.constant 200 : i32
        %div3A_2148 = vector.broadcast %jit3A_2147 : i32 to vector<16xi32>
        %div3A_2149 = arith.divsi %add3A_2146, %div3A_2148 : vector<16xi32>
        %sign3A_2150 = arith.constant 0 : i32
        %sign3A_2151 = vector.broadcast %sign3A_2150 : i32 to vector<16xi32>
        %sign3A_2152 = arith.cmpi sgt, %add3A_2146, %sign3A_2151 : vector<16xi32>
        %sign3A_2153 = arith.extui %sign3A_2152 : vector<16xi1> to vector<16xi32>
        %sign3A_2154 = arith.constant 0 : i32
        %sign3A_2155 = vector.broadcast %sign3A_2154 : i32 to vector<16xi32>
        %sign3A_2156 = arith.cmpi slt, %add3A_2146, %sign3A_2155 : vector<16xi32>
        %sign3A_2157 = arith.extui %sign3A_2156 : vector<16xi1> to vector<16xi32>
        %sign3A_2158 = arith.subi %sign3A_2153, %sign3A_2157 : vector<16xi32>
        %sign3A_2159 = arith.constant 0 : i32
        %sign3A_2160 = arith.cmpi sgt, %jit3A_2147, %sign3A_2159 : i32
        %sign3A_2161 = arith.extui %sign3A_2160 : i1 to i32
        %sign3A_2162 = arith.constant 0 : i32
        %sign3A_2163 = arith.cmpi slt, %jit3A_2147, %sign3A_2162 : i32
        %sign3A_2164 = arith.extui %sign3A_2163 : i1 to i32
        %sign3A_2165 = arith.subi %sign3A_2161, %sign3A_2164 : i32
        %ne3A_2166 = vector.broadcast %sign3A_2165 : i32 to vector<16xi32>
        %ne3A_2167 = arith.cmpi ne, %sign3A_2158, %ne3A_2166 : vector<16xi32>
        %rem3A_2168 = vector.broadcast %jit3A_2147 : i32 to vector<16xi32>
        %rem3A_2169 = arith.remsi %add3A_2146, %rem3A_2168 : vector<16xi32>
        %ne3A_2170 = arith.constant 0 : i32
        %ne3A_2171 = vector.broadcast %ne3A_2170 : i32 to vector<16xi32>
        %ne3A_2172 = arith.cmpi ne, %rem3A_2169, %ne3A_2171 : vector<16xi32>
        %and3A_2173 = arith.andi %ne3A_2167, %ne3A_2172 : vector<16xi1>
        %sub3A_2174 = arith.constant 1 : i32
        %sub3A_2175 = vector.broadcast %sub3A_2174 : i32 to vector<16xi32>
        %sub3A_2176 = arith.subi %div3A_2149, %sub3A_2175 : vector<16xi32>
        %select_n3A_2177 = arith.select %and3A_2173, %sub3A_2176, %div3A_2149 : vector<16xi1>, vector<16xi32>
        %mul3A_2178 = arith.constant 200 : i32
        %mul3A_2179 = vector.broadcast %mul3A_2178 : i32 to vector<16xi32>
        %mul3A_2180 = arith.muli %select_n3A_2177, %mul3A_2179 : vector<16xi32>
        %sub3A_2181 = arith.subi %add3A_2146, %mul3A_2180 : vector<16xi32>
        %and3A_2182 = arith.constant 127 : i32
        %and3A_2183 = vector.broadcast %and3A_2182 : i32 to vector<16xi32>
        %and3A_2184 = arith.andi %select_n3A_2177, %and3A_2183 : vector<16xi32>
        %gather3A_2185 = tpu.vector_load_idx %arg5[%sub3A_2181, %and3A_2184] : memref<200x256xi32, #tpu.memory_space<vmem>>[vector<16xi32>, vector<16xi32>], vector<16xi32>,
        %add3A_2186 = arith.constant 128 : i32
        %add3A_2187 = vector.broadcast %add3A_2186 : i32 to vector<16xi32>
        %add3A_2188 = arith.addi %and3A_2184, %add3A_2187 : vector<16xi32>
        %gather3A_2189 = tpu.vector_load_idx %arg5[%sub3A_2181, %add3A_2188] : memref<200x256xi32, #tpu.memory_space<vmem>>[vector<16xi32>, vector<16xi32>], vector<16xi32>,
        %mul3A_2190 = arith.constant 96 : i32
        %mul3A_2191 = vector.broadcast %mul3A_2190 : i32 to vector<16xi32>
        %mul3A_2192 = arith.muli %gather3A_2185, %mul3A_2191 : vector<16xi32>
        %add3A_2193 = arith.addi %mul3A_2192, %gather3A_2189 : vector<16xi32>
        %swap3A_2194 = arith.constant 0 : i32
        %swap3A_2195 = arith.index_cast %swap3A_2194 : i32 to index
        %swap3A_2196 = arith.constant 32 : index
        %swap3A_2197 = tpu.vector_load %arg12[%swap3A_2195, %swap3A_2196] {strides = array<i32>} : memref<1x128xi32, #tpu.memory_space<vmem>>, vector<16xi32>,
        tpu.vector_store %arg12[%swap3A_2195, %swap3A_2196], %add3A_2193 {strides = array<i32>} : memref<1x128xi32, #tpu.memory_space<vmem>>, vector<16xi32>,
        %add3A_2198 = arith.constant 48 : i32
        %add3A_2199 = arith.addi %add3A_2032, %add3A_2198 : i32
        %add3A_2200 = vector.broadcast %add3A_2199 : i32 to vector<16xi32>
        %add3A_2201 = arith.addi %add3A_2200, %iota3A : vector<16xi32>
        %jit3A_2202 = arith.constant 200 : i32
        %div3A_2203 = vector.broadcast %jit3A_2202 : i32 to vector<16xi32>
        %div3A_2204 = arith.divsi %add3A_2201, %div3A_2203 : vector<16xi32>
        %sign3A_2205 = arith.constant 0 : i32
        %sign3A_2206 = vector.broadcast %sign3A_2205 : i32 to vector<16xi32>
        %sign3A_2207 = arith.cmpi sgt, %add3A_2201, %sign3A_2206 : vector<16xi32>
        %sign3A_2208 = arith.extui %sign3A_2207 : vector<16xi1> to vector<16xi32>
        %sign3A_2209 = arith.constant 0 : i32
        %sign3A_2210 = vector.broadcast %sign3A_2209 : i32 to vector<16xi32>
        %sign3A_2211 = arith.cmpi slt, %add3A_2201, %sign3A_2210 : vector<16xi32>
        %sign3A_2212 = arith.extui %sign3A_2211 : vector<16xi1> to vector<16xi32>
        %sign3A_2213 = arith.subi %sign3A_2208, %sign3A_2212 : vector<16xi32>
        %sign3A_2214 = arith.constant 0 : i32
        %sign3A_2215 = arith.cmpi sgt, %jit3A_2202, %sign3A_2214 : i32
        %sign3A_2216 = arith.extui %sign3A_2215 : i1 to i32
        %sign3A_2217 = arith.constant 0 : i32
        %sign3A_2218 = arith.cmpi slt, %jit3A_2202, %sign3A_2217 : i32
        %sign3A_2219 = arith.extui %sign3A_2218 : i1 to i32
        %sign3A_2220 = arith.subi %sign3A_2216, %sign3A_2219 : i32
        %ne3A_2221 = vector.broadcast %sign3A_2220 : i32 to vector<16xi32>
        %ne3A_2222 = arith.cmpi ne, %sign3A_2213, %ne3A_2221 : vector<16xi32>
        %rem3A_2223 = vector.broadcast %jit3A_2202 : i32 to vector<16xi32>
        %rem3A_2224 = arith.remsi %add3A_2201, %rem3A_2223 : vector<16xi32>
        %ne3A_2225 = arith.constant 0 : i32
        %ne3A_2226 = vector.broadcast %ne3A_2225 : i32 to vector<16xi32>
        %ne3A_2227 = arith.cmpi ne, %rem3A_2224, %ne3A_2226 : vector<16xi32>
        %and3A_2228 = arith.andi %ne3A_2222, %ne3A_2227 : vector<16xi1>
        %sub3A_2229 = arith.constant 1 : i32
        %sub3A_2230 = vector.broadcast %sub3A_2229 : i32 to vector<16xi32>
        %sub3A_2231 = arith.subi %div3A_2204, %sub3A_2230 : vector<16xi32>
        %select_n3A_2232 = arith.select %and3A_2228, %sub3A_2231, %div3A_2204 : vector<16xi1>, vector<16xi32>
        %mul3A_2233 = arith.constant 200 : i32
        %mul3A_2234 = vector.broadcast %mul3A_2233 : i32 to vector<16xi32>
        %mul3A_2235 = arith.muli %select_n3A_2232, %mul3A_2234 : vector<16xi32>
        %sub3A_2236 = arith.subi %add3A_2201, %mul3A_2235 : vector<16xi32>
        %and3A_2237 = arith.constant 127 : i32
        %and3A_2238 = vector.broadcast %and3A_2237 : i32 to vector<16xi32>
        %and3A_2239 = arith.andi %select_n3A_2232, %and3A_2238 : vector<16xi32>
        %gather3A_2240 = tpu.vector_load_idx %arg5[%sub3A_2236, %and3A_2239] : memref<200x256xi32, #tpu.memory_space<vmem>>[vector<16xi32>, vector<16xi32>], vector<16xi32>,
        %add3A_2241 = arith.constant 128 : i32
        %add3A_2242 = vector.broadcast %add3A_2241 : i32 to vector<16xi32>
        %add3A_2243 = arith.addi %and3A_2239, %add3A_2242 : vector<16xi32>
        %gather3A_2244 = tpu.vector_load_idx %arg5[%sub3A_2236, %add3A_2243] : memref<200x256xi32, #tpu.memory_space<vmem>>[vector<16xi32>, vector<16xi32>], vector<16xi32>,
        %mul3A_2245 = arith.constant 96 : i32
        %mul3A_2246 = vector.broadcast %mul3A_2245 : i32 to vector<16xi32>
        %mul3A_2247 = arith.muli %gather3A_2240, %mul3A_2246 : vector<16xi32>
        %add3A_2248 = arith.addi %mul3A_2247, %gather3A_2244 : vector<16xi32>
        %swap3A_2249 = arith.constant 0 : i32
        %swap3A_2250 = arith.index_cast %swap3A_2249 : i32 to index
        %swap3A_2251 = arith.constant 48 : index
        %swap3A_2252 = tpu.vector_load %arg12[%swap3A_2250, %swap3A_2251] {strides = array<i32>} : memref<1x128xi32, #tpu.memory_space<vmem>>, vector<16xi32>,
        tpu.vector_store %arg12[%swap3A_2250, %swap3A_2251], %add3A_2248 {strides = array<i32>} : memref<1x128xi32, #tpu.memory_space<vmem>>, vector<16xi32>,
        %mul3A_2253 = arith.constant 64 : i32
        %mul3A_2254 = arith.muli %add3A_1987, %mul3A_2253 : i32
        %add3A_2255 = arith.addi %mul3A_2, %mul3A_2254 : i32
        %dma_wait3A_2256 = arith.constant 0 : i32
        %dma_wait3A_2257 = tpu.memref_slice %arg4[%add3A_2255, %dma_wait3A_2256] : memref<3276800x128xf32, #tpu.memory_space<hbm>> -> memref<64x128xf32, #tpu.memory_space<hbm>>
        %dma_wait3A_2258 = arith.constant 0 : i32
        %dma_wait3A_2259 = tpu.memref_slice %arg4[%add3A_2255, %dma_wait3A_2258] : memref<3276800x128xf32, #tpu.memory_space<hbm>> -> memref<64x128xf32, #tpu.memory_space<hbm>>
        tpu.wait_dma2 semaphore(%arg36 : memref<!tpu.dma_semaphore, #tpu.memory_space<semaphore_mem>>) src(%arg20 : memref<64x128xf32, #tpu.memory_space<vmem>>) dst(%dma_wait3A_2259 : memref<64x128xf32, #tpu.memory_space<hbm>>)
        %dma_start3A_2260 = arith.constant 0 : i32
        %dma_start3A_2261 = arith.constant 0 : i32
        %dma_start3A_2262 = tpu.memref_slice %arg12[%dma_start3A_2260, %dma_start3A_2261] : memref<1x128xi32, #tpu.memory_space<vmem>> -> memref<1x64xi32, #tpu.memory_space<vmem>>
        %dma_start3A_2263 = tpu.memref_squeeze %dma_start3A_2262 : memref<1x64xi32, #tpu.memory_space<vmem>> -> memref<64xi32, #tpu.memory_space<vmem>>
        %dma_start3A_2264 = arith.constant 0 : i32
        %dma_start3A_2265 = arith.constant 0 : i32
        %dma_start3A_2266 = tpu.memref_slice %arg38[%dma_start3A_2264, %dma_start3A_2265] : memref<672x128xf32, #tpu.memory_space<vmem_shared>> -> memref<672x128xf32, #tpu.memory_space<vmem_shared>>
        tpu.enqueue_indirect_dma source(%dma_start3A_2266 : memref<672x128xf32, #tpu.memory_space<vmem_shared>>) target(%arg20 : memref<64x128xf32, #tpu.memory_space<vmem>>) offsets(%dma_start3A_2263 : memref<64xi32, #tpu.memory_space<vmem>>) semaphore(%arg28 : memref<!tpu.dma_semaphore, #tpu.memory_space<semaphore_mem>>)
      } else {
      }
      %mul3A_1993 = arith.constant 8 : i32
      %mul3A_1994 = arith.muli %mul3A_1993, %scan3A_1881 : i32
      %add3A_1995 = arith.constant 7 : i32
      %add3A_1996 = arith.addi %mul3A_1994, %add3A_1995 : i32
      %lt3A_1997 = arith.constant 1600 : i32
      %lt3A_1998 = arith.cmpi slt, %add3A_1996, %lt3A_1997 : i32
      %convert_element_type3A_1999 = arith.extui %lt3A_1998 : i1 to i32
      %cond3A_2000 = arith.constant 0 : i32
      %cond3A_2001 = arith.cmpi ne, %convert_element_type3A_1999, %cond3A_2000 : i32
      scf.if %cond3A_2001 {
        %dma_wait3A_2009 = arith.constant 0 : i32
        %dma_wait3A_2010 = arith.constant 0 : i32
        %dma_wait3A_2011 = tpu.memref_slice %arg13[%dma_wait3A_2009, %dma_wait3A_2010] : memref<1x128xi32, #tpu.memory_space<vmem>> -> memref<1x64xi32, #tpu.memory_space<vmem>>
        %dma_wait3A_2012 = tpu.memref_squeeze %dma_wait3A_2011 : memref<1x64xi32, #tpu.memory_space<vmem>> -> memref<64xi32, #tpu.memory_space<vmem>>
        %dma_wait3A_2013 = arith.constant 0 : i32
        %dma_wait3A_2014 = arith.constant 0 : i32
        %dma_wait3A_2015 = tpu.memref_slice %arg38[%dma_wait3A_2013, %dma_wait3A_2014] : memref<672x128xf32, #tpu.memory_space<vmem_shared>> -> memref<672x128xf32, #tpu.memory_space<vmem_shared>>
        tpu.wait_indirect_dma semaphore(%arg29 : memref<!tpu.dma_semaphore, #tpu.memory_space<semaphore_mem>>) src(%dma_wait3A_2015 : memref<672x128xf32, #tpu.memory_space<vmem_shared>>) dst(%arg21 : memref<64x128xf32, #tpu.memory_space<vmem>>)
        %mul3A_2016 = arith.constant 64 : i32
        %mul3A_2017 = arith.muli %add3A_1996, %mul3A_2016 : i32
        %add3A_2018 = arith.addi %mul3A_2, %mul3A_2017 : i32
        %dma_start3A_2019 = arith.constant 0 : i32
        %dma_start3A_2020 = tpu.memref_slice %arg4[%add3A_2018, %dma_start3A_2019] : memref<3276800x128xf32, #tpu.memory_space<hbm>> -> memref<64x128xf32, #tpu.memory_space<hbm>>
        %dma_start3A_2021 = arith.constant 0 : i32
        %dma_start3A_2022 = tpu.memref_slice %arg4[%add3A_2018, %dma_start3A_2021] : memref<3276800x128xf32, #tpu.memory_space<hbm>> -> memref<64x128xf32, #tpu.memory_space<hbm>>
        tpu.enqueue_dma source(%arg21 : memref<64x128xf32, #tpu.memory_space<vmem>>) target(%dma_start3A_2022 : memref<64x128xf32, #tpu.memory_space<hbm>>) target_semaphore(%arg37 : memref<!tpu.dma_semaphore, #tpu.memory_space<semaphore_mem>>)
      } else {
      }
      %add3A_2002 = arith.constant 8 : i32
      %add3A_2003 = arith.addi %add3A_1996, %add3A_2002 : i32
      %lt3A_2004 = arith.constant 1600 : i32
      %lt3A_2005 = arith.cmpi slt, %add3A_2003, %lt3A_2004 : i32
      %convert_element_type3A_2006 = arith.extui %lt3A_2005 : i1 to i32
      %cond3A_2007 = arith.constant 0 : i32
      %cond3A_2008 = arith.cmpi ne, %convert_element_type3A_2006, %cond3A_2007 : i32
      scf.if %cond3A_2008 {
        %jit3A_2009 = arith.constant 400 : i32
        %eq3A_2010 = arith.constant 0 : i32
        %eq3A_2011 = arith.cmpi eq, %jit3A_2009, %eq3A_2010 : i32
        %jit3A_2012 = arith.constant 1 : i32
        %select_n3A_2013 = arith.select %eq3A_2011, %jit3A_2012, %jit3A_2009 : i32
        %rem3A_2014 = arith.remsi %add3A_2003, %select_n3A_2013 : i32
        %ne3A_2015 = arith.constant 0 : i32
        %ne3A_2016 = arith.cmpi ne, %rem3A_2014, %ne3A_2015 : i32
        %lt3A_2017 = arith.constant 0 : i32
        %lt3A_2018 = arith.cmpi slt, %rem3A_2014, %lt3A_2017 : i32
        %lt3A_2019 = arith.constant 0 : i32
        %lt3A_2020 = arith.cmpi slt, %select_n3A_2013, %lt3A_2019 : i32
        %ne3A_2021 = arith.xori %lt3A_2018, %lt3A_2020 : i1
        %and3A_2022 = arith.andi %ne3A_2021, %ne3A_2016 : i1
        %add3A_2023 = arith.addi %rem3A_2014, %select_n3A_2013 : i32
        %select_n3A_2024 = arith.select %and3A_2022, %add3A_2023, %rem3A_2014 : i32
        %eq3A_2025 = arith.constant 0 : i32
        %eq3A_2026 = arith.cmpi eq, %select_n3A_2024, %eq3A_2025 : i32
        %convert_element_type3A_2027 = arith.extui %eq3A_2026 : i1 to i32
        %cond3A_2028 = arith.constant 0 : i32
        %cond3A_2029 = arith.cmpi ne, %convert_element_type3A_2027, %cond3A_2028 : i32
        scf.if %cond3A_2029 {
          %mul3A_2267 = arith.constant 4 : i32
          %mul3A_2268 = arith.muli %add3A, %mul3A_2267 : i32
          %jit3A_2269 = arith.constant 400 : i32
          %div3A_2270 = arith.divsi %add3A_2003, %jit3A_2269 : i32
          %sign3A_2271 = arith.constant 0 : i32
          %sign3A_2272 = arith.cmpi sgt, %add3A_2003, %sign3A_2271 : i32
          %sign3A_2273 = arith.extui %sign3A_2272 : i1 to i32
          %sign3A_2274 = arith.constant 0 : i32
          %sign3A_2275 = arith.cmpi slt, %add3A_2003, %sign3A_2274 : i32
          %sign3A_2276 = arith.extui %sign3A_2275 : i1 to i32
          %sign3A_2277 = arith.subi %sign3A_2273, %sign3A_2276 : i32
          %sign3A_2278 = arith.constant 0 : i32
          %sign3A_2279 = arith.cmpi sgt, %jit3A_2269, %sign3A_2278 : i32
          %sign3A_2280 = arith.extui %sign3A_2279 : i1 to i32
          %sign3A_2281 = arith.constant 0 : i32
          %sign3A_2282 = arith.cmpi slt, %jit3A_2269, %sign3A_2281 : i32
          %sign3A_2283 = arith.extui %sign3A_2282 : i1 to i32
          %sign3A_2284 = arith.subi %sign3A_2280, %sign3A_2283 : i32
          %ne3A_2285 = arith.cmpi ne, %sign3A_2277, %sign3A_2284 : i32
          %rem3A_2286 = arith.remsi %add3A_2003, %jit3A_2269 : i32
          %ne3A_2287 = arith.constant 0 : i32
          %ne3A_2288 = arith.cmpi ne, %rem3A_2286, %ne3A_2287 : i32
          %and3A_2289 = arith.andi %ne3A_2285, %ne3A_2288 : i1
          %sub3A_2290 = arith.constant 1 : i32
          %sub3A_2291 = arith.subi %div3A_2270, %sub3A_2290 : i32
          %select_n3A_2292 = arith.select %and3A_2289, %sub3A_2291, %div3A_2270 : i32
          %add3A_2293 = arith.addi %mul3A_2268, %select_n3A_2292 : i32
          "tpu.region"() ({
            %run_scoped3A = tpu.sem_alloc : memref<!tpu.dma_semaphore, #tpu.memory_space<semaphore_mem>>
            %dma_start3A_2294 = arith.constant 0 : i32
            %dma_start3A_2295 = arith.constant 0 : i32
            %dma_start3A_2296 = tpu.memref_slice %arg2[%dma_start3A_2294, %add3A_2293, %dma_start3A_2295] : memref<200x128x256xi32, #tpu.memory_space<hbm>> -> memref<200x1x256xi32, #tpu.memory_space<hbm>>
            %dma_start3A_2297 = tpu.memref_squeeze %dma_start3A_2296 : memref<200x1x256xi32, #tpu.memory_space<hbm>> -> memref<200x256xi32, #tpu.memory_space<hbm>>
            %dma_start3A_2298 = arith.constant 0 : i32
            %dma_start3A_2299 = arith.constant 0 : i32
            %dma_start3A_2300 = tpu.memref_slice %arg2[%dma_start3A_2298, %add3A_2293, %dma_start3A_2299] : memref<200x128x256xi32, #tpu.memory_space<hbm>> -> memref<200x1x256xi32, #tpu.memory_space<hbm>>
            %dma_start3A_2301 = tpu.memref_squeeze %dma_start3A_2300 : memref<200x1x256xi32, #tpu.memory_space<hbm>> -> memref<200x256xi32, #tpu.memory_space<hbm>>
            tpu.enqueue_dma source(%dma_start3A_2301 : memref<200x256xi32, #tpu.memory_space<hbm>>) target(%arg5 : memref<200x256xi32, #tpu.memory_space<vmem>>) target_semaphore(%run_scoped3A : memref<!tpu.dma_semaphore, #tpu.memory_space<semaphore_mem>>)
            %dma_wait3A_2302 = arith.constant 0 : i32
            %dma_wait3A_2303 = arith.constant 0 : i32
            %dma_wait3A_2304 = tpu.memref_slice %arg2[%dma_wait3A_2302, %add3A_2293, %dma_wait3A_2303] : memref<200x128x256xi32, #tpu.memory_space<hbm>> -> memref<200x1x256xi32, #tpu.memory_space<hbm>>
            %dma_wait3A_2305 = tpu.memref_squeeze %dma_wait3A_2304 : memref<200x1x256xi32, #tpu.memory_space<hbm>> -> memref<200x256xi32, #tpu.memory_space<hbm>>
            %dma_wait3A_2306 = arith.constant 0 : i32
            %dma_wait3A_2307 = arith.constant 0 : i32
            %dma_wait3A_2308 = tpu.memref_slice %arg2[%dma_wait3A_2306, %add3A_2293, %dma_wait3A_2307] : memref<200x128x256xi32, #tpu.memory_space<hbm>> -> memref<200x1x256xi32, #tpu.memory_space<hbm>>
            %dma_wait3A_2309 = tpu.memref_squeeze %dma_wait3A_2308 : memref<200x1x256xi32, #tpu.memory_space<hbm>> -> memref<200x256xi32, #tpu.memory_space<hbm>>
            tpu.wait_dma2 semaphore(%run_scoped3A : memref<!tpu.dma_semaphore, #tpu.memory_space<semaphore_mem>>) src(%dma_wait3A_2309 : memref<200x256xi32, #tpu.memory_space<hbm>>) dst(%arg5 : memref<200x256xi32, #tpu.memory_space<vmem>>)
            tpu.yield
          }) : () -> ()
        } else {
        }
        %mul3A_2030 = arith.constant 64 : i32
        %mul3A_2031 = arith.muli %add3A_2003, %mul3A_2030 : i32
        %add3A_2032 = arith.addi %mul3A_2, %mul3A_2031 : i32
        %add3A_2033 = arith.constant 0 : i32
        %add3A_2034 = arith.addi %add3A_2032, %add3A_2033 : i32
        %add3A_2035 = vector.broadcast %add3A_2034 : i32 to vector<16xi32>
        %add3A_2036 = arith.addi %add3A_2035, %iota3A : vector<16xi32>
        %jit3A_2037 = arith.constant 200 : i32
        %div3A_2038 = vector.broadcast %jit3A_2037 : i32 to vector<16xi32>
        %div3A_2039 = arith.divsi %add3A_2036, %div3A_2038 : vector<16xi32>
        %sign3A_2040 = arith.constant 0 : i32
        %sign3A_2041 = vector.broadcast %sign3A_2040 : i32 to vector<16xi32>
        %sign3A_2042 = arith.cmpi sgt, %add3A_2036, %sign3A_2041 : vector<16xi32>
        %sign3A_2043 = arith.extui %sign3A_2042 : vector<16xi1> to vector<16xi32>
        %sign3A_2044 = arith.constant 0 : i32
        %sign3A_2045 = vector.broadcast %sign3A_2044 : i32 to vector<16xi32>
        %sign3A_2046 = arith.cmpi slt, %add3A_2036, %sign3A_2045 : vector<16xi32>
        %sign3A_2047 = arith.extui %sign3A_2046 : vector<16xi1> to vector<16xi32>
        %sign3A_2048 = arith.subi %sign3A_2043, %sign3A_2047 : vector<16xi32>
        %sign3A_2049 = arith.constant 0 : i32
        %sign3A_2050 = arith.cmpi sgt, %jit3A_2037, %sign3A_2049 : i32
        %sign3A_2051 = arith.extui %sign3A_2050 : i1 to i32
        %sign3A_2052 = arith.constant 0 : i32
        %sign3A_2053 = arith.cmpi slt, %jit3A_2037, %sign3A_2052 : i32
        %sign3A_2054 = arith.extui %sign3A_2053 : i1 to i32
        %sign3A_2055 = arith.subi %sign3A_2051, %sign3A_2054 : i32
        %ne3A_2056 = vector.broadcast %sign3A_2055 : i32 to vector<16xi32>
        %ne3A_2057 = arith.cmpi ne, %sign3A_2048, %ne3A_2056 : vector<16xi32>
        %rem3A_2058 = vector.broadcast %jit3A_2037 : i32 to vector<16xi32>
        %rem3A_2059 = arith.remsi %add3A_2036, %rem3A_2058 : vector<16xi32>
        %ne3A_2060 = arith.constant 0 : i32
        %ne3A_2061 = vector.broadcast %ne3A_2060 : i32 to vector<16xi32>
        %ne3A_2062 = arith.cmpi ne, %rem3A_2059, %ne3A_2061 : vector<16xi32>
        %and3A_2063 = arith.andi %ne3A_2057, %ne3A_2062 : vector<16xi1>
        %sub3A_2064 = arith.constant 1 : i32
        %sub3A_2065 = vector.broadcast %sub3A_2064 : i32 to vector<16xi32>
        %sub3A_2066 = arith.subi %div3A_2039, %sub3A_2065 : vector<16xi32>
        %select_n3A_2067 = arith.select %and3A_2063, %sub3A_2066, %div3A_2039 : vector<16xi1>, vector<16xi32>
        %mul3A_2068 = arith.constant 200 : i32
        %mul3A_2069 = vector.broadcast %mul3A_2068 : i32 to vector<16xi32>
        %mul3A_2070 = arith.muli %select_n3A_2067, %mul3A_2069 : vector<16xi32>
        %sub3A_2071 = arith.subi %add3A_2036, %mul3A_2070 : vector<16xi32>
        %and3A_2072 = arith.constant 127 : i32
        %and3A_2073 = vector.broadcast %and3A_2072 : i32 to vector<16xi32>
        %and3A_2074 = arith.andi %select_n3A_2067, %and3A_2073 : vector<16xi32>
        %gather3A_2075 = tpu.vector_load_idx %arg5[%sub3A_2071, %and3A_2074] : memref<200x256xi32, #tpu.memory_space<vmem>>[vector<16xi32>, vector<16xi32>], vector<16xi32>,
        %add3A_2076 = arith.constant 128 : i32
        %add3A_2077 = vector.broadcast %add3A_2076 : i32 to vector<16xi32>
        %add3A_2078 = arith.addi %and3A_2074, %add3A_2077 : vector<16xi32>
        %gather3A_2079 = tpu.vector_load_idx %arg5[%sub3A_2071, %add3A_2078] : memref<200x256xi32, #tpu.memory_space<vmem>>[vector<16xi32>, vector<16xi32>], vector<16xi32>,
        %mul3A_2080 = arith.constant 96 : i32
        %mul3A_2081 = vector.broadcast %mul3A_2080 : i32 to vector<16xi32>
        %mul3A_2082 = arith.muli %gather3A_2075, %mul3A_2081 : vector<16xi32>
        %add3A_2083 = arith.addi %mul3A_2082, %gather3A_2079 : vector<16xi32>
        %swap3A_2084 = arith.constant 0 : i32
        %swap3A_2085 = arith.index_cast %swap3A_2084 : i32 to index
        %swap3A_2086 = arith.constant 0 : index
        %swap3A_2087 = tpu.vector_load %arg13[%swap3A_2085, %swap3A_2086] {strides = array<i32>} : memref<1x128xi32, #tpu.memory_space<vmem>>, vector<16xi32>,
        tpu.vector_store %arg13[%swap3A_2085, %swap3A_2086], %add3A_2083 {strides = array<i32>} : memref<1x128xi32, #tpu.memory_space<vmem>>, vector<16xi32>,
        %add3A_2088 = arith.constant 16 : i32
        %add3A_2089 = arith.addi %add3A_2032, %add3A_2088 : i32
        %add3A_2090 = vector.broadcast %add3A_2089 : i32 to vector<16xi32>
        %add3A_2091 = arith.addi %add3A_2090, %iota3A : vector<16xi32>
        %jit3A_2092 = arith.constant 200 : i32
        %div3A_2093 = vector.broadcast %jit3A_2092 : i32 to vector<16xi32>
        %div3A_2094 = arith.divsi %add3A_2091, %div3A_2093 : vector<16xi32>
        %sign3A_2095 = arith.constant 0 : i32
        %sign3A_2096 = vector.broadcast %sign3A_2095 : i32 to vector<16xi32>
        %sign3A_2097 = arith.cmpi sgt, %add3A_2091, %sign3A_2096 : vector<16xi32>
        %sign3A_2098 = arith.extui %sign3A_2097 : vector<16xi1> to vector<16xi32>
        %sign3A_2099 = arith.constant 0 : i32
        %sign3A_2100 = vector.broadcast %sign3A_2099 : i32 to vector<16xi32>
        %sign3A_2101 = arith.cmpi slt, %add3A_2091, %sign3A_2100 : vector<16xi32>
        %sign3A_2102 = arith.extui %sign3A_2101 : vector<16xi1> to vector<16xi32>
        %sign3A_2103 = arith.subi %sign3A_2098, %sign3A_2102 : vector<16xi32>
        %sign3A_2104 = arith.constant 0 : i32
        %sign3A_2105 = arith.cmpi sgt, %jit3A_2092, %sign3A_2104 : i32
        %sign3A_2106 = arith.extui %sign3A_2105 : i1 to i32
        %sign3A_2107 = arith.constant 0 : i32
        %sign3A_2108 = arith.cmpi slt, %jit3A_2092, %sign3A_2107 : i32
        %sign3A_2109 = arith.extui %sign3A_2108 : i1 to i32
        %sign3A_2110 = arith.subi %sign3A_2106, %sign3A_2109 : i32
        %ne3A_2111 = vector.broadcast %sign3A_2110 : i32 to vector<16xi32>
        %ne3A_2112 = arith.cmpi ne, %sign3A_2103, %ne3A_2111 : vector<16xi32>
        %rem3A_2113 = vector.broadcast %jit3A_2092 : i32 to vector<16xi32>
        %rem3A_2114 = arith.remsi %add3A_2091, %rem3A_2113 : vector<16xi32>
        %ne3A_2115 = arith.constant 0 : i32
        %ne3A_2116 = vector.broadcast %ne3A_2115 : i32 to vector<16xi32>
        %ne3A_2117 = arith.cmpi ne, %rem3A_2114, %ne3A_2116 : vector<16xi32>
        %and3A_2118 = arith.andi %ne3A_2112, %ne3A_2117 : vector<16xi1>
        %sub3A_2119 = arith.constant 1 : i32
        %sub3A_2120 = vector.broadcast %sub3A_2119 : i32 to vector<16xi32>
        %sub3A_2121 = arith.subi %div3A_2094, %sub3A_2120 : vector<16xi32>
        %select_n3A_2122 = arith.select %and3A_2118, %sub3A_2121, %div3A_2094 : vector<16xi1>, vector<16xi32>
        %mul3A_2123 = arith.constant 200 : i32
        %mul3A_2124 = vector.broadcast %mul3A_2123 : i32 to vector<16xi32>
        %mul3A_2125 = arith.muli %select_n3A_2122, %mul3A_2124 : vector<16xi32>
        %sub3A_2126 = arith.subi %add3A_2091, %mul3A_2125 : vector<16xi32>
        %and3A_2127 = arith.constant 127 : i32
        %and3A_2128 = vector.broadcast %and3A_2127 : i32 to vector<16xi32>
        %and3A_2129 = arith.andi %select_n3A_2122, %and3A_2128 : vector<16xi32>
        %gather3A_2130 = tpu.vector_load_idx %arg5[%sub3A_2126, %and3A_2129] : memref<200x256xi32, #tpu.memory_space<vmem>>[vector<16xi32>, vector<16xi32>], vector<16xi32>,
        %add3A_2131 = arith.constant 128 : i32
        %add3A_2132 = vector.broadcast %add3A_2131 : i32 to vector<16xi32>
        %add3A_2133 = arith.addi %and3A_2129, %add3A_2132 : vector<16xi32>
        %gather3A_2134 = tpu.vector_load_idx %arg5[%sub3A_2126, %add3A_2133] : memref<200x256xi32, #tpu.memory_space<vmem>>[vector<16xi32>, vector<16xi32>], vector<16xi32>,
        %mul3A_2135 = arith.constant 96 : i32
        %mul3A_2136 = vector.broadcast %mul3A_2135 : i32 to vector<16xi32>
        %mul3A_2137 = arith.muli %gather3A_2130, %mul3A_2136 : vector<16xi32>
        %add3A_2138 = arith.addi %mul3A_2137, %gather3A_2134 : vector<16xi32>
        %swap3A_2139 = arith.constant 0 : i32
        %swap3A_2140 = arith.index_cast %swap3A_2139 : i32 to index
        %swap3A_2141 = arith.constant 16 : index
        %swap3A_2142 = tpu.vector_load %arg13[%swap3A_2140, %swap3A_2141] {strides = array<i32>} : memref<1x128xi32, #tpu.memory_space<vmem>>, vector<16xi32>,
        tpu.vector_store %arg13[%swap3A_2140, %swap3A_2141], %add3A_2138 {strides = array<i32>} : memref<1x128xi32, #tpu.memory_space<vmem>>, vector<16xi32>,
        %add3A_2143 = arith.constant 32 : i32
        %add3A_2144 = arith.addi %add3A_2032, %add3A_2143 : i32
        %add3A_2145 = vector.broadcast %add3A_2144 : i32 to vector<16xi32>
        %add3A_2146 = arith.addi %add3A_2145, %iota3A : vector<16xi32>
        %jit3A_2147 = arith.constant 200 : i32
        %div3A_2148 = vector.broadcast %jit3A_2147 : i32 to vector<16xi32>
        %div3A_2149 = arith.divsi %add3A_2146, %div3A_2148 : vector<16xi32>
        %sign3A_2150 = arith.constant 0 : i32
        %sign3A_2151 = vector.broadcast %sign3A_2150 : i32 to vector<16xi32>
        %sign3A_2152 = arith.cmpi sgt, %add3A_2146, %sign3A_2151 : vector<16xi32>
        %sign3A_2153 = arith.extui %sign3A_2152 : vector<16xi1> to vector<16xi32>
        %sign3A_2154 = arith.constant 0 : i32
        %sign3A_2155 = vector.broadcast %sign3A_2154 : i32 to vector<16xi32>
        %sign3A_2156 = arith.cmpi slt, %add3A_2146, %sign3A_2155 : vector<16xi32>
        %sign3A_2157 = arith.extui %sign3A_2156 : vector<16xi1> to vector<16xi32>
        %sign3A_2158 = arith.subi %sign3A_2153, %sign3A_2157 : vector<16xi32>
        %sign3A_2159 = arith.constant 0 : i32
        %sign3A_2160 = arith.cmpi sgt, %jit3A_2147, %sign3A_2159 : i32
        %sign3A_2161 = arith.extui %sign3A_2160 : i1 to i32
        %sign3A_2162 = arith.constant 0 : i32
        %sign3A_2163 = arith.cmpi slt, %jit3A_2147, %sign3A_2162 : i32
        %sign3A_2164 = arith.extui %sign3A_2163 : i1 to i32
        %sign3A_2165 = arith.subi %sign3A_2161, %sign3A_2164 : i32
        %ne3A_2166 = vector.broadcast %sign3A_2165 : i32 to vector<16xi32>
        %ne3A_2167 = arith.cmpi ne, %sign3A_2158, %ne3A_2166 : vector<16xi32>
        %rem3A_2168 = vector.broadcast %jit3A_2147 : i32 to vector<16xi32>
        %rem3A_2169 = arith.remsi %add3A_2146, %rem3A_2168 : vector<16xi32>
        %ne3A_2170 = arith.constant 0 : i32
        %ne3A_2171 = vector.broadcast %ne3A_2170 : i32 to vector<16xi32>
        %ne3A_2172 = arith.cmpi ne, %rem3A_2169, %ne3A_2171 : vector<16xi32>
        %and3A_2173 = arith.andi %ne3A_2167, %ne3A_2172 : vector<16xi1>
        %sub3A_2174 = arith.constant 1 : i32
        %sub3A_2175 = vector.broadcast %sub3A_2174 : i32 to vector<16xi32>
        %sub3A_2176 = arith.subi %div3A_2149, %sub3A_2175 : vector<16xi32>
        %select_n3A_2177 = arith.select %and3A_2173, %sub3A_2176, %div3A_2149 : vector<16xi1>, vector<16xi32>
        %mul3A_2178 = arith.constant 200 : i32
        %mul3A_2179 = vector.broadcast %mul3A_2178 : i32 to vector<16xi32>
        %mul3A_2180 = arith.muli %select_n3A_2177, %mul3A_2179 : vector<16xi32>
        %sub3A_2181 = arith.subi %add3A_2146, %mul3A_2180 : vector<16xi32>
        %and3A_2182 = arith.constant 127 : i32
        %and3A_2183 = vector.broadcast %and3A_2182 : i32 to vector<16xi32>
        %and3A_2184 = arith.andi %select_n3A_2177, %and3A_2183 : vector<16xi32>
        %gather3A_2185 = tpu.vector_load_idx %arg5[%sub3A_2181, %and3A_2184] : memref<200x256xi32, #tpu.memory_space<vmem>>[vector<16xi32>, vector<16xi32>], vector<16xi32>,
        %add3A_2186 = arith.constant 128 : i32
        %add3A_2187 = vector.broadcast %add3A_2186 : i32 to vector<16xi32>
        %add3A_2188 = arith.addi %and3A_2184, %add3A_2187 : vector<16xi32>
        %gather3A_2189 = tpu.vector_load_idx %arg5[%sub3A_2181, %add3A_2188] : memref<200x256xi32, #tpu.memory_space<vmem>>[vector<16xi32>, vector<16xi32>], vector<16xi32>,
        %mul3A_2190 = arith.constant 96 : i32
        %mul3A_2191 = vector.broadcast %mul3A_2190 : i32 to vector<16xi32>
        %mul3A_2192 = arith.muli %gather3A_2185, %mul3A_2191 : vector<16xi32>
        %add3A_2193 = arith.addi %mul3A_2192, %gather3A_2189 : vector<16xi32>
        %swap3A_2194 = arith.constant 0 : i32
        %swap3A_2195 = arith.index_cast %swap3A_2194 : i32 to index
        %swap3A_2196 = arith.constant 32 : index
        %swap3A_2197 = tpu.vector_load %arg13[%swap3A_2195, %swap3A_2196] {strides = array<i32>} : memref<1x128xi32, #tpu.memory_space<vmem>>, vector<16xi32>,
        tpu.vector_store %arg13[%swap3A_2195, %swap3A_2196], %add3A_2193 {strides = array<i32>} : memref<1x128xi32, #tpu.memory_space<vmem>>, vector<16xi32>,
        %add3A_2198 = arith.constant 48 : i32
        %add3A_2199 = arith.addi %add3A_2032, %add3A_2198 : i32
        %add3A_2200 = vector.broadcast %add3A_2199 : i32 to vector<16xi32>
        %add3A_2201 = arith.addi %add3A_2200, %iota3A : vector<16xi32>
        %jit3A_2202 = arith.constant 200 : i32
        %div3A_2203 = vector.broadcast %jit3A_2202 : i32 to vector<16xi32>
        %div3A_2204 = arith.divsi %add3A_2201, %div3A_2203 : vector<16xi32>
        %sign3A_2205 = arith.constant 0 : i32
        %sign3A_2206 = vector.broadcast %sign3A_2205 : i32 to vector<16xi32>
        %sign3A_2207 = arith.cmpi sgt, %add3A_2201, %sign3A_2206 : vector<16xi32>
        %sign3A_2208 = arith.extui %sign3A_2207 : vector<16xi1> to vector<16xi32>
        %sign3A_2209 = arith.constant 0 : i32
        %sign3A_2210 = vector.broadcast %sign3A_2209 : i32 to vector<16xi32>
        %sign3A_2211 = arith.cmpi slt, %add3A_2201, %sign3A_2210 : vector<16xi32>
        %sign3A_2212 = arith.extui %sign3A_2211 : vector<16xi1> to vector<16xi32>
        %sign3A_2213 = arith.subi %sign3A_2208, %sign3A_2212 : vector<16xi32>
        %sign3A_2214 = arith.constant 0 : i32
        %sign3A_2215 = arith.cmpi sgt, %jit3A_2202, %sign3A_2214 : i32
        %sign3A_2216 = arith.extui %sign3A_2215 : i1 to i32
        %sign3A_2217 = arith.constant 0 : i32
        %sign3A_2218 = arith.cmpi slt, %jit3A_2202, %sign3A_2217 : i32
        %sign3A_2219 = arith.extui %sign3A_2218 : i1 to i32
        %sign3A_2220 = arith.subi %sign3A_2216, %sign3A_2219 : i32
        %ne3A_2221 = vector.broadcast %sign3A_2220 : i32 to vector<16xi32>
        %ne3A_2222 = arith.cmpi ne, %sign3A_2213, %ne3A_2221 : vector<16xi32>
        %rem3A_2223 = vector.broadcast %jit3A_2202 : i32 to vector<16xi32>
        %rem3A_2224 = arith.remsi %add3A_2201, %rem3A_2223 : vector<16xi32>
        %ne3A_2225 = arith.constant 0 : i32
        %ne3A_2226 = vector.broadcast %ne3A_2225 : i32 to vector<16xi32>
        %ne3A_2227 = arith.cmpi ne, %rem3A_2224, %ne3A_2226 : vector<16xi32>
        %and3A_2228 = arith.andi %ne3A_2222, %ne3A_2227 : vector<16xi1>
        %sub3A_2229 = arith.constant 1 : i32
        %sub3A_2230 = vector.broadcast %sub3A_2229 : i32 to vector<16xi32>
        %sub3A_2231 = arith.subi %div3A_2204, %sub3A_2230 : vector<16xi32>
        %select_n3A_2232 = arith.select %and3A_2228, %sub3A_2231, %div3A_2204 : vector<16xi1>, vector<16xi32>
        %mul3A_2233 = arith.constant 200 : i32
        %mul3A_2234 = vector.broadcast %mul3A_2233 : i32 to vector<16xi32>
        %mul3A_2235 = arith.muli %select_n3A_2232, %mul3A_2234 : vector<16xi32>
        %sub3A_2236 = arith.subi %add3A_2201, %mul3A_2235 : vector<16xi32>
        %and3A_2237 = arith.constant 127 : i32
        %and3A_2238 = vector.broadcast %and3A_2237 : i32 to vector<16xi32>
        %and3A_2239 = arith.andi %select_n3A_2232, %and3A_2238 : vector<16xi32>
        %gather3A_2240 = tpu.vector_load_idx %arg5[%sub3A_2236, %and3A_2239] : memref<200x256xi32, #tpu.memory_space<vmem>>[vector<16xi32>, vector<16xi32>], vector<16xi32>,
        %add3A_2241 = arith.constant 128 : i32
        %add3A_2242 = vector.broadcast %add3A_2241 : i32 to vector<16xi32>
        %add3A_2243 = arith.addi %and3A_2239, %add3A_2242 : vector<16xi32>
        %gather3A_2244 = tpu.vector_load_idx %arg5[%sub3A_2236, %add3A_2243] : memref<200x256xi32, #tpu.memory_space<vmem>>[vector<16xi32>, vector<16xi32>], vector<16xi32>,
        %mul3A_2245 = arith.constant 96 : i32
        %mul3A_2246 = vector.broadcast %mul3A_2245 : i32 to vector<16xi32>
        %mul3A_2247 = arith.muli %gather3A_2240, %mul3A_2246 : vector<16xi32>
        %add3A_2248 = arith.addi %mul3A_2247, %gather3A_2244 : vector<16xi32>
        %swap3A_2249 = arith.constant 0 : i32
        %swap3A_2250 = arith.index_cast %swap3A_2249 : i32 to index
        %swap3A_2251 = arith.constant 48 : index
        %swap3A_2252 = tpu.vector_load %arg13[%swap3A_2250, %swap3A_2251] {strides = array<i32>} : memref<1x128xi32, #tpu.memory_space<vmem>>, vector<16xi32>,
        tpu.vector_store %arg13[%swap3A_2250, %swap3A_2251], %add3A_2248 {strides = array<i32>} : memref<1x128xi32, #tpu.memory_space<vmem>>, vector<16xi32>,
        %mul3A_2253 = arith.constant 64 : i32
        %mul3A_2254 = arith.muli %add3A_2003, %mul3A_2253 : i32
        %add3A_2255 = arith.addi %mul3A_2, %mul3A_2254 : i32
        %dma_wait3A_2256 = arith.constant 0 : i32
        %dma_wait3A_2257 = tpu.memref_slice %arg4[%add3A_2255, %dma_wait3A_2256] : memref<3276800x128xf32, #tpu.memory_space<hbm>> -> memref<64x128xf32, #tpu.memory_space<hbm>>
        %dma_wait3A_2258 = arith.constant 0 : i32
        %dma_wait3A_2259 = tpu.memref_slice %arg4[%add3A_2255, %dma_wait3A_2258] : memref<3276800x128xf32, #tpu.memory_space<hbm>> -> memref<64x128xf32, #tpu.memory_space<hbm>>
        tpu.wait_dma2 semaphore(%arg37 : memref<!tpu.dma_semaphore, #tpu.memory_space<semaphore_mem>>) src(%arg21 : memref<64x128xf32, #tpu.memory_space<vmem>>) dst(%dma_wait3A_2259 : memref<64x128xf32, #tpu.memory_space<hbm>>)
        %dma_start3A_2260 = arith.constant 0 : i32
        %dma_start3A_2261 = arith.constant 0 : i32
        %dma_start3A_2262 = tpu.memref_slice %arg13[%dma_start3A_2260, %dma_start3A_2261] : memref<1x128xi32, #tpu.memory_space<vmem>> -> memref<1x64xi32, #tpu.memory_space<vmem>>
        %dma_start3A_2263 = tpu.memref_squeeze %dma_start3A_2262 : memref<1x64xi32, #tpu.memory_space<vmem>> -> memref<64xi32, #tpu.memory_space<vmem>>
        %dma_start3A_2264 = arith.constant 0 : i32
        %dma_start3A_2265 = arith.constant 0 : i32
        %dma_start3A_2266 = tpu.memref_slice %arg38[%dma_start3A_2264, %dma_start3A_2265] : memref<672x128xf32, #tpu.memory_space<vmem_shared>> -> memref<672x128xf32, #tpu.memory_space<vmem_shared>>
        tpu.enqueue_indirect_dma source(%dma_start3A_2266 : memref<672x128xf32, #tpu.memory_space<vmem_shared>>) target(%arg21 : memref<64x128xf32, #tpu.memory_space<vmem>>) offsets(%dma_start3A_2263 : memref<64xi32, #tpu.memory_space<vmem>>) semaphore(%arg29 : memref<!tpu.dma_semaphore, #tpu.memory_space<semaphore_mem>>)
      } else {
      }
    }
    %scan3A_1833 = arith.constant 200 : i32
    %add3A_1834 = arith.constant 0 : i32
    %add3A_1835 = arith.addi %mul3A_2, %add3A_1834 : i32
    %dma_wait3A = arith.constant 0 : i32
    %dma_wait3A_1836 = tpu.memref_slice %arg4[%add3A_1835, %dma_wait3A] : memref<3276800x128xf32, #tpu.memory_space<hbm>> -> memref<64x128xf32, #tpu.memory_space<hbm>>
    %dma_wait3A_1837 = arith.constant 0 : i32
    %dma_wait3A_1838 = tpu.memref_slice %arg4[%add3A_1835, %dma_wait3A_1837] : memref<3276800x128xf32, #tpu.memory_space<hbm>> -> memref<64x128xf32, #tpu.memory_space<hbm>>
    tpu.wait_dma2 semaphore(%arg30 : memref<!tpu.dma_semaphore, #tpu.memory_space<semaphore_mem>>) src(%arg14 : memref<64x128xf32, #tpu.memory_space<vmem>>) dst(%dma_wait3A_1838 : memref<64x128xf32, #tpu.memory_space<hbm>>)
    %add3A_1839 = arith.constant 0 : i32
    %add3A_1840 = arith.addi %mul3A_2, %add3A_1839 : i32
    %dma_wait3A_1841 = arith.constant 0 : i32
    %dma_wait3A_1842 = tpu.memref_slice %arg4[%add3A_1840, %dma_wait3A_1841] : memref<3276800x128xf32, #tpu.memory_space<hbm>> -> memref<64x128xf32, #tpu.memory_space<hbm>>
    %dma_wait3A_1843 = arith.constant 0 : i32
    %dma_wait3A_1844 = tpu.memref_slice %arg4[%add3A_1840, %dma_wait3A_1843] : memref<3276800x128xf32, #tpu.memory_space<hbm>> -> memref<64x128xf32, #tpu.memory_space<hbm>>
    tpu.wait_dma2 semaphore(%arg31 : memref<!tpu.dma_semaphore, #tpu.memory_space<semaphore_mem>>) src(%arg15 : memref<64x128xf32, #tpu.memory_space<vmem>>) dst(%dma_wait3A_1844 : memref<64x128xf32, #tpu.memory_space<hbm>>)
    %add3A_1845 = arith.constant 0 : i32
    %add3A_1846 = arith.addi %mul3A_2, %add3A_1845 : i32
    %dma_wait3A_1847 = arith.constant 0 : i32
    %dma_wait3A_1848 = tpu.memref_slice %arg4[%add3A_1846, %dma_wait3A_1847] : memref<3276800x128xf32, #tpu.memory_space<hbm>> -> memref<64x128xf32, #tpu.memory_space<hbm>>
    %dma_wait3A_1849 = arith.constant 0 : i32
    %dma_wait3A_1850 = tpu.memref_slice %arg4[%add3A_1846, %dma_wait3A_1849] : memref<3276800x128xf32, #tpu.memory_space<hbm>> -> memref<64x128xf32, #tpu.memory_space<hbm>>
    tpu.wait_dma2 semaphore(%arg32 : memref<!tpu.dma_semaphore, #tpu.memory_space<semaphore_mem>>) src(%arg16 : memref<64x128xf32, #tpu.memory_space<vmem>>) dst(%dma_wait3A_1850 : memref<64x128xf32, #tpu.memory_space<hbm>>)
    %add3A_1851 = arith.constant 0 : i32
    %add3A_1852 = arith.addi %mul3A_2, %add3A_1851 : i32
    %dma_wait3A_1853 = arith.constant 0 : i32
    %dma_wait3A_1854 = tpu.memref_slice %arg4[%add3A_1852, %dma_wait3A_1853] : memref<3276800x128xf32, #tpu.memory_space<hbm>> -> memref<64x128xf32, #tpu.memory_space<hbm>>
    %dma_wait3A_1855 = arith.constant 0 : i32
    %dma_wait3A_1856 = tpu.memref_slice %arg4[%add3A_1852, %dma_wait3A_1855] : memref<3276800x128xf32, #tpu.memory_space<hbm>> -> memref<64x128xf32, #tpu.memory_space<hbm>>
    tpu.wait_dma2 semaphore(%arg33 : memref<!tpu.dma_semaphore, #tpu.memory_space<semaphore_mem>>) src(%arg17 : memref<64x128xf32, #tpu.memory_space<vmem>>) dst(%dma_wait3A_1856 : memref<64x128xf32, #tpu.memory_space<hbm>>)
    %add3A_1857 = arith.constant 0 : i32
    %add3A_1858 = arith.addi %mul3A_2, %add3A_1857 : i32
    %dma_wait3A_1859 = arith.constant 0 : i32
    %dma_wait3A_1860 = tpu.memref_slice %arg4[%add3A_1858, %dma_wait3A_1859] : memref<3276800x128xf32, #tpu.memory_space<hbm>> -> memref<64x128xf32, #tpu.memory_space<hbm>>
    %dma_wait3A_1861 = arith.constant 0 : i32
    %dma_wait3A_1862 = tpu.memref_slice %arg4[%add3A_1858, %dma_wait3A_1861] : memref<3276800x128xf32, #tpu.memory_space<hbm>> -> memref<64x128xf32, #tpu.memory_space<hbm>>
    tpu.wait_dma2 semaphore(%arg34 : memref<!tpu.dma_semaphore, #tpu.memory_space<semaphore_mem>>) src(%arg18 : memref<64x128xf32, #tpu.memory_space<vmem>>) dst(%dma_wait3A_1862 : memref<64x128xf32, #tpu.memory_space<hbm>>)
    %add3A_1863 = arith.constant 0 : i32
    %add3A_1864 = arith.addi %mul3A_2, %add3A_1863 : i32
    %dma_wait3A_1865 = arith.constant 0 : i32
    %dma_wait3A_1866 = tpu.memref_slice %arg4[%add3A_1864, %dma_wait3A_1865] : memref<3276800x128xf32, #tpu.memory_space<hbm>> -> memref<64x128xf32, #tpu.memory_space<hbm>>
    %dma_wait3A_1867 = arith.constant 0 : i32
    %dma_wait3A_1868 = tpu.memref_slice %arg4[%add3A_1864, %dma_wait3A_1867] : memref<3276800x128xf32, #tpu.memory_space<hbm>> -> memref<64x128xf32, #tpu.memory_space<hbm>>
    tpu.wait_dma2 semaphore(%arg35 : memref<!tpu.dma_semaphore, #tpu.memory_space<semaphore_mem>>) src(%arg19 : memref<64x128xf32, #tpu.memory_space<vmem>>) dst(%dma_wait3A_1868 : memref<64x128xf32, #tpu.memory_space<hbm>>)
    %add3A_1869 = arith.constant 0 : i32
    %add3A_1870 = arith.addi %mul3A_2, %add3A_1869 : i32
    %dma_wait3A_1871 = arith.constant 0 : i32
    %dma_wait3A_1872 = tpu.memref_slice %arg4[%add3A_1870, %dma_wait3A_1871] : memref<3276800x128xf32, #tpu.memory_space<hbm>> -> memref<64x128xf32, #tpu.memory_space<hbm>>
    %dma_wait3A_1873 = arith.constant 0 : i32
    %dma_wait3A_1874 = tpu.memref_slice %arg4[%add3A_1870, %dma_wait3A_1873] : memref<3276800x128xf32, #tpu.memory_space<hbm>> -> memref<64x128xf32, #tpu.memory_space<hbm>>
    tpu.wait_dma2 semaphore(%arg36 : memref<!tpu.dma_semaphore, #tpu.memory_space<semaphore_mem>>) src(%arg20 : memref<64x128xf32, #tpu.memory_space<vmem>>) dst(%dma_wait3A_1874 : memref<64x128xf32, #tpu.memory_space<hbm>>)
    %add3A_1875 = arith.constant 0 : i32
    %add3A_1876 = arith.addi %mul3A_2, %add3A_1875 : i32
    %dma_wait3A_1877 = arith.constant 0 : i32
    %dma_wait3A_1878 = tpu.memref_slice %arg4[%add3A_1876, %dma_wait3A_1877] : memref<3276800x128xf32, #tpu.memory_space<hbm>> -> memref<64x128xf32, #tpu.memory_space<hbm>>
    %dma_wait3A_1879 = arith.constant 0 : i32
    %dma_wait3A_1880 = tpu.memref_slice %arg4[%add3A_1876, %dma_wait3A_1879] : memref<3276800x128xf32, #tpu.memory_space<hbm>> -> memref<64x128xf32, #tpu.memory_space<hbm>>
    tpu.wait_dma2 semaphore(%arg37 : memref<!tpu.dma_semaphore, #tpu.memory_space<semaphore_mem>>) src(%arg21 : memref<64x128xf32, #tpu.memory_space<vmem>>) dst(%dma_wait3A_1880 : memref<64x128xf32, #tpu.memory_space<hbm>>)
    return
  }
}

</mosaic_0001>

<sc_bundles>
// kernel: _daytime_sc.3.cloned.1.call-start
scs
__scs_entry_jumppad:
0x0: {  	(pc) =	sbr.rel $0x88, $3  }
0x1: {  	(tag) =	ssettag $0x0;
	lr =	simm.s32 $0x1  }
0x2: {  	[smem:$0x3F9F] =	sst lr;
	_ =	strace $0xD0000000  }
0x3: {  	_ = 	snop  }
0x4: {  	_ = 	snop  }
0x5: {  	_ = 	snop  }
0x6: {  	_ = 	snop  }
0x7: {  	_ = 	snop  }
__scs_overlays_trampoline_lowered:
0x8: {  	[smem:$0x3FAE] =	sst s0  }
0x9: {  	[smem:$0x3FAF] =	sst s1  }
0xa: {  	[smem:$0x3FB0] =	sst s2  }
0xb: {  	[smem:$0x3FB1] =	sst s3  }
0xc: {  	[smem:$0x3FB2] =	sst s4  }
0xd: {  	[smem:$0x3FB3] =	sst s5  }
0xe: {  	[smem:$0x3FB4] =	sst s6  }
0xf: {  	[smem:$0x3FB5] =	sst s7  }
0x10: {  	[smem:$0x3FB6] =	sst s8  }
0x11: {  	[smem:$0x3FB7] =	sst s9;
	s0 =	simm.s32 @!p0 $0x0  }
0x12: {  	s1 =	sld [smem:$0x3F9D];
	s0 =	simm.s32 @p0 $0x1  }
0x13: {  	[smem:$0x3FB8] =	sst s0;
	s0 =	simm.s32 @!p1 $0x0  }
0x14: {  	s2 =	sld [smem:$0x3F9C];
	s0 =	simm.s32 @p1 $0x1  }
0x15: {  	[smem:$0x3FB9] =	sst s0;
	s0 =	simm.s32 @!p2 $0x0  }
0x16: {  	s3 =	sld [smem:$0x3FDB];
	s0 =	simm.s32 @p2 $0x1  }
0x17: {  	s4 =	simm.s32 $0x1BF5;
	[smem:$0x3FBB] =	sst s0  }
0x18: {  	s0 =	sld [smem:$0x3F9E];
	_ =	swait.ge [sflag:s4], $0x0  }
0x19: {  	s7 =	sld [smem:$0x3F9F]  }
0x1a: {  	s8 =	sadd.s32 $0xFFFFE003, lr  }
0x1b: {  	s9 =	sadd.s32 $0xFFFFFEF7, lr;
	s5 =	simm.s32 $0xFFFFFFFF;
	p2 =	slt.u32 s8, $0xFFFFF086  }
0x1c: {  	p1 =	slt.u32 s9, $0xF7A;
	s5 =	simm.s32 @!p2 $0x0  }
0x1d: {  	s5 =	simm.s32 @p1 $0x1;
	p0 =	seq.s32 s7, s2  }
0x1e: {  	s7 =	smul.u32 @!p0 $0xF7A, s2;
	p2 =	seq.s32 @!p0 s5, $0x0  }
0x1f: {  	s9 =	smul.u32 $0xF7A, s1;
	s8 =	simm.s32 @!p0 $0x1BF5;
	p2 =	por !p2, p0  }
0x20: {  	[sflag:s8] =	ssyncset.s32 @!p0 $0xFFFFF086;
	s6 =	sadd.s32 @!p0 s3, s7;
	s7 =	simm.s32 @!p0 $0x108  }
0x21: {  	s3 =	sadd.s32 s3, s9;
	s6 =	sadd.s32 @!p0 $0x88, s6;
	s7 =	simm.s32 @p2 $0x1082  }
0x22: {  	[simem:s7], [sflag:s8] =	dma.local @!p0 [hbm:s6], $0xF7A  }
0x23: {  	s9 =	sor.u32 $0xD0000000, s2;
	s6 =	simm.s32 $0x108;
	_ =	swait.ge @!p0 [sflag:s8], $0x0  }
0x24: {  	s3 =	sadd.s32 $0x88, s3;
	s6 =	simm.s32 @!p1 $0x1082;
	[sflag:s4] =	ssyncset.s32 $0xFFFFF086  }
0x25: {  	[simem:s6], [sflag:s4] =	dma.local [hbm:s3], $0xF7A  }
0x26: {  	[smem:$0x3F9F] =	sst s1;
	(tag) =	ssettag s2;
	_ =	strace s9  }
0x27: {  	s1 =	sld [smem:$0x3FAF]  }
0x28: {  	s2 =	sld [smem:$0x3FB0]  }
0x29: {  	s4 =	sld [smem:$0x3FB2]  }
0x2a: {  	p0 =	seq.s32 s5, $0x0;
	s5 =	sld [smem:$0x3FB3]  }
0x2b: {  	s6 =	sld [smem:$0x3FB4]  }
0x2c: {  	s7 =	sld [smem:$0x3FB5]  }
0x2d: {  	s3 =	simm.s32 $0x108;
	s8 =	sld [smem:$0x3FB6]  }
0x2e: {  	s3 =	simm.s32 @!p0 $0x1082;
	s9 =	sld [smem:$0x3FB7]  }
0x2f: {  	lr =	sadd.s32 s0, s3;
	s0 =	sld [smem:$0x3FAE]  }
0x30: {  	s3 =	sld [smem:$0x3FB1]  }
0x31: {  	[smem:$0x3FBA] =	sst s10  }
0x32: {  	s10 =	sld [smem:$0x3FB8];
	_ =	sdelay $0x3  }
0x33: {  	p0 =	seq.s32 s10, $0x1;
	s10 =	sld [smem:$0x3FBA];
	_ =	sdelay $0x3  }
0x34: {  	[smem:$0x3FBA] =	sst s10  }
0x35: {  	s10 =	sld [smem:$0x3FB9];
	_ =	sdelay $0x3  }
0x36: {  	p1 =	seq.s32 s10, $0x1;
	s10 =	sld [smem:$0x3FBA];
	_ =	sdelay $0x3  }
0x37: {  	[smem:$0x3FBA] =	sst s10  }
0x38: {  	s10 =	sld [smem:$0x3FBB]  }
0x39: {  	_ = 	snop;
	(pc) =	sbr.ind lr, $3  }
0x3a: {  	_ = 	snop  }
0x3b: {  	_ = 	snop  }
0x3c: {  	p2 =	seq.s32 s10, $0x1;
	s10 =	sld [smem:$0x3FBA]  }
0x3d: {  	_ =	shalt  }
0x3e: {  	_ =	shalt  }
0x3f: {  	_ =	shalt  }
0x40: {  	_ =	shalt  }
0x41: {  	_ =	shalt  }
0x42: {  	_ =	shalt  }
0x43: {  	_ =	shalt  }
0x44: {  	_ =	shalt  }
0x45: {  	_ =	shalt  }
0x46: {  	_ =	shalt  }
0x47: {  	_ =	shalt  }
0x48: {  	_ =	shalt  }
0x49: {  	_ =	shalt  }
0x4a: {  	_ =	shalt  }
0x4b: {  	_ =	shalt  }
0x4c: {  	_ =	shalt  }
0x4d: {  	_ =	shalt  }
0x4e: {  	_ =	shalt  }
0x4f: {  	_ =	shalt  }
0x50: {  	_ =	shalt  }
0x51: {  	_ =	shalt  }
0x52: {  	_ =	shalt  }
0x53: {  	_ =	shalt  }
0x54: {  	_ =	shalt  }
0x55: {  	_ =	shalt  }
0x56: {  	_ =	shalt  }
0x57: {  	_ =	shalt  }
0x58: {  	_ =	shalt  }
0x59: {  	_ =	shalt  }
0x5a: {  	_ =	shalt  }
0x5b: {  	_ =	shalt  }
0x5c: {  	_ =	shalt  }
0x5d: {  	_ =	shalt  }
0x5e: {  	_ =	shalt  }
0x5f: {  	_ =	shalt  }
0x60: {  	_ =	shalt  }
0x61: {  	_ =	shalt  }
0x62: {  	_ =	shalt  }
0x63: {  	_ =	shalt  }
0x64: {  	_ =	shalt  }
0x65: {  	_ =	shalt  }
0x66: {  	_ =	shalt  }
0x67: {  	_ =	shalt  }
0x68: {  	_ =	shalt  }
0x69: {  	_ =	shalt  }
0x6a: {  	_ =	shalt  }
0x6b: {  	_ =	shalt  }
0x6c: {  	_ =	shalt  }
0x6d: {  	_ =	shalt  }
0x6e: {  	_ =	shalt  }
0x6f: {  	_ =	shalt  }
0x70: {  	_ =	shalt  }
0x71: {  	_ =	shalt  }
0x72: {  	_ =	shalt  }
0x73: {  	_ =	shalt  }
0x74: {  	_ =	shalt  }
0x75: {  	_ =	shalt  }
0x76: {  	_ =	shalt  }
0x77: {  	_ =	shalt  }
0x78: {  	_ =	shalt  }
0x79: {  	_ =	shalt  }
0x7a: {  	_ =	shalt  }
0x7b: {  	_ =	shalt  }
0x7c: {  	_ =	shalt  }
0x7d: {  	_ =	shalt  }
0x7e: {  	_ =	shalt  }
0x7f: {  	_ =	shalt  }
0x80: {  	_ =	shalt  }
0x81: {  	_ =	shalt  }
0x82: {  	_ =	shalt  }
0x83: {  	_ =	shalt  }
0x84: {  	_ =	shalt  }
0x85: {  	_ =	shalt  }
0x86: {  	_ =	shalt  }
0x87: {  	_ =	shalt  }
.Lfunc_end0:
.L_simem_size_0:
called_computation_lowered:
.L_overlay_start_0:
0x88: {  	s2 =	sld [smem:$0x3FD9]  }
0x89: {  	s3 =	sld [smem:$0x3FFE];
	_ =	sdelay $0x1  }
0x8a: {  	s1 =	srdreg.scid  }
0x8b: {  	s0 =	sand.u32 $0x1, s1  }
0x8c: {  	s18 =	sshll.u32 s0, $0xA;
	s2 =	sadd.s32 s3, s2  }
0x8d: {  	s2 =	sadd.s32 s2, s18  }
0x8e: {  	[smem:$0x3FC6] =	sst s2  }
0x8f: {  	_ = 	snop  }
0x90: {  	s2 =	sld [smem:$0x3FC9]  }
0x91: {  	s19 =	sld [smem:$0x3FC8]  }
0x92: {  	s4 =	sld [smem:$0x3FD0];
	(tm) =	ssettm $0x1  }
0x93: {  	s5 =	sld [smem:$0x3FFB];
	_ =	sdelay $0x3  }
0x94: {  	_ =	strace s5  }
0x95: {  	s5 =	sld [smem:$0x3FFC];
	_ =	sdelay $0x3  }
0x96: {  	_ =	strace s5  }
0x97: {  	s5 =	sld [smem:$0x3FFD];
	_ =	sdelay $0x3  }
0x98: {  	_ =	strace s5  }
0x99: {  	_ =	strace $0x8FFFFFFF  }
0x9a: {  	s20 =	sld [smem:$0x3FDB];
	_ =	sdelay $0x1  }
0x9b: {  	s6 =	simm.s32 $_scs_section_size  }
0x9c: {  	s7 =	simm.s32 $_size__tile_overlayer_lowered;
	s8 =	simm.s32 $_tile_overlayer_lowered  }
0x9d: {  	s23 =	simm.s32 $0x1BFF;
	s22 =	sshll.u32 s8, $0x1;
	s5 =	sadd.s32 s6, s20  }
0x9e: {  	s9 =	simm.s32 $0x0;
	s21 =	sshll.u32 s7, $0x1;
	s7 =	sadd.s32 s22, s5  }
0x9f: {  	[timem:s9], [sflag:s23] =	dma.local [hbm:s7], s21  }
0xa0: {  	_ =	swait.ge [sflag:s23], s21  }
0xa1: {  	s6 =	ssub.s32 $0x0, s21;
	[sflag:s23] =	ssyncset.done $0x0  }
0xa2: {  	[sflag:s23] =	ssyncadd.s32 s6;
	_ =	sdelay $0x1  }
0xa3: {  	s24 =	simm.s32 $0x1B8B  }
0xa4: {  	_ =	swait.ge [sflag:s24], $0x1  }
0xa5: {  	[sflag:s24] =	ssyncset.done $0x0  }
0xa6: {  	s25 =	simm.s32 $0x1B8E;
	[sflag:s24] =	ssyncadd.s32 $0xFFFFFFFF  }
0xa7: {  	s26 =	simm.s32 $execute0_lowered;
	[smem:$0x3FD2] =	sst s25  }
0xa8: {  	s6 =	sshll.u32 s26, $0x1;
	_ =	strace $0x80000046;
	[dreg:$0x1] =	wrdreg $0xFFFFFFFF  }
0xa9: {  	s28 =	simm.s32 $_size_execute0_lowered;
	s5 =	sadd.s32 s5, s6;
	[dreg:$0x0] =	wrdreg $0x0  }
0xaa: {  	s6 =	sshll.u32 s28, $0x1;
	[dreg:$0x2] =	wrdreg s5  }
0xab: {  	[dreg:$0x3] =	wrdreg s6  }
0xac: {  	[dreg:$0x4] =	wrdreg $0xC0  }
0xad: {  	_ =	task [dreg:s9], $0x5FFFF  }
0xae: {  	[dreg:$0x1] =	wrdreg $0xFFFFFFFF  }
0xaf: {  	[dreg:$0x0] =	wrdreg $0x60  }
0xb0: {  	[dreg:$0x2] =	wrdreg s2  }
0xb1: {  	[dreg:$0x3] =	wrdreg s19  }
0xb2: {  	[dreg:$0x4] =	wrdreg s4  }
0xb3: {  	[dreg:$0x5] =	wrdreg $0x1CC000  }
0xb4: {  	[dreg:$0x6] =	wrdreg $0x9  }
0xb5: {  	_ =	task.clear_ibuf [dreg:s9], $0x7FFFF;
	_ =	strace $0x90000046  }
0xb6: {  	s29 =	simm.s32 $0x9;
	_ =	strace $0x80000048  }
0xb7: {  	_ =	swait.ge [sflag:s29], $0x1  }
0xb8: {  	[sflag:s29] =	ssyncadd.s32 $0xFFFFFFFF  }
0xb9: {  	_ =	strace $0x90000048  }
0xba: {  	_ =	sfence  }
0xbb: {  	s30 =	sld [smem:$0x0];
	_ =	sdelay $0x2  }
0xbc: {  	s31 =	sshll.u32 s1, $0xD;
	s1 =	sshrl.u32 s1, $0x2  }
0xbd: {  	s3 =	sand.u32 $0x4000, s31;
	s1 =	sadd.s32 s1, s30  }
0xbe: {  	s0 =	sor.u32 s3, s0;
	s1 =	sshll.u32 s1, $0x11  }
0xbf: {  	s0 =	sor.u32 s1, s0  }
0xc0: {  	s0 =	sadd.s32 $0x8F2B, s0  }
0xc1: {  	[sflag:s0] =	ssyncadd.remote.s32 $0x1  }
0xc2: {  	_ =	sfence.sel $0xFFFF  }
0xc3: {  	[dreg:$0x0] =	wrdreg $0xFFFFFFFF;
	(pc) =	sbr.abs _section_cstart, $3  }
0xc4: {  	[dreg:$0x1] =	wrdreg $0xFFFFFFFF  }
0xc5: {  	_ =	task.clear_ibuf [dreg:s9], $0x2FFFF;
	_ =	strace $0x9FFFFFFF  }
0xc6: {  	(tm) =	ssettm $0x7FFFFFFF  }
0xc7: {  	_ =	shalt  }
tec
execute0_lowered:
.L_overlay_start_1:
0x0: {  	(tag) =	ssettag $0x1  }
0x1: {  	s1 =	srdreg.scid;
	s0 =	stileid.u32  }
0x2: {  	s2 =	sand.u32 $0x1, s1;
	s22 =	sshll.u32 s0, $0x1  }
0x3: {  	s1 =	sor.u32 s2, s22  }
0x4: {  	s12 =	smul.u32 $0x19000, s1;
	_ =	sdelay $0x1  }
0x5: {  	v0 =	vmov s12  }
0x6: {  	v1 =	vbroadcast v0, $0x0  }
0x7: {  	v0 =	vlaneseq.u32  }
0x8: {  	v2 =	vor.u32 v0, v1  }
0x9: {  	v3 =	vmulhi.u32 $0x51EB851F, v2;
	_ =	sdelay $0x1  }
0xa: {  	v3 =	vshrl.u32 v3, $0x6  }
0xb: {  	v4 =	vmul.u32 $0xFFFFFF38, v3  }
0xc: {  	v5 =	vsub.s32 $0x0, v2  }
0xd: {  	vm0 =	veq.s32 v1, v0;
	vm1 =	vne.s32 v4, v5  }
0xe: {  	v1 =	vimm.s32 $0x0;
	vm0 =	vmand vm0, vm1  }
0xf: {  	s23 =	sor.u32 $0x20, s12;
	s24 =	sor.u32 $0x30, s12;
	v1 =	vsel vm0, $0xFFFFFFFF, v1  }
0x10: {  	s25 =	sor.u32 $0x40, s12;
	s26 =	sor.u32 $0x50, s12;
	v7 =	vor.u32 s23, v0;
	v53 =	vor.u32 s24, v0;
	v1 =	vadd.s32 v1, v3  }
0x11: {  	s4 =	sor.u32 $0x60, s12;
	s5 =	sor.u32 $0x70, s12;
	s6 =	sor.u32 $0x80, s12;
	v10 =	vor.u32 s25, v0;
	v13 =	vor.u32 s26, v0;
	v3 =	vmul.u32 $0xFFFF38, v1  }
0x12: {  	s3 =	sor.u32 $0x10, s12;
	s8 =	sor.u32 $0xA0, s12;
	v14 =	vor.u32 s4, v0;
	v17 =	vor.u32 s5, v0;
	v19 =	vor.u32 s6, v0  }
0x13: {  	v22 =	vor.u32 s8, v0;
	v4 =	vor.u32 s3, v0;
	v2 =	vadd.s32 v2, v3  }
0x14: {  	v5 =	vand.u32 $0x7F, v1;
	v1 =	vand.u32 $0x7, v0;
	v2 =	vshll.u32 v2, $0x8  }
0x15: {  	s9 =	sor.u32 $0xB0, s12;
	s10 =	sor.u32 $0xC0, s12;
	v1 =	vmul.u32 $0x80, v1;
	v3 =	vmulhi.u32 $0x51EB851F, v4;
	v2 =	vand.u32 $0xFFFFF800, v2  }
0x16: {  	s11 =	sor.u32 $0xD0, s12;
	v25 =	vor.u32 s9, v0;
	v26 =	vor.u32 s10, v0;
	v2 =	vor.u32 v5, v2  }
0x17: {  	s13 =	sor.u32 $0xE0, s12;
	v29 =	vor.u32 s11, v0;
	v6 =	vshrl.u32 v3, $0x6;
	v3 =	vor.u32 v1, v2  }
0x18: {  	v8 =	vmulhi.u32 $0x51EB851F, v7;
	v5 =	vmul.u32 $0xFFFF38, v6;
	[tilespmem:$0x1FF70] =	vst v3;
	v3 =	vor.u32 $0x400, v1  }
0x19: {  	v31 =	vor.u32 s13, v0;
	v9 =	vmulhi.u32 $0x51EB851F, v53;
	v2 =	vor.u32 v3, v2  }
0x1a: {  	s15 =	sor.u32 $0x100, s12;
	v12 =	vmulhi.u32 $0x51EB851F, v10;
	[tilespmem:$0x1FF80] =	vst v2;
	v2 =	vadd.s32 v4, v5;
	v4 =	vshrl.u32 v8, $0x6  }
0x1b: {  	v34 =	vor.u32 s15, v0;
	v54 =	vmulhi.u32 $0x51EB851F, v13;
	v5 =	vmul.u32 $0xFFFF38, v4  }
0x1c: {  	v20 =	vmulhi.u32 $0x51EB851F, v19;
	v9 =	vshrl.u32 v9, $0x6;
	v2 =	vshll.u32 v2, $0x8  }
0x1d: {  	v6 =	vand.u32 $0x7F, v6;
	v2 =	vand.u32 $0xFFFFF800, v2;
	v5 =	vadd.s32 v7, v5  }
0x1e: {  	v4 =	vand.u32 $0x7F, v4;
	v2 =	vor.u32 v6, v2;
	v5 =	vshll.u32 v5, $0x8  }
0x1f: {  	s16 =	sor.u32 $0x110, s12;
	v6 =	vor.u32 v1, v2;
	v2 =	vor.u32 v3, v2;
	v5 =	vand.u32 $0xFFFFF800, v5  }
0x20: {  	v24 =	vmulhi.u32 $0x51EB851F, v22;
	v11 =	vmul.u32 $0xFFFF38, v9;
	[tilespmem:$0x1FFA0] =	vst v2;
	v2 =	vor.u32 v4, v5  }
0x21: {  	v37 =	vor.u32 s16, v0;
	v32 =	vmulhi.u32 $0x51EB851F, v31;
	v4 =	vor.u32 v1, v2  }
0x22: {  	s17 =	sor.u32 $0x120, s12;
	v5 =	vshrl.u32 v12, $0x6;
	v2 =	vor.u32 v3, v2;
	[tilespmem:$0x1FFB0] =	vst v4;
	v4 =	vadd.s32 v53, v11  }
0x23: {  	s18 =	sor.u32 $0x130, s12;
	v36 =	vmulhi.u32 $0x51EB851F, v34;
	[tilespmem:$0x1FFC0] =	vst v2;
	v2 =	vshll.u32 v4, $0x8;
	v4 =	vmul.u32 $0xFFFF38, v5  }
0x24: {  	v38 =	vor.u32 s17, v0;
	v41 =	vor.u32 s18, v0;
	v56 =	vmulhi.u32 $0x51EB851F, v37  }
0x25: {  	v15 =	vshrl.u32 v54, $0x6;
	v9 =	vand.u32 $0x7F, v9;
	v4 =	vadd.s32 v10, v4  }
0x26: {  	v12 =	vmulhi.u32 $0x51EB851F, v14;
	v2 =	vand.u32 $0xFFFFF800, v2;
	v4 =	vshll.u32 v4, $0x8  }
0x27: {  	v5 =	vand.u32 $0x7F, v5;
	v2 =	vor.u32 v9, v2;
	v4 =	vand.u32 $0xFFFFF800, v4  }
0x28: {  	[tilespmem:$0x1FF90] =	vst v6;
	v6 =	vor.u32 v1, v2;
	v2 =	vor.u32 v3, v2;
	v4 =	vor.u32 v5, v4  }
0x29: {  	s19 =	sor.u32 $0x140, s12;
	v57 =	vmulhi.u32 $0x51EB851F, v38;
	[tilespmem:$0x1FFE0] =	vst v2;
	v5 =	vmul.u32 $0xFFFF38, v15;
	v2 =	vor.u32 v1, v4  }
0x2a: {  	v43 =	vor.u32 s19, v0;
	v59 =	vmulhi.u32 $0x51EB851F, v41;
	[tilespmem:$0x1FFF0] =	vst v2;
	v2 =	vshrl.u32 v12, $0x6  }
0x2b: {  	v12 =	vor.u32 v3, v4;
	v4 =	vadd.s32 v13, v5;
	v5 =	vmul.u32 $0xFFFF38, v2  }
0x2c: {  	v44 =	vmulhi.u32 $0x51EB851F, v43;
	v13 =	vand.u32 $0x7F, v15;
	v4 =	vshll.u32 v4, $0x8  }
0x2d: {  	v4 =	vand.u32 $0xFFFFF800, v4;
	v5 =	vadd.s32 v14, v5;
	v14 =	vmulhi.u32 $0x51EB851F, v17  }
0x2e: {  	v2 =	vand.u32 $0x7F, v2;
	v4 =	vor.u32 v13, v4;
	v5 =	vshll.u32 v5, $0x8  }
0x2f: {  	v13 =	vor.u32 v1, v4;
	v5 =	vand.u32 $0xFFFFF800, v5;
	v18 =	vshrl.u32 v14, $0x6  }
0x30: {  	s7 =	sor.u32 $0x90, s12;
	v14 =	vor.u32 v3, v4;
	v2 =	vor.u32 v2, v5;
	v5 =	vmul.u32 $0xFFFF38, v18  }
0x31: {  	v4 =	vshrl.u32 v20, $0x6;
	v20 =	vor.u32 s7, v0;
	v15 =	vor.u32 v1, v2  }
0x32: {  	s20 =	sor.u32 $0x150, s12;
	v16 =	vor.u32 v3, v2;
	v2 =	vadd.s32 v17, v5;
	v5 =	vmul.u32 $0xFFFF38, v4  }
0x33: {  	v60 =	vor.u32 s20, v0;
	v17 =	vand.u32 $0x7F, v18;
	v18 =	vmulhi.u32 $0x51EB851F, v20  }
0x34: {  	v4 =	vand.u32 $0x7F, v4;
	v2 =	vshll.u32 v2, $0x8;
	v5 =	vadd.s32 v19, v5  }
0x35: {  	v2 =	vand.u32 $0xFFFFF800, v2;
	v21 =	vshrl.u32 v18, $0x6;
	v5 =	vshll.u32 v5, $0x8  }
0x36: {  	v2 =	vor.u32 v17, v2;
	v23 =	vmul.u32 $0xFFFF38, v21;
	v5 =	vand.u32 $0xFFFFF800, v5  }
0x37: {  	v17 =	vor.u32 v1, v2;
	v18 =	vor.u32 v3, v2;
	v2 =	vor.u32 v4, v5  }
0x38: {  	v4 =	vadd.s32 v20, v23;
	v5 =	vshrl.u32 v24, $0x6;
	v19 =	vor.u32 v1, v2  }
0x39: {  	v20 =	vor.u32 v3, v2;
	v2 =	vshll.u32 v4, $0x8;
	v4 =	vmul.u32 $0xFFFF38, v5  }
0x3a: {  	v62 =	vmulhi.u32 $0x51EB851F, v60;
	v21 =	vand.u32 $0x7F, v21;
	v2 =	vand.u32 $0xFFFFF800, v2  }
0x3b: {  	s21 =	sor.u32 $0x160, s12;
	v2 =	vor.u32 v21, v2;
	v4 =	vadd.s32 v22, v4;
	v21 =	vmulhi.u32 $0x51EB851F, v25  }
0x3c: {  	v46 =	vor.u32 s21, v0;
	v24 =	vmulhi.u32 $0x51EB851F, v26;
	v4 =	vshll.u32 v4, $0x8  }
0x3d: {  	v5 =	vand.u32 $0x7F, v5;
	v4 =	vand.u32 $0xFFFFF800, v4;
	v27 =	vshrl.u32 v21, $0x6  }
0x3e: {  	v22 =	vor.u32 v3, v2;
	v4 =	vor.u32 v5, v4;
	v5 =	vmul.u32 $0xFFFF38, v27  }
0x3f: {  	v21 =	vor.u32 v1, v2;
	v2 =	vshrl.u32 v24, $0x6;
	v23 =	vor.u32 v1, v4  }
0x40: {  	s14 =	sor.u32 $0xF0, s12;
	v24 =	vor.u32 v3, v4;
	v4 =	vadd.s32 v25, v5;
	v5 =	vmul.u32 $0xFFFF38, v2  }
0x41: {  	v55 =	vor.u32 s14, v0;
	v48 =	vmulhi.u32 $0x51EB851F, v46;
	v25 =	vand.u32 $0x7F, v27  }
0x42: {  	v4 =	vshll.u32 v4, $0x8;
	v5 =	vadd.s32 v26, v5;
	v26 =	vmulhi.u32 $0x51EB851F, v29  }
0x43: {  	v2 =	vand.u32 $0x7F, v2;
	v4 =	vand.u32 $0xFFFFF800, v4;
	v5 =	vshll.u32 v5, $0x8  }
0x44: {  	v4 =	vor.u32 v25, v4;
	v5 =	vand.u32 $0xFFFFF800, v5;
	v30 =	vshrl.u32 v26, $0x6  }
0x45: {  	v25 =	vor.u32 v1, v4;
	v2 =	vor.u32 v2, v5;
	v5 =	vmul.u32 $0xFFFF38, v30  }
0x46: {  	v26 =	vor.u32 v3, v4;
	v4 =	vshrl.u32 v32, $0x6;
	v27 =	vor.u32 v1, v2  }
0x47: {  	v28 =	vor.u32 v3, v2;
	v2 =	vadd.s32 v29, v5;
	v5 =	vmul.u32 $0xFFFF38, v4  }
0x48: {  	v29 =	vand.u32 $0x7F, v30;
	v30 =	vmulhi.u32 $0x51EB851F, v55  }
0x49: {  	v4 =	vand.u32 $0x7F, v4;
	v2 =	vshll.u32 v2, $0x8;
	v5 =	vadd.s32 v31, v5  }
0x4a: {  	v2 =	vand.u32 $0xFFFFF800, v2;
	v33 =	vshrl.u32 v30, $0x6;
	v5 =	vshll.u32 v5, $0x8  }
0x4b: {  	v2 =	vor.u32 v29, v2;
	v35 =	vmul.u32 $0xFFFF38, v33;
	v5 =	vand.u32 $0xFFFFF800, v5  }
0x4c: {  	v29 =	vor.u32 v1, v2;
	v30 =	vor.u32 v3, v2;
	v2 =	vor.u32 v4, v5  }
0x4d: {  	v4 =	vadd.s32 v55, v35;
	v5 =	vshrl.u32 v36, $0x6;
	v31 =	vor.u32 v1, v2  }
0x4e: {  	s24 =	sor.u32 $0x190, s12;
	v32 =	vor.u32 v3, v2;
	v2 =	vshll.u32 v4, $0x8;
	v4 =	vmul.u32 $0xFFFF38, v5  }
0x4f: {  	s13 =	sor.u32 $0x1E0, s12;
	v52 =	vor.u32 s24, v0;
	v39 =	vshrl.u32 v56, $0x6;
	v42 =	vshrl.u32 v59, $0x6  }
0x50: {  	v45 =	vshrl.u32 v62, $0x6;
	v59 =	vor.u32 s13, v0;
	v4 =	vadd.s32 v34, v4  }
0x51: {  	v33 =	vand.u32 $0x7F, v33;
	v2 =	vand.u32 $0xFFFFF800, v2;
	v4 =	vshll.u32 v4, $0x8  }
0x52: {  	v5 =	vand.u32 $0x7F, v5;
	v2 =	vor.u32 v33, v2;
	v4 =	vand.u32 $0xFFFFF800, v4  }
0x53: {  	v33 =	vor.u32 v1, v2;
	v4 =	vor.u32 v5, v4;
	v5 =	vmul.u32 $0xFFFF38, v39  }
0x54: {  	v34 =	vor.u32 v3, v2;
	v2 =	vshrl.u32 v57, $0x6;
	v35 =	vor.u32 v1, v4  }
0x55: {  	v36 =	vor.u32 v3, v4;
	v4 =	vadd.s32 v37, v5;
	v5 =	vmul.u32 $0xFFFF38, v2  }
0x56: {  	s22 =	sor.u32 $0x170, s12;
	v58 =	vand.u32 $0x7F, v39;
	v61 =	vand.u32 $0x7F, v42;
	v47 =	vmul.u32 $0xFFFF38, v45  }
0x57: {  	v8 =	vor.u32 s22, v0;
	v4 =	vshll.u32 v4, $0x8;
	v5 =	vadd.s32 v38, v5  }
0x58: {  	v49 =	vmulhi.u32 $0x51EB851F, v8;
	v4 =	vand.u32 $0xFFFFF800, v4;
	v5 =	vshll.u32 v5, $0x8  }
0x59: {  	v2 =	vand.u32 $0x7F, v2;
	v4 =	vor.u32 v58, v4;
	v5 =	vand.u32 $0xFFFFF800, v5  }
0x5a: {  	v37 =	vor.u32 v1, v4;
	v2 =	vor.u32 v2, v5;
	v5 =	vmul.u32 $0xFFFF38, v42  }
0x5b: {  	v38 =	vor.u32 v3, v4;
	v4 =	vshrl.u32 v44, $0x6;
	v39 =	vor.u32 v1, v2  }
0x5c: {  	v40 =	vor.u32 v3, v2;
	v2 =	vadd.s32 v41, v5;
	v5 =	vmul.u32 $0xFFFF38, v4  }
0x5d: {  	v45 =	vand.u32 $0x7F, v45;
	v49 =	vshrl.u32 v49, $0x6;
	v2 =	vshll.u32 v2, $0x8  }
0x5e: {  	v50 =	vmul.u32 $0xFFFF38, v49;
	v2 =	vand.u32 $0xFFFFF800, v2;
	v5 =	vadd.s32 v43, v5  }
0x5f: {  	v4 =	vand.u32 $0x7F, v4;
	v2 =	vor.u32 v61, v2;
	v5 =	vshll.u32 v5, $0x8  }
0x60: {  	v5 =	vand.u32 $0xFFFFF800, v5;
	v41 =	vor.u32 v1, v2;
	v42 =	vor.u32 v3, v2  }
0x61: {  	s7 =	sor.u32 $0x1B0, s12;
	v2 =	vor.u32 v4, v5;
	v4 =	vadd.s32 v60, v47;
	v5 =	vshrl.u32 v48, $0x6  }
0x62: {  	v55 =	vor.u32 s7, v0;
	v4 =	vshll.u32 v4, $0x8;
	v63 =	vmul.u32 $0xFFFF38, v5  }
0x63: {  	v56 =	vmulhi.u32 $0x51EB851F, v55;
	v43 =	vor.u32 v1, v2;
	v4 =	vand.u32 $0xFFFFF800, v4  }
0x64: {  	v44 =	vor.u32 v3, v2;
	v2 =	vor.u32 v45, v4;
	v4 =	vadd.s32 v46, v63  }
0x65: {  	v53 =	vmulhi.u32 $0x51EB851F, v52;
	v62 =	vshrl.u32 v56, $0x6;
	v4 =	vshll.u32 v4, $0x8  }
0x66: {  	s23 =	sor.u32 $0x180, s12;
	v5 =	vand.u32 $0x7F, v5;
	v45 =	vor.u32 v1, v2;
	v4 =	vand.u32 $0xFFFFF800, v4  }
0x67: {  	v46 =	vor.u32 v3, v2;
	v2 =	vor.u32 v5, v4;
	v4 =	vor.u32 s23, v0  }
0x68: {  	v5 =	vadd.s32 v8, v50;
	v8 =	vmul.u32 $0xFFFF38, v62;
	v9 =	vmulhi.u32 $0x51EB851F, v4  }
0x69: {  	v47 =	vor.u32 v1, v2;
	v48 =	vor.u32 v3, v2;
	v5 =	vshll.u32 v5, $0x8  }
0x6a: {  	s10 =	sor.u32 $0x1C0, s12;
	v2 =	vand.u32 $0x7F, v49;
	v5 =	vand.u32 $0xFFFFF800, v5;
	v51 =	vshrl.u32 v9, $0x6  }
0x6b: {  	s4 =	sor.u32 $0x1A0, s12;
	v2 =	vor.u32 v2, v5;
	v9 =	vor.u32 s10, v0;
	v5 =	vmul.u32 $0xFFFF38, v51  }
0x6c: {  	v49 =	vor.u32 v1, v2;
	v50 =	vor.u32 v3, v2;
	v2 =	vor.u32 s4, v0  }
0x6d: {  	v51 =	vand.u32 $0x7F, v51;
	v10 =	vmulhi.u32 $0x51EB851F, v2;
	v4 =	vadd.s32 v4, v5  }
0x6e: {  	v58 =	vmulhi.u32 $0x51EB851F, v9;
	v5 =	vshrl.u32 v53, $0x6;
	v4 =	vshll.u32 v4, $0x8  }
0x6f: {  	s11 =	sor.u32 $0x1D0, s12;
	v54 =	vmul.u32 $0xFFFF38, v5;
	v53 =	vshrl.u32 v10, $0x6;
	v5 =	vand.u32 $0x7F, v5  }
0x70: {  	v10 =	vadd.s32 v55, v8;
	v55 =	vor.u32 s11, v0;
	v4 =	vand.u32 $0xFFFFF800, v4  }
0x71: {  	v11 =	vmul.u32 $0xFFFF38, v53;
	v61 =	vand.u32 $0x7F, v53;
	v8 =	vmulhi.u32 $0x51EB851F, v55  }
0x72: {  	v53 =	vand.u32 $0x7F, v62;
	v52 =	vadd.s32 v52, v54;
	v4 =	vor.u32 v51, v4  }
0x73: {  	s16 =	sor.u32 $0x1F0, s12;
	v60 =	vshll.u32 v52, $0x8;
	v2 =	vadd.s32 v2, v11;
	v51 =	vor.u32 v1, v4  }
0x74: {  	s30 =	simm.s32 $0x80;
	s31 =	simm.s32 $0x8000;
	v11 =	vshrl.u32 v58, $0x6;
	v52 =	vshll.u32 v10, $0x8;
	v58 =	vor.u32 s16, v0  }
0x75: {  	s29 =	simm.s32 $0x40;
	p0 =	sne.s32 s0, $0x0;
	s9 =	rddreg [dreg:$0x0];
	v2 =	vshll.u32 v2, $0x8;
	v57 =	vand.u32 $0xFFFFF800, v60;
	v63 =	vmul.u32 $0xFFFF38, v11  }
0x76: {  	s28 =	sor.u32 $0x3C0, s12;
	s5 =	rddreg [dreg:$0x3];
	s6 =	simm.s32 $0x0;
	v52 =	vand.u32 $0xFFFFF800, v52;
	v54 =	vand.u32 $0x7F, v11;
	v11 =	vmulhi.u32 $0x51EB851F, v59  }
0x77: {  	s25 =	ssub.s32 $0x2, s2;
	s26 =	sshll.u32 s1, $0x2;
	s24 =	smul.u32 $0xC80000, s1;
	v2 =	vand.u32 $0xFFFFF800, v2;
	v5 =	vor.u32 v5, v57;
	v57 =	vshrl.u32 v8, $0x6  }
0x78: {  	s2 =	sshll.u32 s2, $0x6;
	s15 =	sor.u32 $0x2C0, s12;
	s18 =	sor.u32 $0x300, s12;
	v60 =	vor.u32 v53, v52;
	v2 =	vor.u32 v61, v2;
	v56 =	vadd.s32 v9, v63  }
0x79: {  	[smem:$0x7FF] =	sst s6;
	s8 =	sshrl.u32 s25, $0x1;
	s21 =	sor.u32 $0x2000, s24;
	v10 =	vmul.u32 $0xFFFF38, v57;
	v11 =	vshrl.u32 v11, $0x6;
	v9 =	vshll.u32 v56, $0x8  }
0x7a: {  	s20 =	sor.u32 $0x4000, s24;
	s14 =	sor.u32 $0x6000, s24;
	s3 =	rddreg [dreg:$0x2];
	[tilespmem:$0x1FFD0] =	vst v6;
	v53 =	vor.u32 v1, v5;
	v56 =	vmul.u32 $0xFFFF38, v11;
	v52 =	vand.u32 $0xFFFFF800, v9  }
0x7b: {  	s2 =	sadd.s32 s9, s2;
	_ =	strace $0x80000047;
	[dreg:$0x5] =	wrdreg s26;
	v8 =	vadd.s32 v55, v10;
	v9 =	vmulhi.u32 $0x51EB851F, v58;
	v10 =	vand.u32 $0x7F, v57  }
0x7c: {  	s17 =	sor.u32 $0x8000, s24;
	s22 =	sor.u32 $0x240, s12;
	[dreg:$0x9] =	wrdreg s21;
	v55 =	vor.u32 v1, v2;
	v57 =	vor.u32 v1, v60;
	v61 =	vor.u32 v54, v52  }
0x7d: {  	s19 =	sor.u32 $0xA000, s24;
	s13 =	sor.u32 $0x380, s12;
	[dreg:$0xa] =	wrdreg s22;
	v52 =	vshll.u32 v8, $0x8;
	v56 =	vadd.s32 v59, v56;
	v54 =	vor.u32 v3, v5  }
0x7e: {  	s21 =	sor.u32 $0x340, s12;
	[dreg:$0x8] =	wrdreg s28;
	s23 =	sor.u32 $0x280, s12;
	v8 =	vand.u32 $0xFFFFF800, v52;
	v62 =	vshrl.u32 v9, $0x6;
	v52 =	vor.u32 v3, v4  }
0x7f: {  	s22 =	sor.u32 $0xC000, s24;
	s7 =	simm.s32 $0x0;
	[dreg:$0xb] =	wrdreg s23;
	v59 =	vor.u32 v1, v61;
	v4 =	vor.u32 v10, v8;
	v9 =	vmul.u32 $0xFFFF38, v62  }
0x80: {  	s4 =	ssub.s32 s25, s8;
	s8 =	sshll.u32 s0, $0x8;
	s25 =	sshrl.u32 s24, $0x3;
	v10 =	vshll.u32 v56, $0x8;
	v56 =	vor.u32 v3, v2;
	v2 =	vand.u32 $0x7F, v11  }
.Ltmp0:
0x81: {  	s9 =	sadd.s32 s8, s2;
	s1 =	sadd.s32 s3, s25;
	v63 =	vand.u32 $0x7F, v62;
	v11 =	vand.u32 $0xFFFFF800, v10;
	v5 =	vadd.s32 v58, v9;
	(pc) =	sbr.rel .LBB2_1-.Ltmp0, $4  }
0x82: {  	s26 =	smax.u32 s4, $0x1;
	s2 =	sor.u32 $0xE000, s24;
	s23 =	sadd.s32 $0x18E400, s1;
	v62 =	vor.u32 v3, v4;
	v2 =	vor.u32 v2, v11;
	v5 =	vshll.u32 v5, $0x8  }
0x83: {  	s10 =	sadd.s32 $0x18EC00, s1;
	s0 =	sadd.s32 $0x18F400, s1;
	[dreg:$0x6] =	wrdreg s26;
	v58 =	vor.u32 v3, v60;
	v60 =	vor.u32 v3, v61;
	v5 =	vand.u32 $0xFFFFF800, v5  }
0x84: {  	s1 =	sadd.s32 $0x18FC00, s1;
	s26 =	smov.u32 s12;
	s12 =	simm.s32 $0xEC00;
	v61 =	vor.u32 v1, v4;
	v5 =	vor.u32 v63, v5;
	v63 =	vor.u32 v1, v2  }
0x85: {  	[dreg:$0x7] =	wrdreg s1;
	s11 =	simm.s32 $0x14C00;
	s16 =	simm.s32 $0x10C00;
	v2 =	vor.u32 v3, v2;
	v4 =	vor.u32 v1, v5;
	v5 =	vor.u32 v3, v5  }
.LBB2_19:
0x86: {  	s1 =	simm.s32 $0x8  }
0x87: {  	_ =	swait.ge [sflag:s1], $0x2000  }
0x88: {  	s4 =	simm.s32 $0x1AC00;
	[sflag:s1] =	ssyncset.done $0x0  }
0x89: {  	s25 =	simm.s32 $0x9;
	s8 =	rddreg [dreg:$0x7];
	[sflag:s1] =	ssyncadd.s32 $0xFFFFE000  }
0x8a: {  	[hbm4b:s8+s6] =	stream.linear.scatter [tilespmem:s4], [sflag:$0x10], $0x2000, $0x38;
	[tilespmem:$0x1E100] =	vst v63  }
0x8b: {  	_ =	swait.ge [sflag:s25], $0x2000  }
0x8c: {  	[sflag:s25] =	ssyncset.done $0x0  }
0x8d: {  	s4 =	simm.s32 $0xA;
	[sflag:s25] =	ssyncadd.s32 $0xFFFFE000  }
0x8e: {  	_ =	swait.ge [sflag:s4], $0x2000  }
0x8f: {  	[sflag:s4] =	ssyncset.done $0x0  }
0x90: {  	s7 =	simm.s32 $0xB;
	[sflag:s4] =	ssyncadd.s32 $0xFFFFE000  }
0x91: {  	_ =	swait.ge [sflag:s7], $0x2000  }
0x92: {  	[sflag:s7] =	ssyncset.done $0x0  }
0x93: {  	s8 =	simm.s32 $0xC;
	[sflag:s7] =	ssyncadd.s32 $0xFFFFE000  }
0x94: {  	_ =	swait.ge [sflag:s8], $0x2000  }
0x95: {  	[sflag:s8] =	ssyncset.done $0x0  }
0x96: {  	s25 =	simm.s32 $0xD;
	[sflag:s8] =	ssyncadd.s32 $0xFFFFE000  }
0x97: {  	_ =	swait.ge [sflag:s25], $0x2000  }
0x98: {  	[sflag:s25] =	ssyncset.done $0x0  }
0x99: {  	s4 =	simm.s32 $0xE;
	[sflag:s25] =	ssyncadd.s32 $0xFFFFE000  }
0x9a: {  	_ =	swait.ge [sflag:s4], $0x2000  }
0x9b: {  	[sflag:s4] =	ssyncset.done $0x0  }
0x9c: {  	s7 =	simm.s32 $0xF;
	[sflag:s4] =	ssyncadd.s32 $0xFFFFE000  }
0x9d: {  	_ =	swait.ge [sflag:s7], $0x2000  }
0x9e: {  	[sflag:s7] =	ssyncset.done $0x0  }
0x9f: {  	s8 =	simm.s32 $0x10;
	[sflag:s7] =	ssyncadd.s32 $0xFFFFE000  }
0xa0: {  	_ =	swait.ge [sflag:s8], $0x2000  }
0xa1: {  	s7 =	rddreg [dreg:$0xc]  }
0xa2: {  	s25 =	rddreg [dreg:$0x6];
	s7 =	sadd.s32 $0x1, s7  }
0xa3: {  	p1 =	sne.s32 s7, s25  }
.Ltmp1:
0xa4: {  	_ = 	snop;
	(pc) =	sbr.rel @!p1 .LBB2_20-.Ltmp1, $3  }
0xa5: {  	_ =	sdelay $0x1  }
0xa6: {  	[sflag:s8] =	ssyncset.done $0x0  }
0xa7: {  	[sflag:s8] =	ssyncadd.s32 $0xFFFFE000  }
.LBB2_1:
0xa8: {  	[dreg:$0xc] =	wrdreg s7  }
0xa9: {  	s1 =	sshrl.u32 @!p0 s5, $0x3;
	s4 =	simm.s32 @!p0 $0x1C11;
	s7 =	rddreg [dreg:$0x1]  }
0xaa: {  	[spmem:s1], [sflag:s4] =	dma.local @!p0 [hbm:s7], $0x2A00  }
0xab: {  	s1 =	simm.s32 @!p0 $0x11  }
0xac: {  	_ =	swait.ge @!p0 [sflag:s1], $0x2A00  }
0xad: {  	s25 =	sadd.s32 $0x0, s9;
	[sflag:s1] =	ssyncset.done @!p0 $0x0  }
0xae: {  	s8 =	simm.s32 $0x400;
	s7 =	sadd.s32 $0x80, s25;
	[sflag:s1] =	ssyncadd.s32 @!p0 $0xFFFFD600  }
0xaf: {  	s4 =	simm.s32 $0x800;
	s1 =	simm.s32 $0x8000;
	[bflag:$0x0] =	sbarrier.arrive $0xFFFF  }
0xb0: {  	[tilespmem:s6], [sflag:$0x11] =	stream.strided.gather [hbm4b:s25+s30], $0x400, s31, s30, $0x38;
	[tilespmem:$0x1E100] =	vst v63  }
.LBB2_2:
0xb1: {  	[tilespmem:s8], [sflag:$0x11] =	stream.strided.gather [hbm4b:s7+s30], $0x400, s31, s30, $0x38;
	[tilespmem:$0x1E100] =	vst v63  }
0xb2: {  	s7 =	smov.u32 s1;
	p1 =	sne.s32 s1, $0xC0000  }
.Ltmp2:
0xb3: {  	s1 =	sadd.s32 $0x8000, s1;
	(pc) =	sbr.rel @p1 .LBB2_2-.Ltmp2, $4  }
0xb4: {  	_ = 	snop  }
0xb5: {  	s7 =	sadd.s32 s7, s9  }
0xb6: {  	[tilespmem:s4], [sflag:$0x11] =	stream.strided.gather [hbm4b:s7+s30], $0x400, s31, s30, $0x38;
	[tilespmem:$0x1E100] =	vst v63  }
0xb7: {  	s8 =	sadd.s32 $0x400, s4;
	s7 =	sadd.s32 $0x80, s7;
	s4 =	sadd.s32 $0x800, s4  }
0xb8: {  	[tilespmem:s8], [sflag:$0x11] =	stream.strided.gather [hbm4b:s7+s30], $0x400, s31, s30, $0x38;
	[tilespmem:$0x1E100] =	vst v63  }
0xb9: {  	s1 =	simm.s32 $0x11  }
0xba: {  	_ =	swait.ge [sflag:s1], $0xC800  }
0xbb: {  	v6 =	vld [tilespmem:$0x1FF70];
	_ =	sdelay $0x1  }
0xbc: {  	v7 =	vld [tilespmem:$0x1FF80];
	_ =	sdelay $0x3  }
0xbd: {  	[sflag:s1] =	ssyncset.done $0x0  }
0xbe: {  	s25 =	simm.s32 $0x0;
	[sflag:s1] =	ssyncadd.s32 $0xFFFF3800  }
0xbf: {  	v6 =	vld.idx.msk [tilespmem:v6+s25+$0x0], $0xffff;
	_ =	sdelay $0x1  }
0xc0: {  	v7 =	vld.idx.msk [tilespmem:v7+s25+$0x0], $0xffff;
	_ =	sdelay $0x2  }
0xc1: {  	v6 =	vmul.u32 $0x60, v6;
	_ =	sdelay $0x1  }
0xc2: {  	v6 =	vadd.s32 v7, v6  }
0xc3: {  	[tilespmem:$0xC800] =	vst v6;
	v6 =	vld [tilespmem:$0x1FF90];
	_ =	sdelay $0x1  }
0xc4: {  	v7 =	vld [tilespmem:$0x1FFA0];
	_ =	sdelay $0x5  }
0xc5: {  	v6 =	vld.idx.msk [tilespmem:v6+s25+$0x0], $0xffff;
	_ =	sdelay $0x1  }
0xc6: {  	v7 =	vld.idx.msk [tilespmem:v7+s25+$0x0], $0xffff;
	_ =	sdelay $0x2  }
0xc7: {  	v6 =	vmul.u32 $0x60, v6;
	_ =	sdelay $0x1  }
0xc8: {  	v6 =	vadd.s32 v7, v6  }
0xc9: {  	[tilespmem:$0xC810] =	vst v6;
	v6 =	vld [tilespmem:$0x1FFB0];
	_ =	sdelay $0x1  }
0xca: {  	v7 =	vld [tilespmem:$0x1FFC0];
	_ =	sdelay $0x5  }
0xcb: {  	v6 =	vld.idx.msk [tilespmem:v6+s25+$0x0], $0xffff;
	_ =	sdelay $0x1  }
0xcc: {  	v7 =	vld.idx.msk [tilespmem:v7+s25+$0x0], $0xffff;
	_ =	sdelay $0x2  }
0xcd: {  	v6 =	vmul.u32 $0x60, v6;
	_ =	sdelay $0x1  }
0xce: {  	v6 =	vadd.s32 v7, v6  }
0xcf: {  	[tilespmem:$0xC820] =	vst v6;
	v6 =	vld [tilespmem:$0x1FFD0];
	_ =	sdelay $0x1  }
0xd0: {  	v7 =	vld [tilespmem:$0x1FFE0];
	_ =	sdelay $0x5  }
0xd1: {  	v6 =	vld.idx.msk [tilespmem:v6+s25+$0x0], $0xffff;
	_ =	sdelay $0x1  }
0xd2: {  	v7 =	vld.idx.msk [tilespmem:v7+s25+$0x0], $0xffff;
	_ =	sdelay $0x2  }
0xd3: {  	v6 =	vmul.u32 $0x60, v6;
	_ =	sdelay $0x1  }
0xd4: {  	v6 =	vadd.s32 v7, v6  }
0xd5: {  	[tilespmem:$0xC830] =	vst v6;
	v6 =	vld [tilespmem:$0x1FFF0];
	_ =	sdelay $0x5  }
0xd6: {  	s8 =	simm.s32 $0xC800;
	s4 =	simm.s32 $0xCC00  }
0xd7: {  	[tilespmem:s4], [sflag:$0x1] =	stream.indirect.gather [spmem:s5], $0x80, s8, s29, $0xb8;
	[tilespmem:$0x1E100] =	vst v63  }
0xd8: {  	v6 =	vld.idx.msk [tilespmem:v6+s25+$0x0], $0xffff;
	_ =	sdelay $0x1  }
0xd9: {  	v7 =	vld.idx.msk [tilespmem:v12+s25+$0x0], $0xffff;
	_ =	sdelay $0x2  }
0xda: {  	v6 =	vmul.u32 $0x60, v6;
	_ =	sdelay $0x1  }
0xdb: {  	v6 =	vadd.s32 v7, v6  }
0xdc: {  	[tilespmem:$0xC880] =	vst v6  }
0xdd: {  	v6 =	vld.idx.msk [tilespmem:v13+s25+$0x0], $0xffff;
	_ =	sdelay $0x1  }
0xde: {  	v7 =	vld.idx.msk [tilespmem:v14+s25+$0x0], $0xffff;
	_ =	sdelay $0x2  }
0xdf: {  	v6 =	vmul.u32 $0x60, v6;
	_ =	sdelay $0x1  }
0xe0: {  	v6 =	vadd.s32 v7, v6  }
0xe1: {  	[tilespmem:$0xC890] =	vst v6  }
0xe2: {  	v6 =	vld.idx.msk [tilespmem:v15+s25+$0x0], $0xffff;
	_ =	sdelay $0x1  }
0xe3: {  	v7 =	vld.idx.msk [tilespmem:v16+s25+$0x0], $0xffff;
	_ =	sdelay $0x2  }
0xe4: {  	v6 =	vmul.u32 $0x60, v6;
	_ =	sdelay $0x1  }
0xe5: {  	v6 =	vadd.s32 v7, v6  }
0xe6: {  	[tilespmem:$0xC8A0] =	vst v6  }
0xe7: {  	v6 =	vld.idx.msk [tilespmem:v17+s25+$0x0], $0xffff;
	_ =	sdelay $0x1  }
0xe8: {  	v7 =	vld.idx.msk [tilespmem:v18+s25+$0x0], $0xffff;
	_ =	sdelay $0x2  }
0xe9: {  	v6 =	vmul.u32 $0x60, v6;
	_ =	sdelay $0x1  }
0xea: {  	v6 =	vadd.s32 v7, v6  }
0xeb: {  	s4 =	simm.s32 $0xC880;
	[tilespmem:$0xC8B0] =	vst v6  }
0xec: {  	[tilespmem:s12], [sflag:$0x2] =	stream.indirect.gather [spmem:s5], $0x80, s4, s29, $0xb8;
	[tilespmem:$0x1E100] =	vst v63  }
0xed: {  	v6 =	vld.idx.msk [tilespmem:v19+s25+$0x0], $0xffff;
	_ =	sdelay $0x1  }
0xee: {  	v7 =	vld.idx.msk [tilespmem:v20+s25+$0x0], $0xffff;
	_ =	sdelay $0x2  }
0xef: {  	v6 =	vmul.u32 $0x60, v6;
	_ =	sdelay $0x1  }
0xf0: {  	v6 =	vadd.s32 v7, v6  }
0xf1: {  	[tilespmem:$0xC900] =	vst v6  }
0xf2: {  	v6 =	vld.idx.msk [tilespmem:v21+s25+$0x0], $0xffff;
	_ =	sdelay $0x1  }
0xf3: {  	v7 =	vld.idx.msk [tilespmem:v22+s25+$0x0], $0xffff;
	_ =	sdelay $0x2  }
0xf4: {  	v6 =	vmul.u32 $0x60, v6;
	_ =	sdelay $0x1  }
0xf5: {  	v6 =	vadd.s32 v7, v6  }
0xf6: {  	[tilespmem:$0xC910] =	vst v6  }
0xf7: {  	v6 =	vld.idx.msk [tilespmem:v23+s25+$0x0], $0xffff;
	_ =	sdelay $0x1  }
0xf8: {  	v7 =	vld.idx.msk [tilespmem:v24+s25+$0x0], $0xffff;
	_ =	sdelay $0x2  }
0xf9: {  	v6 =	vmul.u32 $0x60, v6;
	_ =	sdelay $0x1  }
0xfa: {  	v6 =	vadd.s32 v7, v6  }
0xfb: {  	[tilespmem:$0xC920] =	vst v6  }
0xfc: {  	v6 =	vld.idx.msk [tilespmem:v25+s25+$0x0], $0xffff;
	_ =	sdelay $0x1  }
0xfd: {  	v7 =	vld.idx.msk [tilespmem:v26+s25+$0x0], $0xffff;
	_ =	sdelay $0x2  }
0xfe: {  	v6 =	vmul.u32 $0x60, v6;
	_ =	sdelay $0x1  }
0xff: {  	v6 =	vadd.s32 v7, v6  }
0x100: {  	s7 =	simm.s32 $0xC900;
	[tilespmem:$0xC930] =	vst v6  }
0x101: {  	[tilespmem:s16], [sflag:$0x3] =	stream.indirect.gather [spmem:s5], $0x80, s7, s29, $0xb8;
	[tilespmem:$0x1E100] =	vst v63  }
0x102: {  	v6 =	vld.idx.msk [tilespmem:v27+s25+$0x0], $0xffff;
	_ =	sdelay $0x1  }
0x103: {  	v7 =	vld.idx.msk [tilespmem:v28+s25+$0x0], $0xffff;
	_ =	sdelay $0x2  }
0x104: {  	v6 =	vmul.u32 $0x60, v6;
	_ =	sdelay $0x1  }
0x105: {  	v6 =	vadd.s32 v7, v6  }
0x106: {  	[tilespmem:$0xC980] =	vst v6  }
0x107: {  	v6 =	vld.idx.msk [tilespmem:v29+s25+$0x0], $0xffff;
	_ =	sdelay $0x1  }
0x108: {  	v7 =	vld.idx.msk [tilespmem:v30+s25+$0x0], $0xffff;
	_ =	sdelay $0x2  }
0x109: {  	v6 =	vmul.u32 $0x60, v6;
	_ =	sdelay $0x1  }
0x10a: {  	v6 =	vadd.s32 v7, v6  }
0x10b: {  	[tilespmem:$0xC990] =	vst v6  }
0x10c: {  	v6 =	vld.idx.msk [tilespmem:v31+s25+$0x0], $0xffff;
	_ =	sdelay $0x1  }
0x10d: {  	v7 =	vld.idx.msk [tilespmem:v32+s25+$0x0], $0xffff;
	_ =	sdelay $0x2  }
0x10e: {  	v6 =	vmul.u32 $0x60, v6;
	_ =	sdelay $0x1  }
0x10f: {  	v6 =	vadd.s32 v7, v6  }
0x110: {  	[tilespmem:$0xC9A0] =	vst v6  }
0x111: {  	v6 =	vld.idx.msk [tilespmem:v33+s25+$0x0], $0xffff;
	_ =	sdelay $0x1  }
0x112: {  	v7 =	vld.idx.msk [tilespmem:v34+s25+$0x0], $0xffff;
	_ =	sdelay $0x2  }
0x113: {  	v6 =	vmul.u32 $0x60, v6;
	_ =	sdelay $0x1  }
0x114: {  	v6 =	vadd.s32 v7, v6  }
0x115: {  	s8 =	simm.s32 $0xC980;
	s16 =	simm.s32 $0x12C00;
	[tilespmem:$0xC9B0] =	vst v6  }
0x116: {  	[tilespmem:s16], [sflag:$0x4] =	stream.indirect.gather [spmem:s5], $0x80, s8, s29, $0xb8;
	[tilespmem:$0x1E100] =	vst v63  }
0x117: {  	v6 =	vld.idx.msk [tilespmem:v35+s25+$0x0], $0xffff;
	_ =	sdelay $0x1  }
0x118: {  	v7 =	vld.idx.msk [tilespmem:v36+s25+$0x0], $0xffff;
	_ =	sdelay $0x2  }
0x119: {  	v6 =	vmul.u32 $0x60, v6;
	_ =	sdelay $0x1  }
0x11a: {  	v6 =	vadd.s32 v7, v6  }
0x11b: {  	[tilespmem:$0xCA00] =	vst v6  }
0x11c: {  	v6 =	vld.idx.msk [tilespmem:v37+s25+$0x0], $0xffff;
	_ =	sdelay $0x1  }
0x11d: {  	v7 =	vld.idx.msk [tilespmem:v38+s25+$0x0], $0xffff;
	_ =	sdelay $0x2  }
0x11e: {  	v6 =	vmul.u32 $0x60, v6;
	_ =	sdelay $0x1  }
0x11f: {  	v6 =	vadd.s32 v7, v6  }
0x120: {  	[tilespmem:$0xCA10] =	vst v6  }
0x121: {  	v6 =	vld.idx.msk [tilespmem:v39+s25+$0x0], $0xffff;
	_ =	sdelay $0x1  }
0x122: {  	v7 =	vld.idx.msk [tilespmem:v40+s25+$0x0], $0xffff;
	_ =	sdelay $0x2  }
0x123: {  	v6 =	vmul.u32 $0x60, v6;
	_ =	sdelay $0x1  }
0x124: {  	v6 =	vadd.s32 v7, v6  }
0x125: {  	[tilespmem:$0xCA20] =	vst v6  }
0x126: {  	v6 =	vld.idx.msk [tilespmem:v41+s25+$0x0], $0xffff;
	_ =	sdelay $0x1  }
0x127: {  	v7 =	vld.idx.msk [tilespmem:v42+s25+$0x0], $0xffff;
	_ =	sdelay $0x2  }
0x128: {  	v6 =	vmul.u32 $0x60, v6;
	_ =	sdelay $0x1  }
0x129: {  	v6 =	vadd.s32 v7, v6  }
0x12a: {  	s7 =	simm.s32 $0xCA00;
	[tilespmem:$0xCA30] =	vst v6  }
0x12b: {  	[tilespmem:s11], [sflag:$0x5] =	stream.indirect.gather [spmem:s5], $0x80, s7, s29, $0xb8;
	[tilespmem:$0x1E100] =	vst v63  }
0x12c: {  	v6 =	vld.idx.msk [tilespmem:v43+s25+$0x0], $0xffff;
	_ =	sdelay $0x1  }
0x12d: {  	v7 =	vld.idx.msk [tilespmem:v44+s25+$0x0], $0xffff;
	_ =	sdelay $0x2  }
0x12e: {  	v6 =	vmul.u32 $0x60, v6;
	_ =	sdelay $0x1  }
0x12f: {  	v6 =	vadd.s32 v7, v6  }
0x130: {  	[tilespmem:$0xCA80] =	vst v6  }
0x131: {  	v6 =	vld.idx.msk [tilespmem:v45+s25+$0x0], $0xffff;
	_ =	sdelay $0x1  }
0x132: {  	v7 =	vld.idx.msk [tilespmem:v46+s25+$0x0], $0xffff;
	_ =	sdelay $0x2  }
0x133: {  	v6 =	vmul.u32 $0x60, v6;
	_ =	sdelay $0x1  }
0x134: {  	v6 =	vadd.s32 v7, v6  }
0x135: {  	[tilespmem:$0xCA90] =	vst v6  }
0x136: {  	v6 =	vld.idx.msk [tilespmem:v47+s25+$0x0], $0xffff;
	_ =	sdelay $0x1  }
0x137: {  	v7 =	vld.idx.msk [tilespmem:v48+s25+$0x0], $0xffff;
	_ =	sdelay $0x2  }
0x138: {  	v6 =	vmul.u32 $0x60, v6;
	_ =	sdelay $0x1  }
0x139: {  	v6 =	vadd.s32 v7, v6  }
0x13a: {  	[tilespmem:$0xCAA0] =	vst v6  }
0x13b: {  	v6 =	vld.idx.msk [tilespmem:v49+s25+$0x0], $0xffff;
	_ =	sdelay $0x1  }
0x13c: {  	v7 =	vld.idx.msk [tilespmem:v50+s25+$0x0], $0xffff;
	_ =	sdelay $0x2  }
0x13d: {  	v6 =	vmul.u32 $0x60, v6;
	_ =	sdelay $0x1  }
0x13e: {  	v6 =	vadd.s32 v7, v6  }
0x13f: {  	s8 =	simm.s32 $0xCA80;
	s16 =	simm.s32 $0x16C00;
	[tilespmem:$0xCAB0] =	vst v6  }
0x140: {  	[tilespmem:s16], [sflag:$0x6] =	stream.indirect.gather [spmem:s5], $0x80, s8, s29, $0xb8;
	[tilespmem:$0x1E100] =	vst v63  }
0x141: {  	v6 =	vld.idx.msk [tilespmem:v51+s25+$0x0], $0xffff;
	_ =	sdelay $0x1  }
0x142: {  	v7 =	vld.idx.msk [tilespmem:v52+s25+$0x0], $0xffff;
	_ =	sdelay $0x2  }
0x143: {  	v6 =	vmul.u32 $0x60, v6;
	_ =	sdelay $0x1  }
0x144: {  	v6 =	vadd.s32 v7, v6  }
0x145: {  	[tilespmem:$0xCB00] =	vst v6  }
0x146: {  	v6 =	vld.idx.msk [tilespmem:v53+s25+$0x0], $0xffff;
	_ =	sdelay $0x1  }
0x147: {  	v7 =	vld.idx.msk [tilespmem:v54+s25+$0x0], $0xffff;
	_ =	sdelay $0x2  }
0x148: {  	v6 =	vmul.u32 $0x60, v6;
	_ =	sdelay $0x1  }
0x149: {  	v6 =	vadd.s32 v7, v6  }
0x14a: {  	[tilespmem:$0xCB10] =	vst v6  }
0x14b: {  	v6 =	vld.idx.msk [tilespmem:v55+s25+$0x0], $0xffff;
	_ =	sdelay $0x1  }
0x14c: {  	v7 =	vld.idx.msk [tilespmem:v56+s25+$0x0], $0xffff;
	_ =	sdelay $0x2  }
0x14d: {  	v6 =	vmul.u32 $0x60, v6;
	_ =	sdelay $0x1  }
0x14e: {  	v6 =	vadd.s32 v7, v6  }
0x14f: {  	[tilespmem:$0xCB20] =	vst v6  }
0x150: {  	v6 =	vld.idx.msk [tilespmem:v57+s25+$0x0], $0xffff;
	_ =	sdelay $0x1  }
0x151: {  	v7 =	vld.idx.msk [tilespmem:v58+s25+$0x0], $0xffff;
	_ =	sdelay $0x2  }
0x152: {  	v6 =	vmul.u32 $0x60, v6;
	_ =	sdelay $0x1  }
0x153: {  	v6 =	vadd.s32 v7, v6  }
0x154: {  	s4 =	simm.s32 $0xCB00;
	s7 =	simm.s32 $0x18C00;
	[tilespmem:$0xCB30] =	vst v6  }
0x155: {  	[tilespmem:s7], [sflag:$0x7] =	stream.indirect.gather [spmem:s5], $0x80, s4, s29, $0xb8;
	[tilespmem:$0x1E100] =	vst v63  }
0x156: {  	v6 =	vld.idx.msk [tilespmem:v59+s25+$0x0], $0xffff;
	_ =	sdelay $0x1  }
0x157: {  	v7 =	vld.idx.msk [tilespmem:v60+s25+$0x0], $0xffff;
	_ =	sdelay $0x2  }
0x158: {  	v6 =	vmul.u32 $0x60, v6;
	_ =	sdelay $0x1  }
0x159: {  	v6 =	vadd.s32 v7, v6  }
0x15a: {  	[tilespmem:$0xCB80] =	vst v6  }
0x15b: {  	v6 =	vld.idx.msk [tilespmem:v61+s25+$0x0], $0xffff;
	_ =	sdelay $0x1  }
0x15c: {  	v7 =	vld.idx.msk [tilespmem:v62+s25+$0x0], $0xffff;
	_ =	sdelay $0x2  }
0x15d: {  	v6 =	vmul.u32 $0x60, v6;
	_ =	sdelay $0x1  }
0x15e: {  	v6 =	vadd.s32 v7, v6  }
0x15f: {  	[tilespmem:$0xCB90] =	vst v6  }
0x160: {  	v6 =	vld.idx.msk [tilespmem:v63+s25+$0x0], $0xffff;
	_ =	sdelay $0x1  }
0x161: {  	v7 =	vld.idx.msk [tilespmem:v2+s25+$0x0], $0xffff;
	_ =	sdelay $0x2  }
0x162: {  	v6 =	vmul.u32 $0x60, v6;
	_ =	sdelay $0x1  }
0x163: {  	v6 =	vadd.s32 v7, v6  }
0x164: {  	[tilespmem:$0xCBA0] =	vst v6  }
0x165: {  	v6 =	vld.idx.msk [tilespmem:v4+s25+$0x0], $0xffff;
	_ =	sdelay $0x1  }
0x166: {  	v7 =	vld.idx.msk [tilespmem:v5+s25+$0x0], $0xffff;
	_ =	sdelay $0x2  }
0x167: {  	v6 =	vmul.u32 $0x60, v6;
	_ =	sdelay $0x1  }
0x168: {  	v6 =	vadd.s32 v7, v6  }
0x169: {  	s8 =	simm.s32 $0xCB80;
	s16 =	simm.s32 $0x1AC00;
	[tilespmem:$0xCBB0] =	vst v6  }
0x16a: {  	[tilespmem:s16], [sflag:$0x8] =	stream.indirect.gather [spmem:s5], $0x80, s8, s29, $0xb8;
	[tilespmem:$0x1E100] =	vst v63  }
.LBB2_4:
0x16b: {  	p1 =	seq.s32 s25, $0xC7  }
.Ltmp3:
0x16c: {  	s7 =	sshll.u32 s25, $0x10;
	s4 =	simm.s32 $0x1;
	(pc) =	sbr.rel @!p1 .LBB2_5-.Ltmp3, $4  }
0x16d: {  	_ =	swait.ge [sflag:s4], $0x2000;
	s1 =	sadd.s32 s24, s7  }
0x16e: {  	[sflag:s4] =	ssyncset.done $0x0;
	s1 =	sshrl.u32 s1, $0x3  }
0x16f: {  	s16 =	simm.s32 $0xCC00;
	[sflag:s4] =	ssyncadd.s32 $0xFFFFE000;
	s1 =	sadd.s32 s3, s1  }
0x170: {  	[hbm4b:s1+s6] =	stream.linear.scatter [tilespmem:s16], [sflag:$0x9], $0x2000, $0x38;
	[tilespmem:$0x1E100] =	vst v63  }
.Ltmp4:
0x171: {  	s1 =	simm.s32 $0x2;
	(pc) =	sbr.rel .LBB2_11-.Ltmp4, $4  }
0x172: {  	_ =	swait.ge [sflag:s1], $0x2000  }
0x173: {  	[sflag:s1] =	ssyncset.done $0x0  }
0x174: {  	[sflag:s1] =	ssyncadd.s32 $0xFFFFE000  }
0x175: {  	[hbm4b:s23+s6] =	stream.linear.scatter [tilespmem:s12], [sflag:$0xA], $0x2000, $0x38;
	[tilespmem:$0x1E100] =	vst v63  }
.LBB2_5:
0x176: {  	s1 =	sshll.u32 s25, $0x3  }
0x177: {  	s1 =	sadd.s32 $0x8, s1  }
0x178: {  	s4 =	smul.u32 $0x5C29, s1;
	_ =	sdelay $0x1  }
0x179: {  	s8 =	sand.u32 $0xFFF0, s4  }
0x17a: {  	s4 =	sshll.u32 s4, $0xC;
	s8 =	sshrl.u32 s8, $0x4  }
0x17b: {  	s4 =	sor.u32 s4, s8  }
0x17c: {  	s4 =	sand.u32 $0xFFFF, s4  }
0x17d: {  	p2 =	sgt.u32 s4, $0xA3  }
.Ltmp5:
0x17e: {  	_ = 	snop;
	(pc) =	sbr.rel @p2 .LBB2_9-.Ltmp5, $1  }
0x17f: {  	_ =	sdelay $0x3  }
0x180: {  	s3 =	smov.u32 s2;
	s4 =	sand.u32 $0xFFF0, s1  }
0x181: {  	s2 =	smov.u32 s5;
	s5 =	smov.u32 s13;
	s4 =	sshrl.u32 s4, $0x4  }
0x182: {  	s13 =	smov.u32 s0;
	s0 =	smov.u32 s10;
	s4 =	smul.u32 $0xA3E, s4  }
0x183: {  	s10 =	smov.u32 s23;
	s23 =	smov.u32 s22;
	s22 =	smov.u32 s21  }
0x184: {  	s21 =	smov.u32 s19;
	s8 =	rddreg [dreg:$0x5];
	s4 =	sshrl.u32 s4, $0x10  }
0x185: {  	s19 =	smov.u32 s18;
	s18 =	smov.u32 s17;
	s4 =	sadd.s32 s4, s8  }
0x186: {  	s17 =	smov.u32 s15;
	s15 =	smov.u32 s14;
	s8 =	sshll.u32 s4, $0x4  }
0x187: {  	s12 =	rddreg [dreg:$0x0];
	s4 =	sshll.u32 s4, $0x5;
	s8 =	sand.u32 $0x70, s8  }
0x188: {  	s11 =	smov.u32 s20;
	s4 =	sand.u32 $0x3F00, s4;
	s8 =	sadd.s32 s12, s8  }
0x189: {  	s29 =	smov.u32 s24;
	s28 =	smov.u32 s26;
	s24 =	sadd.s32 s4, s8  }
0x18a: {  	s26 =	simm.s32 $0x0;
	s12 =	simm.s32 $0x400;
	s8 =	sadd.s32 $0x0, s24  }
0x18b: {  	[tilespmem:s26], [sflag:$0x11] =	stream.strided.gather [hbm4b:s8+s30], $0x400, s31, s30, $0x38;
	[tilespmem:$0x1E100] =	vst v63  }
0x18c: {  	s4 =	simm.s32 $0x8000;
	s26 =	sadd.s32 $0x80, s8;
	s8 =	simm.s32 $0x800  }
.LBB2_7:
0x18d: {  	[tilespmem:s12], [sflag:$0x11] =	stream.strided.gather [hbm4b:s26+s30], $0x400, s31, s30, $0x38;
	[tilespmem:$0x1E100] =	vst v63  }
0x18e: {  	s12 =	smov.u32 s4;
	p2 =	sne.s32 s4, $0xC0000  }
.Ltmp6:
0x18f: {  	s4 =	sadd.s32 $0x8000, s4;
	(pc) =	sbr.rel @p2 .LBB2_7-.Ltmp6, $4  }
0x190: {  	_ = 	snop  }
0x191: {  	s12 =	sadd.s32 s12, s24  }
0x192: {  	[tilespmem:s8], [sflag:$0x11] =	stream.strided.gather [hbm4b:s12+s30], $0x400, s31, s30, $0x38;
	[tilespmem:$0x1E100] =	vst v63  }
0x193: {  	s26 =	sadd.s32 $0x80, s12;
	s12 =	sadd.s32 $0x400, s8;
	s8 =	sadd.s32 $0x800, s8  }
0x194: {  	[tilespmem:s12], [sflag:$0x11] =	stream.strided.gather [hbm4b:s26+s30], $0x400, s31, s30, $0x38;
	[tilespmem:$0x1E100] =	vst v63  }
0x195: {  	s4 =	simm.s32 $0x11;
	s26 =	smov.u32 s28;
	s24 =	smov.u32 s29  }
0x196: {  	s20 =	smov.u32 s11;
	s14 =	smov.u32 s15;
	s15 =	smov.u32 s17  }
0x197: {  	s17 =	smov.u32 s18;
	s18 =	smov.u32 s19;
	s19 =	smov.u32 s21  }
0x198: {  	s21 =	smov.u32 s22;
	s22 =	smov.u32 s23;
	s23 =	smov.u32 s10  }
0x199: {  	s10 =	smov.u32 s0;
	s0 =	smov.u32 s13;
	_ =	swait.ge [sflag:s4], $0xC800  }
0x19a: {  	s13 =	smov.u32 s5;
	s5 =	smov.u32 s2;
	[sflag:s4] =	ssyncset.done $0x0  }
0x19b: {  	s2 =	smov.u32 s3;
	s28 =	rddreg [dreg:$0x8];
	[sflag:s4] =	ssyncadd.s32 $0xFFFF3800  }
0x19c: {  	s29 =	simm.s32 $0x40;
	s11 =	simm.s32 $0x14C00;
	s3 =	rddreg [dreg:$0x2]  }
.LBB2_9:
0x19d: {  	s1 =	sshll.u32 s1, $0x6  }
0x19e: {  	s1 =	sadd.s32 s26, s1  }
0x19f: {  	v6 =	vor.u32 s1, v0  }
0x1a0: {  	v7 =	vmulhi.u32 $0x51EB851F, v6;
	_ =	sdelay $0x1  }
0x1a1: {  	v7 =	vshrl.u32 v7, $0x6  }
0x1a2: {  	v8 =	vmul.u32 $0xFFFF38, v7;
	_ =	sdelay $0x1  }
0x1a3: {  	v6 =	vadd.s32 v6, v8  }
0x1a4: {  	v6 =	vshll.u32 v6, $0x8  }
0x1a5: {  	s4 =	sor.u32 $0x10, s1;
	v7 =	vand.u32 $0x7F, v7;
	v6 =	vand.u32 $0xFFFFF800, v6  }
0x1a6: {  	v6 =	vor.u32 v7, v6;
	v7 =	vor.u32 s4, v0  }
0x1a7: {  	v8 =	vor.u32 v1, v6;
	v9 =	vmulhi.u32 $0x51EB851F, v7;
	_ =	sdelay $0x1  }
0x1a8: {  	v6 =	vor.u32 v3, v6;
	v9 =	vshrl.u32 v9, $0x6  }
0x1a9: {  	v10 =	vmul.u32 $0xFFFF38, v9;
	_ =	sdelay $0x1  }
0x1aa: {  	v8 =	vld.idx.msk [tilespmem:v8+s6+$0x0], $0xffff;
	v7 =	vadd.s32 v7, v10  }
0x1ab: {  	v7 =	vshll.u32 v7, $0x8  }
0x1ac: {  	s8 =	sor.u32 $0x20, s1;
	v9 =	vand.u32 $0x7F, v9;
	v6 =	vld.idx.msk [tilespmem:v6+s6+$0x0], $0xffff;
	v7 =	vand.u32 $0xFFFFF800, v7  }
0x1ad: {  	v7 =	vor.u32 v9, v7;
	v9 =	vor.u32 s8, v0  }
0x1ae: {  	v10 =	vor.u32 v1, v7;
	v11 =	vmulhi.u32 $0x51EB851F, v9  }
0x1af: {  	v8 =	vmul.u32 $0x60, v8  }
0x1b0: {  	v7 =	vor.u32 v3, v7;
	v11 =	vshrl.u32 v11, $0x6  }
0x1b1: {  	v6 =	vadd.s32 v6, v8;
	v8 =	vmul.u32 $0xFFFF38, v11  }
0x1b2: {  	[tilespmem:$0xC800] =	vst v6  }
0x1b3: {  	v6 =	vld.idx.msk [tilespmem:v10+s6+$0x0], $0xffff;
	v8 =	vadd.s32 v9, v8  }
0x1b4: {  	v8 =	vshll.u32 v8, $0x8  }
0x1b5: {  	s1 =	sor.u32 $0x30, s1;
	v7 =	vld.idx.msk [tilespmem:v7+s6+$0x0], $0xffff;
	v9 =	vand.u32 $0x7F, v11;
	v8 =	vand.u32 $0xFFFFF800, v8  }
0x1b6: {  	v8 =	vor.u32 v9, v8;
	v9 =	vor.u32 s1, v0  }
0x1b7: {  	v10 =	vor.u32 v1, v8;
	v11 =	vmulhi.u32 $0x51EB851F, v9  }
0x1b8: {  	v6 =	vmul.u32 $0x60, v6  }
0x1b9: {  	v8 =	vor.u32 v3, v8;
	v11 =	vshrl.u32 v11, $0x6  }
0x1ba: {  	v6 =	vadd.s32 v7, v6;
	v7 =	vmul.u32 $0xFFFF38, v11  }
0x1bb: {  	[tilespmem:$0xC810] =	vst v6  }
0x1bc: {  	v6 =	vld.idx.msk [tilespmem:v10+s6+$0x0], $0xffff;
	v7 =	vadd.s32 v9, v7  }
0x1bd: {  	v7 =	vshll.u32 v7, $0x8  }
0x1be: {  	v8 =	vld.idx.msk [tilespmem:v8+s6+$0x0], $0xffff;
	v9 =	vand.u32 $0x7F, v11;
	v7 =	vand.u32 $0xFFFFF800, v7  }
0x1bf: {  	v7 =	vor.u32 v9, v7  }
0x1c0: {  	v9 =	vor.u32 v1, v7  }
0x1c1: {  	v6 =	vmul.u32 $0x60, v6  }
0x1c2: {  	v7 =	vor.u32 v3, v7  }
0x1c3: {  	v6 =	vadd.s32 v8, v6  }
0x1c4: {  	[tilespmem:$0xC820] =	vst v6  }
0x1c5: {  	v6 =	vld.idx.msk [tilespmem:v9+s6+$0x0], $0xffff;
	_ =	sdelay $0x1  }
0x1c6: {  	s12 =	sshll.u32 s25, $0x9;
	s16 =	rddreg [dreg:$0xa];
	v7 =	vld.idx.msk [tilespmem:v7+s6+$0x0], $0xffff  }
0x1c7: {  	s1 =	sadd.s32 s12, s16  }
0x1c8: {  	v8 =	vor.u32 s1, v0  }
0x1c9: {  	v9 =	vmulhi.u32 $0x51EB851F, v8;
	v6 =	vmul.u32 $0x60, v6;
	_ =	sdelay $0x1  }
0x1ca: {  	v9 =	vshrl.u32 v9, $0x6;
	v6 =	vadd.s32 v7, v6  }
0x1cb: {  	s8 =	simm.s32 $0x9;
	v10 =	vmul.u32 $0xFFFF38, v9;
	[tilespmem:$0xC830] =	vst v6  }
0x1cc: {  	_ =	swait.ge [sflag:s8], $0x2000  }
0x1cd: {  	s12 =	simm.s32 $0xCC00;
	s16 =	simm.s32 $0x2;
	v6 =	vadd.s32 v8, v10;
	[sflag:s8] =	ssyncset.done $0x0  }
0x1ce: {  	s4 =	sor.u32 $0x10, s1;
	v6 =	vshll.u32 v6, $0x8;
	[sflag:s8] =	ssyncadd.s32 $0xFFFFE000;
	s8 =	simm.s32 $0xC800  }
0x1cf: {  	v7 =	vand.u32 $0x7F, v9;
	v6 =	vand.u32 $0xFFFFF800, v6;
	[tilespmem:s12], [sflag:$0x1] =	stream.indirect.gather [spmem:s5], $0x80, s8, s29, $0xb8;
	[tilespmem:$0x1E100] =	vst v63  }
0x1d0: {  	v6 =	vor.u32 v7, v6;
	v7 =	vor.u32 s4, v0;
	_ =	swait.ge [sflag:s16], $0x2000  }
0x1d1: {  	v8 =	vor.u32 v1, v6;
	v9 =	vmulhi.u32 $0x51EB851F, v7;
	s12 =	rddreg [dreg:$0x9]  }
0x1d2: {  	s4 =	sadd.s32 s7, s12  }
0x1d3: {  	v6 =	vor.u32 v3, v6;
	[sflag:s16] =	ssyncset.done $0x0;
	v9 =	vshrl.u32 v9, $0x6;
	s4 =	sshrl.u32 s4, $0x3  }
0x1d4: {  	s8 =	simm.s32 $0xEC00;
	[sflag:s16] =	ssyncadd.s32 $0xFFFFE000;
	v10 =	vmul.u32 $0xFFFF38, v9;
	s4 =	sadd.s32 s3, s4  }
0x1d5: {  	[hbm4b:s4+s6] =	stream.linear.scatter [tilespmem:s8], [sflag:$0xA], $0x2000, $0x38;
	[tilespmem:$0x1E100] =	vst v63  }
0x1d6: {  	v7 =	vadd.s32 v7, v10;
	v8 =	vld.idx.msk [tilespmem:v8+s6+$0x0], $0xffff  }
0x1d7: {  	v7 =	vshll.u32 v7, $0x8  }
0x1d8: {  	v9 =	vand.u32 $0x7F, v9;
	s16 =	sor.u32 $0x20, s1;
	v6 =	vld.idx.msk [tilespmem:v6+s6+$0x0], $0xffff;
	v7 =	vand.u32 $0xFFFFF800, v7  }
0x1d9: {  	v7 =	vor.u32 v9, v7;
	v9 =	vor.u32 s16, v0  }
0x1da: {  	v10 =	vor.u32 v1, v7;
	v11 =	vmulhi.u32 $0x51EB851F, v9  }
0x1db: {  	v8 =	vmul.u32 $0x60, v8  }
0x1dc: {  	v7 =	vor.u32 v3, v7;
	v11 =	vshrl.u32 v11, $0x6  }
0x1dd: {  	v6 =	vadd.s32 v6, v8;
	v8 =	vmul.u32 $0xFFFF38, v11  }
0x1de: {  	[tilespmem:$0xC880] =	vst v6  }
0x1df: {  	v6 =	vld.idx.msk [tilespmem:v10+s6+$0x0], $0xffff;
	v8 =	vadd.s32 v9, v8  }
0x1e0: {  	v8 =	vshll.u32 v8, $0x8  }
0x1e1: {  	s1 =	sor.u32 $0x30, s1;
	v7 =	vld.idx.msk [tilespmem:v7+s6+$0x0], $0xffff;
	v9 =	vand.u32 $0x7F, v11;
	v8 =	vand.u32 $0xFFFFF800, v8  }
0x1e2: {  	v8 =	vor.u32 v9, v8;
	v9 =	vor.u32 s1, v0  }
0x1e3: {  	v10 =	vor.u32 v1, v8;
	v11 =	vmulhi.u32 $0x51EB851F, v9  }
0x1e4: {  	v6 =	vmul.u32 $0x60, v6  }
0x1e5: {  	v8 =	vor.u32 v3, v8;
	v11 =	vshrl.u32 v11, $0x6  }
0x1e6: {  	v6 =	vadd.s32 v7, v6;
	v7 =	vmul.u32 $0xFFFF38, v11  }
0x1e7: {  	[tilespmem:$0xC890] =	vst v6  }
0x1e8: {  	v6 =	vadd.s32 v9, v7;
	v7 =	vld.idx.msk [tilespmem:v10+s6+$0x0], $0xffff  }
0x1e9: {  	v6 =	vshll.u32 v6, $0x8  }
0x1ea: {  	v8 =	vld.idx.msk [tilespmem:v8+s6+$0x0], $0xffff;
	v9 =	vand.u32 $0x7F, v11;
	v6 =	vand.u32 $0xFFFFF800, v6  }
0x1eb: {  	v6 =	vor.u32 v9, v6  }
0x1ec: {  	v9 =	vor.u32 v1, v6  }
0x1ed: {  	v7 =	vmul.u32 $0x60, v7  }
0x1ee: {  	v6 =	vor.u32 v3, v6  }
0x1ef: {  	v7 =	vadd.s32 v8, v7  }
0x1f0: {  	[tilespmem:$0xC8A0] =	vst v7  }
0x1f1: {  	v7 =	vld.idx.msk [tilespmem:v9+s6+$0x0], $0xffff;
	_ =	sdelay $0x1  }
0x1f2: {  	v6 =	vld.idx.msk [tilespmem:v6+s6+$0x0], $0xffff;
	_ =	sdelay $0x2  }
0x1f3: {  	v7 =	vmul.u32 $0x60, v7;
	_ =	sdelay $0x1  }
0x1f4: {  	v6 =	vadd.s32 v6, v7  }
0x1f5: {  	s12 =	simm.s32 $0xA;
	[tilespmem:$0xC8B0] =	vst v6  }
0x1f6: {  	_ =	swait.ge [sflag:s12], $0x2000  }
0x1f7: {  	[sflag:s12] =	ssyncset.done $0x0  }
0x1f8: {  	s16 =	simm.s32 $0xC880;
	[sflag:s12] =	ssyncadd.s32 $0xFFFFE000;
	s12 =	simm.s32 $0xEC00  }
0x1f9: {  	[tilespmem:s8], [sflag:$0x2] =	stream.indirect.gather [spmem:s5], $0x80, s16, s29, $0xb8;
	[tilespmem:$0x1E100] =	vst v63  }
.LBB2_11:
.Ltmp7:
0x1fa: {  	s4 =	simm.s32 $0x3;
	(pc) =	sbr.rel @!p1 .LBB2_12-.Ltmp7, $4  }
0x1fb: {  	s1 =	sadd.s32 s7, s20;
	_ =	swait.ge [sflag:s4], $0x2000  }
0x1fc: {  	s1 =	sshrl.u32 s1, $0x3;
	[sflag:s4] =	ssyncset.done $0x0  }
0x1fd: {  	s16 =	simm.s32 $0x10C00;
	s1 =	sadd.s32 s3, s1;
	[sflag:s4] =	ssyncadd.s32 $0xFFFFE000  }
0x1fe: {  	[hbm4b:s1+s6] =	stream.linear.scatter [tilespmem:s16], [sflag:$0xB], $0x2000, $0x38;
	[tilespmem:$0x1E100] =	vst v63  }
.Ltmp8:
0x1ff: {  	s1 =	simm.s32 $0x4;
	(pc) =	sbr.rel .LBB2_14-.Ltmp8, $4  }
0x200: {  	_ =	swait.ge [sflag:s1], $0x2000  }
0x201: {  	[sflag:s1] =	ssyncset.done $0x0  }
0x202: {  	s16 =	simm.s32 $0x10C00;
	s8 =	simm.s32 $0x12C00;
	[sflag:s1] =	ssyncadd.s32 $0xFFFFE000  }
0x203: {  	[hbm4b:s10+s6] =	stream.linear.scatter [tilespmem:s8], [sflag:$0xC], $0x2000, $0x38;
	[tilespmem:$0x1E100] =	vst v63  }
.LBB2_12:
0x204: {  	s1 =	sshll.u32 s25, $0x9;
	s4 =	rddreg [dreg:$0xb]  }
0x205: {  	s4 =	sadd.s32 s1, s4  }
0x206: {  	v6 =	vor.u32 s4, v0  }
0x207: {  	v7 =	vmulhi.u32 $0x51EB851F, v6;
	_ =	sdelay $0x1  }
0x208: {  	v7 =	vshrl.u32 v7, $0x6  }
0x209: {  	v8 =	vmul.u32 $0xFFFF38, v7;
	_ =	sdelay $0x1  }
0x20a: {  	v6 =	vadd.s32 v6, v8  }
0x20b: {  	v6 =	vshll.u32 v6, $0x8  }
0x20c: {  	s8 =	sor.u32 $0x10, s4;
	v7 =	vand.u32 $0x7F, v7;
	v6 =	vand.u32 $0xFFFFF800, v6  }
0x20d: {  	v6 =	vor.u32 v7, v6;
	v7 =	vor.u32 s8, v0  }
0x20e: {  	v8 =	vor.u32 v1, v6;
	v9 =	vmulhi.u32 $0x51EB851F, v7;
	_ =	sdelay $0x1  }
0x20f: {  	v6 =	vor.u32 v3, v6;
	v9 =	vshrl.u32 v9, $0x6  }
0x210: {  	v10 =	vmul.u32 $0xFFFF38, v9;
	_ =	sdelay $0x1  }
0x211: {  	v8 =	vld.idx.msk [tilespmem:v8+s6+$0x0], $0xffff;
	v7 =	vadd.s32 v7, v10  }
0x212: {  	v7 =	vshll.u32 v7, $0x8  }
0x213: {  	s16 =	sor.u32 $0x20, s4;
	v9 =	vand.u32 $0x7F, v9;
	v6 =	vld.idx.msk [tilespmem:v6+s6+$0x0], $0xffff;
	v7 =	vand.u32 $0xFFFFF800, v7  }
0x214: {  	v7 =	vor.u32 v9, v7;
	v9 =	vor.u32 s16, v0  }
0x215: {  	v10 =	vor.u32 v1, v7;
	v11 =	vmulhi.u32 $0x51EB851F, v9  }
0x216: {  	v8 =	vmul.u32 $0x60, v8  }
0x217: {  	v7 =	vor.u32 v3, v7;
	v11 =	vshrl.u32 v11, $0x6  }
0x218: {  	v6 =	vadd.s32 v6, v8;
	v8 =	vmul.u32 $0xFFFF38, v11  }
0x219: {  	[tilespmem:$0xC900] =	vst v6  }
0x21a: {  	v6 =	vld.idx.msk [tilespmem:v10+s6+$0x0], $0xffff;
	v8 =	vadd.s32 v9, v8  }
0x21b: {  	v8 =	vshll.u32 v8, $0x8  }
0x21c: {  	s4 =	sor.u32 $0x30, s4;
	v7 =	vld.idx.msk [tilespmem:v7+s6+$0x0], $0xffff;
	v9 =	vand.u32 $0x7F, v11;
	v8 =	vand.u32 $0xFFFFF800, v8  }
0x21d: {  	v8 =	vor.u32 v9, v8;
	v9 =	vor.u32 s4, v0  }
0x21e: {  	v10 =	vor.u32 v1, v8;
	v11 =	vmulhi.u32 $0x51EB851F, v9  }
0x21f: {  	v6 =	vmul.u32 $0x60, v6  }
0x220: {  	v8 =	vor.u32 v3, v8;
	v11 =	vshrl.u32 v11, $0x6  }
0x221: {  	v6 =	vadd.s32 v7, v6;
	v7 =	vmul.u32 $0xFFFF38, v11  }
0x222: {  	[tilespmem:$0xC910] =	vst v6  }
0x223: {  	v6 =	vld.idx.msk [tilespmem:v10+s6+$0x0], $0xffff;
	v7 =	vadd.s32 v9, v7  }
0x224: {  	v7 =	vshll.u32 v7, $0x8  }
0x225: {  	v8 =	vld.idx.msk [tilespmem:v8+s6+$0x0], $0xffff;
	v9 =	vand.u32 $0x7F, v11;
	v7 =	vand.u32 $0xFFFFF800, v7  }
0x226: {  	v7 =	vor.u32 v9, v7  }
0x227: {  	v9 =	vor.u32 v1, v7  }
0x228: {  	v6 =	vmul.u32 $0x60, v6  }
0x229: {  	v7 =	vor.u32 v3, v7  }
0x22a: {  	v6 =	vadd.s32 v8, v6  }
0x22b: {  	[tilespmem:$0xC920] =	vst v6  }
0x22c: {  	v6 =	vld.idx.msk [tilespmem:v9+s6+$0x0], $0xffff;
	_ =	sdelay $0x1  }
0x22d: {  	s1 =	sadd.s32 s1, s15;
	v7 =	vld.idx.msk [tilespmem:v7+s6+$0x0], $0xffff  }
0x22e: {  	v8 =	vor.u32 s1, v0  }
0x22f: {  	v9 =	vmulhi.u32 $0x51EB851F, v8  }
0x230: {  	v6 =	vmul.u32 $0x60, v6  }
0x231: {  	v9 =	vshrl.u32 v9, $0x6  }
0x232: {  	v10 =	vmul.u32 $0xFFFF38, v9;
	v6 =	vadd.s32 v7, v6  }
0x233: {  	s4 =	simm.s32 $0xB;
	[tilespmem:$0xC930] =	vst v6  }
0x234: {  	v6 =	vadd.s32 v8, v10;
	_ =	swait.ge [sflag:s4], $0x2000  }
0x235: {  	s11 =	simm.s32 $0x10C00;
	v6 =	vshll.u32 v6, $0x8;
	[sflag:s4] =	ssyncset.done $0x0  }
0x236: {  	s8 =	simm.s32 $0xC900;
	s16 =	sor.u32 $0x10, s1;
	v7 =	vand.u32 $0x7F, v9;
	v6 =	vand.u32 $0xFFFFF800, v6;
	[sflag:s4] =	ssyncadd.s32 $0xFFFFE000  }
0x237: {  	v6 =	vor.u32 v7, v6;
	v7 =	vor.u32 s16, v0;
	[tilespmem:s11], [sflag:$0x3] =	stream.indirect.gather [spmem:s5], $0x80, s8, s29, $0xb8;
	[tilespmem:$0x1E100] =	vst v63  }
0x238: {  	v8 =	vor.u32 v1, v6;
	v9 =	vmulhi.u32 $0x51EB851F, v7;
	s8 =	simm.s32 $0x4  }
0x239: {  	s4 =	sadd.s32 s7, s14;
	_ =	swait.ge [sflag:s8], $0x2000  }
0x23a: {  	s4 =	sshrl.u32 s4, $0x3;
	v6 =	vor.u32 v3, v6;
	[sflag:s8] =	ssyncset.done $0x0;
	v9 =	vshrl.u32 v9, $0x6  }
0x23b: {  	s4 =	sadd.s32 s3, s4;
	[sflag:s8] =	ssyncadd.s32 $0xFFFFE000;
	v10 =	vmul.u32 $0xFFFF38, v9;
	s8 =	simm.s32 $0x12C00  }
0x23c: {  	[hbm4b:s4+s6] =	stream.linear.scatter [tilespmem:s8], [sflag:$0xC], $0x2000, $0x38;
	[tilespmem:$0x1E100] =	vst v63  }
0x23d: {  	v8 =	vld.idx.msk [tilespmem:v8+s6+$0x0], $0xffff;
	v7 =	vadd.s32 v7, v10  }
0x23e: {  	v7 =	vshll.u32 v7, $0x8  }
0x23f: {  	v9 =	vand.u32 $0x7F, v9;
	s4 =	sor.u32 $0x20, s1;
	v6 =	vld.idx.msk [tilespmem:v6+s6+$0x0], $0xffff;
	v7 =	vand.u32 $0xFFFFF800, v7  }
0x240: {  	v7 =	vor.u32 v9, v7;
	v9 =	vor.u32 s4, v0  }
0x241: {  	v10 =	vor.u32 v1, v7;
	v11 =	vmulhi.u32 $0x51EB851F, v9  }
0x242: {  	v8 =	vmul.u32 $0x60, v8  }
0x243: {  	v7 =	vor.u32 v3, v7;
	v11 =	vshrl.u32 v11, $0x6  }
0x244: {  	v6 =	vadd.s32 v6, v8;
	v8 =	vmul.u32 $0xFFFF38, v11  }
0x245: {  	[tilespmem:$0xC980] =	vst v6  }
0x246: {  	v6 =	vld.idx.msk [tilespmem:v10+s6+$0x0], $0xffff;
	v8 =	vadd.s32 v9, v8  }
0x247: {  	v8 =	vshll.u32 v8, $0x8  }
0x248: {  	s1 =	sor.u32 $0x30, s1;
	v7 =	vld.idx.msk [tilespmem:v7+s6+$0x0], $0xffff;
	v9 =	vand.u32 $0x7F, v11;
	v8 =	vand.u32 $0xFFFFF800, v8  }
0x249: {  	v8 =	vor.u32 v9, v8;
	v9 =	vor.u32 s1, v0  }
0x24a: {  	v10 =	vor.u32 v1, v8;
	v11 =	vmulhi.u32 $0x51EB851F, v9  }
0x24b: {  	v6 =	vmul.u32 $0x60, v6  }
0x24c: {  	v8 =	vor.u32 v3, v8;
	v11 =	vshrl.u32 v11, $0x6  }
0x24d: {  	v6 =	vadd.s32 v7, v6;
	v7 =	vmul.u32 $0xFFFF38, v11  }
0x24e: {  	[tilespmem:$0xC990] =	vst v6  }
0x24f: {  	v6 =	vadd.s32 v9, v7;
	v7 =	vld.idx.msk [tilespmem:v10+s6+$0x0], $0xffff  }
0x250: {  	v6 =	vshll.u32 v6, $0x8  }
0x251: {  	v8 =	vld.idx.msk [tilespmem:v8+s6+$0x0], $0xffff;
	v9 =	vand.u32 $0x7F, v11;
	v6 =	vand.u32 $0xFFFFF800, v6  }
0x252: {  	v6 =	vor.u32 v9, v6  }
0x253: {  	v9 =	vor.u32 v1, v6  }
0x254: {  	v7 =	vmul.u32 $0x60, v7  }
0x255: {  	v6 =	vor.u32 v3, v6  }
0x256: {  	v7 =	vadd.s32 v8, v7  }
0x257: {  	[tilespmem:$0xC9A0] =	vst v7  }
0x258: {  	v7 =	vld.idx.msk [tilespmem:v9+s6+$0x0], $0xffff;
	_ =	sdelay $0x1  }
0x259: {  	v6 =	vld.idx.msk [tilespmem:v6+s6+$0x0], $0xffff;
	_ =	sdelay $0x2  }
0x25a: {  	v7 =	vmul.u32 $0x60, v7;
	_ =	sdelay $0x1  }
0x25b: {  	v6 =	vadd.s32 v6, v7  }
0x25c: {  	s4 =	simm.s32 $0xC;
	[tilespmem:$0xC9B0] =	vst v6  }
0x25d: {  	_ =	swait.ge [sflag:s4], $0x2000  }
0x25e: {  	s16 =	simm.s32 $0x10C00;
	[sflag:s4] =	ssyncset.done $0x0  }
0x25f: {  	s11 =	simm.s32 $0x14C00;
	[sflag:s4] =	ssyncadd.s32 $0xFFFFE000;
	s4 =	simm.s32 $0xC980  }
0x260: {  	[tilespmem:s8], [sflag:$0x4] =	stream.indirect.gather [spmem:s5], $0x80, s4, s29, $0xb8;
	[tilespmem:$0x1E100] =	vst v63  }
.LBB2_14:
.Ltmp9:
0x261: {  	s4 =	simm.s32 $0x5;
	(pc) =	sbr.rel @!p1 .LBB2_15-.Ltmp9, $4  }
0x262: {  	s1 =	sadd.s32 s7, s17;
	_ =	swait.ge [sflag:s4], $0x2000  }
0x263: {  	s1 =	sshrl.u32 s1, $0x3;
	[sflag:s4] =	ssyncset.done $0x0  }
0x264: {  	s1 =	sadd.s32 s3, s1;
	[sflag:s4] =	ssyncadd.s32 $0xFFFFE000  }
0x265: {  	[hbm4b:s1+s6] =	stream.linear.scatter [tilespmem:s11], [sflag:$0xD], $0x2000, $0x38;
	[tilespmem:$0x1E100] =	vst v63  }
.Ltmp10:
0x266: {  	s1 =	simm.s32 $0x6;
	(pc) =	sbr.rel .LBB2_17-.Ltmp10, $4  }
0x267: {  	_ =	swait.ge [sflag:s1], $0x2000  }
0x268: {  	[sflag:s1] =	ssyncset.done $0x0  }
0x269: {  	s8 =	simm.s32 $0x16C00;
	s4 =	simm.s32 $0x18C00;
	[sflag:s1] =	ssyncadd.s32 $0xFFFFE000  }
0x26a: {  	[hbm4b:s0+s6] =	stream.linear.scatter [tilespmem:s8], [sflag:$0xE], $0x2000, $0x38;
	[tilespmem:$0x1E100] =	vst v63  }
.LBB2_15:
0x26b: {  	s1 =	sshll.u32 s25, $0x9  }
0x26c: {  	s4 =	sadd.s32 s1, s18  }
0x26d: {  	v6 =	vor.u32 s4, v0  }
0x26e: {  	v7 =	vmulhi.u32 $0x51EB851F, v6;
	_ =	sdelay $0x1  }
0x26f: {  	v7 =	vshrl.u32 v7, $0x6  }
0x270: {  	v8 =	vmul.u32 $0xFFFF38, v7;
	_ =	sdelay $0x1  }
0x271: {  	v6 =	vadd.s32 v6, v8  }
0x272: {  	v6 =	vshll.u32 v6, $0x8  }
0x273: {  	s8 =	sor.u32 $0x10, s4;
	v7 =	vand.u32 $0x7F, v7;
	v6 =	vand.u32 $0xFFFFF800, v6  }
0x274: {  	v6 =	vor.u32 v7, v6;
	v7 =	vor.u32 s8, v0  }
0x275: {  	v8 =	vor.u32 v1, v6;
	v9 =	vmulhi.u32 $0x51EB851F, v7;
	_ =	sdelay $0x1  }
0x276: {  	v6 =	vor.u32 v3, v6;
	v9 =	vshrl.u32 v9, $0x6  }
0x277: {  	v10 =	vmul.u32 $0xFFFF38, v9;
	_ =	sdelay $0x1  }
0x278: {  	v8 =	vld.idx.msk [tilespmem:v8+s6+$0x0], $0xffff;
	v7 =	vadd.s32 v7, v10  }
0x279: {  	v7 =	vshll.u32 v7, $0x8  }
0x27a: {  	s8 =	sor.u32 $0x20, s4;
	v9 =	vand.u32 $0x7F, v9;
	v6 =	vld.idx.msk [tilespmem:v6+s6+$0x0], $0xffff;
	v7 =	vand.u32 $0xFFFFF800, v7  }
0x27b: {  	v7 =	vor.u32 v9, v7;
	v9 =	vor.u32 s8, v0  }
0x27c: {  	v10 =	vor.u32 v1, v7;
	v11 =	vmulhi.u32 $0x51EB851F, v9  }
0x27d: {  	v8 =	vmul.u32 $0x60, v8  }
0x27e: {  	v7 =	vor.u32 v3, v7;
	v11 =	vshrl.u32 v11, $0x6  }
0x27f: {  	v6 =	vadd.s32 v6, v8;
	v8 =	vmul.u32 $0xFFFF38, v11  }
0x280: {  	[tilespmem:$0xCA00] =	vst v6  }
0x281: {  	v6 =	vld.idx.msk [tilespmem:v10+s6+$0x0], $0xffff;
	v8 =	vadd.s32 v9, v8  }
0x282: {  	v8 =	vshll.u32 v8, $0x8  }
0x283: {  	s4 =	sor.u32 $0x30, s4;
	v7 =	vld.idx.msk [tilespmem:v7+s6+$0x0], $0xffff;
	v9 =	vand.u32 $0x7F, v11;
	v8 =	vand.u32 $0xFFFFF800, v8  }
0x284: {  	v8 =	vor.u32 v9, v8;
	v9 =	vor.u32 s4, v0  }
0x285: {  	v10 =	vor.u32 v1, v8;
	v11 =	vmulhi.u32 $0x51EB851F, v9  }
0x286: {  	v6 =	vmul.u32 $0x60, v6  }
0x287: {  	v8 =	vor.u32 v3, v8;
	v11 =	vshrl.u32 v11, $0x6  }
0x288: {  	v6 =	vadd.s32 v7, v6;
	v7 =	vmul.u32 $0xFFFF38, v11  }
0x289: {  	[tilespmem:$0xCA10] =	vst v6  }
0x28a: {  	v6 =	vld.idx.msk [tilespmem:v10+s6+$0x0], $0xffff;
	v7 =	vadd.s32 v9, v7  }
0x28b: {  	v7 =	vshll.u32 v7, $0x8  }
0x28c: {  	v8 =	vld.idx.msk [tilespmem:v8+s6+$0x0], $0xffff;
	v9 =	vand.u32 $0x7F, v11;
	v7 =	vand.u32 $0xFFFFF800, v7  }
0x28d: {  	v7 =	vor.u32 v9, v7  }
0x28e: {  	v9 =	vor.u32 v1, v7  }
0x28f: {  	v6 =	vmul.u32 $0x60, v6  }
0x290: {  	v7 =	vor.u32 v3, v7  }
0x291: {  	v6 =	vadd.s32 v8, v6  }
0x292: {  	[tilespmem:$0xCA20] =	vst v6  }
0x293: {  	v6 =	vld.idx.msk [tilespmem:v9+s6+$0x0], $0xffff;
	_ =	sdelay $0x1  }
0x294: {  	s1 =	sadd.s32 s1, s21;
	v7 =	vld.idx.msk [tilespmem:v7+s6+$0x0], $0xffff  }
0x295: {  	v8 =	vor.u32 s1, v0  }
0x296: {  	v9 =	vmulhi.u32 $0x51EB851F, v8  }
0x297: {  	v6 =	vmul.u32 $0x60, v6  }
0x298: {  	v9 =	vshrl.u32 v9, $0x6  }
0x299: {  	v10 =	vmul.u32 $0xFFFF38, v9;
	v6 =	vadd.s32 v7, v6  }
0x29a: {  	s8 =	simm.s32 $0xD;
	[tilespmem:$0xCA30] =	vst v6  }
0x29b: {  	v6 =	vadd.s32 v8, v10;
	_ =	swait.ge [sflag:s8], $0x2000  }
0x29c: {  	v6 =	vshll.u32 v6, $0x8;
	[sflag:s8] =	ssyncset.done $0x0  }
0x29d: {  	s4 =	sor.u32 $0x10, s1;
	v7 =	vand.u32 $0x7F, v9;
	v6 =	vand.u32 $0xFFFFF800, v6;
	[sflag:s8] =	ssyncadd.s32 $0xFFFFE000;
	s8 =	simm.s32 $0xCA00  }
0x29e: {  	v6 =	vor.u32 v7, v6;
	v7 =	vor.u32 s4, v0;
	[tilespmem:s11], [sflag:$0x5] =	stream.indirect.gather [spmem:s5], $0x80, s8, s29, $0xb8;
	[tilespmem:$0x1E100] =	vst v63  }
0x29f: {  	v8 =	vor.u32 v1, v6;
	v9 =	vmulhi.u32 $0x51EB851F, v7;
	s8 =	simm.s32 $0x6  }
0x2a0: {  	s4 =	sadd.s32 s7, s19;
	_ =	swait.ge [sflag:s8], $0x2000  }
0x2a1: {  	s4 =	sshrl.u32 s4, $0x3;
	v6 =	vor.u32 v3, v6;
	[sflag:s8] =	ssyncset.done $0x0;
	v9 =	vshrl.u32 v9, $0x6  }
0x2a2: {  	s4 =	sadd.s32 s3, s4;
	[sflag:s8] =	ssyncadd.s32 $0xFFFFE000;
	v10 =	vmul.u32 $0xFFFF38, v9;
	s8 =	simm.s32 $0x16C00  }
0x2a3: {  	[hbm4b:s4+s6] =	stream.linear.scatter [tilespmem:s8], [sflag:$0xE], $0x2000, $0x38;
	[tilespmem:$0x1E100] =	vst v63  }
0x2a4: {  	v8 =	vld.idx.msk [tilespmem:v8+s6+$0x0], $0xffff;
	v7 =	vadd.s32 v7, v10  }
0x2a5: {  	v7 =	vshll.u32 v7, $0x8  }
0x2a6: {  	v9 =	vand.u32 $0x7F, v9;
	s4 =	sor.u32 $0x20, s1;
	v6 =	vld.idx.msk [tilespmem:v6+s6+$0x0], $0xffff;
	v7 =	vand.u32 $0xFFFFF800, v7  }
0x2a7: {  	v7 =	vor.u32 v9, v7;
	v9 =	vor.u32 s4, v0  }
0x2a8: {  	v10 =	vor.u32 v1, v7;
	v11 =	vmulhi.u32 $0x51EB851F, v9  }
0x2a9: {  	v8 =	vmul.u32 $0x60, v8  }
0x2aa: {  	v7 =	vor.u32 v3, v7;
	v11 =	vshrl.u32 v11, $0x6  }
0x2ab: {  	v6 =	vadd.s32 v6, v8;
	v8 =	vmul.u32 $0xFFFF38, v11  }
0x2ac: {  	[tilespmem:$0xCA80] =	vst v6  }
0x2ad: {  	v6 =	vld.idx.msk [tilespmem:v10+s6+$0x0], $0xffff;
	v8 =	vadd.s32 v9, v8  }
0x2ae: {  	v8 =	vshll.u32 v8, $0x8  }
0x2af: {  	s1 =	sor.u32 $0x30, s1;
	v7 =	vld.idx.msk [tilespmem:v7+s6+$0x0], $0xffff;
	v9 =	vand.u32 $0x7F, v11;
	v8 =	vand.u32 $0xFFFFF800, v8  }
0x2b0: {  	v8 =	vor.u32 v9, v8;
	v9 =	vor.u32 s1, v0  }
0x2b1: {  	v10 =	vor.u32 v1, v8;
	v11 =	vmulhi.u32 $0x51EB851F, v9  }
0x2b2: {  	v6 =	vmul.u32 $0x60, v6  }
0x2b3: {  	v8 =	vor.u32 v3, v8;
	v11 =	vshrl.u32 v11, $0x6  }
0x2b4: {  	v6 =	vadd.s32 v7, v6;
	v7 =	vmul.u32 $0xFFFF38, v11  }
0x2b5: {  	[tilespmem:$0xCA90] =	vst v6  }
0x2b6: {  	v6 =	vadd.s32 v9, v7;
	v7 =	vld.idx.msk [tilespmem:v10+s6+$0x0], $0xffff  }
0x2b7: {  	v6 =	vshll.u32 v6, $0x8  }
0x2b8: {  	v8 =	vld.idx.msk [tilespmem:v8+s6+$0x0], $0xffff;
	v9 =	vand.u32 $0x7F, v11;
	v6 =	vand.u32 $0xFFFFF800, v6  }
0x2b9: {  	v6 =	vor.u32 v9, v6  }
0x2ba: {  	v9 =	vor.u32 v1, v6  }
0x2bb: {  	v7 =	vmul.u32 $0x60, v7  }
0x2bc: {  	v6 =	vor.u32 v3, v6  }
0x2bd: {  	v7 =	vadd.s32 v8, v7  }
0x2be: {  	[tilespmem:$0xCAA0] =	vst v7  }
0x2bf: {  	v7 =	vld.idx.msk [tilespmem:v9+s6+$0x0], $0xffff;
	_ =	sdelay $0x1  }
0x2c0: {  	v6 =	vld.idx.msk [tilespmem:v6+s6+$0x0], $0xffff;
	_ =	sdelay $0x2  }
0x2c1: {  	v7 =	vmul.u32 $0x60, v7;
	_ =	sdelay $0x1  }
0x2c2: {  	v6 =	vadd.s32 v6, v7  }
0x2c3: {  	s4 =	simm.s32 $0xE;
	[tilespmem:$0xCAB0] =	vst v6  }
0x2c4: {  	_ =	swait.ge [sflag:s4], $0x2000  }
0x2c5: {  	[sflag:s4] =	ssyncset.done $0x0  }
0x2c6: {  	[sflag:s4] =	ssyncadd.s32 $0xFFFFE000;
	s4 =	simm.s32 $0xCA80  }
0x2c7: {  	[tilespmem:s8], [sflag:$0x6] =	stream.indirect.gather [spmem:s5], $0x80, s4, s29, $0xb8;
	[tilespmem:$0x1E100] =	vst v63  }
0x2c8: {  	s4 =	simm.s32 $0x18C00  }
.LBB2_17:
.Ltmp11:
0x2c9: {  	s8 =	simm.s32 $0x7;
	(pc) =	sbr.rel @p1 .LBB2_19-.Ltmp11, $4  }
0x2ca: {  	s1 =	sadd.s32 s7, s22;
	_ =	swait.ge [sflag:s8], $0x2000  }
0x2cb: {  	s1 =	sshrl.u32 s1, $0x3;
	[sflag:s8] =	ssyncset.done $0x0  }
0x2cc: {  	s1 =	sadd.s32 s3, s1;
	[sflag:s8] =	ssyncadd.s32 $0xFFFFE000  }
0x2cd: {  	[hbm4b:s1+s6] =	stream.linear.scatter [tilespmem:s4], [sflag:$0xF], $0x2000, $0x38;
	[tilespmem:$0x1E100] =	vst v63  }
0x2ce: {  	s1 =	sshll.u32 s25, $0x9  }
0x2cf: {  	s4 =	sadd.s32 s1, s13  }
0x2d0: {  	v6 =	vor.u32 s4, v0  }
0x2d1: {  	v7 =	vmulhi.u32 $0x51EB851F, v6;
	_ =	sdelay $0x1  }
0x2d2: {  	v7 =	vshrl.u32 v7, $0x6  }
0x2d3: {  	v8 =	vmul.u32 $0xFFFF38, v7;
	_ =	sdelay $0x1  }
0x2d4: {  	v6 =	vadd.s32 v6, v8  }
0x2d5: {  	v6 =	vshll.u32 v6, $0x8  }
0x2d6: {  	s8 =	sor.u32 $0x10, s4;
	v7 =	vand.u32 $0x7F, v7;
	v6 =	vand.u32 $0xFFFFF800, v6  }
0x2d7: {  	v6 =	vor.u32 v7, v6;
	v7 =	vor.u32 s8, v0  }
0x2d8: {  	v8 =	vor.u32 v1, v6;
	v9 =	vmulhi.u32 $0x51EB851F, v7;
	_ =	sdelay $0x1  }
0x2d9: {  	v6 =	vor.u32 v3, v6;
	v9 =	vshrl.u32 v9, $0x6  }
0x2da: {  	v10 =	vmul.u32 $0xFFFF38, v9;
	_ =	sdelay $0x1  }
0x2db: {  	v8 =	vld.idx.msk [tilespmem:v8+s6+$0x0], $0xffff;
	v7 =	vadd.s32 v7, v10  }
0x2dc: {  	v7 =	vshll.u32 v7, $0x8  }
0x2dd: {  	s8 =	sor.u32 $0x20, s4;
	v9 =	vand.u32 $0x7F, v9;
	v6 =	vld.idx.msk [tilespmem:v6+s6+$0x0], $0xffff;
	v7 =	vand.u32 $0xFFFFF800, v7  }
0x2de: {  	v7 =	vor.u32 v9, v7;
	v9 =	vor.u32 s8, v0  }
0x2df: {  	v10 =	vor.u32 v1, v7;
	v11 =	vmulhi.u32 $0x51EB851F, v9  }
0x2e0: {  	v8 =	vmul.u32 $0x60, v8  }
0x2e1: {  	v7 =	vor.u32 v3, v7;
	v11 =	vshrl.u32 v11, $0x6  }
0x2e2: {  	v6 =	vadd.s32 v6, v8;
	v8 =	vmul.u32 $0xFFFF38, v11  }
0x2e3: {  	[tilespmem:$0xCB00] =	vst v6  }
0x2e4: {  	v6 =	vld.idx.msk [tilespmem:v10+s6+$0x0], $0xffff;
	v8 =	vadd.s32 v9, v8  }
0x2e5: {  	v8 =	vshll.u32 v8, $0x8  }
0x2e6: {  	s4 =	sor.u32 $0x30, s4;
	v7 =	vld.idx.msk [tilespmem:v7+s6+$0x0], $0xffff;
	v9 =	vand.u32 $0x7F, v11;
	v8 =	vand.u32 $0xFFFFF800, v8  }
0x2e7: {  	v8 =	vor.u32 v9, v8;
	v9 =	vor.u32 s4, v0  }
0x2e8: {  	v10 =	vor.u32 v1, v8;
	v11 =	vmulhi.u32 $0x51EB851F, v9  }
0x2e9: {  	v6 =	vmul.u32 $0x60, v6  }
0x2ea: {  	v8 =	vor.u32 v3, v8;
	v11 =	vshrl.u32 v11, $0x6  }
0x2eb: {  	v6 =	vadd.s32 v7, v6;
	v7 =	vmul.u32 $0xFFFF38, v11  }
0x2ec: {  	[tilespmem:$0xCB10] =	vst v6  }
0x2ed: {  	v6 =	vld.idx.msk [tilespmem:v10+s6+$0x0], $0xffff;
	v7 =	vadd.s32 v9, v7  }
0x2ee: {  	v7 =	vshll.u32 v7, $0x8  }
0x2ef: {  	v8 =	vld.idx.msk [tilespmem:v8+s6+$0x0], $0xffff;
	v9 =	vand.u32 $0x7F, v11;
	v7 =	vand.u32 $0xFFFFF800, v7  }
0x2f0: {  	v7 =	vor.u32 v9, v7  }
0x2f1: {  	v9 =	vor.u32 v1, v7  }
0x2f2: {  	v6 =	vmul.u32 $0x60, v6  }
0x2f3: {  	v7 =	vor.u32 v3, v7  }
0x2f4: {  	v6 =	vadd.s32 v8, v6  }
0x2f5: {  	[tilespmem:$0xCB20] =	vst v6  }
0x2f6: {  	v6 =	vld.idx.msk [tilespmem:v9+s6+$0x0], $0xffff;
	_ =	sdelay $0x1  }
0x2f7: {  	s1 =	sadd.s32 s1, s28;
	v7 =	vld.idx.msk [tilespmem:v7+s6+$0x0], $0xffff  }
0x2f8: {  	v8 =	vor.u32 s1, v0  }
0x2f9: {  	v9 =	vmulhi.u32 $0x51EB851F, v8  }
0x2fa: {  	v6 =	vmul.u32 $0x60, v6  }
0x2fb: {  	v9 =	vshrl.u32 v9, $0x6  }
0x2fc: {  	v10 =	vmul.u32 $0xFFFF38, v9;
	v6 =	vadd.s32 v7, v6  }
0x2fd: {  	s8 =	simm.s32 $0xF;
	[tilespmem:$0xCB30] =	vst v6  }
0x2fe: {  	v6 =	vadd.s32 v8, v10;
	_ =	swait.ge [sflag:s8], $0x2000  }
0x2ff: {  	s16 =	simm.s32 $0x18C00;
	v6 =	vshll.u32 v6, $0x8;
	[sflag:s8] =	ssyncset.done $0x0  }
0x300: {  	s4 =	sor.u32 $0x10, s1;
	v7 =	vand.u32 $0x7F, v9;
	v6 =	vand.u32 $0xFFFFF800, v6;
	[sflag:s8] =	ssyncadd.s32 $0xFFFFE000;
	s8 =	simm.s32 $0xCB00  }
0x301: {  	v6 =	vor.u32 v7, v6;
	v7 =	vor.u32 s4, v0;
	[tilespmem:s16], [sflag:$0x7] =	stream.indirect.gather [spmem:s5], $0x80, s8, s29, $0xb8;
	[tilespmem:$0x1E100] =	vst v63  }
0x302: {  	v8 =	vor.u32 v1, v6;
	v9 =	vmulhi.u32 $0x51EB851F, v7;
	s16 =	simm.s32 $0x8  }
0x303: {  	s7 =	sadd.s32 s7, s2;
	_ =	swait.ge [sflag:s16], $0x2000  }
0x304: {  	s4 =	sshrl.u32 s7, $0x3;
	v6 =	vor.u32 v3, v6;
	[sflag:s16] =	ssyncset.done $0x0;
	v9 =	vshrl.u32 v9, $0x6  }
0x305: {  	s7 =	simm.s32 $0x1AC00;
	s4 =	sadd.s32 s3, s4;
	[sflag:s16] =	ssyncadd.s32 $0xFFFFE000;
	v10 =	vmul.u32 $0xFFFF38, v9  }
0x306: {  	[hbm4b:s4+s6] =	stream.linear.scatter [tilespmem:s7], [sflag:$0x10], $0x2000, $0x38;
	[tilespmem:$0x1E100] =	vst v63  }
0x307: {  	v8 =	vld.idx.msk [tilespmem:v8+s6+$0x0], $0xffff;
	v7 =	vadd.s32 v7, v10  }
0x308: {  	v7 =	vshll.u32 v7, $0x8  }
0x309: {  	v9 =	vand.u32 $0x7F, v9;
	s16 =	sor.u32 $0x20, s1;
	v6 =	vld.idx.msk [tilespmem:v6+s6+$0x0], $0xffff;
	v7 =	vand.u32 $0xFFFFF800, v7  }
0x30a: {  	v7 =	vor.u32 v9, v7;
	v9 =	vor.u32 s16, v0  }
0x30b: {  	v10 =	vor.u32 v1, v7;
	v11 =	vmulhi.u32 $0x51EB851F, v9  }
0x30c: {  	v8 =	vmul.u32 $0x60, v8  }
0x30d: {  	v7 =	vor.u32 v3, v7;
	v11 =	vshrl.u32 v11, $0x6  }
0x30e: {  	v6 =	vadd.s32 v6, v8;
	v8 =	vmul.u32 $0xFFFF38, v11  }
0x30f: {  	[tilespmem:$0xCB80] =	vst v6  }
0x310: {  	v6 =	vld.idx.msk [tilespmem:v10+s6+$0x0], $0xffff;
	v8 =	vadd.s32 v9, v8  }
0x311: {  	v8 =	vshll.u32 v8, $0x8  }
0x312: {  	s1 =	sor.u32 $0x30, s1;
	v7 =	vld.idx.msk [tilespmem:v7+s6+$0x0], $0xffff;
	v9 =	vand.u32 $0x7F, v11;
	v8 =	vand.u32 $0xFFFFF800, v8  }
0x313: {  	v8 =	vor.u32 v9, v8;
	v9 =	vor.u32 s1, v0  }
0x314: {  	v10 =	vor.u32 v1, v8;
	v11 =	vmulhi.u32 $0x51EB851F, v9  }
0x315: {  	v6 =	vmul.u32 $0x60, v6  }
0x316: {  	v8 =	vor.u32 v3, v8;
	v11 =	vshrl.u32 v11, $0x6  }
0x317: {  	v6 =	vadd.s32 v7, v6;
	v7 =	vmul.u32 $0xFFFF38, v11  }
0x318: {  	[tilespmem:$0xCB90] =	vst v6  }
0x319: {  	v6 =	vadd.s32 v9, v7;
	v7 =	vld.idx.msk [tilespmem:v10+s6+$0x0], $0xffff  }
0x31a: {  	v6 =	vshll.u32 v6, $0x8  }
0x31b: {  	v8 =	vld.idx.msk [tilespmem:v8+s6+$0x0], $0xffff;
	v9 =	vand.u32 $0x7F, v11;
	v6 =	vand.u32 $0xFFFFF800, v6  }
0x31c: {  	v6 =	vor.u32 v9, v6  }
0x31d: {  	v9 =	vor.u32 v1, v6  }
0x31e: {  	v7 =	vmul.u32 $0x60, v7  }
0x31f: {  	v6 =	vor.u32 v3, v6  }
0x320: {  	v7 =	vadd.s32 v8, v7  }
0x321: {  	[tilespmem:$0xCBA0] =	vst v7  }
0x322: {  	v7 =	vld.idx.msk [tilespmem:v9+s6+$0x0], $0xffff;
	_ =	sdelay $0x1  }
0x323: {  	v6 =	vld.idx.msk [tilespmem:v6+s6+$0x0], $0xffff;
	_ =	sdelay $0x2  }
0x324: {  	v7 =	vmul.u32 $0x60, v7;
	_ =	sdelay $0x1  }
0x325: {  	v6 =	vadd.s32 v6, v7  }
.Ltmp12:
0x326: {  	s8 =	simm.s32 $0x10;
	[tilespmem:$0xCBB0] =	vst v6;
	(pc) =	sbr.rel .LBB2_4-.Ltmp12, $4  }
0x327: {  	_ =	swait.ge [sflag:s8], $0x2000  }
0x328: {  	[sflag:s8] =	ssyncset.done $0x0  }
0x329: {  	s25 =	sadd.s32 $0x1, s25;
	s16 =	simm.s32 $0xCB80;
	[sflag:s8] =	ssyncadd.s32 $0xFFFFE000  }
0x32a: {  	[tilespmem:s7], [sflag:$0x8] =	stream.indirect.gather [spmem:s5], $0x80, s16, s29, $0xb8;
	[tilespmem:$0x1E100] =	vst v63  }
.LBB2_20:
0x32b: {  	_ =	sfence.sel $0x180000  }
0x32c: {  	[bflag:$0x0] =	sbarrier.arrive $0xFFFF  }
0x32d: {  	_ =	strace $0x90000047  }
0x32e: {  	[bflag:$0x2] =	sbarrier.arrive $0xFFFF  }
0x32f: {  	s0 =	rddreg [dreg:$0x4]  }
0x330: {  	s0 =	sadd.s32 @!p0 $0x100000, s0  }
0x331: {  	[sflag:s0] =	ssyncadd.tile.s32 @!p0 $0x1;
	_ =	shalt  }
.Lfunc_end2:
_tile_overlayer_lowered:
.L_overlay_start_2:
0x332: {  	(tag) =	ssettag $0x2  }
0x333: {  	s0 =	rddreg [dreg:$0x0];
	s2 =	stileid.u32  }
0x334: {  	s1 =	rddreg [dreg:$0x1];
	p0 =	sne.s32 s2, $0x0  }
0x335: {  	s3 =	rddreg [dreg:$0x2];
	[bflag:$0x3] =	sbarrier.arrive $0xFFFF;
	s2 =	simm.s32 @!p0 $0x1C11  }
0x336: {  	[timem:s3], [sflag:s2] =	dma.local @!p0 [hbm:s0], s1  }
0x337: {  	s0 =	simm.s32 @!p0 $0x11  }
0x338: {  	_ =	swait.ge @!p0 [sflag:s0], s1  }
0x339: {  	s1 =	ssub.s32 @!p0 $0x0, s1;
	[sflag:s0] =	ssyncset.done @!p0 $0x0  }
0x33a: {  	[sflag:s0] =	ssyncadd.s32 @!p0 s1  }
0x33b: {  	[bflag:$0x3] =	sbarrier.arrive $0xFFFF  }
0x33c: {  	_ =	shalt  }

</sc_bundles>
